<compile_context>
chip_gen: v7x
topology: tpu7x:2x2x1
jax: 0.10.2.dev20260603
libtpu: 0.0.44.dev20260713+nightly
codegen_flags: <defaults>
</compile_context>

<pallas_src>
import functools

import jax
import jax.numpy as jnp
from jax import lax
from jax.experimental import pallas as pl
from jax.experimental.pallas import tpu as pltpu
from jax.experimental.pallas import tpu_sc as plsc

N = 100000
B = 64
L = 16
NW = 16
CH = N // NW
ALIGN_CH = 6248
WIN = 6280
FULL_IT = (CH - 10) // L
TBL = B * 6 * L
SPAN = TBL // NW
BLK = 2048


def _prep_body(v_ref, oxx, oyy, ozz, oxy, oyz, oxz):
    v = v_ref[...]
    x = v[:, 0]
    y = v[:, 1]
    z = v[:, 2]
    oxx[...] = x * x
    oyy[...] = y * y
    ozz[...] = z * z
    oxy[...] = x * y
    oyz[...] = y * z
    oxz[...] = x * z


_prep = pl.pallas_call(
    _prep_body,
    grid=((N + BLK - 1) // BLK,),
    in_specs=[pl.BlockSpec((BLK, 3), lambda i: (i, 0))],
    out_specs=[pl.BlockSpec((BLK,), lambda i: (i,))] * 6,
    out_shape=[jax.ShapeDtypeStruct((N,), jnp.float32)] * 6,
)


def _sc_body(batch_hbm, xx_hbm, yy_hbm, zz_hbm, xy_hbm, yz_hbm, xz_hbm,
             vol_hbm, pe_hbm, stress_out, energy_out,
             bvec, p0, p1, p2, p3, p4, p5, tbl, red, comb, ctbl, stage,
             vol_v, pe_v, e_v, shared, shared2):
    cid = lax.axis_index("c")
    sid = lax.axis_index("s")
    iota = lax.iota(jnp.int32, L)
    c0 = iota * 0
    cols = [iota + L * c for c in range(6)]
    fzero = jnp.zeros((L,), jnp.float32)
    prods = [p0, p1, p2, p3, p4, p5]

    @pl.when(cid == 0)
    def _phase_a():
        base = sid * ALIGN_CH
        skew = sid * 2
        pltpu.sync_copy(batch_hbm.at[pl.ds(base, WIN)], bvec)
        for ref, hbm in zip(prods, (xx_hbm, yy_hbm, zz_hbm, xy_hbm, yz_hbm,
                                    xz_hbm)):
            pltpu.sync_copy(hbm.at[pl.ds(base, WIN)], ref)

        def _zero(i, c):
            tbl[pl.ds(i * L, L)] = fzero
            return c

        lax.fori_loop(0, TBL // L, _zero, 0)

        def _accum(rows, mask):
            a = plsc.load_gather(bvec, [rows]) * 96
            for c in range(6):
                v = plsc.load_gather(prods[c], [rows])
                plsc.addupdate_scatter(tbl, [a + cols[c]], v, mask=mask)

        def _step(i, c):
            _accum(skew + i * L + iota, None)
            return c

        lax.fori_loop(0, FULL_IT, _step, 0)
        tail = skew + FULL_IT * L + iota
        _accum(jnp.minimum(tail, WIN - 1), iota < (CH - FULL_IT * L))

        pltpu.sync_copy(tbl, shared.at[sid])

    plsc.subcore_barrier()

    @pl.when(cid == 0)
    def _phase_b():
        pltpu.sync_copy(shared.at[:, pl.ds(sid * SPAN, SPAN)], red)
        for k in range(SPAN // L):
            acc = red[0, pl.ds(k * L, L)]
            for j in range(1, NW):
                acc = acc + red[j, pl.ds(k * L, L)]
            comb[pl.ds(k * L, L)] = acc
        pltpu.sync_copy(comb, shared2.at[pl.ds(sid * SPAN, SPAN)])

    plsc.subcore_barrier()

    @pl.when(jnp.logical_and(cid == 0, sid == 0))
    def _phase_c():
        pltpu.sync_copy(shared2, ctbl)
        pltpu.sync_copy(vol_hbm, vol_v)
        for blk in range(4):
            rows = iota + blk * L
            r96 = rows * 96
            vv = vol_v[pl.ds(blk * L, L)]
            for c in range(6):
                acc = fzero
                for lane in range(L):
                    acc = acc + plsc.load_gather(ctbl, [r96 + (c * L + lane)])
                plsc.store_scatter(stage, [rows, c0 + c], acc / vv)
        pltpu.sync_copy(stage, stress_out)

    @pl.when(jnp.logical_and(cid == 0, sid == 1))
    def _phase_e():
        pltpu.sync_copy(pe_hbm, pe_v)
        for blk in range(4):
            ev = plsc.load_gather(pe_v, [iota + blk * L, c0])
            e_v[pl.ds(blk * L, L)] = ev
        pltpu.sync_copy(e_v, energy_out)


_sc_all = functools.partial(
    pl.kernel,
    out_type=(
        jax.ShapeDtypeStruct((B, 6), jnp.float32),
        jax.ShapeDtypeStruct((B,), jnp.float32),
    ),
    mesh=plsc.VectorSubcoreMesh(
        core_axis_name="c", subcore_axis_name="s", num_cores=2, num_subcores=16
    ),
    scratch_types=[
        pltpu.VMEM((WIN,), jnp.int32),
        pltpu.VMEM((WIN,), jnp.float32),
        pltpu.VMEM((WIN,), jnp.float32),
        pltpu.VMEM((WIN,), jnp.float32),
        pltpu.VMEM((WIN,), jnp.float32),
        pltpu.VMEM((WIN,), jnp.float32),
        pltpu.VMEM((WIN,), jnp.float32),
        pltpu.VMEM((TBL,), jnp.float32),
        pltpu.VMEM((NW, SPAN), jnp.float32),
        pltpu.VMEM((SPAN,), jnp.float32),
        pltpu.VMEM((TBL,), jnp.float32),
        pltpu.VMEM((B, 6), jnp.float32),
        pltpu.VMEM((B,), jnp.float32),
        pltpu.VMEM((B, 1), jnp.float32),
        pltpu.VMEM((B,), jnp.float32),
        pltpu.VMEM_SHARED((NW, TBL), jnp.float32),
        pltpu.VMEM_SHARED((TBL,), jnp.float32),
    ],
    compiler_params=pltpu.CompilerParams(
        needs_layout_passes=False, use_tc_tiling_on_sc=False
    ),
)(_sc_body)


def kernel(pred_energy, pred_force, atomic_stress, cell_volume, batch):
    del pred_force
    xx, yy, zz, xy, yz, xz = _prep(atomic_stress)
    stress, energy = _sc_all(
        batch.astype(jnp.int32), xx, yy, zz, xy, yz, xz, cell_volume,
        pred_energy
    )
    return (energy, stress)

# --- scband reference (transcript-rebuilt; emitter-appended) ---
"""Pipeline reference for scband-direct-energy-stress-output-81080392614115 (READ-ONLY COPY).

The authoritative reference and input builder live on the scoring server;
editing this copy changes nothing except your own understanding.
"""

import jax, jax.numpy as jnp
import numpy as np

N = 100000
B = 64
VOIGT = np.array([0, 4, 8, 1, 5, 2])

def setup_inputs(seed: int = 0) -> dict:
    key = jax.random.key(seed)
    k1, k2, k3, k4, k5 = jax.random.split(key, 5)
    pred_energy = jax.random.normal(k1, (B, 1), dtype=jnp.float32)
    pred_force = jax.random.normal(k2, (N, 3), dtype=jnp.float32)
    atomic_stress = jax.random.normal(k3, (N, 3), dtype=jnp.float32)
    cell_volume = jax.random.uniform(k4, (B,), dtype=jnp.float32, minval=0.0, maxval=1.0)
    batch = jnp.sort(jax.random.randint(k5, (N,), 0, B, dtype=jnp.int64))
    return {
        "pred_energy": pred_energy,
        "pred_force": pred_force,
        "atomic_stress": atomic_stress,
        "cell_volume": cell_volume,
        "batch": batch,
    }

def reference(pred_energy, pred_force, atomic_stress, cell_volume, batch):
    # energy: squeeze last dim
    energy = jnp.squeeze(pred_energy, axis=-1)
    v = atomic_stress  # [N, 3]
    # per-atom outer product -> 9 components -> voigt 6 selection [xx, yy, zz, xy, yz, xz]
    src = jnp.einsum('bi,bj->bij', v, v).reshape(-1, 9)[:, VOIGT]  # [N, 6]
    # scatter_reduce_(sum) over batch ids -> per-structure sum
    size = cell_volume.shape[0]  # == int(batch.max()) + 1 by construction
    output = jax.ops.segment_sum(src, batch, num_segments=size)  # [B, 6]
    stress = output / cell_volume.reshape(-1, 1)  # [B, 6]
    return (energy, stress)

if __name__ == "__main__":
    import jax
    _d = setup_inputs()
    print(jax.jit(kernel)(*tuple(_d.values())))

</pallas_src>

<mosaic_0001>
#map = affine_map<(d0, d1) -> (0)>
#map1 = affine_map<(d0, d1) -> (0, 0)>
module attributes {stable_mosaic.version = 14 : i64} {
  func.func @_sc_body(%arg0: i32, %arg1: i32, %arg2: memref<100000xi32, #tpu.memory_space<hbm>>, %arg3: memref<100000xf32, #tpu.memory_space<hbm>>, %arg4: memref<100000xf32, #tpu.memory_space<hbm>>, %arg5: memref<100000xf32, #tpu.memory_space<hbm>>, %arg6: memref<100000xf32, #tpu.memory_space<hbm>>, %arg7: memref<100000xf32, #tpu.memory_space<hbm>>, %arg8: memref<100000xf32, #tpu.memory_space<hbm>>, %arg9: memref<64xf32, #tpu.memory_space<hbm>>, %arg10: memref<64x1xf32, #tpu.memory_space<hbm>>, %arg11: memref<64x6xf32, #tpu.memory_space<hbm>>, %arg12: memref<64xf32, #tpu.memory_space<hbm>>, %arg13: memref<6280xi32, #tpu.memory_space<vmem>>, %arg14: memref<6280xf32, #tpu.memory_space<vmem>>, %arg15: memref<6280xf32, #tpu.memory_space<vmem>>, %arg16: memref<6280xf32, #tpu.memory_space<vmem>>, %arg17: memref<6280xf32, #tpu.memory_space<vmem>>, %arg18: memref<6280xf32, #tpu.memory_space<vmem>>, %arg19: memref<6280xf32, #tpu.memory_space<vmem>>, %arg20: memref<6144xf32, #tpu.memory_space<vmem>>, %arg21: memref<16x384xf32, #tpu.memory_space<vmem>>, %arg22: memref<384xf32, #tpu.memory_space<vmem>>, %arg23: memref<6144xf32, #tpu.memory_space<vmem>>, %arg24: memref<64x6xf32, #tpu.memory_space<vmem>>, %arg25: memref<64xf32, #tpu.memory_space<vmem>>, %arg26: memref<64x1xf32, #tpu.memory_space<vmem>>, %arg27: memref<64xf32, #tpu.memory_space<vmem>>, %arg28: memref<16x6144xf32, #tpu.memory_space<vmem_shared>>, %arg29: memref<6144xf32, #tpu.memory_space<vmem_shared>>) attributes {dimension_semantics = [#tpu.dimension_semantics<core_parallel>, #tpu.dimension_semantics<subcore_parallel>], iteration_bounds = array<i64: 2, 16>, scalar_prefetch = 0 : i64, scratch_operands = 17 : i64, tpu.core_type = #tpu.core_type<sc_vector_subcore>, window_params = [{transform_indices = #map}, {transform_indices = #map}, {transform_indices = #map}, {transform_indices = #map}, {transform_indices = #map}, {transform_indices = #map}, {transform_indices = #map}, {transform_indices = #map}, {transform_indices = #map1}, {transform_indices = #map1}, {transform_indices = #map}]} {
    %iota3A = tpu.iota {dimensions = array<i32: 0>} : vector<16xi32>
    %mul3A = arith.constant 0 : i32
    %mul3A_0 = vector.broadcast %mul3A : i32 to vector<16xi32>
    %mul3A_1 = arith.muli %iota3A, %mul3A_0 : vector<16xi32>
    %add3A = arith.constant 0 : i32
    %add3A_2 = vector.broadcast %add3A : i32 to vector<16xi32>
    %add3A_3 = arith.addi %iota3A, %add3A_2 : vector<16xi32>
    %add3A_4 = arith.constant 16 : i32
    %add3A_5 = vector.broadcast %add3A_4 : i32 to vector<16xi32>
    %add3A_6 = arith.addi %iota3A, %add3A_5 : vector<16xi32>
    %add3A_7 = arith.constant 32 : i32
    %add3A_8 = vector.broadcast %add3A_7 : i32 to vector<16xi32>
    %add3A_9 = arith.addi %iota3A, %add3A_8 : vector<16xi32>
    %add3A_10 = arith.constant 48 : i32
    %add3A_11 = vector.broadcast %add3A_10 : i32 to vector<16xi32>
    %add3A_12 = arith.addi %iota3A, %add3A_11 : vector<16xi32>
    %add3A_13 = arith.constant 64 : i32
    %add3A_14 = vector.broadcast %add3A_13 : i32 to vector<16xi32>
    %add3A_15 = arith.addi %iota3A, %add3A_14 : vector<16xi32>
    %add3A_16 = arith.constant 80 : i32
    %add3A_17 = vector.broadcast %add3A_16 : i32 to vector<16xi32>
    %add3A_18 = arith.addi %iota3A, %add3A_17 : vector<16xi32>
    %broadcast_in_dim3A = arith.constant 0.000000e+00 : f32
    %broadcast_in_dim3A_19 = vector.broadcast %broadcast_in_dim3A : f32 to vector<16xf32>
    %eq3A = arith.constant 0 : i32
    %eq3A_20 = arith.cmpi eq, %arg0, %eq3A : i32
    %convert_element_type3A = arith.extui %eq3A_20 : i1 to i32
    %cond3A = arith.constant 0 : i32
    %cond3A_21 = arith.cmpi ne, %convert_element_type3A, %cond3A : i32
    scf.if %cond3A_21 {
      %mul3A_43 = arith.constant 6248 : i32
      %mul3A_44 = arith.muli %arg1, %mul3A_43 : i32
      %mul3A_45 = arith.constant 2 : i32
      %mul3A_46 = arith.muli %arg1, %mul3A_45 : i32
      "tpu.region"() ({
        %run_scoped3A = tpu.sem_alloc : memref<!tpu.dma_semaphore, #tpu.memory_space<semaphore_mem>>
        %dma_start3A = tpu.memref_slice %arg2[%mul3A_44] : memref<100000xi32, #tpu.memory_space<hbm>> -> memref<6280xi32, #tpu.memory_space<hbm>>
        %dma_start3A_81 = tpu.memref_slice %arg2[%mul3A_44] : memref<100000xi32, #tpu.memory_space<hbm>> -> memref<6280xi32, #tpu.memory_space<hbm>>
        tpu.enqueue_dma source(%dma_start3A_81 : memref<6280xi32, #tpu.memory_space<hbm>>) target(%arg13 : memref<6280xi32, #tpu.memory_space<vmem>>) target_semaphore(%run_scoped3A : memref<!tpu.dma_semaphore, #tpu.memory_space<semaphore_mem>>)
        %dma_wait3A = tpu.memref_slice %arg2[%mul3A_44] : memref<100000xi32, #tpu.memory_space<hbm>> -> memref<6280xi32, #tpu.memory_space<hbm>>
        %dma_wait3A_82 = tpu.memref_slice %arg2[%mul3A_44] : memref<100000xi32, #tpu.memory_space<hbm>> -> memref<6280xi32, #tpu.memory_space<hbm>>
        tpu.wait_dma2 semaphore(%run_scoped3A : memref<!tpu.dma_semaphore, #tpu.memory_space<semaphore_mem>>) src(%dma_wait3A_82 : memref<6280xi32, #tpu.memory_space<hbm>>) dst(%arg13 : memref<6280xi32, #tpu.memory_space<vmem>>)
        tpu.yield
      }) : () -> ()
      "tpu.region"() ({
        %run_scoped3A = tpu.sem_alloc : memref<!tpu.dma_semaphore, #tpu.memory_space<semaphore_mem>>
        %dma_start3A = tpu.memref_slice %arg3[%mul3A_44] : memref<100000xf32, #tpu.memory_space<hbm>> -> memref<6280xf32, #tpu.memory_space<hbm>>
        %dma_start3A_81 = tpu.memref_slice %arg3[%mul3A_44] : memref<100000xf32, #tpu.memory_space<hbm>> -> memref<6280xf32, #tpu.memory_space<hbm>>
        tpu.enqueue_dma source(%dma_start3A_81 : memref<6280xf32, #tpu.memory_space<hbm>>) target(%arg14 : memref<6280xf32, #tpu.memory_space<vmem>>) target_semaphore(%run_scoped3A : memref<!tpu.dma_semaphore, #tpu.memory_space<semaphore_mem>>)
        %dma_wait3A = tpu.memref_slice %arg3[%mul3A_44] : memref<100000xf32, #tpu.memory_space<hbm>> -> memref<6280xf32, #tpu.memory_space<hbm>>
        %dma_wait3A_82 = tpu.memref_slice %arg3[%mul3A_44] : memref<100000xf32, #tpu.memory_space<hbm>> -> memref<6280xf32, #tpu.memory_space<hbm>>
        tpu.wait_dma2 semaphore(%run_scoped3A : memref<!tpu.dma_semaphore, #tpu.memory_space<semaphore_mem>>) src(%dma_wait3A_82 : memref<6280xf32, #tpu.memory_space<hbm>>) dst(%arg14 : memref<6280xf32, #tpu.memory_space<vmem>>)
        tpu.yield
      }) : () -> ()
      "tpu.region"() ({
        %run_scoped3A = tpu.sem_alloc : memref<!tpu.dma_semaphore, #tpu.memory_space<semaphore_mem>>
        %dma_start3A = tpu.memref_slice %arg4[%mul3A_44] : memref<100000xf32, #tpu.memory_space<hbm>> -> memref<6280xf32, #tpu.memory_space<hbm>>
        %dma_start3A_81 = tpu.memref_slice %arg4[%mul3A_44] : memref<100000xf32, #tpu.memory_space<hbm>> -> memref<6280xf32, #tpu.memory_space<hbm>>
        tpu.enqueue_dma source(%dma_start3A_81 : memref<6280xf32, #tpu.memory_space<hbm>>) target(%arg15 : memref<6280xf32, #tpu.memory_space<vmem>>) target_semaphore(%run_scoped3A : memref<!tpu.dma_semaphore, #tpu.memory_space<semaphore_mem>>)
        %dma_wait3A = tpu.memref_slice %arg4[%mul3A_44] : memref<100000xf32, #tpu.memory_space<hbm>> -> memref<6280xf32, #tpu.memory_space<hbm>>
        %dma_wait3A_82 = tpu.memref_slice %arg4[%mul3A_44] : memref<100000xf32, #tpu.memory_space<hbm>> -> memref<6280xf32, #tpu.memory_space<hbm>>
        tpu.wait_dma2 semaphore(%run_scoped3A : memref<!tpu.dma_semaphore, #tpu.memory_space<semaphore_mem>>) src(%dma_wait3A_82 : memref<6280xf32, #tpu.memory_space<hbm>>) dst(%arg15 : memref<6280xf32, #tpu.memory_space<vmem>>)
        tpu.yield
      }) : () -> ()
      "tpu.region"() ({
        %run_scoped3A = tpu.sem_alloc : memref<!tpu.dma_semaphore, #tpu.memory_space<semaphore_mem>>
        %dma_start3A = tpu.memref_slice %arg5[%mul3A_44] : memref<100000xf32, #tpu.memory_space<hbm>> -> memref<6280xf32, #tpu.memory_space<hbm>>
        %dma_start3A_81 = tpu.memref_slice %arg5[%mul3A_44] : memref<100000xf32, #tpu.memory_space<hbm>> -> memref<6280xf32, #tpu.memory_space<hbm>>
        tpu.enqueue_dma source(%dma_start3A_81 : memref<6280xf32, #tpu.memory_space<hbm>>) target(%arg16 : memref<6280xf32, #tpu.memory_space<vmem>>) target_semaphore(%run_scoped3A : memref<!tpu.dma_semaphore, #tpu.memory_space<semaphore_mem>>)
        %dma_wait3A = tpu.memref_slice %arg5[%mul3A_44] : memref<100000xf32, #tpu.memory_space<hbm>> -> memref<6280xf32, #tpu.memory_space<hbm>>
        %dma_wait3A_82 = tpu.memref_slice %arg5[%mul3A_44] : memref<100000xf32, #tpu.memory_space<hbm>> -> memref<6280xf32, #tpu.memory_space<hbm>>
        tpu.wait_dma2 semaphore(%run_scoped3A : memref<!tpu.dma_semaphore, #tpu.memory_space<semaphore_mem>>) src(%dma_wait3A_82 : memref<6280xf32, #tpu.memory_space<hbm>>) dst(%arg16 : memref<6280xf32, #tpu.memory_space<vmem>>)
        tpu.yield
      }) : () -> ()
      "tpu.region"() ({
        %run_scoped3A = tpu.sem_alloc : memref<!tpu.dma_semaphore, #tpu.memory_space<semaphore_mem>>
        %dma_start3A = tpu.memref_slice %arg6[%mul3A_44] : memref<100000xf32, #tpu.memory_space<hbm>> -> memref<6280xf32, #tpu.memory_space<hbm>>
        %dma_start3A_81 = tpu.memref_slice %arg6[%mul3A_44] : memref<100000xf32, #tpu.memory_space<hbm>> -> memref<6280xf32, #tpu.memory_space<hbm>>
        tpu.enqueue_dma source(%dma_start3A_81 : memref<6280xf32, #tpu.memory_space<hbm>>) target(%arg17 : memref<6280xf32, #tpu.memory_space<vmem>>) target_semaphore(%run_scoped3A : memref<!tpu.dma_semaphore, #tpu.memory_space<semaphore_mem>>)
        %dma_wait3A = tpu.memref_slice %arg6[%mul3A_44] : memref<100000xf32, #tpu.memory_space<hbm>> -> memref<6280xf32, #tpu.memory_space<hbm>>
        %dma_wait3A_82 = tpu.memref_slice %arg6[%mul3A_44] : memref<100000xf32, #tpu.memory_space<hbm>> -> memref<6280xf32, #tpu.memory_space<hbm>>
        tpu.wait_dma2 semaphore(%run_scoped3A : memref<!tpu.dma_semaphore, #tpu.memory_space<semaphore_mem>>) src(%dma_wait3A_82 : memref<6280xf32, #tpu.memory_space<hbm>>) dst(%arg17 : memref<6280xf32, #tpu.memory_space<vmem>>)
        tpu.yield
      }) : () -> ()
      "tpu.region"() ({
        %run_scoped3A = tpu.sem_alloc : memref<!tpu.dma_semaphore, #tpu.memory_space<semaphore_mem>>
        %dma_start3A = tpu.memref_slice %arg7[%mul3A_44] : memref<100000xf32, #tpu.memory_space<hbm>> -> memref<6280xf32, #tpu.memory_space<hbm>>
        %dma_start3A_81 = tpu.memref_slice %arg7[%mul3A_44] : memref<100000xf32, #tpu.memory_space<hbm>> -> memref<6280xf32, #tpu.memory_space<hbm>>
        tpu.enqueue_dma source(%dma_start3A_81 : memref<6280xf32, #tpu.memory_space<hbm>>) target(%arg18 : memref<6280xf32, #tpu.memory_space<vmem>>) target_semaphore(%run_scoped3A : memref<!tpu.dma_semaphore, #tpu.memory_space<semaphore_mem>>)
        %dma_wait3A = tpu.memref_slice %arg7[%mul3A_44] : memref<100000xf32, #tpu.memory_space<hbm>> -> memref<6280xf32, #tpu.memory_space<hbm>>
        %dma_wait3A_82 = tpu.memref_slice %arg7[%mul3A_44] : memref<100000xf32, #tpu.memory_space<hbm>> -> memref<6280xf32, #tpu.memory_space<hbm>>
        tpu.wait_dma2 semaphore(%run_scoped3A : memref<!tpu.dma_semaphore, #tpu.memory_space<semaphore_mem>>) src(%dma_wait3A_82 : memref<6280xf32, #tpu.memory_space<hbm>>) dst(%arg18 : memref<6280xf32, #tpu.memory_space<vmem>>)
        tpu.yield
      }) : () -> ()
      "tpu.region"() ({
        %run_scoped3A = tpu.sem_alloc : memref<!tpu.dma_semaphore, #tpu.memory_space<semaphore_mem>>
        %dma_start3A = tpu.memref_slice %arg8[%mul3A_44] : memref<100000xf32, #tpu.memory_space<hbm>> -> memref<6280xf32, #tpu.memory_space<hbm>>
        %dma_start3A_81 = tpu.memref_slice %arg8[%mul3A_44] : memref<100000xf32, #tpu.memory_space<hbm>> -> memref<6280xf32, #tpu.memory_space<hbm>>
        tpu.enqueue_dma source(%dma_start3A_81 : memref<6280xf32, #tpu.memory_space<hbm>>) target(%arg19 : memref<6280xf32, #tpu.memory_space<vmem>>) target_semaphore(%run_scoped3A : memref<!tpu.dma_semaphore, #tpu.memory_space<semaphore_mem>>)
        %dma_wait3A = tpu.memref_slice %arg8[%mul3A_44] : memref<100000xf32, #tpu.memory_space<hbm>> -> memref<6280xf32, #tpu.memory_space<hbm>>
        %dma_wait3A_82 = tpu.memref_slice %arg8[%mul3A_44] : memref<100000xf32, #tpu.memory_space<hbm>> -> memref<6280xf32, #tpu.memory_space<hbm>>
        tpu.wait_dma2 semaphore(%run_scoped3A : memref<!tpu.dma_semaphore, #tpu.memory_space<semaphore_mem>>) src(%dma_wait3A_82 : memref<6280xf32, #tpu.memory_space<hbm>>) dst(%arg19 : memref<6280xf32, #tpu.memory_space<vmem>>)
        tpu.yield
      }) : () -> ()
      %scan3A = arith.constant 0 : i32
      %scan3A_47 = arith.constant 0 : i32
      %scan3A_48 = arith.constant 384 : i32
      %scan3A_49 = arith.addi %scan3A_47, %scan3A_48 : i32
      %scan3A_50 = arith.constant 1 : i32
      scf.for %scan3A_81 = %scan3A_47 to %scan3A_49 step %scan3A_50  : i32 {
        %mul3A_82 = arith.constant 16 : i32
        %mul3A_83 = arith.muli %scan3A_81, %mul3A_82 : i32
        %swap3A = arith.index_cast %mul3A_83 : i32 to index
        %swap3A_84 = tpu.vector_load %arg20[%swap3A] {strides = array<i32>} : memref<6144xf32, #tpu.memory_space<vmem>>, vector<16xf32>,
        tpu.vector_store %arg20[%swap3A], %broadcast_in_dim3A_19 {strides = array<i32>} : memref<6144xf32, #tpu.memory_space<vmem>>, vector<16xf32>,
      }
      %scan3A_51 = arith.constant 384 : i32
      %scan3A_52 = arith.constant 0 : i32
      %scan3A_53 = arith.constant 0 : i32
      %scan3A_54 = arith.constant 390 : i32
      %scan3A_55 = arith.addi %scan3A_53, %scan3A_54 : i32
      %scan3A_56 = arith.constant 1 : i32
      scf.for %scan3A_81 = %scan3A_53 to %scan3A_55 step %scan3A_56  : i32 {
        %mul3A_82 = arith.constant 16 : i32
        %mul3A_83 = arith.muli %scan3A_81, %mul3A_82 : i32
        %add3A_84 = arith.addi %mul3A_46, %mul3A_83 : i32
        %add3A_85 = vector.broadcast %add3A_84 : i32 to vector<16xi32>
        %add3A_86 = arith.addi %add3A_85, %iota3A : vector<16xi32>
        %gather3A_87 = tpu.vector_load_idx %arg13[%add3A_86] : memref<6280xi32, #tpu.memory_space<vmem>>[vector<16xi32>], vector<16xi32>,
        %mul3A_88 = arith.constant 96 : i32
        %mul3A_89 = vector.broadcast %mul3A_88 : i32 to vector<16xi32>
        %mul3A_90 = arith.muli %gather3A_87, %mul3A_89 : vector<16xi32>
        %gather3A_91 = tpu.vector_load_idx %arg14[%add3A_86] : memref<6280xf32, #tpu.memory_space<vmem>>[vector<16xi32>], vector<16xf32>,
        %add3A_92 = arith.addi %mul3A_90, %add3A_3 : vector<16xi32>
        tpu.vector_store_idx %arg20[%add3A_92], %gather3A_91 {add = true} : memref<6144xf32, #tpu.memory_space<vmem>>[vector<16xi32>], vector<16xf32>,
        %gather3A_93 = tpu.vector_load_idx %arg15[%add3A_86] : memref<6280xf32, #tpu.memory_space<vmem>>[vector<16xi32>], vector<16xf32>,
        %add3A_94 = arith.addi %mul3A_90, %add3A_6 : vector<16xi32>
        tpu.vector_store_idx %arg20[%add3A_94], %gather3A_93 {add = true} : memref<6144xf32, #tpu.memory_space<vmem>>[vector<16xi32>], vector<16xf32>,
        %gather3A_95 = tpu.vector_load_idx %arg16[%add3A_86] : memref<6280xf32, #tpu.memory_space<vmem>>[vector<16xi32>], vector<16xf32>,
        %add3A_96 = arith.addi %mul3A_90, %add3A_9 : vector<16xi32>
        tpu.vector_store_idx %arg20[%add3A_96], %gather3A_95 {add = true} : memref<6144xf32, #tpu.memory_space<vmem>>[vector<16xi32>], vector<16xf32>,
        %gather3A_97 = tpu.vector_load_idx %arg17[%add3A_86] : memref<6280xf32, #tpu.memory_space<vmem>>[vector<16xi32>], vector<16xf32>,
        %add3A_98 = arith.addi %mul3A_90, %add3A_12 : vector<16xi32>
        tpu.vector_store_idx %arg20[%add3A_98], %gather3A_97 {add = true} : memref<6144xf32, #tpu.memory_space<vmem>>[vector<16xi32>], vector<16xf32>,
        %gather3A_99 = tpu.vector_load_idx %arg18[%add3A_86] : memref<6280xf32, #tpu.memory_space<vmem>>[vector<16xi32>], vector<16xf32>,
        %add3A_100 = arith.addi %mul3A_90, %add3A_15 : vector<16xi32>
        tpu.vector_store_idx %arg20[%add3A_100], %gather3A_99 {add = true} : memref<6144xf32, #tpu.memory_space<vmem>>[vector<16xi32>], vector<16xf32>,
        %gather3A_101 = tpu.vector_load_idx %arg19[%add3A_86] : memref<6280xf32, #tpu.memory_space<vmem>>[vector<16xi32>], vector<16xf32>,
        %add3A_102 = arith.addi %mul3A_90, %add3A_18 : vector<16xi32>
        tpu.vector_store_idx %arg20[%add3A_102], %gather3A_101 {add = true} : memref<6144xf32, #tpu.memory_space<vmem>>[vector<16xi32>], vector<16xf32>,
      }
      %scan3A_57 = arith.constant 390 : i32
      %add3A_58 = arith.constant 6240 : i32
      %add3A_59 = arith.addi %mul3A_46, %add3A_58 : i32
      %add3A_60 = vector.broadcast %add3A_59 : i32 to vector<16xi32>
      %add3A_61 = arith.addi %add3A_60, %iota3A : vector<16xi32>
      %min3A = arith.constant 6279 : i32
      %min3A_62 = vector.broadcast %min3A : i32 to vector<16xi32>
      %min3A_63 = arith.minsi %add3A_61, %min3A_62 : vector<16xi32>
      %lt3A = arith.constant 10 : i32
      %lt3A_64 = vector.broadcast %lt3A : i32 to vector<16xi32>
      %lt3A_65 = arith.cmpi slt, %iota3A, %lt3A_64 : vector<16xi32>
      %gather3A = tpu.vector_load_idx %arg13[%min3A_63] : memref<6280xi32, #tpu.memory_space<vmem>>[vector<16xi32>], vector<16xi32>,
      %mul3A_66 = arith.constant 96 : i32
      %mul3A_67 = vector.broadcast %mul3A_66 : i32 to vector<16xi32>
      %mul3A_68 = arith.muli %gather3A, %mul3A_67 : vector<16xi32>
      %gather3A_69 = tpu.vector_load_idx %arg14[%min3A_63] : memref<6280xf32, #tpu.memory_space<vmem>>[vector<16xi32>], vector<16xf32>,
      %add3A_70 = arith.addi %mul3A_68, %add3A_3 : vector<16xi32>
      tpu.vector_store_idx %arg20[%add3A_70], %gather3A_69 masked %lt3A_65 {add = true} : memref<6144xf32, #tpu.memory_space<vmem>>[vector<16xi32>], vector<16xf32>, vector<16xi1>
      %gather3A_71 = tpu.vector_load_idx %arg15[%min3A_63] : memref<6280xf32, #tpu.memory_space<vmem>>[vector<16xi32>], vector<16xf32>,
      %add3A_72 = arith.addi %mul3A_68, %add3A_6 : vector<16xi32>
      tpu.vector_store_idx %arg20[%add3A_72], %gather3A_71 masked %lt3A_65 {add = true} : memref<6144xf32, #tpu.memory_space<vmem>>[vector<16xi32>], vector<16xf32>, vector<16xi1>
      %gather3A_73 = tpu.vector_load_idx %arg16[%min3A_63] : memref<6280xf32, #tpu.memory_space<vmem>>[vector<16xi32>], vector<16xf32>,
      %add3A_74 = arith.addi %mul3A_68, %add3A_9 : vector<16xi32>
      tpu.vector_store_idx %arg20[%add3A_74], %gather3A_73 masked %lt3A_65 {add = true} : memref<6144xf32, #tpu.memory_space<vmem>>[vector<16xi32>], vector<16xf32>, vector<16xi1>
      %gather3A_75 = tpu.vector_load_idx %arg17[%min3A_63] : memref<6280xf32, #tpu.memory_space<vmem>>[vector<16xi32>], vector<16xf32>,
      %add3A_76 = arith.addi %mul3A_68, %add3A_12 : vector<16xi32>
      tpu.vector_store_idx %arg20[%add3A_76], %gather3A_75 masked %lt3A_65 {add = true} : memref<6144xf32, #tpu.memory_space<vmem>>[vector<16xi32>], vector<16xf32>, vector<16xi1>
      %gather3A_77 = tpu.vector_load_idx %arg18[%min3A_63] : memref<6280xf32, #tpu.memory_space<vmem>>[vector<16xi32>], vector<16xf32>,
      %add3A_78 = arith.addi %mul3A_68, %add3A_15 : vector<16xi32>
      tpu.vector_store_idx %arg20[%add3A_78], %gather3A_77 masked %lt3A_65 {add = true} : memref<6144xf32, #tpu.memory_space<vmem>>[vector<16xi32>], vector<16xf32>, vector<16xi1>
      %gather3A_79 = tpu.vector_load_idx %arg19[%min3A_63] : memref<6280xf32, #tpu.memory_space<vmem>>[vector<16xi32>], vector<16xf32>,
      %add3A_80 = arith.addi %mul3A_68, %add3A_18 : vector<16xi32>
      tpu.vector_store_idx %arg20[%add3A_80], %gather3A_79 masked %lt3A_65 {add = true} : memref<6144xf32, #tpu.memory_space<vmem>>[vector<16xi32>], vector<16xf32>, vector<16xi1>
      "tpu.region"() ({
        %run_scoped3A = tpu.sem_alloc : memref<!tpu.dma_semaphore, #tpu.memory_space<semaphore_mem>>
        %dma_start3A = arith.constant 0 : i32
        %dma_start3A_81 = tpu.memref_slice %arg28[%arg1, %dma_start3A] : memref<16x6144xf32, #tpu.memory_space<vmem_shared>> -> memref<1x6144xf32, #tpu.memory_space<vmem_shared>>
        %dma_start3A_82 = tpu.memref_squeeze %dma_start3A_81 : memref<1x6144xf32, #tpu.memory_space<vmem_shared>> -> memref<6144xf32, #tpu.memory_space<vmem_shared>>
        %dma_start3A_83 = arith.constant 0 : i32
        %dma_start3A_84 = tpu.memref_slice %arg28[%arg1, %dma_start3A_83] : memref<16x6144xf32, #tpu.memory_space<vmem_shared>> -> memref<1x6144xf32, #tpu.memory_space<vmem_shared>>
        %dma_start3A_85 = tpu.memref_squeeze %dma_start3A_84 : memref<1x6144xf32, #tpu.memory_space<vmem_shared>> -> memref<6144xf32, #tpu.memory_space<vmem_shared>>
        tpu.enqueue_dma source(%arg20 : memref<6144xf32, #tpu.memory_space<vmem>>) target(%dma_start3A_85 : memref<6144xf32, #tpu.memory_space<vmem_shared>>) target_semaphore(%run_scoped3A : memref<!tpu.dma_semaphore, #tpu.memory_space<semaphore_mem>>)
        %dma_wait3A = arith.constant 0 : i32
        %dma_wait3A_86 = tpu.memref_slice %arg28[%arg1, %dma_wait3A] : memref<16x6144xf32, #tpu.memory_space<vmem_shared>> -> memref<1x6144xf32, #tpu.memory_space<vmem_shared>>
        %dma_wait3A_87 = tpu.memref_squeeze %dma_wait3A_86 : memref<1x6144xf32, #tpu.memory_space<vmem_shared>> -> memref<6144xf32, #tpu.memory_space<vmem_shared>>
        %dma_wait3A_88 = arith.constant 0 : i32
        %dma_wait3A_89 = tpu.memref_slice %arg28[%arg1, %dma_wait3A_88] : memref<16x6144xf32, #tpu.memory_space<vmem_shared>> -> memref<1x6144xf32, #tpu.memory_space<vmem_shared>>
        %dma_wait3A_90 = tpu.memref_squeeze %dma_wait3A_89 : memref<1x6144xf32, #tpu.memory_space<vmem_shared>> -> memref<6144xf32, #tpu.memory_space<vmem_shared>>
        tpu.wait_dma2 semaphore(%run_scoped3A : memref<!tpu.dma_semaphore, #tpu.memory_space<semaphore_mem>>) src(%arg20 : memref<6144xf32, #tpu.memory_space<vmem>>) dst(%dma_wait3A_90 : memref<6144xf32, #tpu.memory_space<vmem_shared>>)
        tpu.yield
      }) : () -> ()
    } else {
    }
    %barrier3A = arith.constant 0 : index
    tpu.barrier barrier_id(%barrier3A)
    %eq3A_22 = arith.constant 0 : i32
    %eq3A_23 = arith.cmpi eq, %arg0, %eq3A_22 : i32
    %convert_element_type3A_24 = arith.extui %eq3A_23 : i1 to i32
    %cond3A_25 = arith.constant 0 : i32
    %cond3A_26 = arith.cmpi ne, %convert_element_type3A_24, %cond3A_25 : i32
    scf.if %cond3A_26 {
      %mul3A_43 = arith.constant 384 : i32
      %mul3A_44 = arith.muli %arg1, %mul3A_43 : i32
      "tpu.region"() ({
        %run_scoped3A = tpu.sem_alloc : memref<!tpu.dma_semaphore, #tpu.memory_space<semaphore_mem>>
        %dma_start3A = arith.constant 0 : i32
        %dma_start3A_1989 = tpu.memref_slice %arg28[%dma_start3A, %mul3A_44] : memref<16x6144xf32, #tpu.memory_space<vmem_shared>> -> memref<16x384xf32, #tpu.memory_space<vmem_shared>>
        %dma_start3A_1990 = arith.constant 0 : i32
        %dma_start3A_1991 = tpu.memref_slice %arg28[%dma_start3A_1990, %mul3A_44] : memref<16x6144xf32, #tpu.memory_space<vmem_shared>> -> memref<16x384xf32, #tpu.memory_space<vmem_shared>>
        tpu.enqueue_dma source(%dma_start3A_1991 : memref<16x384xf32, #tpu.memory_space<vmem_shared>>) target(%arg21 : memref<16x384xf32, #tpu.memory_space<vmem>>) target_semaphore(%run_scoped3A : memref<!tpu.dma_semaphore, #tpu.memory_space<semaphore_mem>>)
        %dma_wait3A = arith.constant 0 : i32
        %dma_wait3A_1992 = tpu.memref_slice %arg28[%dma_wait3A, %mul3A_44] : memref<16x6144xf32, #tpu.memory_space<vmem_shared>> -> memref<16x384xf32, #tpu.memory_space<vmem_shared>>
        %dma_wait3A_1993 = arith.constant 0 : i32
        %dma_wait3A_1994 = tpu.memref_slice %arg28[%dma_wait3A_1993, %mul3A_44] : memref<16x6144xf32, #tpu.memory_space<vmem_shared>> -> memref<16x384xf32, #tpu.memory_space<vmem_shared>>
        tpu.wait_dma2 semaphore(%run_scoped3A : memref<!tpu.dma_semaphore, #tpu.memory_space<semaphore_mem>>) src(%dma_wait3A_1994 : memref<16x384xf32, #tpu.memory_space<vmem_shared>>) dst(%arg21 : memref<16x384xf32, #tpu.memory_space<vmem>>)
        tpu.yield
      }) : () -> ()
      %get3A = arith.constant 0 : i32
      %get3A_45 = arith.index_cast %get3A : i32 to index
      %get3A_46 = arith.constant 0 : index
      %get3A_47 = tpu.vector_load %arg21[%get3A_45, %get3A_46] {strides = array<i32>} : memref<16x384xf32, #tpu.memory_space<vmem>>, vector<16xf32>,
      %get3A_48 = arith.constant 1 : i32
      %get3A_49 = arith.index_cast %get3A_48 : i32 to index
      %get3A_50 = arith.constant 0 : index
      %get3A_51 = tpu.vector_load %arg21[%get3A_49, %get3A_50] {strides = array<i32>} : memref<16x384xf32, #tpu.memory_space<vmem>>, vector<16xf32>,
      %add3A_52 = arith.addf %get3A_47, %get3A_51 : vector<16xf32>
      %get3A_53 = arith.constant 2 : i32
      %get3A_54 = arith.index_cast %get3A_53 : i32 to index
      %get3A_55 = arith.constant 0 : index
      %get3A_56 = tpu.vector_load %arg21[%get3A_54, %get3A_55] {strides = array<i32>} : memref<16x384xf32, #tpu.memory_space<vmem>>, vector<16xf32>,
      %add3A_57 = arith.addf %add3A_52, %get3A_56 : vector<16xf32>
      %get3A_58 = arith.constant 3 : i32
      %get3A_59 = arith.index_cast %get3A_58 : i32 to index
      %get3A_60 = arith.constant 0 : index
      %get3A_61 = tpu.vector_load %arg21[%get3A_59, %get3A_60] {strides = array<i32>} : memref<16x384xf32, #tpu.memory_space<vmem>>, vector<16xf32>,
      %add3A_62 = arith.addf %add3A_57, %get3A_61 : vector<16xf32>
      %get3A_63 = arith.constant 4 : i32
      %get3A_64 = arith.index_cast %get3A_63 : i32 to index
      %get3A_65 = arith.constant 0 : index
      %get3A_66 = tpu.vector_load %arg21[%get3A_64, %get3A_65] {strides = array<i32>} : memref<16x384xf32, #tpu.memory_space<vmem>>, vector<16xf32>,
      %add3A_67 = arith.addf %add3A_62, %get3A_66 : vector<16xf32>
      %get3A_68 = arith.constant 5 : i32
      %get3A_69 = arith.index_cast %get3A_68 : i32 to index
      %get3A_70 = arith.constant 0 : index
      %get3A_71 = tpu.vector_load %arg21[%get3A_69, %get3A_70] {strides = array<i32>} : memref<16x384xf32, #tpu.memory_space<vmem>>, vector<16xf32>,
      %add3A_72 = arith.addf %add3A_67, %get3A_71 : vector<16xf32>
      %get3A_73 = arith.constant 6 : i32
      %get3A_74 = arith.index_cast %get3A_73 : i32 to index
      %get3A_75 = arith.constant 0 : index
      %get3A_76 = tpu.vector_load %arg21[%get3A_74, %get3A_75] {strides = array<i32>} : memref<16x384xf32, #tpu.memory_space<vmem>>, vector<16xf32>,
      %add3A_77 = arith.addf %add3A_72, %get3A_76 : vector<16xf32>
      %get3A_78 = arith.constant 7 : i32
      %get3A_79 = arith.index_cast %get3A_78 : i32 to index
      %get3A_80 = arith.constant 0 : index
      %get3A_81 = tpu.vector_load %arg21[%get3A_79, %get3A_80] {strides = array<i32>} : memref<16x384xf32, #tpu.memory_space<vmem>>, vector<16xf32>,
      %add3A_82 = arith.addf %add3A_77, %get3A_81 : vector<16xf32>
      %get3A_83 = arith.constant 8 : i32
      %get3A_84 = arith.index_cast %get3A_83 : i32 to index
      %get3A_85 = arith.constant 0 : index
      %get3A_86 = tpu.vector_load %arg21[%get3A_84, %get3A_85] {strides = array<i32>} : memref<16x384xf32, #tpu.memory_space<vmem>>, vector<16xf32>,
      %add3A_87 = arith.addf %add3A_82, %get3A_86 : vector<16xf32>
      %get3A_88 = arith.constant 9 : i32
      %get3A_89 = arith.index_cast %get3A_88 : i32 to index
      %get3A_90 = arith.constant 0 : index
      %get3A_91 = tpu.vector_load %arg21[%get3A_89, %get3A_90] {strides = array<i32>} : memref<16x384xf32, #tpu.memory_space<vmem>>, vector<16xf32>,
      %add3A_92 = arith.addf %add3A_87, %get3A_91 : vector<16xf32>
      %get3A_93 = arith.constant 10 : i32
      %get3A_94 = arith.index_cast %get3A_93 : i32 to index
      %get3A_95 = arith.constant 0 : index
      %get3A_96 = tpu.vector_load %arg21[%get3A_94, %get3A_95] {strides = array<i32>} : memref<16x384xf32, #tpu.memory_space<vmem>>, vector<16xf32>,
      %add3A_97 = arith.addf %add3A_92, %get3A_96 : vector<16xf32>
      %get3A_98 = arith.constant 11 : i32
      %get3A_99 = arith.index_cast %get3A_98 : i32 to index
      %get3A_100 = arith.constant 0 : index
      %get3A_101 = tpu.vector_load %arg21[%get3A_99, %get3A_100] {strides = array<i32>} : memref<16x384xf32, #tpu.memory_space<vmem>>, vector<16xf32>,
      %add3A_102 = arith.addf %add3A_97, %get3A_101 : vector<16xf32>
      %get3A_103 = arith.constant 12 : i32
      %get3A_104 = arith.index_cast %get3A_103 : i32 to index
      %get3A_105 = arith.constant 0 : index
      %get3A_106 = tpu.vector_load %arg21[%get3A_104, %get3A_105] {strides = array<i32>} : memref<16x384xf32, #tpu.memory_space<vmem>>, vector<16xf32>,
      %add3A_107 = arith.addf %add3A_102, %get3A_106 : vector<16xf32>
      %get3A_108 = arith.constant 13 : i32
      %get3A_109 = arith.index_cast %get3A_108 : i32 to index
      %get3A_110 = arith.constant 0 : index
      %get3A_111 = tpu.vector_load %arg21[%get3A_109, %get3A_110] {strides = array<i32>} : memref<16x384xf32, #tpu.memory_space<vmem>>, vector<16xf32>,
      %add3A_112 = arith.addf %add3A_107, %get3A_111 : vector<16xf32>
      %get3A_113 = arith.constant 14 : i32
      %get3A_114 = arith.index_cast %get3A_113 : i32 to index
      %get3A_115 = arith.constant 0 : index
      %get3A_116 = tpu.vector_load %arg21[%get3A_114, %get3A_115] {strides = array<i32>} : memref<16x384xf32, #tpu.memory_space<vmem>>, vector<16xf32>,
      %add3A_117 = arith.addf %add3A_112, %get3A_116 : vector<16xf32>
      %get3A_118 = arith.constant 15 : i32
      %get3A_119 = arith.index_cast %get3A_118 : i32 to index
      %get3A_120 = arith.constant 0 : index
      %get3A_121 = tpu.vector_load %arg21[%get3A_119, %get3A_120] {strides = array<i32>} : memref<16x384xf32, #tpu.memory_space<vmem>>, vector<16xf32>,
      %add3A_122 = arith.addf %add3A_117, %get3A_121 : vector<16xf32>
      %swap3A = arith.constant 0 : index
      %swap3A_123 = tpu.vector_load %arg22[%swap3A] {strides = array<i32>} : memref<384xf32, #tpu.memory_space<vmem>>, vector<16xf32>,
      tpu.vector_store %arg22[%swap3A], %add3A_122 {strides = array<i32>} : memref<384xf32, #tpu.memory_space<vmem>>, vector<16xf32>,
      %get3A_124 = arith.constant 0 : i32
      %get3A_125 = arith.index_cast %get3A_124 : i32 to index
      %get3A_126 = arith.constant 16 : index
      %get3A_127 = tpu.vector_load %arg21[%get3A_125, %get3A_126] {strides = array<i32>} : memref<16x384xf32, #tpu.memory_space<vmem>>, vector<16xf32>,
      %get3A_128 = arith.constant 1 : i32
      %get3A_129 = arith.index_cast %get3A_128 : i32 to index
      %get3A_130 = arith.constant 16 : index
      %get3A_131 = tpu.vector_load %arg21[%get3A_129, %get3A_130] {strides = array<i32>} : memref<16x384xf32, #tpu.memory_space<vmem>>, vector<16xf32>,
      %add3A_132 = arith.addf %get3A_127, %get3A_131 : vector<16xf32>
      %get3A_133 = arith.constant 2 : i32
      %get3A_134 = arith.index_cast %get3A_133 : i32 to index
      %get3A_135 = arith.constant 16 : index
      %get3A_136 = tpu.vector_load %arg21[%get3A_134, %get3A_135] {strides = array<i32>} : memref<16x384xf32, #tpu.memory_space<vmem>>, vector<16xf32>,
      %add3A_137 = arith.addf %add3A_132, %get3A_136 : vector<16xf32>
      %get3A_138 = arith.constant 3 : i32
      %get3A_139 = arith.index_cast %get3A_138 : i32 to index
      %get3A_140 = arith.constant 16 : index
      %get3A_141 = tpu.vector_load %arg21[%get3A_139, %get3A_140] {strides = array<i32>} : memref<16x384xf32, #tpu.memory_space<vmem>>, vector<16xf32>,
      %add3A_142 = arith.addf %add3A_137, %get3A_141 : vector<16xf32>
      %get3A_143 = arith.constant 4 : i32
      %get3A_144 = arith.index_cast %get3A_143 : i32 to index
      %get3A_145 = arith.constant 16 : index
      %get3A_146 = tpu.vector_load %arg21[%get3A_144, %get3A_145] {strides = array<i32>} : memref<16x384xf32, #tpu.memory_space<vmem>>, vector<16xf32>,
      %add3A_147 = arith.addf %add3A_142, %get3A_146 : vector<16xf32>
      %get3A_148 = arith.constant 5 : i32
      %get3A_149 = arith.index_cast %get3A_148 : i32 to index
      %get3A_150 = arith.constant 16 : index
      %get3A_151 = tpu.vector_load %arg21[%get3A_149, %get3A_150] {strides = array<i32>} : memref<16x384xf32, #tpu.memory_space<vmem>>, vector<16xf32>,
      %add3A_152 = arith.addf %add3A_147, %get3A_151 : vector<16xf32>
      %get3A_153 = arith.constant 6 : i32
      %get3A_154 = arith.index_cast %get3A_153 : i32 to index
      %get3A_155 = arith.constant 16 : index
      %get3A_156 = tpu.vector_load %arg21[%get3A_154, %get3A_155] {strides = array<i32>} : memref<16x384xf32, #tpu.memory_space<vmem>>, vector<16xf32>,
      %add3A_157 = arith.addf %add3A_152, %get3A_156 : vector<16xf32>
      %get3A_158 = arith.constant 7 : i32
      %get3A_159 = arith.index_cast %get3A_158 : i32 to index
      %get3A_160 = arith.constant 16 : index
      %get3A_161 = tpu.vector_load %arg21[%get3A_159, %get3A_160] {strides = array<i32>} : memref<16x384xf32, #tpu.memory_space<vmem>>, vector<16xf32>,
      %add3A_162 = arith.addf %add3A_157, %get3A_161 : vector<16xf32>
      %get3A_163 = arith.constant 8 : i32
      %get3A_164 = arith.index_cast %get3A_163 : i32 to index
      %get3A_165 = arith.constant 16 : index
      %get3A_166 = tpu.vector_load %arg21[%get3A_164, %get3A_165] {strides = array<i32>} : memref<16x384xf32, #tpu.memory_space<vmem>>, vector<16xf32>,
      %add3A_167 = arith.addf %add3A_162, %get3A_166 : vector<16xf32>
      %get3A_168 = arith.constant 9 : i32
      %get3A_169 = arith.index_cast %get3A_168 : i32 to index
      %get3A_170 = arith.constant 16 : index
      %get3A_171 = tpu.vector_load %arg21[%get3A_169, %get3A_170] {strides = array<i32>} : memref<16x384xf32, #tpu.memory_space<vmem>>, vector<16xf32>,
      %add3A_172 = arith.addf %add3A_167, %get3A_171 : vector<16xf32>
      %get3A_173 = arith.constant 10 : i32
      %get3A_174 = arith.index_cast %get3A_173 : i32 to index
      %get3A_175 = arith.constant 16 : index
      %get3A_176 = tpu.vector_load %arg21[%get3A_174, %get3A_175] {strides = array<i32>} : memref<16x384xf32, #tpu.memory_space<vmem>>, vector<16xf32>,
      %add3A_177 = arith.addf %add3A_172, %get3A_176 : vector<16xf32>
      %get3A_178 = arith.constant 11 : i32
      %get3A_179 = arith.index_cast %get3A_178 : i32 to index
      %get3A_180 = arith.constant 16 : index
      %get3A_181 = tpu.vector_load %arg21[%get3A_179, %get3A_180] {strides = array<i32>} : memref<16x384xf32, #tpu.memory_space<vmem>>, vector<16xf32>,
      %add3A_182 = arith.addf %add3A_177, %get3A_181 : vector<16xf32>
      %get3A_183 = arith.constant 12 : i32
      %get3A_184 = arith.index_cast %get3A_183 : i32 to index
      %get3A_185 = arith.constant 16 : index
      %get3A_186 = tpu.vector_load %arg21[%get3A_184, %get3A_185] {strides = array<i32>} : memref<16x384xf32, #tpu.memory_space<vmem>>, vector<16xf32>,
      %add3A_187 = arith.addf %add3A_182, %get3A_186 : vector<16xf32>
      %get3A_188 = arith.constant 13 : i32
      %get3A_189 = arith.index_cast %get3A_188 : i32 to index
      %get3A_190 = arith.constant 16 : index
      %get3A_191 = tpu.vector_load %arg21[%get3A_189, %get3A_190] {strides = array<i32>} : memref<16x384xf32, #tpu.memory_space<vmem>>, vector<16xf32>,
      %add3A_192 = arith.addf %add3A_187, %get3A_191 : vector<16xf32>
      %get3A_193 = arith.constant 14 : i32
      %get3A_194 = arith.index_cast %get3A_193 : i32 to index
      %get3A_195 = arith.constant 16 : index
      %get3A_196 = tpu.vector_load %arg21[%get3A_194, %get3A_195] {strides = array<i32>} : memref<16x384xf32, #tpu.memory_space<vmem>>, vector<16xf32>,
      %add3A_197 = arith.addf %add3A_192, %get3A_196 : vector<16xf32>
      %get3A_198 = arith.constant 15 : i32
      %get3A_199 = arith.index_cast %get3A_198 : i32 to index
      %get3A_200 = arith.constant 16 : index
      %get3A_201 = tpu.vector_load %arg21[%get3A_199, %get3A_200] {strides = array<i32>} : memref<16x384xf32, #tpu.memory_space<vmem>>, vector<16xf32>,
      %add3A_202 = arith.addf %add3A_197, %get3A_201 : vector<16xf32>
      %swap3A_203 = arith.constant 16 : index
      %swap3A_204 = tpu.vector_load %arg22[%swap3A_203] {strides = array<i32>} : memref<384xf32, #tpu.memory_space<vmem>>, vector<16xf32>,
      tpu.vector_store %arg22[%swap3A_203], %add3A_202 {strides = array<i32>} : memref<384xf32, #tpu.memory_space<vmem>>, vector<16xf32>,
      %get3A_205 = arith.constant 0 : i32
      %get3A_206 = arith.index_cast %get3A_205 : i32 to index
      %get3A_207 = arith.constant 32 : index
      %get3A_208 = tpu.vector_load %arg21[%get3A_206, %get3A_207] {strides = array<i32>} : memref<16x384xf32, #tpu.memory_space<vmem>>, vector<16xf32>,
      %get3A_209 = arith.constant 1 : i32
      %get3A_210 = arith.index_cast %get3A_209 : i32 to index
      %get3A_211 = arith.constant 32 : index
      %get3A_212 = tpu.vector_load %arg21[%get3A_210, %get3A_211] {strides = array<i32>} : memref<16x384xf32, #tpu.memory_space<vmem>>, vector<16xf32>,
      %add3A_213 = arith.addf %get3A_208, %get3A_212 : vector<16xf32>
      %get3A_214 = arith.constant 2 : i32
      %get3A_215 = arith.index_cast %get3A_214 : i32 to index
      %get3A_216 = arith.constant 32 : index
      %get3A_217 = tpu.vector_load %arg21[%get3A_215, %get3A_216] {strides = array<i32>} : memref<16x384xf32, #tpu.memory_space<vmem>>, vector<16xf32>,
      %add3A_218 = arith.addf %add3A_213, %get3A_217 : vector<16xf32>
      %get3A_219 = arith.constant 3 : i32
      %get3A_220 = arith.index_cast %get3A_219 : i32 to index
      %get3A_221 = arith.constant 32 : index
      %get3A_222 = tpu.vector_load %arg21[%get3A_220, %get3A_221] {strides = array<i32>} : memref<16x384xf32, #tpu.memory_space<vmem>>, vector<16xf32>,
      %add3A_223 = arith.addf %add3A_218, %get3A_222 : vector<16xf32>
      %get3A_224 = arith.constant 4 : i32
      %get3A_225 = arith.index_cast %get3A_224 : i32 to index
      %get3A_226 = arith.constant 32 : index
      %get3A_227 = tpu.vector_load %arg21[%get3A_225, %get3A_226] {strides = array<i32>} : memref<16x384xf32, #tpu.memory_space<vmem>>, vector<16xf32>,
      %add3A_228 = arith.addf %add3A_223, %get3A_227 : vector<16xf32>
      %get3A_229 = arith.constant 5 : i32
      %get3A_230 = arith.index_cast %get3A_229 : i32 to index
      %get3A_231 = arith.constant 32 : index
      %get3A_232 = tpu.vector_load %arg21[%get3A_230, %get3A_231] {strides = array<i32>} : memref<16x384xf32, #tpu.memory_space<vmem>>, vector<16xf32>,
      %add3A_233 = arith.addf %add3A_228, %get3A_232 : vector<16xf32>
      %get3A_234 = arith.constant 6 : i32
      %get3A_235 = arith.index_cast %get3A_234 : i32 to index
      %get3A_236 = arith.constant 32 : index
      %get3A_237 = tpu.vector_load %arg21[%get3A_235, %get3A_236] {strides = array<i32>} : memref<16x384xf32, #tpu.memory_space<vmem>>, vector<16xf32>,
      %add3A_238 = arith.addf %add3A_233, %get3A_237 : vector<16xf32>
      %get3A_239 = arith.constant 7 : i32
      %get3A_240 = arith.index_cast %get3A_239 : i32 to index
      %get3A_241 = arith.constant 32 : index
      %get3A_242 = tpu.vector_load %arg21[%get3A_240, %get3A_241] {strides = array<i32>} : memref<16x384xf32, #tpu.memory_space<vmem>>, vector<16xf32>,
      %add3A_243 = arith.addf %add3A_238, %get3A_242 : vector<16xf32>
      %get3A_244 = arith.constant 8 : i32
      %get3A_245 = arith.index_cast %get3A_244 : i32 to index
      %get3A_246 = arith.constant 32 : index
      %get3A_247 = tpu.vector_load %arg21[%get3A_245, %get3A_246] {strides = array<i32>} : memref<16x384xf32, #tpu.memory_space<vmem>>, vector<16xf32>,
      %add3A_248 = arith.addf %add3A_243, %get3A_247 : vector<16xf32>
      %get3A_249 = arith.constant 9 : i32
      %get3A_250 = arith.index_cast %get3A_249 : i32 to index
      %get3A_251 = arith.constant 32 : index
      %get3A_252 = tpu.vector_load %arg21[%get3A_250, %get3A_251] {strides = array<i32>} : memref<16x384xf32, #tpu.memory_space<vmem>>, vector<16xf32>,
      %add3A_253 = arith.addf %add3A_248, %get3A_252 : vector<16xf32>
      %get3A_254 = arith.constant 10 : i32
      %get3A_255 = arith.index_cast %get3A_254 : i32 to index
      %get3A_256 = arith.constant 32 : index
      %get3A_257 = tpu.vector_load %arg21[%get3A_255, %get3A_256] {strides = array<i32>} : memref<16x384xf32, #tpu.memory_space<vmem>>, vector<16xf32>,
      %add3A_258 = arith.addf %add3A_253, %get3A_257 : vector<16xf32>
      %get3A_259 = arith.constant 11 : i32
      %get3A_260 = arith.index_cast %get3A_259 : i32 to index
      %get3A_261 = arith.constant 32 : index
      %get3A_262 = tpu.vector_load %arg21[%get3A_260, %get3A_261] {strides = array<i32>} : memref<16x384xf32, #tpu.memory_space<vmem>>, vector<16xf32>,
      %add3A_263 = arith.addf %add3A_258, %get3A_262 : vector<16xf32>
      %get3A_264 = arith.constant 12 : i32
      %get3A_265 = arith.index_cast %get3A_264 : i32 to index
      %get3A_266 = arith.constant 32 : index
      %get3A_267 = tpu.vector_load %arg21[%get3A_265, %get3A_266] {strides = array<i32>} : memref<16x384xf32, #tpu.memory_space<vmem>>, vector<16xf32>,
      %add3A_268 = arith.addf %add3A_263, %get3A_267 : vector<16xf32>
      %get3A_269 = arith.constant 13 : i32
      %get3A_270 = arith.index_cast %get3A_269 : i32 to index
      %get3A_271 = arith.constant 32 : index
      %get3A_272 = tpu.vector_load %arg21[%get3A_270, %get3A_271] {strides = array<i32>} : memref<16x384xf32, #tpu.memory_space<vmem>>, vector<16xf32>,
      %add3A_273 = arith.addf %add3A_268, %get3A_272 : vector<16xf32>
      %get3A_274 = arith.constant 14 : i32
      %get3A_275 = arith.index_cast %get3A_274 : i32 to index
      %get3A_276 = arith.constant 32 : index
      %get3A_277 = tpu.vector_load %arg21[%get3A_275, %get3A_276] {strides = array<i32>} : memref<16x384xf32, #tpu.memory_space<vmem>>, vector<16xf32>,
      %add3A_278 = arith.addf %add3A_273, %get3A_277 : vector<16xf32>
      %get3A_279 = arith.constant 15 : i32
      %get3A_280 = arith.index_cast %get3A_279 : i32 to index
      %get3A_281 = arith.constant 32 : index
      %get3A_282 = tpu.vector_load %arg21[%get3A_280, %get3A_281] {strides = array<i32>} : memref<16x384xf32, #tpu.memory_space<vmem>>, vector<16xf32>,
      %add3A_283 = arith.addf %add3A_278, %get3A_282 : vector<16xf32>
      %swap3A_284 = arith.constant 32 : index
      %swap3A_285 = tpu.vector_load %arg22[%swap3A_284] {strides = array<i32>} : memref<384xf32, #tpu.memory_space<vmem>>, vector<16xf32>,
      tpu.vector_store %arg22[%swap3A_284], %add3A_283 {strides = array<i32>} : memref<384xf32, #tpu.memory_space<vmem>>, vector<16xf32>,
      %get3A_286 = arith.constant 0 : i32
      %get3A_287 = arith.index_cast %get3A_286 : i32 to index
      %get3A_288 = arith.constant 48 : index
      %get3A_289 = tpu.vector_load %arg21[%get3A_287, %get3A_288] {strides = array<i32>} : memref<16x384xf32, #tpu.memory_space<vmem>>, vector<16xf32>,
      %get3A_290 = arith.constant 1 : i32
      %get3A_291 = arith.index_cast %get3A_290 : i32 to index
      %get3A_292 = arith.constant 48 : index
      %get3A_293 = tpu.vector_load %arg21[%get3A_291, %get3A_292] {strides = array<i32>} : memref<16x384xf32, #tpu.memory_space<vmem>>, vector<16xf32>,
      %add3A_294 = arith.addf %get3A_289, %get3A_293 : vector<16xf32>
      %get3A_295 = arith.constant 2 : i32
      %get3A_296 = arith.index_cast %get3A_295 : i32 to index
      %get3A_297 = arith.constant 48 : index
      %get3A_298 = tpu.vector_load %arg21[%get3A_296, %get3A_297] {strides = array<i32>} : memref<16x384xf32, #tpu.memory_space<vmem>>, vector<16xf32>,
      %add3A_299 = arith.addf %add3A_294, %get3A_298 : vector<16xf32>
      %get3A_300 = arith.constant 3 : i32
      %get3A_301 = arith.index_cast %get3A_300 : i32 to index
      %get3A_302 = arith.constant 48 : index
      %get3A_303 = tpu.vector_load %arg21[%get3A_301, %get3A_302] {strides = array<i32>} : memref<16x384xf32, #tpu.memory_space<vmem>>, vector<16xf32>,
      %add3A_304 = arith.addf %add3A_299, %get3A_303 : vector<16xf32>
      %get3A_305 = arith.constant 4 : i32
      %get3A_306 = arith.index_cast %get3A_305 : i32 to index
      %get3A_307 = arith.constant 48 : index
      %get3A_308 = tpu.vector_load %arg21[%get3A_306, %get3A_307] {strides = array<i32>} : memref<16x384xf32, #tpu.memory_space<vmem>>, vector<16xf32>,
      %add3A_309 = arith.addf %add3A_304, %get3A_308 : vector<16xf32>
      %get3A_310 = arith.constant 5 : i32
      %get3A_311 = arith.index_cast %get3A_310 : i32 to index
      %get3A_312 = arith.constant 48 : index
      %get3A_313 = tpu.vector_load %arg21[%get3A_311, %get3A_312] {strides = array<i32>} : memref<16x384xf32, #tpu.memory_space<vmem>>, vector<16xf32>,
      %add3A_314 = arith.addf %add3A_309, %get3A_313 : vector<16xf32>
      %get3A_315 = arith.constant 6 : i32
      %get3A_316 = arith.index_cast %get3A_315 : i32 to index
      %get3A_317 = arith.constant 48 : index
      %get3A_318 = tpu.vector_load %arg21[%get3A_316, %get3A_317] {strides = array<i32>} : memref<16x384xf32, #tpu.memory_space<vmem>>, vector<16xf32>,
      %add3A_319 = arith.addf %add3A_314, %get3A_318 : vector<16xf32>
      %get3A_320 = arith.constant 7 : i32
      %get3A_321 = arith.index_cast %get3A_320 : i32 to index
      %get3A_322 = arith.constant 48 : index
      %get3A_323 = tpu.vector_load %arg21[%get3A_321, %get3A_322] {strides = array<i32>} : memref<16x384xf32, #tpu.memory_space<vmem>>, vector<16xf32>,
      %add3A_324 = arith.addf %add3A_319, %get3A_323 : vector<16xf32>
      %get3A_325 = arith.constant 8 : i32
      %get3A_326 = arith.index_cast %get3A_325 : i32 to index
      %get3A_327 = arith.constant 48 : index
      %get3A_328 = tpu.vector_load %arg21[%get3A_326, %get3A_327] {strides = array<i32>} : memref<16x384xf32, #tpu.memory_space<vmem>>, vector<16xf32>,
      %add3A_329 = arith.addf %add3A_324, %get3A_328 : vector<16xf32>
      %get3A_330 = arith.constant 9 : i32
      %get3A_331 = arith.index_cast %get3A_330 : i32 to index
      %get3A_332 = arith.constant 48 : index
      %get3A_333 = tpu.vector_load %arg21[%get3A_331, %get3A_332] {strides = array<i32>} : memref<16x384xf32, #tpu.memory_space<vmem>>, vector<16xf32>,
      %add3A_334 = arith.addf %add3A_329, %get3A_333 : vector<16xf32>
      %get3A_335 = arith.constant 10 : i32
      %get3A_336 = arith.index_cast %get3A_335 : i32 to index
      %get3A_337 = arith.constant 48 : index
      %get3A_338 = tpu.vector_load %arg21[%get3A_336, %get3A_337] {strides = array<i32>} : memref<16x384xf32, #tpu.memory_space<vmem>>, vector<16xf32>,
      %add3A_339 = arith.addf %add3A_334, %get3A_338 : vector<16xf32>
      %get3A_340 = arith.constant 11 : i32
      %get3A_341 = arith.index_cast %get3A_340 : i32 to index
      %get3A_342 = arith.constant 48 : index
      %get3A_343 = tpu.vector_load %arg21[%get3A_341, %get3A_342] {strides = array<i32>} : memref<16x384xf32, #tpu.memory_space<vmem>>, vector<16xf32>,
      %add3A_344 = arith.addf %add3A_339, %get3A_343 : vector<16xf32>
      %get3A_345 = arith.constant 12 : i32
      %get3A_346 = arith.index_cast %get3A_345 : i32 to index
      %get3A_347 = arith.constant 48 : index
      %get3A_348 = tpu.vector_load %arg21[%get3A_346, %get3A_347] {strides = array<i32>} : memref<16x384xf32, #tpu.memory_space<vmem>>, vector<16xf32>,
      %add3A_349 = arith.addf %add3A_344, %get3A_348 : vector<16xf32>
      %get3A_350 = arith.constant 13 : i32
      %get3A_351 = arith.index_cast %get3A_350 : i32 to index
      %get3A_352 = arith.constant 48 : index
      %get3A_353 = tpu.vector_load %arg21[%get3A_351, %get3A_352] {strides = array<i32>} : memref<16x384xf32, #tpu.memory_space<vmem>>, vector<16xf32>,
      %add3A_354 = arith.addf %add3A_349, %get3A_353 : vector<16xf32>
      %get3A_355 = arith.constant 14 : i32
      %get3A_356 = arith.index_cast %get3A_355 : i32 to index
      %get3A_357 = arith.constant 48 : index
      %get3A_358 = tpu.vector_load %arg21[%get3A_356, %get3A_357] {strides = array<i32>} : memref<16x384xf32, #tpu.memory_space<vmem>>, vector<16xf32>,
      %add3A_359 = arith.addf %add3A_354, %get3A_358 : vector<16xf32>
      %get3A_360 = arith.constant 15 : i32
      %get3A_361 = arith.index_cast %get3A_360 : i32 to index
      %get3A_362 = arith.constant 48 : index
      %get3A_363 = tpu.vector_load %arg21[%get3A_361, %get3A_362] {strides = array<i32>} : memref<16x384xf32, #tpu.memory_space<vmem>>, vector<16xf32>,
      %add3A_364 = arith.addf %add3A_359, %get3A_363 : vector<16xf32>
      %swap3A_365 = arith.constant 48 : index
      %swap3A_366 = tpu.vector_load %arg22[%swap3A_365] {strides = array<i32>} : memref<384xf32, #tpu.memory_space<vmem>>, vector<16xf32>,
      tpu.vector_store %arg22[%swap3A_365], %add3A_364 {strides = array<i32>} : memref<384xf32, #tpu.memory_space<vmem>>, vector<16xf32>,
      %get3A_367 = arith.constant 0 : i32
      %get3A_368 = arith.index_cast %get3A_367 : i32 to index
      %get3A_369 = arith.constant 64 : index
      %get3A_370 = tpu.vector_load %arg21[%get3A_368, %get3A_369] {strides = array<i32>} : memref<16x384xf32, #tpu.memory_space<vmem>>, vector<16xf32>,
      %get3A_371 = arith.constant 1 : i32
      %get3A_372 = arith.index_cast %get3A_371 : i32 to index
      %get3A_373 = arith.constant 64 : index
      %get3A_374 = tpu.vector_load %arg21[%get3A_372, %get3A_373] {strides = array<i32>} : memref<16x384xf32, #tpu.memory_space<vmem>>, vector<16xf32>,
      %add3A_375 = arith.addf %get3A_370, %get3A_374 : vector<16xf32>
      %get3A_376 = arith.constant 2 : i32
      %get3A_377 = arith.index_cast %get3A_376 : i32 to index
      %get3A_378 = arith.constant 64 : index
      %get3A_379 = tpu.vector_load %arg21[%get3A_377, %get3A_378] {strides = array<i32>} : memref<16x384xf32, #tpu.memory_space<vmem>>, vector<16xf32>,
      %add3A_380 = arith.addf %add3A_375, %get3A_379 : vector<16xf32>
      %get3A_381 = arith.constant 3 : i32
      %get3A_382 = arith.index_cast %get3A_381 : i32 to index
      %get3A_383 = arith.constant 64 : index
      %get3A_384 = tpu.vector_load %arg21[%get3A_382, %get3A_383] {strides = array<i32>} : memref<16x384xf32, #tpu.memory_space<vmem>>, vector<16xf32>,
      %add3A_385 = arith.addf %add3A_380, %get3A_384 : vector<16xf32>
      %get3A_386 = arith.constant 4 : i32
      %get3A_387 = arith.index_cast %get3A_386 : i32 to index
      %get3A_388 = arith.constant 64 : index
      %get3A_389 = tpu.vector_load %arg21[%get3A_387, %get3A_388] {strides = array<i32>} : memref<16x384xf32, #tpu.memory_space<vmem>>, vector<16xf32>,
      %add3A_390 = arith.addf %add3A_385, %get3A_389 : vector<16xf32>
      %get3A_391 = arith.constant 5 : i32
      %get3A_392 = arith.index_cast %get3A_391 : i32 to index
      %get3A_393 = arith.constant 64 : index
      %get3A_394 = tpu.vector_load %arg21[%get3A_392, %get3A_393] {strides = array<i32>} : memref<16x384xf32, #tpu.memory_space<vmem>>, vector<16xf32>,
      %add3A_395 = arith.addf %add3A_390, %get3A_394 : vector<16xf32>
      %get3A_396 = arith.constant 6 : i32
      %get3A_397 = arith.index_cast %get3A_396 : i32 to index
      %get3A_398 = arith.constant 64 : index
      %get3A_399 = tpu.vector_load %arg21[%get3A_397, %get3A_398] {strides = array<i32>} : memref<16x384xf32, #tpu.memory_space<vmem>>, vector<16xf32>,
      %add3A_400 = arith.addf %add3A_395, %get3A_399 : vector<16xf32>
      %get3A_401 = arith.constant 7 : i32
      %get3A_402 = arith.index_cast %get3A_401 : i32 to index
      %get3A_403 = arith.constant 64 : index
      %get3A_404 = tpu.vector_load %arg21[%get3A_402, %get3A_403] {strides = array<i32>} : memref<16x384xf32, #tpu.memory_space<vmem>>, vector<16xf32>,
      %add3A_405 = arith.addf %add3A_400, %get3A_404 : vector<16xf32>
      %get3A_406 = arith.constant 8 : i32
      %get3A_407 = arith.index_cast %get3A_406 : i32 to index
      %get3A_408 = arith.constant 64 : index
      %get3A_409 = tpu.vector_load %arg21[%get3A_407, %get3A_408] {strides = array<i32>} : memref<16x384xf32, #tpu.memory_space<vmem>>, vector<16xf32>,
      %add3A_410 = arith.addf %add3A_405, %get3A_409 : vector<16xf32>
      %get3A_411 = arith.constant 9 : i32
      %get3A_412 = arith.index_cast %get3A_411 : i32 to index
      %get3A_413 = arith.constant 64 : index
      %get3A_414 = tpu.vector_load %arg21[%get3A_412, %get3A_413] {strides = array<i32>} : memref<16x384xf32, #tpu.memory_space<vmem>>, vector<16xf32>,
      %add3A_415 = arith.addf %add3A_410, %get3A_414 : vector<16xf32>
      %get3A_416 = arith.constant 10 : i32
      %get3A_417 = arith.index_cast %get3A_416 : i32 to index
      %get3A_418 = arith.constant 64 : index
      %get3A_419 = tpu.vector_load %arg21[%get3A_417, %get3A_418] {strides = array<i32>} : memref<16x384xf32, #tpu.memory_space<vmem>>, vector<16xf32>,
      %add3A_420 = arith.addf %add3A_415, %get3A_419 : vector<16xf32>
      %get3A_421 = arith.constant 11 : i32
      %get3A_422 = arith.index_cast %get3A_421 : i32 to index
      %get3A_423 = arith.constant 64 : index
      %get3A_424 = tpu.vector_load %arg21[%get3A_422, %get3A_423] {strides = array<i32>} : memref<16x384xf32, #tpu.memory_space<vmem>>, vector<16xf32>,
      %add3A_425 = arith.addf %add3A_420, %get3A_424 : vector<16xf32>
      %get3A_426 = arith.constant 12 : i32
      %get3A_427 = arith.index_cast %get3A_426 : i32 to index
      %get3A_428 = arith.constant 64 : index
      %get3A_429 = tpu.vector_load %arg21[%get3A_427, %get3A_428] {strides = array<i32>} : memref<16x384xf32, #tpu.memory_space<vmem>>, vector<16xf32>,
      %add3A_430 = arith.addf %add3A_425, %get3A_429 : vector<16xf32>
      %get3A_431 = arith.constant 13 : i32
      %get3A_432 = arith.index_cast %get3A_431 : i32 to index
      %get3A_433 = arith.constant 64 : index
      %get3A_434 = tpu.vector_load %arg21[%get3A_432, %get3A_433] {strides = array<i32>} : memref<16x384xf32, #tpu.memory_space<vmem>>, vector<16xf32>,
      %add3A_435 = arith.addf %add3A_430, %get3A_434 : vector<16xf32>
      %get3A_436 = arith.constant 14 : i32
      %get3A_437 = arith.index_cast %get3A_436 : i32 to index
      %get3A_438 = arith.constant 64 : index
      %get3A_439 = tpu.vector_load %arg21[%get3A_437, %get3A_438] {strides = array<i32>} : memref<16x384xf32, #tpu.memory_space<vmem>>, vector<16xf32>,
      %add3A_440 = arith.addf %add3A_435, %get3A_439 : vector<16xf32>
      %get3A_441 = arith.constant 15 : i32
      %get3A_442 = arith.index_cast %get3A_441 : i32 to index
      %get3A_443 = arith.constant 64 : index
      %get3A_444 = tpu.vector_load %arg21[%get3A_442, %get3A_443] {strides = array<i32>} : memref<16x384xf32, #tpu.memory_space<vmem>>, vector<16xf32>,
      %add3A_445 = arith.addf %add3A_440, %get3A_444 : vector<16xf32>
      %swap3A_446 = arith.constant 64 : index
      %swap3A_447 = tpu.vector_load %arg22[%swap3A_446] {strides = array<i32>} : memref<384xf32, #tpu.memory_space<vmem>>, vector<16xf32>,
      tpu.vector_store %arg22[%swap3A_446], %add3A_445 {strides = array<i32>} : memref<384xf32, #tpu.memory_space<vmem>>, vector<16xf32>,
      %get3A_448 = arith.constant 0 : i32
      %get3A_449 = arith.index_cast %get3A_448 : i32 to index
      %get3A_450 = arith.constant 80 : index
      %get3A_451 = tpu.vector_load %arg21[%get3A_449, %get3A_450] {strides = array<i32>} : memref<16x384xf32, #tpu.memory_space<vmem>>, vector<16xf32>,
      %get3A_452 = arith.constant 1 : i32
      %get3A_453 = arith.index_cast %get3A_452 : i32 to index
      %get3A_454 = arith.constant 80 : index
      %get3A_455 = tpu.vector_load %arg21[%get3A_453, %get3A_454] {strides = array<i32>} : memref<16x384xf32, #tpu.memory_space<vmem>>, vector<16xf32>,
      %add3A_456 = arith.addf %get3A_451, %get3A_455 : vector<16xf32>
      %get3A_457 = arith.constant 2 : i32
      %get3A_458 = arith.index_cast %get3A_457 : i32 to index
      %get3A_459 = arith.constant 80 : index
      %get3A_460 = tpu.vector_load %arg21[%get3A_458, %get3A_459] {strides = array<i32>} : memref<16x384xf32, #tpu.memory_space<vmem>>, vector<16xf32>,
      %add3A_461 = arith.addf %add3A_456, %get3A_460 : vector<16xf32>
      %get3A_462 = arith.constant 3 : i32
      %get3A_463 = arith.index_cast %get3A_462 : i32 to index
      %get3A_464 = arith.constant 80 : index
      %get3A_465 = tpu.vector_load %arg21[%get3A_463, %get3A_464] {strides = array<i32>} : memref<16x384xf32, #tpu.memory_space<vmem>>, vector<16xf32>,
      %add3A_466 = arith.addf %add3A_461, %get3A_465 : vector<16xf32>
      %get3A_467 = arith.constant 4 : i32
      %get3A_468 = arith.index_cast %get3A_467 : i32 to index
      %get3A_469 = arith.constant 80 : index
      %get3A_470 = tpu.vector_load %arg21[%get3A_468, %get3A_469] {strides = array<i32>} : memref<16x384xf32, #tpu.memory_space<vmem>>, vector<16xf32>,
      %add3A_471 = arith.addf %add3A_466, %get3A_470 : vector<16xf32>
      %get3A_472 = arith.constant 5 : i32
      %get3A_473 = arith.index_cast %get3A_472 : i32 to index
      %get3A_474 = arith.constant 80 : index
      %get3A_475 = tpu.vector_load %arg21[%get3A_473, %get3A_474] {strides = array<i32>} : memref<16x384xf32, #tpu.memory_space<vmem>>, vector<16xf32>,
      %add3A_476 = arith.addf %add3A_471, %get3A_475 : vector<16xf32>
      %get3A_477 = arith.constant 6 : i32
      %get3A_478 = arith.index_cast %get3A_477 : i32 to index
      %get3A_479 = arith.constant 80 : index
      %get3A_480 = tpu.vector_load %arg21[%get3A_478, %get3A_479] {strides = array<i32>} : memref<16x384xf32, #tpu.memory_space<vmem>>, vector<16xf32>,
      %add3A_481 = arith.addf %add3A_476, %get3A_480 : vector<16xf32>
      %get3A_482 = arith.constant 7 : i32
      %get3A_483 = arith.index_cast %get3A_482 : i32 to index
      %get3A_484 = arith.constant 80 : index
      %get3A_485 = tpu.vector_load %arg21[%get3A_483, %get3A_484] {strides = array<i32>} : memref<16x384xf32, #tpu.memory_space<vmem>>, vector<16xf32>,
      %add3A_486 = arith.addf %add3A_481, %get3A_485 : vector<16xf32>
      %get3A_487 = arith.constant 8 : i32
      %get3A_488 = arith.index_cast %get3A_487 : i32 to index
      %get3A_489 = arith.constant 80 : index
      %get3A_490 = tpu.vector_load %arg21[%get3A_488, %get3A_489] {strides = array<i32>} : memref<16x384xf32, #tpu.memory_space<vmem>>, vector<16xf32>,
      %add3A_491 = arith.addf %add3A_486, %get3A_490 : vector<16xf32>
      %get3A_492 = arith.constant 9 : i32
      %get3A_493 = arith.index_cast %get3A_492 : i32 to index
      %get3A_494 = arith.constant 80 : index
      %get3A_495 = tpu.vector_load %arg21[%get3A_493, %get3A_494] {strides = array<i32>} : memref<16x384xf32, #tpu.memory_space<vmem>>, vector<16xf32>,
      %add3A_496 = arith.addf %add3A_491, %get3A_495 : vector<16xf32>
      %get3A_497 = arith.constant 10 : i32
      %get3A_498 = arith.index_cast %get3A_497 : i32 to index
      %get3A_499 = arith.constant 80 : index
      %get3A_500 = tpu.vector_load %arg21[%get3A_498, %get3A_499] {strides = array<i32>} : memref<16x384xf32, #tpu.memory_space<vmem>>, vector<16xf32>,
      %add3A_501 = arith.addf %add3A_496, %get3A_500 : vector<16xf32>
      %get3A_502 = arith.constant 11 : i32
      %get3A_503 = arith.index_cast %get3A_502 : i32 to index
      %get3A_504 = arith.constant 80 : index
      %get3A_505 = tpu.vector_load %arg21[%get3A_503, %get3A_504] {strides = array<i32>} : memref<16x384xf32, #tpu.memory_space<vmem>>, vector<16xf32>,
      %add3A_506 = arith.addf %add3A_501, %get3A_505 : vector<16xf32>
      %get3A_507 = arith.constant 12 : i32
      %get3A_508 = arith.index_cast %get3A_507 : i32 to index
      %get3A_509 = arith.constant 80 : index
      %get3A_510 = tpu.vector_load %arg21[%get3A_508, %get3A_509] {strides = array<i32>} : memref<16x384xf32, #tpu.memory_space<vmem>>, vector<16xf32>,
      %add3A_511 = arith.addf %add3A_506, %get3A_510 : vector<16xf32>
      %get3A_512 = arith.constant 13 : i32
      %get3A_513 = arith.index_cast %get3A_512 : i32 to index
      %get3A_514 = arith.constant 80 : index
      %get3A_515 = tpu.vector_load %arg21[%get3A_513, %get3A_514] {strides = array<i32>} : memref<16x384xf32, #tpu.memory_space<vmem>>, vector<16xf32>,
      %add3A_516 = arith.addf %add3A_511, %get3A_515 : vector<16xf32>
      %get3A_517 = arith.constant 14 : i32
      %get3A_518 = arith.index_cast %get3A_517 : i32 to index
      %get3A_519 = arith.constant 80 : index
      %get3A_520 = tpu.vector_load %arg21[%get3A_518, %get3A_519] {strides = array<i32>} : memref<16x384xf32, #tpu.memory_space<vmem>>, vector<16xf32>,
      %add3A_521 = arith.addf %add3A_516, %get3A_520 : vector<16xf32>
      %get3A_522 = arith.constant 15 : i32
      %get3A_523 = arith.index_cast %get3A_522 : i32 to index
      %get3A_524 = arith.constant 80 : index
      %get3A_525 = tpu.vector_load %arg21[%get3A_523, %get3A_524] {strides = array<i32>} : memref<16x384xf32, #tpu.memory_space<vmem>>, vector<16xf32>,
      %add3A_526 = arith.addf %add3A_521, %get3A_525 : vector<16xf32>
      %swap3A_527 = arith.constant 80 : index
      %swap3A_528 = tpu.vector_load %arg22[%swap3A_527] {strides = array<i32>} : memref<384xf32, #tpu.memory_space<vmem>>, vector<16xf32>,
      tpu.vector_store %arg22[%swap3A_527], %add3A_526 {strides = array<i32>} : memref<384xf32, #tpu.memory_space<vmem>>, vector<16xf32>,
      %get3A_529 = arith.constant 0 : i32
      %get3A_530 = arith.index_cast %get3A_529 : i32 to index
      %get3A_531 = arith.constant 96 : index
      %get3A_532 = tpu.vector_load %arg21[%get3A_530, %get3A_531] {strides = array<i32>} : memref<16x384xf32, #tpu.memory_space<vmem>>, vector<16xf32>,
      %get3A_533 = arith.constant 1 : i32
      %get3A_534 = arith.index_cast %get3A_533 : i32 to index
      %get3A_535 = arith.constant 96 : index
      %get3A_536 = tpu.vector_load %arg21[%get3A_534, %get3A_535] {strides = array<i32>} : memref<16x384xf32, #tpu.memory_space<vmem>>, vector<16xf32>,
      %add3A_537 = arith.addf %get3A_532, %get3A_536 : vector<16xf32>
      %get3A_538 = arith.constant 2 : i32
      %get3A_539 = arith.index_cast %get3A_538 : i32 to index
      %get3A_540 = arith.constant 96 : index
      %get3A_541 = tpu.vector_load %arg21[%get3A_539, %get3A_540] {strides = array<i32>} : memref<16x384xf32, #tpu.memory_space<vmem>>, vector<16xf32>,
      %add3A_542 = arith.addf %add3A_537, %get3A_541 : vector<16xf32>
      %get3A_543 = arith.constant 3 : i32
      %get3A_544 = arith.index_cast %get3A_543 : i32 to index
      %get3A_545 = arith.constant 96 : index
      %get3A_546 = tpu.vector_load %arg21[%get3A_544, %get3A_545] {strides = array<i32>} : memref<16x384xf32, #tpu.memory_space<vmem>>, vector<16xf32>,
      %add3A_547 = arith.addf %add3A_542, %get3A_546 : vector<16xf32>
      %get3A_548 = arith.constant 4 : i32
      %get3A_549 = arith.index_cast %get3A_548 : i32 to index
      %get3A_550 = arith.constant 96 : index
      %get3A_551 = tpu.vector_load %arg21[%get3A_549, %get3A_550] {strides = array<i32>} : memref<16x384xf32, #tpu.memory_space<vmem>>, vector<16xf32>,
      %add3A_552 = arith.addf %add3A_547, %get3A_551 : vector<16xf32>
      %get3A_553 = arith.constant 5 : i32
      %get3A_554 = arith.index_cast %get3A_553 : i32 to index
      %get3A_555 = arith.constant 96 : index
      %get3A_556 = tpu.vector_load %arg21[%get3A_554, %get3A_555] {strides = array<i32>} : memref<16x384xf32, #tpu.memory_space<vmem>>, vector<16xf32>,
      %add3A_557 = arith.addf %add3A_552, %get3A_556 : vector<16xf32>
      %get3A_558 = arith.constant 6 : i32
      %get3A_559 = arith.index_cast %get3A_558 : i32 to index
      %get3A_560 = arith.constant 96 : index
      %get3A_561 = tpu.vector_load %arg21[%get3A_559, %get3A_560] {strides = array<i32>} : memref<16x384xf32, #tpu.memory_space<vmem>>, vector<16xf32>,
      %add3A_562 = arith.addf %add3A_557, %get3A_561 : vector<16xf32>
      %get3A_563 = arith.constant 7 : i32
      %get3A_564 = arith.index_cast %get3A_563 : i32 to index
      %get3A_565 = arith.constant 96 : index
      %get3A_566 = tpu.vector_load %arg21[%get3A_564, %get3A_565] {strides = array<i32>} : memref<16x384xf32, #tpu.memory_space<vmem>>, vector<16xf32>,
      %add3A_567 = arith.addf %add3A_562, %get3A_566 : vector<16xf32>
      %get3A_568 = arith.constant 8 : i32
      %get3A_569 = arith.index_cast %get3A_568 : i32 to index
      %get3A_570 = arith.constant 96 : index
      %get3A_571 = tpu.vector_load %arg21[%get3A_569, %get3A_570] {strides = array<i32>} : memref<16x384xf32, #tpu.memory_space<vmem>>, vector<16xf32>,
      %add3A_572 = arith.addf %add3A_567, %get3A_571 : vector<16xf32>
      %get3A_573 = arith.constant 9 : i32
      %get3A_574 = arith.index_cast %get3A_573 : i32 to index
      %get3A_575 = arith.constant 96 : index
      %get3A_576 = tpu.vector_load %arg21[%get3A_574, %get3A_575] {strides = array<i32>} : memref<16x384xf32, #tpu.memory_space<vmem>>, vector<16xf32>,
      %add3A_577 = arith.addf %add3A_572, %get3A_576 : vector<16xf32>
      %get3A_578 = arith.constant 10 : i32
      %get3A_579 = arith.index_cast %get3A_578 : i32 to index
      %get3A_580 = arith.constant 96 : index
      %get3A_581 = tpu.vector_load %arg21[%get3A_579, %get3A_580] {strides = array<i32>} : memref<16x384xf32, #tpu.memory_space<vmem>>, vector<16xf32>,
      %add3A_582 = arith.addf %add3A_577, %get3A_581 : vector<16xf32>
      %get3A_583 = arith.constant 11 : i32
      %get3A_584 = arith.index_cast %get3A_583 : i32 to index
      %get3A_585 = arith.constant 96 : index
      %get3A_586 = tpu.vector_load %arg21[%get3A_584, %get3A_585] {strides = array<i32>} : memref<16x384xf32, #tpu.memory_space<vmem>>, vector<16xf32>,
      %add3A_587 = arith.addf %add3A_582, %get3A_586 : vector<16xf32>
      %get3A_588 = arith.constant 12 : i32
      %get3A_589 = arith.index_cast %get3A_588 : i32 to index
      %get3A_590 = arith.constant 96 : index
      %get3A_591 = tpu.vector_load %arg21[%get3A_589, %get3A_590] {strides = array<i32>} : memref<16x384xf32, #tpu.memory_space<vmem>>, vector<16xf32>,
      %add3A_592 = arith.addf %add3A_587, %get3A_591 : vector<16xf32>
      %get3A_593 = arith.constant 13 : i32
      %get3A_594 = arith.index_cast %get3A_593 : i32 to index
      %get3A_595 = arith.constant 96 : index
      %get3A_596 = tpu.vector_load %arg21[%get3A_594, %get3A_595] {strides = array<i32>} : memref<16x384xf32, #tpu.memory_space<vmem>>, vector<16xf32>,
      %add3A_597 = arith.addf %add3A_592, %get3A_596 : vector<16xf32>
      %get3A_598 = arith.constant 14 : i32
      %get3A_599 = arith.index_cast %get3A_598 : i32 to index
      %get3A_600 = arith.constant 96 : index
      %get3A_601 = tpu.vector_load %arg21[%get3A_599, %get3A_600] {strides = array<i32>} : memref<16x384xf32, #tpu.memory_space<vmem>>, vector<16xf32>,
      %add3A_602 = arith.addf %add3A_597, %get3A_601 : vector<16xf32>
      %get3A_603 = arith.constant 15 : i32
      %get3A_604 = arith.index_cast %get3A_603 : i32 to index
      %get3A_605 = arith.constant 96 : index
      %get3A_606 = tpu.vector_load %arg21[%get3A_604, %get3A_605] {strides = array<i32>} : memref<16x384xf32, #tpu.memory_space<vmem>>, vector<16xf32>,
      %add3A_607 = arith.addf %add3A_602, %get3A_606 : vector<16xf32>
      %swap3A_608 = arith.constant 96 : index
      %swap3A_609 = tpu.vector_load %arg22[%swap3A_608] {strides = array<i32>} : memref<384xf32, #tpu.memory_space<vmem>>, vector<16xf32>,
      tpu.vector_store %arg22[%swap3A_608], %add3A_607 {strides = array<i32>} : memref<384xf32, #tpu.memory_space<vmem>>, vector<16xf32>,
      %get3A_610 = arith.constant 0 : i32
      %get3A_611 = arith.index_cast %get3A_610 : i32 to index
      %get3A_612 = arith.constant 112 : index
      %get3A_613 = tpu.vector_load %arg21[%get3A_611, %get3A_612] {strides = array<i32>} : memref<16x384xf32, #tpu.memory_space<vmem>>, vector<16xf32>,
      %get3A_614 = arith.constant 1 : i32
      %get3A_615 = arith.index_cast %get3A_614 : i32 to index
      %get3A_616 = arith.constant 112 : index
      %get3A_617 = tpu.vector_load %arg21[%get3A_615, %get3A_616] {strides = array<i32>} : memref<16x384xf32, #tpu.memory_space<vmem>>, vector<16xf32>,
      %add3A_618 = arith.addf %get3A_613, %get3A_617 : vector<16xf32>
      %get3A_619 = arith.constant 2 : i32
      %get3A_620 = arith.index_cast %get3A_619 : i32 to index
      %get3A_621 = arith.constant 112 : index
      %get3A_622 = tpu.vector_load %arg21[%get3A_620, %get3A_621] {strides = array<i32>} : memref<16x384xf32, #tpu.memory_space<vmem>>, vector<16xf32>,
      %add3A_623 = arith.addf %add3A_618, %get3A_622 : vector<16xf32>
      %get3A_624 = arith.constant 3 : i32
      %get3A_625 = arith.index_cast %get3A_624 : i32 to index
      %get3A_626 = arith.constant 112 : index
      %get3A_627 = tpu.vector_load %arg21[%get3A_625, %get3A_626] {strides = array<i32>} : memref<16x384xf32, #tpu.memory_space<vmem>>, vector<16xf32>,
      %add3A_628 = arith.addf %add3A_623, %get3A_627 : vector<16xf32>
      %get3A_629 = arith.constant 4 : i32
      %get3A_630 = arith.index_cast %get3A_629 : i32 to index
      %get3A_631 = arith.constant 112 : index
      %get3A_632 = tpu.vector_load %arg21[%get3A_630, %get3A_631] {strides = array<i32>} : memref<16x384xf32, #tpu.memory_space<vmem>>, vector<16xf32>,
      %add3A_633 = arith.addf %add3A_628, %get3A_632 : vector<16xf32>
      %get3A_634 = arith.constant 5 : i32
      %get3A_635 = arith.index_cast %get3A_634 : i32 to index
      %get3A_636 = arith.constant 112 : index
      %get3A_637 = tpu.vector_load %arg21[%get3A_635, %get3A_636] {strides = array<i32>} : memref<16x384xf32, #tpu.memory_space<vmem>>, vector<16xf32>,
      %add3A_638 = arith.addf %add3A_633, %get3A_637 : vector<16xf32>
      %get3A_639 = arith.constant 6 : i32
      %get3A_640 = arith.index_cast %get3A_639 : i32 to index
      %get3A_641 = arith.constant 112 : index
      %get3A_642 = tpu.vector_load %arg21[%get3A_640, %get3A_641] {strides = array<i32>} : memref<16x384xf32, #tpu.memory_space<vmem>>, vector<16xf32>,
      %add3A_643 = arith.addf %add3A_638, %get3A_642 : vector<16xf32>
      %get3A_644 = arith.constant 7 : i32
      %get3A_645 = arith.index_cast %get3A_644 : i32 to index
      %get3A_646 = arith.constant 112 : index
      %get3A_647 = tpu.vector_load %arg21[%get3A_645, %get3A_646] {strides = array<i32>} : memref<16x384xf32, #tpu.memory_space<vmem>>, vector<16xf32>,
      %add3A_648 = arith.addf %add3A_643, %get3A_647 : vector<16xf32>
      %get3A_649 = arith.constant 8 : i32
      %get3A_650 = arith.index_cast %get3A_649 : i32 to index
      %get3A_651 = arith.constant 112 : index
      %get3A_652 = tpu.vector_load %arg21[%get3A_650, %get3A_651] {strides = array<i32>} : memref<16x384xf32, #tpu.memory_space<vmem>>, vector<16xf32>,
      %add3A_653 = arith.addf %add3A_648, %get3A_652 : vector<16xf32>
      %get3A_654 = arith.constant 9 : i32
      %get3A_655 = arith.index_cast %get3A_654 : i32 to index
      %get3A_656 = arith.constant 112 : index
      %get3A_657 = tpu.vector_load %arg21[%get3A_655, %get3A_656] {strides = array<i32>} : memref<16x384xf32, #tpu.memory_space<vmem>>, vector<16xf32>,
      %add3A_658 = arith.addf %add3A_653, %get3A_657 : vector<16xf32>
      %get3A_659 = arith.constant 10 : i32
      %get3A_660 = arith.index_cast %get3A_659 : i32 to index
      %get3A_661 = arith.constant 112 : index
      %get3A_662 = tpu.vector_load %arg21[%get3A_660, %get3A_661] {strides = array<i32>} : memref<16x384xf32, #tpu.memory_space<vmem>>, vector<16xf32>,
      %add3A_663 = arith.addf %add3A_658, %get3A_662 : vector<16xf32>
      %get3A_664 = arith.constant 11 : i32
      %get3A_665 = arith.index_cast %get3A_664 : i32 to index
      %get3A_666 = arith.constant 112 : index
      %get3A_667 = tpu.vector_load %arg21[%get3A_665, %get3A_666] {strides = array<i32>} : memref<16x384xf32, #tpu.memory_space<vmem>>, vector<16xf32>,
      %add3A_668 = arith.addf %add3A_663, %get3A_667 : vector<16xf32>
      %get3A_669 = arith.constant 12 : i32
      %get3A_670 = arith.index_cast %get3A_669 : i32 to index
      %get3A_671 = arith.constant 112 : index
      %get3A_672 = tpu.vector_load %arg21[%get3A_670, %get3A_671] {strides = array<i32>} : memref<16x384xf32, #tpu.memory_space<vmem>>, vector<16xf32>,
      %add3A_673 = arith.addf %add3A_668, %get3A_672 : vector<16xf32>
      %get3A_674 = arith.constant 13 : i32
      %get3A_675 = arith.index_cast %get3A_674 : i32 to index
      %get3A_676 = arith.constant 112 : index
      %get3A_677 = tpu.vector_load %arg21[%get3A_675, %get3A_676] {strides = array<i32>} : memref<16x384xf32, #tpu.memory_space<vmem>>, vector<16xf32>,
      %add3A_678 = arith.addf %add3A_673, %get3A_677 : vector<16xf32>
      %get3A_679 = arith.constant 14 : i32
      %get3A_680 = arith.index_cast %get3A_679 : i32 to index
      %get3A_681 = arith.constant 112 : index
      %get3A_682 = tpu.vector_load %arg21[%get3A_680, %get3A_681] {strides = array<i32>} : memref<16x384xf32, #tpu.memory_space<vmem>>, vector<16xf32>,
      %add3A_683 = arith.addf %add3A_678, %get3A_682 : vector<16xf32>
      %get3A_684 = arith.constant 15 : i32
      %get3A_685 = arith.index_cast %get3A_684 : i32 to index
      %get3A_686 = arith.constant 112 : index
      %get3A_687 = tpu.vector_load %arg21[%get3A_685, %get3A_686] {strides = array<i32>} : memref<16x384xf32, #tpu.memory_space<vmem>>, vector<16xf32>,
      %add3A_688 = arith.addf %add3A_683, %get3A_687 : vector<16xf32>
      %swap3A_689 = arith.constant 112 : index
      %swap3A_690 = tpu.vector_load %arg22[%swap3A_689] {strides = array<i32>} : memref<384xf32, #tpu.memory_space<vmem>>, vector<16xf32>,
      tpu.vector_store %arg22[%swap3A_689], %add3A_688 {strides = array<i32>} : memref<384xf32, #tpu.memory_space<vmem>>, vector<16xf32>,
      %get3A_691 = arith.constant 0 : i32
      %get3A_692 = arith.index_cast %get3A_691 : i32 to index
      %get3A_693 = arith.constant 128 : index
      %get3A_694 = tpu.vector_load %arg21[%get3A_692, %get3A_693] {strides = array<i32>} : memref<16x384xf32, #tpu.memory_space<vmem>>, vector<16xf32>,
      %get3A_695 = arith.constant 1 : i32
      %get3A_696 = arith.index_cast %get3A_695 : i32 to index
      %get3A_697 = arith.constant 128 : index
      %get3A_698 = tpu.vector_load %arg21[%get3A_696, %get3A_697] {strides = array<i32>} : memref<16x384xf32, #tpu.memory_space<vmem>>, vector<16xf32>,
      %add3A_699 = arith.addf %get3A_694, %get3A_698 : vector<16xf32>
      %get3A_700 = arith.constant 2 : i32
      %get3A_701 = arith.index_cast %get3A_700 : i32 to index
      %get3A_702 = arith.constant 128 : index
      %get3A_703 = tpu.vector_load %arg21[%get3A_701, %get3A_702] {strides = array<i32>} : memref<16x384xf32, #tpu.memory_space<vmem>>, vector<16xf32>,
      %add3A_704 = arith.addf %add3A_699, %get3A_703 : vector<16xf32>
      %get3A_705 = arith.constant 3 : i32
      %get3A_706 = arith.index_cast %get3A_705 : i32 to index
      %get3A_707 = arith.constant 128 : index
      %get3A_708 = tpu.vector_load %arg21[%get3A_706, %get3A_707] {strides = array<i32>} : memref<16x384xf32, #tpu.memory_space<vmem>>, vector<16xf32>,
      %add3A_709 = arith.addf %add3A_704, %get3A_708 : vector<16xf32>
      %get3A_710 = arith.constant 4 : i32
      %get3A_711 = arith.index_cast %get3A_710 : i32 to index
      %get3A_712 = arith.constant 128 : index
      %get3A_713 = tpu.vector_load %arg21[%get3A_711, %get3A_712] {strides = array<i32>} : memref<16x384xf32, #tpu.memory_space<vmem>>, vector<16xf32>,
      %add3A_714 = arith.addf %add3A_709, %get3A_713 : vector<16xf32>
      %get3A_715 = arith.constant 5 : i32
      %get3A_716 = arith.index_cast %get3A_715 : i32 to index
      %get3A_717 = arith.constant 128 : index
      %get3A_718 = tpu.vector_load %arg21[%get3A_716, %get3A_717] {strides = array<i32>} : memref<16x384xf32, #tpu.memory_space<vmem>>, vector<16xf32>,
      %add3A_719 = arith.addf %add3A_714, %get3A_718 : vector<16xf32>
      %get3A_720 = arith.constant 6 : i32
      %get3A_721 = arith.index_cast %get3A_720 : i32 to index
      %get3A_722 = arith.constant 128 : index
      %get3A_723 = tpu.vector_load %arg21[%get3A_721, %get3A_722] {strides = array<i32>} : memref<16x384xf32, #tpu.memory_space<vmem>>, vector<16xf32>,
      %add3A_724 = arith.addf %add3A_719, %get3A_723 : vector<16xf32>
      %get3A_725 = arith.constant 7 : i32
      %get3A_726 = arith.index_cast %get3A_725 : i32 to index
      %get3A_727 = arith.constant 128 : index
      %get3A_728 = tpu.vector_load %arg21[%get3A_726, %get3A_727] {strides = array<i32>} : memref<16x384xf32, #tpu.memory_space<vmem>>, vector<16xf32>,
      %add3A_729 = arith.addf %add3A_724, %get3A_728 : vector<16xf32>
      %get3A_730 = arith.constant 8 : i32
      %get3A_731 = arith.index_cast %get3A_730 : i32 to index
      %get3A_732 = arith.constant 128 : index
      %get3A_733 = tpu.vector_load %arg21[%get3A_731, %get3A_732] {strides = array<i32>} : memref<16x384xf32, #tpu.memory_space<vmem>>, vector<16xf32>,
      %add3A_734 = arith.addf %add3A_729, %get3A_733 : vector<16xf32>
      %get3A_735 = arith.constant 9 : i32
      %get3A_736 = arith.index_cast %get3A_735 : i32 to index
      %get3A_737 = arith.constant 128 : index
      %get3A_738 = tpu.vector_load %arg21[%get3A_736, %get3A_737] {strides = array<i32>} : memref<16x384xf32, #tpu.memory_space<vmem>>, vector<16xf32>,
      %add3A_739 = arith.addf %add3A_734, %get3A_738 : vector<16xf32>
      %get3A_740 = arith.constant 10 : i32
      %get3A_741 = arith.index_cast %get3A_740 : i32 to index
      %get3A_742 = arith.constant 128 : index
      %get3A_743 = tpu.vector_load %arg21[%get3A_741, %get3A_742] {strides = array<i32>} : memref<16x384xf32, #tpu.memory_space<vmem>>, vector<16xf32>,
      %add3A_744 = arith.addf %add3A_739, %get3A_743 : vector<16xf32>
      %get3A_745 = arith.constant 11 : i32
      %get3A_746 = arith.index_cast %get3A_745 : i32 to index
      %get3A_747 = arith.constant 128 : index
      %get3A_748 = tpu.vector_load %arg21[%get3A_746, %get3A_747] {strides = array<i32>} : memref<16x384xf32, #tpu.memory_space<vmem>>, vector<16xf32>,
      %add3A_749 = arith.addf %add3A_744, %get3A_748 : vector<16xf32>
      %get3A_750 = arith.constant 12 : i32
      %get3A_751 = arith.index_cast %get3A_750 : i32 to index
      %get3A_752 = arith.constant 128 : index
      %get3A_753 = tpu.vector_load %arg21[%get3A_751, %get3A_752] {strides = array<i32>} : memref<16x384xf32, #tpu.memory_space<vmem>>, vector<16xf32>,
      %add3A_754 = arith.addf %add3A_749, %get3A_753 : vector<16xf32>
      %get3A_755 = arith.constant 13 : i32
      %get3A_756 = arith.index_cast %get3A_755 : i32 to index
      %get3A_757 = arith.constant 128 : index
      %get3A_758 = tpu.vector_load %arg21[%get3A_756, %get3A_757] {strides = array<i32>} : memref<16x384xf32, #tpu.memory_space<vmem>>, vector<16xf32>,
      %add3A_759 = arith.addf %add3A_754, %get3A_758 : vector<16xf32>
      %get3A_760 = arith.constant 14 : i32
      %get3A_761 = arith.index_cast %get3A_760 : i32 to index
      %get3A_762 = arith.constant 128 : index
      %get3A_763 = tpu.vector_load %arg21[%get3A_761, %get3A_762] {strides = array<i32>} : memref<16x384xf32, #tpu.memory_space<vmem>>, vector<16xf32>,
      %add3A_764 = arith.addf %add3A_759, %get3A_763 : vector<16xf32>
      %get3A_765 = arith.constant 15 : i32
      %get3A_766 = arith.index_cast %get3A_765 : i32 to index
      %get3A_767 = arith.constant 128 : index
      %get3A_768 = tpu.vector_load %arg21[%get3A_766, %get3A_767] {strides = array<i32>} : memref<16x384xf32, #tpu.memory_space<vmem>>, vector<16xf32>,
      %add3A_769 = arith.addf %add3A_764, %get3A_768 : vector<16xf32>
      %swap3A_770 = arith.constant 128 : index
      %swap3A_771 = tpu.vector_load %arg22[%swap3A_770] {strides = array<i32>} : memref<384xf32, #tpu.memory_space<vmem>>, vector<16xf32>,
      tpu.vector_store %arg22[%swap3A_770], %add3A_769 {strides = array<i32>} : memref<384xf32, #tpu.memory_space<vmem>>, vector<16xf32>,
      %get3A_772 = arith.constant 0 : i32
      %get3A_773 = arith.index_cast %get3A_772 : i32 to index
      %get3A_774 = arith.constant 144 : index
      %get3A_775 = tpu.vector_load %arg21[%get3A_773, %get3A_774] {strides = array<i32>} : memref<16x384xf32, #tpu.memory_space<vmem>>, vector<16xf32>,
      %get3A_776 = arith.constant 1 : i32
      %get3A_777 = arith.index_cast %get3A_776 : i32 to index
      %get3A_778 = arith.constant 144 : index
      %get3A_779 = tpu.vector_load %arg21[%get3A_777, %get3A_778] {strides = array<i32>} : memref<16x384xf32, #tpu.memory_space<vmem>>, vector<16xf32>,
      %add3A_780 = arith.addf %get3A_775, %get3A_779 : vector<16xf32>
      %get3A_781 = arith.constant 2 : i32
      %get3A_782 = arith.index_cast %get3A_781 : i32 to index
      %get3A_783 = arith.constant 144 : index
      %get3A_784 = tpu.vector_load %arg21[%get3A_782, %get3A_783] {strides = array<i32>} : memref<16x384xf32, #tpu.memory_space<vmem>>, vector<16xf32>,
      %add3A_785 = arith.addf %add3A_780, %get3A_784 : vector<16xf32>
      %get3A_786 = arith.constant 3 : i32
      %get3A_787 = arith.index_cast %get3A_786 : i32 to index
      %get3A_788 = arith.constant 144 : index
      %get3A_789 = tpu.vector_load %arg21[%get3A_787, %get3A_788] {strides = array<i32>} : memref<16x384xf32, #tpu.memory_space<vmem>>, vector<16xf32>,
      %add3A_790 = arith.addf %add3A_785, %get3A_789 : vector<16xf32>
      %get3A_791 = arith.constant 4 : i32
      %get3A_792 = arith.index_cast %get3A_791 : i32 to index
      %get3A_793 = arith.constant 144 : index
      %get3A_794 = tpu.vector_load %arg21[%get3A_792, %get3A_793] {strides = array<i32>} : memref<16x384xf32, #tpu.memory_space<vmem>>, vector<16xf32>,
      %add3A_795 = arith.addf %add3A_790, %get3A_794 : vector<16xf32>
      %get3A_796 = arith.constant 5 : i32
      %get3A_797 = arith.index_cast %get3A_796 : i32 to index
      %get3A_798 = arith.constant 144 : index
      %get3A_799 = tpu.vector_load %arg21[%get3A_797, %get3A_798] {strides = array<i32>} : memref<16x384xf32, #tpu.memory_space<vmem>>, vector<16xf32>,
      %add3A_800 = arith.addf %add3A_795, %get3A_799 : vector<16xf32>
      %get3A_801 = arith.constant 6 : i32
      %get3A_802 = arith.index_cast %get3A_801 : i32 to index
      %get3A_803 = arith.constant 144 : index
      %get3A_804 = tpu.vector_load %arg21[%get3A_802, %get3A_803] {strides = array<i32>} : memref<16x384xf32, #tpu.memory_space<vmem>>, vector<16xf32>,
      %add3A_805 = arith.addf %add3A_800, %get3A_804 : vector<16xf32>
      %get3A_806 = arith.constant 7 : i32
      %get3A_807 = arith.index_cast %get3A_806 : i32 to index
      %get3A_808 = arith.constant 144 : index
      %get3A_809 = tpu.vector_load %arg21[%get3A_807, %get3A_808] {strides = array<i32>} : memref<16x384xf32, #tpu.memory_space<vmem>>, vector<16xf32>,
      %add3A_810 = arith.addf %add3A_805, %get3A_809 : vector<16xf32>
      %get3A_811 = arith.constant 8 : i32
      %get3A_812 = arith.index_cast %get3A_811 : i32 to index
      %get3A_813 = arith.constant 144 : index
      %get3A_814 = tpu.vector_load %arg21[%get3A_812, %get3A_813] {strides = array<i32>} : memref<16x384xf32, #tpu.memory_space<vmem>>, vector<16xf32>,
      %add3A_815 = arith.addf %add3A_810, %get3A_814 : vector<16xf32>
      %get3A_816 = arith.constant 9 : i32
      %get3A_817 = arith.index_cast %get3A_816 : i32 to index
      %get3A_818 = arith.constant 144 : index
      %get3A_819 = tpu.vector_load %arg21[%get3A_817, %get3A_818] {strides = array<i32>} : memref<16x384xf32, #tpu.memory_space<vmem>>, vector<16xf32>,
      %add3A_820 = arith.addf %add3A_815, %get3A_819 : vector<16xf32>
      %get3A_821 = arith.constant 10 : i32
      %get3A_822 = arith.index_cast %get3A_821 : i32 to index
      %get3A_823 = arith.constant 144 : index
      %get3A_824 = tpu.vector_load %arg21[%get3A_822, %get3A_823] {strides = array<i32>} : memref<16x384xf32, #tpu.memory_space<vmem>>, vector<16xf32>,
      %add3A_825 = arith.addf %add3A_820, %get3A_824 : vector<16xf32>
      %get3A_826 = arith.constant 11 : i32
      %get3A_827 = arith.index_cast %get3A_826 : i32 to index
      %get3A_828 = arith.constant 144 : index
      %get3A_829 = tpu.vector_load %arg21[%get3A_827, %get3A_828] {strides = array<i32>} : memref<16x384xf32, #tpu.memory_space<vmem>>, vector<16xf32>,
      %add3A_830 = arith.addf %add3A_825, %get3A_829 : vector<16xf32>
      %get3A_831 = arith.constant 12 : i32
      %get3A_832 = arith.index_cast %get3A_831 : i32 to index
      %get3A_833 = arith.constant 144 : index
      %get3A_834 = tpu.vector_load %arg21[%get3A_832, %get3A_833] {strides = array<i32>} : memref<16x384xf32, #tpu.memory_space<vmem>>, vector<16xf32>,
      %add3A_835 = arith.addf %add3A_830, %get3A_834 : vector<16xf32>
      %get3A_836 = arith.constant 13 : i32
      %get3A_837 = arith.index_cast %get3A_836 : i32 to index
      %get3A_838 = arith.constant 144 : index
      %get3A_839 = tpu.vector_load %arg21[%get3A_837, %get3A_838] {strides = array<i32>} : memref<16x384xf32, #tpu.memory_space<vmem>>, vector<16xf32>,
      %add3A_840 = arith.addf %add3A_835, %get3A_839 : vector<16xf32>
      %get3A_841 = arith.constant 14 : i32
      %get3A_842 = arith.index_cast %get3A_841 : i32 to index
      %get3A_843 = arith.constant 144 : index
      %get3A_844 = tpu.vector_load %arg21[%get3A_842, %get3A_843] {strides = array<i32>} : memref<16x384xf32, #tpu.memory_space<vmem>>, vector<16xf32>,
      %add3A_845 = arith.addf %add3A_840, %get3A_844 : vector<16xf32>
      %get3A_846 = arith.constant 15 : i32
      %get3A_847 = arith.index_cast %get3A_846 : i32 to index
      %get3A_848 = arith.constant 144 : index
      %get3A_849 = tpu.vector_load %arg21[%get3A_847, %get3A_848] {strides = array<i32>} : memref<16x384xf32, #tpu.memory_space<vmem>>, vector<16xf32>,
      %add3A_850 = arith.addf %add3A_845, %get3A_849 : vector<16xf32>
      %swap3A_851 = arith.constant 144 : index
      %swap3A_852 = tpu.vector_load %arg22[%swap3A_851] {strides = array<i32>} : memref<384xf32, #tpu.memory_space<vmem>>, vector<16xf32>,
      tpu.vector_store %arg22[%swap3A_851], %add3A_850 {strides = array<i32>} : memref<384xf32, #tpu.memory_space<vmem>>, vector<16xf32>,
      %get3A_853 = arith.constant 0 : i32
      %get3A_854 = arith.index_cast %get3A_853 : i32 to index
      %get3A_855 = arith.constant 160 : index
      %get3A_856 = tpu.vector_load %arg21[%get3A_854, %get3A_855] {strides = array<i32>} : memref<16x384xf32, #tpu.memory_space<vmem>>, vector<16xf32>,
      %get3A_857 = arith.constant 1 : i32
      %get3A_858 = arith.index_cast %get3A_857 : i32 to index
      %get3A_859 = arith.constant 160 : index
      %get3A_860 = tpu.vector_load %arg21[%get3A_858, %get3A_859] {strides = array<i32>} : memref<16x384xf32, #tpu.memory_space<vmem>>, vector<16xf32>,
      %add3A_861 = arith.addf %get3A_856, %get3A_860 : vector<16xf32>
      %get3A_862 = arith.constant 2 : i32
      %get3A_863 = arith.index_cast %get3A_862 : i32 to index
      %get3A_864 = arith.constant 160 : index
      %get3A_865 = tpu.vector_load %arg21[%get3A_863, %get3A_864] {strides = array<i32>} : memref<16x384xf32, #tpu.memory_space<vmem>>, vector<16xf32>,
      %add3A_866 = arith.addf %add3A_861, %get3A_865 : vector<16xf32>
      %get3A_867 = arith.constant 3 : i32
      %get3A_868 = arith.index_cast %get3A_867 : i32 to index
      %get3A_869 = arith.constant 160 : index
      %get3A_870 = tpu.vector_load %arg21[%get3A_868, %get3A_869] {strides = array<i32>} : memref<16x384xf32, #tpu.memory_space<vmem>>, vector<16xf32>,
      %add3A_871 = arith.addf %add3A_866, %get3A_870 : vector<16xf32>
      %get3A_872 = arith.constant 4 : i32
      %get3A_873 = arith.index_cast %get3A_872 : i32 to index
      %get3A_874 = arith.constant 160 : index
      %get3A_875 = tpu.vector_load %arg21[%get3A_873, %get3A_874] {strides = array<i32>} : memref<16x384xf32, #tpu.memory_space<vmem>>, vector<16xf32>,
      %add3A_876 = arith.addf %add3A_871, %get3A_875 : vector<16xf32>
      %get3A_877 = arith.constant 5 : i32
      %get3A_878 = arith.index_cast %get3A_877 : i32 to index
      %get3A_879 = arith.constant 160 : index
      %get3A_880 = tpu.vector_load %arg21[%get3A_878, %get3A_879] {strides = array<i32>} : memref<16x384xf32, #tpu.memory_space<vmem>>, vector<16xf32>,
      %add3A_881 = arith.addf %add3A_876, %get3A_880 : vector<16xf32>
      %get3A_882 = arith.constant 6 : i32
      %get3A_883 = arith.index_cast %get3A_882 : i32 to index
      %get3A_884 = arith.constant 160 : index
      %get3A_885 = tpu.vector_load %arg21[%get3A_883, %get3A_884] {strides = array<i32>} : memref<16x384xf32, #tpu.memory_space<vmem>>, vector<16xf32>,
      %add3A_886 = arith.addf %add3A_881, %get3A_885 : vector<16xf32>
      %get3A_887 = arith.constant 7 : i32
      %get3A_888 = arith.index_cast %get3A_887 : i32 to index
      %get3A_889 = arith.constant 160 : index
      %get3A_890 = tpu.vector_load %arg21[%get3A_888, %get3A_889] {strides = array<i32>} : memref<16x384xf32, #tpu.memory_space<vmem>>, vector<16xf32>,
      %add3A_891 = arith.addf %add3A_886, %get3A_890 : vector<16xf32>
      %get3A_892 = arith.constant 8 : i32
      %get3A_893 = arith.index_cast %get3A_892 : i32 to index
      %get3A_894 = arith.constant 160 : index
      %get3A_895 = tpu.vector_load %arg21[%get3A_893, %get3A_894] {strides = array<i32>} : memref<16x384xf32, #tpu.memory_space<vmem>>, vector<16xf32>,
      %add3A_896 = arith.addf %add3A_891, %get3A_895 : vector<16xf32>
      %get3A_897 = arith.constant 9 : i32
      %get3A_898 = arith.index_cast %get3A_897 : i32 to index
      %get3A_899 = arith.constant 160 : index
      %get3A_900 = tpu.vector_load %arg21[%get3A_898, %get3A_899] {strides = array<i32>} : memref<16x384xf32, #tpu.memory_space<vmem>>, vector<16xf32>,
      %add3A_901 = arith.addf %add3A_896, %get3A_900 : vector<16xf32>
      %get3A_902 = arith.constant 10 : i32
      %get3A_903 = arith.index_cast %get3A_902 : i32 to index
      %get3A_904 = arith.constant 160 : index
      %get3A_905 = tpu.vector_load %arg21[%get3A_903, %get3A_904] {strides = array<i32>} : memref<16x384xf32, #tpu.memory_space<vmem>>, vector<16xf32>,
      %add3A_906 = arith.addf %add3A_901, %get3A_905 : vector<16xf32>
      %get3A_907 = arith.constant 11 : i32
      %get3A_908 = arith.index_cast %get3A_907 : i32 to index
      %get3A_909 = arith.constant 160 : index
      %get3A_910 = tpu.vector_load %arg21[%get3A_908, %get3A_909] {strides = array<i32>} : memref<16x384xf32, #tpu.memory_space<vmem>>, vector<16xf32>,
      %add3A_911 = arith.addf %add3A_906, %get3A_910 : vector<16xf32>
      %get3A_912 = arith.constant 12 : i32
      %get3A_913 = arith.index_cast %get3A_912 : i32 to index
      %get3A_914 = arith.constant 160 : index
      %get3A_915 = tpu.vector_load %arg21[%get3A_913, %get3A_914] {strides = array<i32>} : memref<16x384xf32, #tpu.memory_space<vmem>>, vector<16xf32>,
      %add3A_916 = arith.addf %add3A_911, %get3A_915 : vector<16xf32>
      %get3A_917 = arith.constant 13 : i32
      %get3A_918 = arith.index_cast %get3A_917 : i32 to index
      %get3A_919 = arith.constant 160 : index
      %get3A_920 = tpu.vector_load %arg21[%get3A_918, %get3A_919] {strides = array<i32>} : memref<16x384xf32, #tpu.memory_space<vmem>>, vector<16xf32>,
      %add3A_921 = arith.addf %add3A_916, %get3A_920 : vector<16xf32>
      %get3A_922 = arith.constant 14 : i32
      %get3A_923 = arith.index_cast %get3A_922 : i32 to index
      %get3A_924 = arith.constant 160 : index
      %get3A_925 = tpu.vector_load %arg21[%get3A_923, %get3A_924] {strides = array<i32>} : memref<16x384xf32, #tpu.memory_space<vmem>>, vector<16xf32>,
      %add3A_926 = arith.addf %add3A_921, %get3A_925 : vector<16xf32>
      %get3A_927 = arith.constant 15 : i32
      %get3A_928 = arith.index_cast %get3A_927 : i32 to index
      %get3A_929 = arith.constant 160 : index
      %get3A_930 = tpu.vector_load %arg21[%get3A_928, %get3A_929] {strides = array<i32>} : memref<16x384xf32, #tpu.memory_space<vmem>>, vector<16xf32>,
      %add3A_931 = arith.addf %add3A_926, %get3A_930 : vector<16xf32>
      %swap3A_932 = arith.constant 160 : index
      %swap3A_933 = tpu.vector_load %arg22[%swap3A_932] {strides = array<i32>} : memref<384xf32, #tpu.memory_space<vmem>>, vector<16xf32>,
      tpu.vector_store %arg22[%swap3A_932], %add3A_931 {strides = array<i32>} : memref<384xf32, #tpu.memory_space<vmem>>, vector<16xf32>,
      %get3A_934 = arith.constant 0 : i32
      %get3A_935 = arith.index_cast %get3A_934 : i32 to index
      %get3A_936 = arith.constant 176 : index
      %get3A_937 = tpu.vector_load %arg21[%get3A_935, %get3A_936] {strides = array<i32>} : memref<16x384xf32, #tpu.memory_space<vmem>>, vector<16xf32>,
      %get3A_938 = arith.constant 1 : i32
      %get3A_939 = arith.index_cast %get3A_938 : i32 to index
      %get3A_940 = arith.constant 176 : index
      %get3A_941 = tpu.vector_load %arg21[%get3A_939, %get3A_940] {strides = array<i32>} : memref<16x384xf32, #tpu.memory_space<vmem>>, vector<16xf32>,
      %add3A_942 = arith.addf %get3A_937, %get3A_941 : vector<16xf32>
      %get3A_943 = arith.constant 2 : i32
      %get3A_944 = arith.index_cast %get3A_943 : i32 to index
      %get3A_945 = arith.constant 176 : index
      %get3A_946 = tpu.vector_load %arg21[%get3A_944, %get3A_945] {strides = array<i32>} : memref<16x384xf32, #tpu.memory_space<vmem>>, vector<16xf32>,
      %add3A_947 = arith.addf %add3A_942, %get3A_946 : vector<16xf32>
      %get3A_948 = arith.constant 3 : i32
      %get3A_949 = arith.index_cast %get3A_948 : i32 to index
      %get3A_950 = arith.constant 176 : index
      %get3A_951 = tpu.vector_load %arg21[%get3A_949, %get3A_950] {strides = array<i32>} : memref<16x384xf32, #tpu.memory_space<vmem>>, vector<16xf32>,
      %add3A_952 = arith.addf %add3A_947, %get3A_951 : vector<16xf32>
      %get3A_953 = arith.constant 4 : i32
      %get3A_954 = arith.index_cast %get3A_953 : i32 to index
      %get3A_955 = arith.constant 176 : index
      %get3A_956 = tpu.vector_load %arg21[%get3A_954, %get3A_955] {strides = array<i32>} : memref<16x384xf32, #tpu.memory_space<vmem>>, vector<16xf32>,
      %add3A_957 = arith.addf %add3A_952, %get3A_956 : vector<16xf32>
      %get3A_958 = arith.constant 5 : i32
      %get3A_959 = arith.index_cast %get3A_958 : i32 to index
      %get3A_960 = arith.constant 176 : index
      %get3A_961 = tpu.vector_load %arg21[%get3A_959, %get3A_960] {strides = array<i32>} : memref<16x384xf32, #tpu.memory_space<vmem>>, vector<16xf32>,
      %add3A_962 = arith.addf %add3A_957, %get3A_961 : vector<16xf32>
      %get3A_963 = arith.constant 6 : i32
      %get3A_964 = arith.index_cast %get3A_963 : i32 to index
      %get3A_965 = arith.constant 176 : index
      %get3A_966 = tpu.vector_load %arg21[%get3A_964, %get3A_965] {strides = array<i32>} : memref<16x384xf32, #tpu.memory_space<vmem>>, vector<16xf32>,
      %add3A_967 = arith.addf %add3A_962, %get3A_966 : vector<16xf32>
      %get3A_968 = arith.constant 7 : i32
      %get3A_969 = arith.index_cast %get3A_968 : i32 to index
      %get3A_970 = arith.constant 176 : index
      %get3A_971 = tpu.vector_load %arg21[%get3A_969, %get3A_970] {strides = array<i32>} : memref<16x384xf32, #tpu.memory_space<vmem>>, vector<16xf32>,
      %add3A_972 = arith.addf %add3A_967, %get3A_971 : vector<16xf32>
      %get3A_973 = arith.constant 8 : i32
      %get3A_974 = arith.index_cast %get3A_973 : i32 to index
      %get3A_975 = arith.constant 176 : index
      %get3A_976 = tpu.vector_load %arg21[%get3A_974, %get3A_975] {strides = array<i32>} : memref<16x384xf32, #tpu.memory_space<vmem>>, vector<16xf32>,
      %add3A_977 = arith.addf %add3A_972, %get3A_976 : vector<16xf32>
      %get3A_978 = arith.constant 9 : i32
      %get3A_979 = arith.index_cast %get3A_978 : i32 to index
      %get3A_980 = arith.constant 176 : index
      %get3A_981 = tpu.vector_load %arg21[%get3A_979, %get3A_980] {strides = array<i32>} : memref<16x384xf32, #tpu.memory_space<vmem>>, vector<16xf32>,
      %add3A_982 = arith.addf %add3A_977, %get3A_981 : vector<16xf32>
      %get3A_983 = arith.constant 10 : i32
      %get3A_984 = arith.index_cast %get3A_983 : i32 to index
      %get3A_985 = arith.constant 176 : index
      %get3A_986 = tpu.vector_load %arg21[%get3A_984, %get3A_985] {strides = array<i32>} : memref<16x384xf32, #tpu.memory_space<vmem>>, vector<16xf32>,
      %add3A_987 = arith.addf %add3A_982, %get3A_986 : vector<16xf32>
      %get3A_988 = arith.constant 11 : i32
      %get3A_989 = arith.index_cast %get3A_988 : i32 to index
      %get3A_990 = arith.constant 176 : index
      %get3A_991 = tpu.vector_load %arg21[%get3A_989, %get3A_990] {strides = array<i32>} : memref<16x384xf32, #tpu.memory_space<vmem>>, vector<16xf32>,
      %add3A_992 = arith.addf %add3A_987, %get3A_991 : vector<16xf32>
      %get3A_993 = arith.constant 12 : i32
      %get3A_994 = arith.index_cast %get3A_993 : i32 to index
      %get3A_995 = arith.constant 176 : index
      %get3A_996 = tpu.vector_load %arg21[%get3A_994, %get3A_995] {strides = array<i32>} : memref<16x384xf32, #tpu.memory_space<vmem>>, vector<16xf32>,
      %add3A_997 = arith.addf %add3A_992, %get3A_996 : vector<16xf32>
      %get3A_998 = arith.constant 13 : i32
      %get3A_999 = arith.index_cast %get3A_998 : i32 to index
      %get3A_1000 = arith.constant 176 : index
      %get3A_1001 = tpu.vector_load %arg21[%get3A_999, %get3A_1000] {strides = array<i32>} : memref<16x384xf32, #tpu.memory_space<vmem>>, vector<16xf32>,
      %add3A_1002 = arith.addf %add3A_997, %get3A_1001 : vector<16xf32>
      %get3A_1003 = arith.constant 14 : i32
      %get3A_1004 = arith.index_cast %get3A_1003 : i32 to index
      %get3A_1005 = arith.constant 176 : index
      %get3A_1006 = tpu.vector_load %arg21[%get3A_1004, %get3A_1005] {strides = array<i32>} : memref<16x384xf32, #tpu.memory_space<vmem>>, vector<16xf32>,
      %add3A_1007 = arith.addf %add3A_1002, %get3A_1006 : vector<16xf32>
      %get3A_1008 = arith.constant 15 : i32
      %get3A_1009 = arith.index_cast %get3A_1008 : i32 to index
      %get3A_1010 = arith.constant 176 : index
      %get3A_1011 = tpu.vector_load %arg21[%get3A_1009, %get3A_1010] {strides = array<i32>} : memref<16x384xf32, #tpu.memory_space<vmem>>, vector<16xf32>,
      %add3A_1012 = arith.addf %add3A_1007, %get3A_1011 : vector<16xf32>
      %swap3A_1013 = arith.constant 176 : index
      %swap3A_1014 = tpu.vector_load %arg22[%swap3A_1013] {strides = array<i32>} : memref<384xf32, #tpu.memory_space<vmem>>, vector<16xf32>,
      tpu.vector_store %arg22[%swap3A_1013], %add3A_1012 {strides = array<i32>} : memref<384xf32, #tpu.memory_space<vmem>>, vector<16xf32>,
      %get3A_1015 = arith.constant 0 : i32
      %get3A_1016 = arith.index_cast %get3A_1015 : i32 to index
      %get3A_1017 = arith.constant 192 : index
      %get3A_1018 = tpu.vector_load %arg21[%get3A_1016, %get3A_1017] {strides = array<i32>} : memref<16x384xf32, #tpu.memory_space<vmem>>, vector<16xf32>,
      %get3A_1019 = arith.constant 1 : i32
      %get3A_1020 = arith.index_cast %get3A_1019 : i32 to index
      %get3A_1021 = arith.constant 192 : index
      %get3A_1022 = tpu.vector_load %arg21[%get3A_1020, %get3A_1021] {strides = array<i32>} : memref<16x384xf32, #tpu.memory_space<vmem>>, vector<16xf32>,
      %add3A_1023 = arith.addf %get3A_1018, %get3A_1022 : vector<16xf32>
      %get3A_1024 = arith.constant 2 : i32
      %get3A_1025 = arith.index_cast %get3A_1024 : i32 to index
      %get3A_1026 = arith.constant 192 : index
      %get3A_1027 = tpu.vector_load %arg21[%get3A_1025, %get3A_1026] {strides = array<i32>} : memref<16x384xf32, #tpu.memory_space<vmem>>, vector<16xf32>,
      %add3A_1028 = arith.addf %add3A_1023, %get3A_1027 : vector<16xf32>
      %get3A_1029 = arith.constant 3 : i32
      %get3A_1030 = arith.index_cast %get3A_1029 : i32 to index
      %get3A_1031 = arith.constant 192 : index
      %get3A_1032 = tpu.vector_load %arg21[%get3A_1030, %get3A_1031] {strides = array<i32>} : memref<16x384xf32, #tpu.memory_space<vmem>>, vector<16xf32>,
      %add3A_1033 = arith.addf %add3A_1028, %get3A_1032 : vector<16xf32>
      %get3A_1034 = arith.constant 4 : i32
      %get3A_1035 = arith.index_cast %get3A_1034 : i32 to index
      %get3A_1036 = arith.constant 192 : index
      %get3A_1037 = tpu.vector_load %arg21[%get3A_1035, %get3A_1036] {strides = array<i32>} : memref<16x384xf32, #tpu.memory_space<vmem>>, vector<16xf32>,
      %add3A_1038 = arith.addf %add3A_1033, %get3A_1037 : vector<16xf32>
      %get3A_1039 = arith.constant 5 : i32
      %get3A_1040 = arith.index_cast %get3A_1039 : i32 to index
      %get3A_1041 = arith.constant 192 : index
      %get3A_1042 = tpu.vector_load %arg21[%get3A_1040, %get3A_1041] {strides = array<i32>} : memref<16x384xf32, #tpu.memory_space<vmem>>, vector<16xf32>,
      %add3A_1043 = arith.addf %add3A_1038, %get3A_1042 : vector<16xf32>
      %get3A_1044 = arith.constant 6 : i32
      %get3A_1045 = arith.index_cast %get3A_1044 : i32 to index
      %get3A_1046 = arith.constant 192 : index
      %get3A_1047 = tpu.vector_load %arg21[%get3A_1045, %get3A_1046] {strides = array<i32>} : memref<16x384xf32, #tpu.memory_space<vmem>>, vector<16xf32>,
      %add3A_1048 = arith.addf %add3A_1043, %get3A_1047 : vector<16xf32>
      %get3A_1049 = arith.constant 7 : i32
      %get3A_1050 = arith.index_cast %get3A_1049 : i32 to index
      %get3A_1051 = arith.constant 192 : index
      %get3A_1052 = tpu.vector_load %arg21[%get3A_1050, %get3A_1051] {strides = array<i32>} : memref<16x384xf32, #tpu.memory_space<vmem>>, vector<16xf32>,
      %add3A_1053 = arith.addf %add3A_1048, %get3A_1052 : vector<16xf32>
      %get3A_1054 = arith.constant 8 : i32
      %get3A_1055 = arith.index_cast %get3A_1054 : i32 to index
      %get3A_1056 = arith.constant 192 : index
      %get3A_1057 = tpu.vector_load %arg21[%get3A_1055, %get3A_1056] {strides = array<i32>} : memref<16x384xf32, #tpu.memory_space<vmem>>, vector<16xf32>,
      %add3A_1058 = arith.addf %add3A_1053, %get3A_1057 : vector<16xf32>
      %get3A_1059 = arith.constant 9 : i32
      %get3A_1060 = arith.index_cast %get3A_1059 : i32 to index
      %get3A_1061 = arith.constant 192 : index
      %get3A_1062 = tpu.vector_load %arg21[%get3A_1060, %get3A_1061] {strides = array<i32>} : memref<16x384xf32, #tpu.memory_space<vmem>>, vector<16xf32>,
      %add3A_1063 = arith.addf %add3A_1058, %get3A_1062 : vector<16xf32>
      %get3A_1064 = arith.constant 10 : i32
      %get3A_1065 = arith.index_cast %get3A_1064 : i32 to index
      %get3A_1066 = arith.constant 192 : index
      %get3A_1067 = tpu.vector_load %arg21[%get3A_1065, %get3A_1066] {strides = array<i32>} : memref<16x384xf32, #tpu.memory_space<vmem>>, vector<16xf32>,
      %add3A_1068 = arith.addf %add3A_1063, %get3A_1067 : vector<16xf32>
      %get3A_1069 = arith.constant 11 : i32
      %get3A_1070 = arith.index_cast %get3A_1069 : i32 to index
      %get3A_1071 = arith.constant 192 : index
      %get3A_1072 = tpu.vector_load %arg21[%get3A_1070, %get3A_1071] {strides = array<i32>} : memref<16x384xf32, #tpu.memory_space<vmem>>, vector<16xf32>,
      %add3A_1073 = arith.addf %add3A_1068, %get3A_1072 : vector<16xf32>
      %get3A_1074 = arith.constant 12 : i32
      %get3A_1075 = arith.index_cast %get3A_1074 : i32 to index
      %get3A_1076 = arith.constant 192 : index
      %get3A_1077 = tpu.vector_load %arg21[%get3A_1075, %get3A_1076] {strides = array<i32>} : memref<16x384xf32, #tpu.memory_space<vmem>>, vector<16xf32>,
      %add3A_1078 = arith.addf %add3A_1073, %get3A_1077 : vector<16xf32>
      %get3A_1079 = arith.constant 13 : i32
      %get3A_1080 = arith.index_cast %get3A_1079 : i32 to index
      %get3A_1081 = arith.constant 192 : index
      %get3A_1082 = tpu.vector_load %arg21[%get3A_1080, %get3A_1081] {strides = array<i32>} : memref<16x384xf32, #tpu.memory_space<vmem>>, vector<16xf32>,
      %add3A_1083 = arith.addf %add3A_1078, %get3A_1082 : vector<16xf32>
      %get3A_1084 = arith.constant 14 : i32
      %get3A_1085 = arith.index_cast %get3A_1084 : i32 to index
      %get3A_1086 = arith.constant 192 : index
      %get3A_1087 = tpu.vector_load %arg21[%get3A_1085, %get3A_1086] {strides = array<i32>} : memref<16x384xf32, #tpu.memory_space<vmem>>, vector<16xf32>,
      %add3A_1088 = arith.addf %add3A_1083, %get3A_1087 : vector<16xf32>
      %get3A_1089 = arith.constant 15 : i32
      %get3A_1090 = arith.index_cast %get3A_1089 : i32 to index
      %get3A_1091 = arith.constant 192 : index
      %get3A_1092 = tpu.vector_load %arg21[%get3A_1090, %get3A_1091] {strides = array<i32>} : memref<16x384xf32, #tpu.memory_space<vmem>>, vector<16xf32>,
      %add3A_1093 = arith.addf %add3A_1088, %get3A_1092 : vector<16xf32>
      %swap3A_1094 = arith.constant 192 : index
      %swap3A_1095 = tpu.vector_load %arg22[%swap3A_1094] {strides = array<i32>} : memref<384xf32, #tpu.memory_space<vmem>>, vector<16xf32>,
      tpu.vector_store %arg22[%swap3A_1094], %add3A_1093 {strides = array<i32>} : memref<384xf32, #tpu.memory_space<vmem>>, vector<16xf32>,
      %get3A_1096 = arith.constant 0 : i32
      %get3A_1097 = arith.index_cast %get3A_1096 : i32 to index
      %get3A_1098 = arith.constant 208 : index
      %get3A_1099 = tpu.vector_load %arg21[%get3A_1097, %get3A_1098] {strides = array<i32>} : memref<16x384xf32, #tpu.memory_space<vmem>>, vector<16xf32>,
      %get3A_1100 = arith.constant 1 : i32
      %get3A_1101 = arith.index_cast %get3A_1100 : i32 to index
      %get3A_1102 = arith.constant 208 : index
      %get3A_1103 = tpu.vector_load %arg21[%get3A_1101, %get3A_1102] {strides = array<i32>} : memref<16x384xf32, #tpu.memory_space<vmem>>, vector<16xf32>,
      %add3A_1104 = arith.addf %get3A_1099, %get3A_1103 : vector<16xf32>
      %get3A_1105 = arith.constant 2 : i32
      %get3A_1106 = arith.index_cast %get3A_1105 : i32 to index
      %get3A_1107 = arith.constant 208 : index
      %get3A_1108 = tpu.vector_load %arg21[%get3A_1106, %get3A_1107] {strides = array<i32>} : memref<16x384xf32, #tpu.memory_space<vmem>>, vector<16xf32>,
      %add3A_1109 = arith.addf %add3A_1104, %get3A_1108 : vector<16xf32>
      %get3A_1110 = arith.constant 3 : i32
      %get3A_1111 = arith.index_cast %get3A_1110 : i32 to index
      %get3A_1112 = arith.constant 208 : index
      %get3A_1113 = tpu.vector_load %arg21[%get3A_1111, %get3A_1112] {strides = array<i32>} : memref<16x384xf32, #tpu.memory_space<vmem>>, vector<16xf32>,
      %add3A_1114 = arith.addf %add3A_1109, %get3A_1113 : vector<16xf32>
      %get3A_1115 = arith.constant 4 : i32
      %get3A_1116 = arith.index_cast %get3A_1115 : i32 to index
      %get3A_1117 = arith.constant 208 : index
      %get3A_1118 = tpu.vector_load %arg21[%get3A_1116, %get3A_1117] {strides = array<i32>} : memref<16x384xf32, #tpu.memory_space<vmem>>, vector<16xf32>,
      %add3A_1119 = arith.addf %add3A_1114, %get3A_1118 : vector<16xf32>
      %get3A_1120 = arith.constant 5 : i32
      %get3A_1121 = arith.index_cast %get3A_1120 : i32 to index
      %get3A_1122 = arith.constant 208 : index
      %get3A_1123 = tpu.vector_load %arg21[%get3A_1121, %get3A_1122] {strides = array<i32>} : memref<16x384xf32, #tpu.memory_space<vmem>>, vector<16xf32>,
      %add3A_1124 = arith.addf %add3A_1119, %get3A_1123 : vector<16xf32>
      %get3A_1125 = arith.constant 6 : i32
      %get3A_1126 = arith.index_cast %get3A_1125 : i32 to index
      %get3A_1127 = arith.constant 208 : index
      %get3A_1128 = tpu.vector_load %arg21[%get3A_1126, %get3A_1127] {strides = array<i32>} : memref<16x384xf32, #tpu.memory_space<vmem>>, vector<16xf32>,
      %add3A_1129 = arith.addf %add3A_1124, %get3A_1128 : vector<16xf32>
      %get3A_1130 = arith.constant 7 : i32
      %get3A_1131 = arith.index_cast %get3A_1130 : i32 to index
      %get3A_1132 = arith.constant 208 : index
      %get3A_1133 = tpu.vector_load %arg21[%get3A_1131, %get3A_1132] {strides = array<i32>} : memref<16x384xf32, #tpu.memory_space<vmem>>, vector<16xf32>,
      %add3A_1134 = arith.addf %add3A_1129, %get3A_1133 : vector<16xf32>
      %get3A_1135 = arith.constant 8 : i32
      %get3A_1136 = arith.index_cast %get3A_1135 : i32 to index
      %get3A_1137 = arith.constant 208 : index
      %get3A_1138 = tpu.vector_load %arg21[%get3A_1136, %get3A_1137] {strides = array<i32>} : memref<16x384xf32, #tpu.memory_space<vmem>>, vector<16xf32>,
      %add3A_1139 = arith.addf %add3A_1134, %get3A_1138 : vector<16xf32>
      %get3A_1140 = arith.constant 9 : i32
      %get3A_1141 = arith.index_cast %get3A_1140 : i32 to index
      %get3A_1142 = arith.constant 208 : index
      %get3A_1143 = tpu.vector_load %arg21[%get3A_1141, %get3A_1142] {strides = array<i32>} : memref<16x384xf32, #tpu.memory_space<vmem>>, vector<16xf32>,
      %add3A_1144 = arith.addf %add3A_1139, %get3A_1143 : vector<16xf32>
      %get3A_1145 = arith.constant 10 : i32
      %get3A_1146 = arith.index_cast %get3A_1145 : i32 to index
      %get3A_1147 = arith.constant 208 : index
      %get3A_1148 = tpu.vector_load %arg21[%get3A_1146, %get3A_1147] {strides = array<i32>} : memref<16x384xf32, #tpu.memory_space<vmem>>, vector<16xf32>,
      %add3A_1149 = arith.addf %add3A_1144, %get3A_1148 : vector<16xf32>
      %get3A_1150 = arith.constant 11 : i32
      %get3A_1151 = arith.index_cast %get3A_1150 : i32 to index
      %get3A_1152 = arith.constant 208 : index
      %get3A_1153 = tpu.vector_load %arg21[%get3A_1151, %get3A_1152] {strides = array<i32>} : memref<16x384xf32, #tpu.memory_space<vmem>>, vector<16xf32>,
      %add3A_1154 = arith.addf %add3A_1149, %get3A_1153 : vector<16xf32>
      %get3A_1155 = arith.constant 12 : i32
      %get3A_1156 = arith.index_cast %get3A_1155 : i32 to index
      %get3A_1157 = arith.constant 208 : index
      %get3A_1158 = tpu.vector_load %arg21[%get3A_1156, %get3A_1157] {strides = array<i32>} : memref<16x384xf32, #tpu.memory_space<vmem>>, vector<16xf32>,
      %add3A_1159 = arith.addf %add3A_1154, %get3A_1158 : vector<16xf32>
      %get3A_1160 = arith.constant 13 : i32
      %get3A_1161 = arith.index_cast %get3A_1160 : i32 to index
      %get3A_1162 = arith.constant 208 : index
      %get3A_1163 = tpu.vector_load %arg21[%get3A_1161, %get3A_1162] {strides = array<i32>} : memref<16x384xf32, #tpu.memory_space<vmem>>, vector<16xf32>,
      %add3A_1164 = arith.addf %add3A_1159, %get3A_1163 : vector<16xf32>
      %get3A_1165 = arith.constant 14 : i32
      %get3A_1166 = arith.index_cast %get3A_1165 : i32 to index
      %get3A_1167 = arith.constant 208 : index
      %get3A_1168 = tpu.vector_load %arg21[%get3A_1166, %get3A_1167] {strides = array<i32>} : memref<16x384xf32, #tpu.memory_space<vmem>>, vector<16xf32>,
      %add3A_1169 = arith.addf %add3A_1164, %get3A_1168 : vector<16xf32>
      %get3A_1170 = arith.constant 15 : i32
      %get3A_1171 = arith.index_cast %get3A_1170 : i32 to index
      %get3A_1172 = arith.constant 208 : index
      %get3A_1173 = tpu.vector_load %arg21[%get3A_1171, %get3A_1172] {strides = array<i32>} : memref<16x384xf32, #tpu.memory_space<vmem>>, vector<16xf32>,
      %add3A_1174 = arith.addf %add3A_1169, %get3A_1173 : vector<16xf32>
      %swap3A_1175 = arith.constant 208 : index
      %swap3A_1176 = tpu.vector_load %arg22[%swap3A_1175] {strides = array<i32>} : memref<384xf32, #tpu.memory_space<vmem>>, vector<16xf32>,
      tpu.vector_store %arg22[%swap3A_1175], %add3A_1174 {strides = array<i32>} : memref<384xf32, #tpu.memory_space<vmem>>, vector<16xf32>,
      %get3A_1177 = arith.constant 0 : i32
      %get3A_1178 = arith.index_cast %get3A_1177 : i32 to index
      %get3A_1179 = arith.constant 224 : index
      %get3A_1180 = tpu.vector_load %arg21[%get3A_1178, %get3A_1179] {strides = array<i32>} : memref<16x384xf32, #tpu.memory_space<vmem>>, vector<16xf32>,
      %get3A_1181 = arith.constant 1 : i32
      %get3A_1182 = arith.index_cast %get3A_1181 : i32 to index
      %get3A_1183 = arith.constant 224 : index
      %get3A_1184 = tpu.vector_load %arg21[%get3A_1182, %get3A_1183] {strides = array<i32>} : memref<16x384xf32, #tpu.memory_space<vmem>>, vector<16xf32>,
      %add3A_1185 = arith.addf %get3A_1180, %get3A_1184 : vector<16xf32>
      %get3A_1186 = arith.constant 2 : i32
      %get3A_1187 = arith.index_cast %get3A_1186 : i32 to index
      %get3A_1188 = arith.constant 224 : index
      %get3A_1189 = tpu.vector_load %arg21[%get3A_1187, %get3A_1188] {strides = array<i32>} : memref<16x384xf32, #tpu.memory_space<vmem>>, vector<16xf32>,
      %add3A_1190 = arith.addf %add3A_1185, %get3A_1189 : vector<16xf32>
      %get3A_1191 = arith.constant 3 : i32
      %get3A_1192 = arith.index_cast %get3A_1191 : i32 to index
      %get3A_1193 = arith.constant 224 : index
      %get3A_1194 = tpu.vector_load %arg21[%get3A_1192, %get3A_1193] {strides = array<i32>} : memref<16x384xf32, #tpu.memory_space<vmem>>, vector<16xf32>,
      %add3A_1195 = arith.addf %add3A_1190, %get3A_1194 : vector<16xf32>
      %get3A_1196 = arith.constant 4 : i32
      %get3A_1197 = arith.index_cast %get3A_1196 : i32 to index
      %get3A_1198 = arith.constant 224 : index
      %get3A_1199 = tpu.vector_load %arg21[%get3A_1197, %get3A_1198] {strides = array<i32>} : memref<16x384xf32, #tpu.memory_space<vmem>>, vector<16xf32>,
      %add3A_1200 = arith.addf %add3A_1195, %get3A_1199 : vector<16xf32>
      %get3A_1201 = arith.constant 5 : i32
      %get3A_1202 = arith.index_cast %get3A_1201 : i32 to index
      %get3A_1203 = arith.constant 224 : index
      %get3A_1204 = tpu.vector_load %arg21[%get3A_1202, %get3A_1203] {strides = array<i32>} : memref<16x384xf32, #tpu.memory_space<vmem>>, vector<16xf32>,
      %add3A_1205 = arith.addf %add3A_1200, %get3A_1204 : vector<16xf32>
      %get3A_1206 = arith.constant 6 : i32
      %get3A_1207 = arith.index_cast %get3A_1206 : i32 to index
      %get3A_1208 = arith.constant 224 : index
      %get3A_1209 = tpu.vector_load %arg21[%get3A_1207, %get3A_1208] {strides = array<i32>} : memref<16x384xf32, #tpu.memory_space<vmem>>, vector<16xf32>,
      %add3A_1210 = arith.addf %add3A_1205, %get3A_1209 : vector<16xf32>
      %get3A_1211 = arith.constant 7 : i32
      %get3A_1212 = arith.index_cast %get3A_1211 : i32 to index
      %get3A_1213 = arith.constant 224 : index
      %get3A_1214 = tpu.vector_load %arg21[%get3A_1212, %get3A_1213] {strides = array<i32>} : memref<16x384xf32, #tpu.memory_space<vmem>>, vector<16xf32>,
      %add3A_1215 = arith.addf %add3A_1210, %get3A_1214 : vector<16xf32>
      %get3A_1216 = arith.constant 8 : i32
      %get3A_1217 = arith.index_cast %get3A_1216 : i32 to index
      %get3A_1218 = arith.constant 224 : index
      %get3A_1219 = tpu.vector_load %arg21[%get3A_1217, %get3A_1218] {strides = array<i32>} : memref<16x384xf32, #tpu.memory_space<vmem>>, vector<16xf32>,
      %add3A_1220 = arith.addf %add3A_1215, %get3A_1219 : vector<16xf32>
      %get3A_1221 = arith.constant 9 : i32
      %get3A_1222 = arith.index_cast %get3A_1221 : i32 to index
      %get3A_1223 = arith.constant 224 : index
      %get3A_1224 = tpu.vector_load %arg21[%get3A_1222, %get3A_1223] {strides = array<i32>} : memref<16x384xf32, #tpu.memory_space<vmem>>, vector<16xf32>,
      %add3A_1225 = arith.addf %add3A_1220, %get3A_1224 : vector<16xf32>
      %get3A_1226 = arith.constant 10 : i32
      %get3A_1227 = arith.index_cast %get3A_1226 : i32 to index
      %get3A_1228 = arith.constant 224 : index
      %get3A_1229 = tpu.vector_load %arg21[%get3A_1227, %get3A_1228] {strides = array<i32>} : memref<16x384xf32, #tpu.memory_space<vmem>>, vector<16xf32>,
      %add3A_1230 = arith.addf %add3A_1225, %get3A_1229 : vector<16xf32>
      %get3A_1231 = arith.constant 11 : i32
      %get3A_1232 = arith.index_cast %get3A_1231 : i32 to index
      %get3A_1233 = arith.constant 224 : index
      %get3A_1234 = tpu.vector_load %arg21[%get3A_1232, %get3A_1233] {strides = array<i32>} : memref<16x384xf32, #tpu.memory_space<vmem>>, vector<16xf32>,
      %add3A_1235 = arith.addf %add3A_1230, %get3A_1234 : vector<16xf32>
      %get3A_1236 = arith.constant 12 : i32
      %get3A_1237 = arith.index_cast %get3A_1236 : i32 to index
      %get3A_1238 = arith.constant 224 : index
      %get3A_1239 = tpu.vector_load %arg21[%get3A_1237, %get3A_1238] {strides = array<i32>} : memref<16x384xf32, #tpu.memory_space<vmem>>, vector<16xf32>,
      %add3A_1240 = arith.addf %add3A_1235, %get3A_1239 : vector<16xf32>
      %get3A_1241 = arith.constant 13 : i32
      %get3A_1242 = arith.index_cast %get3A_1241 : i32 to index
      %get3A_1243 = arith.constant 224 : index
      %get3A_1244 = tpu.vector_load %arg21[%get3A_1242, %get3A_1243] {strides = array<i32>} : memref<16x384xf32, #tpu.memory_space<vmem>>, vector<16xf32>,
      %add3A_1245 = arith.addf %add3A_1240, %get3A_1244 : vector<16xf32>
      %get3A_1246 = arith.constant 14 : i32
      %get3A_1247 = arith.index_cast %get3A_1246 : i32 to index
      %get3A_1248 = arith.constant 224 : index
      %get3A_1249 = tpu.vector_load %arg21[%get3A_1247, %get3A_1248] {strides = array<i32>} : memref<16x384xf32, #tpu.memory_space<vmem>>, vector<16xf32>,
      %add3A_1250 = arith.addf %add3A_1245, %get3A_1249 : vector<16xf32>
      %get3A_1251 = arith.constant 15 : i32
      %get3A_1252 = arith.index_cast %get3A_1251 : i32 to index
      %get3A_1253 = arith.constant 224 : index
      %get3A_1254 = tpu.vector_load %arg21[%get3A_1252, %get3A_1253] {strides = array<i32>} : memref<16x384xf32, #tpu.memory_space<vmem>>, vector<16xf32>,
      %add3A_1255 = arith.addf %add3A_1250, %get3A_1254 : vector<16xf32>
      %swap3A_1256 = arith.constant 224 : index
      %swap3A_1257 = tpu.vector_load %arg22[%swap3A_1256] {strides = array<i32>} : memref<384xf32, #tpu.memory_space<vmem>>, vector<16xf32>,
      tpu.vector_store %arg22[%swap3A_1256], %add3A_1255 {strides = array<i32>} : memref<384xf32, #tpu.memory_space<vmem>>, vector<16xf32>,
      %get3A_1258 = arith.constant 0 : i32
      %get3A_1259 = arith.index_cast %get3A_1258 : i32 to index
      %get3A_1260 = arith.constant 240 : index
      %get3A_1261 = tpu.vector_load %arg21[%get3A_1259, %get3A_1260] {strides = array<i32>} : memref<16x384xf32, #tpu.memory_space<vmem>>, vector<16xf32>,
      %get3A_1262 = arith.constant 1 : i32
      %get3A_1263 = arith.index_cast %get3A_1262 : i32 to index
      %get3A_1264 = arith.constant 240 : index
      %get3A_1265 = tpu.vector_load %arg21[%get3A_1263, %get3A_1264] {strides = array<i32>} : memref<16x384xf32, #tpu.memory_space<vmem>>, vector<16xf32>,
      %add3A_1266 = arith.addf %get3A_1261, %get3A_1265 : vector<16xf32>
      %get3A_1267 = arith.constant 2 : i32
      %get3A_1268 = arith.index_cast %get3A_1267 : i32 to index
      %get3A_1269 = arith.constant 240 : index
      %get3A_1270 = tpu.vector_load %arg21[%get3A_1268, %get3A_1269] {strides = array<i32>} : memref<16x384xf32, #tpu.memory_space<vmem>>, vector<16xf32>,
      %add3A_1271 = arith.addf %add3A_1266, %get3A_1270 : vector<16xf32>
      %get3A_1272 = arith.constant 3 : i32
      %get3A_1273 = arith.index_cast %get3A_1272 : i32 to index
      %get3A_1274 = arith.constant 240 : index
      %get3A_1275 = tpu.vector_load %arg21[%get3A_1273, %get3A_1274] {strides = array<i32>} : memref<16x384xf32, #tpu.memory_space<vmem>>, vector<16xf32>,
      %add3A_1276 = arith.addf %add3A_1271, %get3A_1275 : vector<16xf32>
      %get3A_1277 = arith.constant 4 : i32
      %get3A_1278 = arith.index_cast %get3A_1277 : i32 to index
      %get3A_1279 = arith.constant 240 : index
      %get3A_1280 = tpu.vector_load %arg21[%get3A_1278, %get3A_1279] {strides = array<i32>} : memref<16x384xf32, #tpu.memory_space<vmem>>, vector<16xf32>,
      %add3A_1281 = arith.addf %add3A_1276, %get3A_1280 : vector<16xf32>
      %get3A_1282 = arith.constant 5 : i32
      %get3A_1283 = arith.index_cast %get3A_1282 : i32 to index
      %get3A_1284 = arith.constant 240 : index
      %get3A_1285 = tpu.vector_load %arg21[%get3A_1283, %get3A_1284] {strides = array<i32>} : memref<16x384xf32, #tpu.memory_space<vmem>>, vector<16xf32>,
      %add3A_1286 = arith.addf %add3A_1281, %get3A_1285 : vector<16xf32>
      %get3A_1287 = arith.constant 6 : i32
      %get3A_1288 = arith.index_cast %get3A_1287 : i32 to index
      %get3A_1289 = arith.constant 240 : index
      %get3A_1290 = tpu.vector_load %arg21[%get3A_1288, %get3A_1289] {strides = array<i32>} : memref<16x384xf32, #tpu.memory_space<vmem>>, vector<16xf32>,
      %add3A_1291 = arith.addf %add3A_1286, %get3A_1290 : vector<16xf32>
      %get3A_1292 = arith.constant 7 : i32
      %get3A_1293 = arith.index_cast %get3A_1292 : i32 to index
      %get3A_1294 = arith.constant 240 : index
      %get3A_1295 = tpu.vector_load %arg21[%get3A_1293, %get3A_1294] {strides = array<i32>} : memref<16x384xf32, #tpu.memory_space<vmem>>, vector<16xf32>,
      %add3A_1296 = arith.addf %add3A_1291, %get3A_1295 : vector<16xf32>
      %get3A_1297 = arith.constant 8 : i32
      %get3A_1298 = arith.index_cast %get3A_1297 : i32 to index
      %get3A_1299 = arith.constant 240 : index
      %get3A_1300 = tpu.vector_load %arg21[%get3A_1298, %get3A_1299] {strides = array<i32>} : memref<16x384xf32, #tpu.memory_space<vmem>>, vector<16xf32>,
      %add3A_1301 = arith.addf %add3A_1296, %get3A_1300 : vector<16xf32>
      %get3A_1302 = arith.constant 9 : i32
      %get3A_1303 = arith.index_cast %get3A_1302 : i32 to index
      %get3A_1304 = arith.constant 240 : index
      %get3A_1305 = tpu.vector_load %arg21[%get3A_1303, %get3A_1304] {strides = array<i32>} : memref<16x384xf32, #tpu.memory_space<vmem>>, vector<16xf32>,
      %add3A_1306 = arith.addf %add3A_1301, %get3A_1305 : vector<16xf32>
      %get3A_1307 = arith.constant 10 : i32
      %get3A_1308 = arith.index_cast %get3A_1307 : i32 to index
      %get3A_1309 = arith.constant 240 : index
      %get3A_1310 = tpu.vector_load %arg21[%get3A_1308, %get3A_1309] {strides = array<i32>} : memref<16x384xf32, #tpu.memory_space<vmem>>, vector<16xf32>,
      %add3A_1311 = arith.addf %add3A_1306, %get3A_1310 : vector<16xf32>
      %get3A_1312 = arith.constant 11 : i32
      %get3A_1313 = arith.index_cast %get3A_1312 : i32 to index
      %get3A_1314 = arith.constant 240 : index
      %get3A_1315 = tpu.vector_load %arg21[%get3A_1313, %get3A_1314] {strides = array<i32>} : memref<16x384xf32, #tpu.memory_space<vmem>>, vector<16xf32>,
      %add3A_1316 = arith.addf %add3A_1311, %get3A_1315 : vector<16xf32>
      %get3A_1317 = arith.constant 12 : i32
      %get3A_1318 = arith.index_cast %get3A_1317 : i32 to index
      %get3A_1319 = arith.constant 240 : index
      %get3A_1320 = tpu.vector_load %arg21[%get3A_1318, %get3A_1319] {strides = array<i32>} : memref<16x384xf32, #tpu.memory_space<vmem>>, vector<16xf32>,
      %add3A_1321 = arith.addf %add3A_1316, %get3A_1320 : vector<16xf32>
      %get3A_1322 = arith.constant 13 : i32
      %get3A_1323 = arith.index_cast %get3A_1322 : i32 to index
      %get3A_1324 = arith.constant 240 : index
      %get3A_1325 = tpu.vector_load %arg21[%get3A_1323, %get3A_1324] {strides = array<i32>} : memref<16x384xf32, #tpu.memory_space<vmem>>, vector<16xf32>,
      %add3A_1326 = arith.addf %add3A_1321, %get3A_1325 : vector<16xf32>
      %get3A_1327 = arith.constant 14 : i32
      %get3A_1328 = arith.index_cast %get3A_1327 : i32 to index
      %get3A_1329 = arith.constant 240 : index
      %get3A_1330 = tpu.vector_load %arg21[%get3A_1328, %get3A_1329] {strides = array<i32>} : memref<16x384xf32, #tpu.memory_space<vmem>>, vector<16xf32>,
      %add3A_1331 = arith.addf %add3A_1326, %get3A_1330 : vector<16xf32>
      %get3A_1332 = arith.constant 15 : i32
      %get3A_1333 = arith.index_cast %get3A_1332 : i32 to index
      %get3A_1334 = arith.constant 240 : index
      %get3A_1335 = tpu.vector_load %arg21[%get3A_1333, %get3A_1334] {strides = array<i32>} : memref<16x384xf32, #tpu.memory_space<vmem>>, vector<16xf32>,
      %add3A_1336 = arith.addf %add3A_1331, %get3A_1335 : vector<16xf32>
      %swap3A_1337 = arith.constant 240 : index
      %swap3A_1338 = tpu.vector_load %arg22[%swap3A_1337] {strides = array<i32>} : memref<384xf32, #tpu.memory_space<vmem>>, vector<16xf32>,
      tpu.vector_store %arg22[%swap3A_1337], %add3A_1336 {strides = array<i32>} : memref<384xf32, #tpu.memory_space<vmem>>, vector<16xf32>,
      %get3A_1339 = arith.constant 0 : i32
      %get3A_1340 = arith.index_cast %get3A_1339 : i32 to index
      %get3A_1341 = arith.constant 256 : index
      %get3A_1342 = tpu.vector_load %arg21[%get3A_1340, %get3A_1341] {strides = array<i32>} : memref<16x384xf32, #tpu.memory_space<vmem>>, vector<16xf32>,
      %get3A_1343 = arith.constant 1 : i32
      %get3A_1344 = arith.index_cast %get3A_1343 : i32 to index
      %get3A_1345 = arith.constant 256 : index
      %get3A_1346 = tpu.vector_load %arg21[%get3A_1344, %get3A_1345] {strides = array<i32>} : memref<16x384xf32, #tpu.memory_space<vmem>>, vector<16xf32>,
      %add3A_1347 = arith.addf %get3A_1342, %get3A_1346 : vector<16xf32>
      %get3A_1348 = arith.constant 2 : i32
      %get3A_1349 = arith.index_cast %get3A_1348 : i32 to index
      %get3A_1350 = arith.constant 256 : index
      %get3A_1351 = tpu.vector_load %arg21[%get3A_1349, %get3A_1350] {strides = array<i32>} : memref<16x384xf32, #tpu.memory_space<vmem>>, vector<16xf32>,
      %add3A_1352 = arith.addf %add3A_1347, %get3A_1351 : vector<16xf32>
      %get3A_1353 = arith.constant 3 : i32
      %get3A_1354 = arith.index_cast %get3A_1353 : i32 to index
      %get3A_1355 = arith.constant 256 : index
      %get3A_1356 = tpu.vector_load %arg21[%get3A_1354, %get3A_1355] {strides = array<i32>} : memref<16x384xf32, #tpu.memory_space<vmem>>, vector<16xf32>,
      %add3A_1357 = arith.addf %add3A_1352, %get3A_1356 : vector<16xf32>
      %get3A_1358 = arith.constant 4 : i32
      %get3A_1359 = arith.index_cast %get3A_1358 : i32 to index
      %get3A_1360 = arith.constant 256 : index
      %get3A_1361 = tpu.vector_load %arg21[%get3A_1359, %get3A_1360] {strides = array<i32>} : memref<16x384xf32, #tpu.memory_space<vmem>>, vector<16xf32>,
      %add3A_1362 = arith.addf %add3A_1357, %get3A_1361 : vector<16xf32>
      %get3A_1363 = arith.constant 5 : i32
      %get3A_1364 = arith.index_cast %get3A_1363 : i32 to index
      %get3A_1365 = arith.constant 256 : index
      %get3A_1366 = tpu.vector_load %arg21[%get3A_1364, %get3A_1365] {strides = array<i32>} : memref<16x384xf32, #tpu.memory_space<vmem>>, vector<16xf32>,
      %add3A_1367 = arith.addf %add3A_1362, %get3A_1366 : vector<16xf32>
      %get3A_1368 = arith.constant 6 : i32
      %get3A_1369 = arith.index_cast %get3A_1368 : i32 to index
      %get3A_1370 = arith.constant 256 : index
      %get3A_1371 = tpu.vector_load %arg21[%get3A_1369, %get3A_1370] {strides = array<i32>} : memref<16x384xf32, #tpu.memory_space<vmem>>, vector<16xf32>,
      %add3A_1372 = arith.addf %add3A_1367, %get3A_1371 : vector<16xf32>
      %get3A_1373 = arith.constant 7 : i32
      %get3A_1374 = arith.index_cast %get3A_1373 : i32 to index
      %get3A_1375 = arith.constant 256 : index
      %get3A_1376 = tpu.vector_load %arg21[%get3A_1374, %get3A_1375] {strides = array<i32>} : memref<16x384xf32, #tpu.memory_space<vmem>>, vector<16xf32>,
      %add3A_1377 = arith.addf %add3A_1372, %get3A_1376 : vector<16xf32>
      %get3A_1378 = arith.constant 8 : i32
      %get3A_1379 = arith.index_cast %get3A_1378 : i32 to index
      %get3A_1380 = arith.constant 256 : index
      %get3A_1381 = tpu.vector_load %arg21[%get3A_1379, %get3A_1380] {strides = array<i32>} : memref<16x384xf32, #tpu.memory_space<vmem>>, vector<16xf32>,
      %add3A_1382 = arith.addf %add3A_1377, %get3A_1381 : vector<16xf32>
      %get3A_1383 = arith.constant 9 : i32
      %get3A_1384 = arith.index_cast %get3A_1383 : i32 to index
      %get3A_1385 = arith.constant 256 : index
      %get3A_1386 = tpu.vector_load %arg21[%get3A_1384, %get3A_1385] {strides = array<i32>} : memref<16x384xf32, #tpu.memory_space<vmem>>, vector<16xf32>,
      %add3A_1387 = arith.addf %add3A_1382, %get3A_1386 : vector<16xf32>
      %get3A_1388 = arith.constant 10 : i32
      %get3A_1389 = arith.index_cast %get3A_1388 : i32 to index
      %get3A_1390 = arith.constant 256 : index
      %get3A_1391 = tpu.vector_load %arg21[%get3A_1389, %get3A_1390] {strides = array<i32>} : memref<16x384xf32, #tpu.memory_space<vmem>>, vector<16xf32>,
      %add3A_1392 = arith.addf %add3A_1387, %get3A_1391 : vector<16xf32>
      %get3A_1393 = arith.constant 11 : i32
      %get3A_1394 = arith.index_cast %get3A_1393 : i32 to index
      %get3A_1395 = arith.constant 256 : index
      %get3A_1396 = tpu.vector_load %arg21[%get3A_1394, %get3A_1395] {strides = array<i32>} : memref<16x384xf32, #tpu.memory_space<vmem>>, vector<16xf32>,
      %add3A_1397 = arith.addf %add3A_1392, %get3A_1396 : vector<16xf32>
      %get3A_1398 = arith.constant 12 : i32
      %get3A_1399 = arith.index_cast %get3A_1398 : i32 to index
      %get3A_1400 = arith.constant 256 : index
      %get3A_1401 = tpu.vector_load %arg21[%get3A_1399, %get3A_1400] {strides = array<i32>} : memref<16x384xf32, #tpu.memory_space<vmem>>, vector<16xf32>,
      %add3A_1402 = arith.addf %add3A_1397, %get3A_1401 : vector<16xf32>
      %get3A_1403 = arith.constant 13 : i32
      %get3A_1404 = arith.index_cast %get3A_1403 : i32 to index
      %get3A_1405 = arith.constant 256 : index
      %get3A_1406 = tpu.vector_load %arg21[%get3A_1404, %get3A_1405] {strides = array<i32>} : memref<16x384xf32, #tpu.memory_space<vmem>>, vector<16xf32>,
      %add3A_1407 = arith.addf %add3A_1402, %get3A_1406 : vector<16xf32>
      %get3A_1408 = arith.constant 14 : i32
      %get3A_1409 = arith.index_cast %get3A_1408 : i32 to index
      %get3A_1410 = arith.constant 256 : index
      %get3A_1411 = tpu.vector_load %arg21[%get3A_1409, %get3A_1410] {strides = array<i32>} : memref<16x384xf32, #tpu.memory_space<vmem>>, vector<16xf32>,
      %add3A_1412 = arith.addf %add3A_1407, %get3A_1411 : vector<16xf32>
      %get3A_1413 = arith.constant 15 : i32
      %get3A_1414 = arith.index_cast %get3A_1413 : i32 to index
      %get3A_1415 = arith.constant 256 : index
      %get3A_1416 = tpu.vector_load %arg21[%get3A_1414, %get3A_1415] {strides = array<i32>} : memref<16x384xf32, #tpu.memory_space<vmem>>, vector<16xf32>,
      %add3A_1417 = arith.addf %add3A_1412, %get3A_1416 : vector<16xf32>
      %swap3A_1418 = arith.constant 256 : index
      %swap3A_1419 = tpu.vector_load %arg22[%swap3A_1418] {strides = array<i32>} : memref<384xf32, #tpu.memory_space<vmem>>, vector<16xf32>,
      tpu.vector_store %arg22[%swap3A_1418], %add3A_1417 {strides = array<i32>} : memref<384xf32, #tpu.memory_space<vmem>>, vector<16xf32>,
      %get3A_1420 = arith.constant 0 : i32
      %get3A_1421 = arith.index_cast %get3A_1420 : i32 to index
      %get3A_1422 = arith.constant 272 : index
      %get3A_1423 = tpu.vector_load %arg21[%get3A_1421, %get3A_1422] {strides = array<i32>} : memref<16x384xf32, #tpu.memory_space<vmem>>, vector<16xf32>,
      %get3A_1424 = arith.constant 1 : i32
      %get3A_1425 = arith.index_cast %get3A_1424 : i32 to index
      %get3A_1426 = arith.constant 272 : index
      %get3A_1427 = tpu.vector_load %arg21[%get3A_1425, %get3A_1426] {strides = array<i32>} : memref<16x384xf32, #tpu.memory_space<vmem>>, vector<16xf32>,
      %add3A_1428 = arith.addf %get3A_1423, %get3A_1427 : vector<16xf32>
      %get3A_1429 = arith.constant 2 : i32
      %get3A_1430 = arith.index_cast %get3A_1429 : i32 to index
      %get3A_1431 = arith.constant 272 : index
      %get3A_1432 = tpu.vector_load %arg21[%get3A_1430, %get3A_1431] {strides = array<i32>} : memref<16x384xf32, #tpu.memory_space<vmem>>, vector<16xf32>,
      %add3A_1433 = arith.addf %add3A_1428, %get3A_1432 : vector<16xf32>
      %get3A_1434 = arith.constant 3 : i32
      %get3A_1435 = arith.index_cast %get3A_1434 : i32 to index
      %get3A_1436 = arith.constant 272 : index
      %get3A_1437 = tpu.vector_load %arg21[%get3A_1435, %get3A_1436] {strides = array<i32>} : memref<16x384xf32, #tpu.memory_space<vmem>>, vector<16xf32>,
      %add3A_1438 = arith.addf %add3A_1433, %get3A_1437 : vector<16xf32>
      %get3A_1439 = arith.constant 4 : i32
      %get3A_1440 = arith.index_cast %get3A_1439 : i32 to index
      %get3A_1441 = arith.constant 272 : index
      %get3A_1442 = tpu.vector_load %arg21[%get3A_1440, %get3A_1441] {strides = array<i32>} : memref<16x384xf32, #tpu.memory_space<vmem>>, vector<16xf32>,
      %add3A_1443 = arith.addf %add3A_1438, %get3A_1442 : vector<16xf32>
      %get3A_1444 = arith.constant 5 : i32
      %get3A_1445 = arith.index_cast %get3A_1444 : i32 to index
      %get3A_1446 = arith.constant 272 : index
      %get3A_1447 = tpu.vector_load %arg21[%get3A_1445, %get3A_1446] {strides = array<i32>} : memref<16x384xf32, #tpu.memory_space<vmem>>, vector<16xf32>,
      %add3A_1448 = arith.addf %add3A_1443, %get3A_1447 : vector<16xf32>
      %get3A_1449 = arith.constant 6 : i32
      %get3A_1450 = arith.index_cast %get3A_1449 : i32 to index
      %get3A_1451 = arith.constant 272 : index
      %get3A_1452 = tpu.vector_load %arg21[%get3A_1450, %get3A_1451] {strides = array<i32>} : memref<16x384xf32, #tpu.memory_space<vmem>>, vector<16xf32>,
      %add3A_1453 = arith.addf %add3A_1448, %get3A_1452 : vector<16xf32>
      %get3A_1454 = arith.constant 7 : i32
      %get3A_1455 = arith.index_cast %get3A_1454 : i32 to index
      %get3A_1456 = arith.constant 272 : index
      %get3A_1457 = tpu.vector_load %arg21[%get3A_1455, %get3A_1456] {strides = array<i32>} : memref<16x384xf32, #tpu.memory_space<vmem>>, vector<16xf32>,
      %add3A_1458 = arith.addf %add3A_1453, %get3A_1457 : vector<16xf32>
      %get3A_1459 = arith.constant 8 : i32
      %get3A_1460 = arith.index_cast %get3A_1459 : i32 to index
      %get3A_1461 = arith.constant 272 : index
      %get3A_1462 = tpu.vector_load %arg21[%get3A_1460, %get3A_1461] {strides = array<i32>} : memref<16x384xf32, #tpu.memory_space<vmem>>, vector<16xf32>,
      %add3A_1463 = arith.addf %add3A_1458, %get3A_1462 : vector<16xf32>
      %get3A_1464 = arith.constant 9 : i32
      %get3A_1465 = arith.index_cast %get3A_1464 : i32 to index
      %get3A_1466 = arith.constant 272 : index
      %get3A_1467 = tpu.vector_load %arg21[%get3A_1465, %get3A_1466] {strides = array<i32>} : memref<16x384xf32, #tpu.memory_space<vmem>>, vector<16xf32>,
      %add3A_1468 = arith.addf %add3A_1463, %get3A_1467 : vector<16xf32>
      %get3A_1469 = arith.constant 10 : i32
      %get3A_1470 = arith.index_cast %get3A_1469 : i32 to index
      %get3A_1471 = arith.constant 272 : index
      %get3A_1472 = tpu.vector_load %arg21[%get3A_1470, %get3A_1471] {strides = array<i32>} : memref<16x384xf32, #tpu.memory_space<vmem>>, vector<16xf32>,
      %add3A_1473 = arith.addf %add3A_1468, %get3A_1472 : vector<16xf32>
      %get3A_1474 = arith.constant 11 : i32
      %get3A_1475 = arith.index_cast %get3A_1474 : i32 to index
      %get3A_1476 = arith.constant 272 : index
      %get3A_1477 = tpu.vector_load %arg21[%get3A_1475, %get3A_1476] {strides = array<i32>} : memref<16x384xf32, #tpu.memory_space<vmem>>, vector<16xf32>,
      %add3A_1478 = arith.addf %add3A_1473, %get3A_1477 : vector<16xf32>
      %get3A_1479 = arith.constant 12 : i32
      %get3A_1480 = arith.index_cast %get3A_1479 : i32 to index
      %get3A_1481 = arith.constant 272 : index
      %get3A_1482 = tpu.vector_load %arg21[%get3A_1480, %get3A_1481] {strides = array<i32>} : memref<16x384xf32, #tpu.memory_space<vmem>>, vector<16xf32>,
      %add3A_1483 = arith.addf %add3A_1478, %get3A_1482 : vector<16xf32>
      %get3A_1484 = arith.constant 13 : i32
      %get3A_1485 = arith.index_cast %get3A_1484 : i32 to index
      %get3A_1486 = arith.constant 272 : index
      %get3A_1487 = tpu.vector_load %arg21[%get3A_1485, %get3A_1486] {strides = array<i32>} : memref<16x384xf32, #tpu.memory_space<vmem>>, vector<16xf32>,
      %add3A_1488 = arith.addf %add3A_1483, %get3A_1487 : vector<16xf32>
      %get3A_1489 = arith.constant 14 : i32
      %get3A_1490 = arith.index_cast %get3A_1489 : i32 to index
      %get3A_1491 = arith.constant 272 : index
      %get3A_1492 = tpu.vector_load %arg21[%get3A_1490, %get3A_1491] {strides = array<i32>} : memref<16x384xf32, #tpu.memory_space<vmem>>, vector<16xf32>,
      %add3A_1493 = arith.addf %add3A_1488, %get3A_1492 : vector<16xf32>
      %get3A_1494 = arith.constant 15 : i32
      %get3A_1495 = arith.index_cast %get3A_1494 : i32 to index
      %get3A_1496 = arith.constant 272 : index
      %get3A_1497 = tpu.vector_load %arg21[%get3A_1495, %get3A_1496] {strides = array<i32>} : memref<16x384xf32, #tpu.memory_space<vmem>>, vector<16xf32>,
      %add3A_1498 = arith.addf %add3A_1493, %get3A_1497 : vector<16xf32>
      %swap3A_1499 = arith.constant 272 : index
      %swap3A_1500 = tpu.vector_load %arg22[%swap3A_1499] {strides = array<i32>} : memref<384xf32, #tpu.memory_space<vmem>>, vector<16xf32>,
      tpu.vector_store %arg22[%swap3A_1499], %add3A_1498 {strides = array<i32>} : memref<384xf32, #tpu.memory_space<vmem>>, vector<16xf32>,
      %get3A_1501 = arith.constant 0 : i32
      %get3A_1502 = arith.index_cast %get3A_1501 : i32 to index
      %get3A_1503 = arith.constant 288 : index
      %get3A_1504 = tpu.vector_load %arg21[%get3A_1502, %get3A_1503] {strides = array<i32>} : memref<16x384xf32, #tpu.memory_space<vmem>>, vector<16xf32>,
      %get3A_1505 = arith.constant 1 : i32
      %get3A_1506 = arith.index_cast %get3A_1505 : i32 to index
      %get3A_1507 = arith.constant 288 : index
      %get3A_1508 = tpu.vector_load %arg21[%get3A_1506, %get3A_1507] {strides = array<i32>} : memref<16x384xf32, #tpu.memory_space<vmem>>, vector<16xf32>,
      %add3A_1509 = arith.addf %get3A_1504, %get3A_1508 : vector<16xf32>
      %get3A_1510 = arith.constant 2 : i32
      %get3A_1511 = arith.index_cast %get3A_1510 : i32 to index
      %get3A_1512 = arith.constant 288 : index
      %get3A_1513 = tpu.vector_load %arg21[%get3A_1511, %get3A_1512] {strides = array<i32>} : memref<16x384xf32, #tpu.memory_space<vmem>>, vector<16xf32>,
      %add3A_1514 = arith.addf %add3A_1509, %get3A_1513 : vector<16xf32>
      %get3A_1515 = arith.constant 3 : i32
      %get3A_1516 = arith.index_cast %get3A_1515 : i32 to index
      %get3A_1517 = arith.constant 288 : index
      %get3A_1518 = tpu.vector_load %arg21[%get3A_1516, %get3A_1517] {strides = array<i32>} : memref<16x384xf32, #tpu.memory_space<vmem>>, vector<16xf32>,
      %add3A_1519 = arith.addf %add3A_1514, %get3A_1518 : vector<16xf32>
      %get3A_1520 = arith.constant 4 : i32
      %get3A_1521 = arith.index_cast %get3A_1520 : i32 to index
      %get3A_1522 = arith.constant 288 : index
      %get3A_1523 = tpu.vector_load %arg21[%get3A_1521, %get3A_1522] {strides = array<i32>} : memref<16x384xf32, #tpu.memory_space<vmem>>, vector<16xf32>,
      %add3A_1524 = arith.addf %add3A_1519, %get3A_1523 : vector<16xf32>
      %get3A_1525 = arith.constant 5 : i32
      %get3A_1526 = arith.index_cast %get3A_1525 : i32 to index
      %get3A_1527 = arith.constant 288 : index
      %get3A_1528 = tpu.vector_load %arg21[%get3A_1526, %get3A_1527] {strides = array<i32>} : memref<16x384xf32, #tpu.memory_space<vmem>>, vector<16xf32>,
      %add3A_1529 = arith.addf %add3A_1524, %get3A_1528 : vector<16xf32>
      %get3A_1530 = arith.constant 6 : i32
      %get3A_1531 = arith.index_cast %get3A_1530 : i32 to index
      %get3A_1532 = arith.constant 288 : index
      %get3A_1533 = tpu.vector_load %arg21[%get3A_1531, %get3A_1532] {strides = array<i32>} : memref<16x384xf32, #tpu.memory_space<vmem>>, vector<16xf32>,
      %add3A_1534 = arith.addf %add3A_1529, %get3A_1533 : vector<16xf32>
      %get3A_1535 = arith.constant 7 : i32
      %get3A_1536 = arith.index_cast %get3A_1535 : i32 to index
      %get3A_1537 = arith.constant 288 : index
      %get3A_1538 = tpu.vector_load %arg21[%get3A_1536, %get3A_1537] {strides = array<i32>} : memref<16x384xf32, #tpu.memory_space<vmem>>, vector<16xf32>,
      %add3A_1539 = arith.addf %add3A_1534, %get3A_1538 : vector<16xf32>
      %get3A_1540 = arith.constant 8 : i32
      %get3A_1541 = arith.index_cast %get3A_1540 : i32 to index
      %get3A_1542 = arith.constant 288 : index
      %get3A_1543 = tpu.vector_load %arg21[%get3A_1541, %get3A_1542] {strides = array<i32>} : memref<16x384xf32, #tpu.memory_space<vmem>>, vector<16xf32>,
      %add3A_1544 = arith.addf %add3A_1539, %get3A_1543 : vector<16xf32>
      %get3A_1545 = arith.constant 9 : i32
      %get3A_1546 = arith.index_cast %get3A_1545 : i32 to index
      %get3A_1547 = arith.constant 288 : index
      %get3A_1548 = tpu.vector_load %arg21[%get3A_1546, %get3A_1547] {strides = array<i32>} : memref<16x384xf32, #tpu.memory_space<vmem>>, vector<16xf32>,
      %add3A_1549 = arith.addf %add3A_1544, %get3A_1548 : vector<16xf32>
      %get3A_1550 = arith.constant 10 : i32
      %get3A_1551 = arith.index_cast %get3A_1550 : i32 to index
      %get3A_1552 = arith.constant 288 : index
      %get3A_1553 = tpu.vector_load %arg21[%get3A_1551, %get3A_1552] {strides = array<i32>} : memref<16x384xf32, #tpu.memory_space<vmem>>, vector<16xf32>,
      %add3A_1554 = arith.addf %add3A_1549, %get3A_1553 : vector<16xf32>
      %get3A_1555 = arith.constant 11 : i32
      %get3A_1556 = arith.index_cast %get3A_1555 : i32 to index
      %get3A_1557 = arith.constant 288 : index
      %get3A_1558 = tpu.vector_load %arg21[%get3A_1556, %get3A_1557] {strides = array<i32>} : memref<16x384xf32, #tpu.memory_space<vmem>>, vector<16xf32>,
      %add3A_1559 = arith.addf %add3A_1554, %get3A_1558 : vector<16xf32>
      %get3A_1560 = arith.constant 12 : i32
      %get3A_1561 = arith.index_cast %get3A_1560 : i32 to index
      %get3A_1562 = arith.constant 288 : index
      %get3A_1563 = tpu.vector_load %arg21[%get3A_1561, %get3A_1562] {strides = array<i32>} : memref<16x384xf32, #tpu.memory_space<vmem>>, vector<16xf32>,
      %add3A_1564 = arith.addf %add3A_1559, %get3A_1563 : vector<16xf32>
      %get3A_1565 = arith.constant 13 : i32
      %get3A_1566 = arith.index_cast %get3A_1565 : i32 to index
      %get3A_1567 = arith.constant 288 : index
      %get3A_1568 = tpu.vector_load %arg21[%get3A_1566, %get3A_1567] {strides = array<i32>} : memref<16x384xf32, #tpu.memory_space<vmem>>, vector<16xf32>,
      %add3A_1569 = arith.addf %add3A_1564, %get3A_1568 : vector<16xf32>
      %get3A_1570 = arith.constant 14 : i32
      %get3A_1571 = arith.index_cast %get3A_1570 : i32 to index
      %get3A_1572 = arith.constant 288 : index
      %get3A_1573 = tpu.vector_load %arg21[%get3A_1571, %get3A_1572] {strides = array<i32>} : memref<16x384xf32, #tpu.memory_space<vmem>>, vector<16xf32>,
      %add3A_1574 = arith.addf %add3A_1569, %get3A_1573 : vector<16xf32>
      %get3A_1575 = arith.constant 15 : i32
      %get3A_1576 = arith.index_cast %get3A_1575 : i32 to index
      %get3A_1577 = arith.constant 288 : index
      %get3A_1578 = tpu.vector_load %arg21[%get3A_1576, %get3A_1577] {strides = array<i32>} : memref<16x384xf32, #tpu.memory_space<vmem>>, vector<16xf32>,
      %add3A_1579 = arith.addf %add3A_1574, %get3A_1578 : vector<16xf32>
      %swap3A_1580 = arith.constant 288 : index
      %swap3A_1581 = tpu.vector_load %arg22[%swap3A_1580] {strides = array<i32>} : memref<384xf32, #tpu.memory_space<vmem>>, vector<16xf32>,
      tpu.vector_store %arg22[%swap3A_1580], %add3A_1579 {strides = array<i32>} : memref<384xf32, #tpu.memory_space<vmem>>, vector<16xf32>,
      %get3A_1582 = arith.constant 0 : i32
      %get3A_1583 = arith.index_cast %get3A_1582 : i32 to index
      %get3A_1584 = arith.constant 304 : index
      %get3A_1585 = tpu.vector_load %arg21[%get3A_1583, %get3A_1584] {strides = array<i32>} : memref<16x384xf32, #tpu.memory_space<vmem>>, vector<16xf32>,
      %get3A_1586 = arith.constant 1 : i32
      %get3A_1587 = arith.index_cast %get3A_1586 : i32 to index
      %get3A_1588 = arith.constant 304 : index
      %get3A_1589 = tpu.vector_load %arg21[%get3A_1587, %get3A_1588] {strides = array<i32>} : memref<16x384xf32, #tpu.memory_space<vmem>>, vector<16xf32>,
      %add3A_1590 = arith.addf %get3A_1585, %get3A_1589 : vector<16xf32>
      %get3A_1591 = arith.constant 2 : i32
      %get3A_1592 = arith.index_cast %get3A_1591 : i32 to index
      %get3A_1593 = arith.constant 304 : index
      %get3A_1594 = tpu.vector_load %arg21[%get3A_1592, %get3A_1593] {strides = array<i32>} : memref<16x384xf32, #tpu.memory_space<vmem>>, vector<16xf32>,
      %add3A_1595 = arith.addf %add3A_1590, %get3A_1594 : vector<16xf32>
      %get3A_1596 = arith.constant 3 : i32
      %get3A_1597 = arith.index_cast %get3A_1596 : i32 to index
      %get3A_1598 = arith.constant 304 : index
      %get3A_1599 = tpu.vector_load %arg21[%get3A_1597, %get3A_1598] {strides = array<i32>} : memref<16x384xf32, #tpu.memory_space<vmem>>, vector<16xf32>,
      %add3A_1600 = arith.addf %add3A_1595, %get3A_1599 : vector<16xf32>
      %get3A_1601 = arith.constant 4 : i32
      %get3A_1602 = arith.index_cast %get3A_1601 : i32 to index
      %get3A_1603 = arith.constant 304 : index
      %get3A_1604 = tpu.vector_load %arg21[%get3A_1602, %get3A_1603] {strides = array<i32>} : memref<16x384xf32, #tpu.memory_space<vmem>>, vector<16xf32>,
      %add3A_1605 = arith.addf %add3A_1600, %get3A_1604 : vector<16xf32>
      %get3A_1606 = arith.constant 5 : i32
      %get3A_1607 = arith.index_cast %get3A_1606 : i32 to index
      %get3A_1608 = arith.constant 304 : index
      %get3A_1609 = tpu.vector_load %arg21[%get3A_1607, %get3A_1608] {strides = array<i32>} : memref<16x384xf32, #tpu.memory_space<vmem>>, vector<16xf32>,
      %add3A_1610 = arith.addf %add3A_1605, %get3A_1609 : vector<16xf32>
      %get3A_1611 = arith.constant 6 : i32
      %get3A_1612 = arith.index_cast %get3A_1611 : i32 to index
      %get3A_1613 = arith.constant 304 : index
      %get3A_1614 = tpu.vector_load %arg21[%get3A_1612, %get3A_1613] {strides = array<i32>} : memref<16x384xf32, #tpu.memory_space<vmem>>, vector<16xf32>,
      %add3A_1615 = arith.addf %add3A_1610, %get3A_1614 : vector<16xf32>
      %get3A_1616 = arith.constant 7 : i32
      %get3A_1617 = arith.index_cast %get3A_1616 : i32 to index
      %get3A_1618 = arith.constant 304 : index
      %get3A_1619 = tpu.vector_load %arg21[%get3A_1617, %get3A_1618] {strides = array<i32>} : memref<16x384xf32, #tpu.memory_space<vmem>>, vector<16xf32>,
      %add3A_1620 = arith.addf %add3A_1615, %get3A_1619 : vector<16xf32>
      %get3A_1621 = arith.constant 8 : i32
      %get3A_1622 = arith.index_cast %get3A_1621 : i32 to index
      %get3A_1623 = arith.constant 304 : index
      %get3A_1624 = tpu.vector_load %arg21[%get3A_1622, %get3A_1623] {strides = array<i32>} : memref<16x384xf32, #tpu.memory_space<vmem>>, vector<16xf32>,
      %add3A_1625 = arith.addf %add3A_1620, %get3A_1624 : vector<16xf32>
      %get3A_1626 = arith.constant 9 : i32
      %get3A_1627 = arith.index_cast %get3A_1626 : i32 to index
      %get3A_1628 = arith.constant 304 : index
      %get3A_1629 = tpu.vector_load %arg21[%get3A_1627, %get3A_1628] {strides = array<i32>} : memref<16x384xf32, #tpu.memory_space<vmem>>, vector<16xf32>,
      %add3A_1630 = arith.addf %add3A_1625, %get3A_1629 : vector<16xf32>
      %get3A_1631 = arith.constant 10 : i32
      %get3A_1632 = arith.index_cast %get3A_1631 : i32 to index
      %get3A_1633 = arith.constant 304 : index
      %get3A_1634 = tpu.vector_load %arg21[%get3A_1632, %get3A_1633] {strides = array<i32>} : memref<16x384xf32, #tpu.memory_space<vmem>>, vector<16xf32>,
      %add3A_1635 = arith.addf %add3A_1630, %get3A_1634 : vector<16xf32>
      %get3A_1636 = arith.constant 11 : i32
      %get3A_1637 = arith.index_cast %get3A_1636 : i32 to index
      %get3A_1638 = arith.constant 304 : index
      %get3A_1639 = tpu.vector_load %arg21[%get3A_1637, %get3A_1638] {strides = array<i32>} : memref<16x384xf32, #tpu.memory_space<vmem>>, vector<16xf32>,
      %add3A_1640 = arith.addf %add3A_1635, %get3A_1639 : vector<16xf32>
      %get3A_1641 = arith.constant 12 : i32
      %get3A_1642 = arith.index_cast %get3A_1641 : i32 to index
      %get3A_1643 = arith.constant 304 : index
      %get3A_1644 = tpu.vector_load %arg21[%get3A_1642, %get3A_1643] {strides = array<i32>} : memref<16x384xf32, #tpu.memory_space<vmem>>, vector<16xf32>,
      %add3A_1645 = arith.addf %add3A_1640, %get3A_1644 : vector<16xf32>
      %get3A_1646 = arith.constant 13 : i32
      %get3A_1647 = arith.index_cast %get3A_1646 : i32 to index
      %get3A_1648 = arith.constant 304 : index
      %get3A_1649 = tpu.vector_load %arg21[%get3A_1647, %get3A_1648] {strides = array<i32>} : memref<16x384xf32, #tpu.memory_space<vmem>>, vector<16xf32>,
      %add3A_1650 = arith.addf %add3A_1645, %get3A_1649 : vector<16xf32>
      %get3A_1651 = arith.constant 14 : i32
      %get3A_1652 = arith.index_cast %get3A_1651 : i32 to index
      %get3A_1653 = arith.constant 304 : index
      %get3A_1654 = tpu.vector_load %arg21[%get3A_1652, %get3A_1653] {strides = array<i32>} : memref<16x384xf32, #tpu.memory_space<vmem>>, vector<16xf32>,
      %add3A_1655 = arith.addf %add3A_1650, %get3A_1654 : vector<16xf32>
      %get3A_1656 = arith.constant 15 : i32
      %get3A_1657 = arith.index_cast %get3A_1656 : i32 to index
      %get3A_1658 = arith.constant 304 : index
      %get3A_1659 = tpu.vector_load %arg21[%get3A_1657, %get3A_1658] {strides = array<i32>} : memref<16x384xf32, #tpu.memory_space<vmem>>, vector<16xf32>,
      %add3A_1660 = arith.addf %add3A_1655, %get3A_1659 : vector<16xf32>
      %swap3A_1661 = arith.constant 304 : index
      %swap3A_1662 = tpu.vector_load %arg22[%swap3A_1661] {strides = array<i32>} : memref<384xf32, #tpu.memory_space<vmem>>, vector<16xf32>,
      tpu.vector_store %arg22[%swap3A_1661], %add3A_1660 {strides = array<i32>} : memref<384xf32, #tpu.memory_space<vmem>>, vector<16xf32>,
      %get3A_1663 = arith.constant 0 : i32
      %get3A_1664 = arith.index_cast %get3A_1663 : i32 to index
      %get3A_1665 = arith.constant 320 : index
      %get3A_1666 = tpu.vector_load %arg21[%get3A_1664, %get3A_1665] {strides = array<i32>} : memref<16x384xf32, #tpu.memory_space<vmem>>, vector<16xf32>,
      %get3A_1667 = arith.constant 1 : i32
      %get3A_1668 = arith.index_cast %get3A_1667 : i32 to index
      %get3A_1669 = arith.constant 320 : index
      %get3A_1670 = tpu.vector_load %arg21[%get3A_1668, %get3A_1669] {strides = array<i32>} : memref<16x384xf32, #tpu.memory_space<vmem>>, vector<16xf32>,
      %add3A_1671 = arith.addf %get3A_1666, %get3A_1670 : vector<16xf32>
      %get3A_1672 = arith.constant 2 : i32
      %get3A_1673 = arith.index_cast %get3A_1672 : i32 to index
      %get3A_1674 = arith.constant 320 : index
      %get3A_1675 = tpu.vector_load %arg21[%get3A_1673, %get3A_1674] {strides = array<i32>} : memref<16x384xf32, #tpu.memory_space<vmem>>, vector<16xf32>,
      %add3A_1676 = arith.addf %add3A_1671, %get3A_1675 : vector<16xf32>
      %get3A_1677 = arith.constant 3 : i32
      %get3A_1678 = arith.index_cast %get3A_1677 : i32 to index
      %get3A_1679 = arith.constant 320 : index
      %get3A_1680 = tpu.vector_load %arg21[%get3A_1678, %get3A_1679] {strides = array<i32>} : memref<16x384xf32, #tpu.memory_space<vmem>>, vector<16xf32>,
      %add3A_1681 = arith.addf %add3A_1676, %get3A_1680 : vector<16xf32>
      %get3A_1682 = arith.constant 4 : i32
      %get3A_1683 = arith.index_cast %get3A_1682 : i32 to index
      %get3A_1684 = arith.constant 320 : index
      %get3A_1685 = tpu.vector_load %arg21[%get3A_1683, %get3A_1684] {strides = array<i32>} : memref<16x384xf32, #tpu.memory_space<vmem>>, vector<16xf32>,
      %add3A_1686 = arith.addf %add3A_1681, %get3A_1685 : vector<16xf32>
      %get3A_1687 = arith.constant 5 : i32
      %get3A_1688 = arith.index_cast %get3A_1687 : i32 to index
      %get3A_1689 = arith.constant 320 : index
      %get3A_1690 = tpu.vector_load %arg21[%get3A_1688, %get3A_1689] {strides = array<i32>} : memref<16x384xf32, #tpu.memory_space<vmem>>, vector<16xf32>,
      %add3A_1691 = arith.addf %add3A_1686, %get3A_1690 : vector<16xf32>
      %get3A_1692 = arith.constant 6 : i32
      %get3A_1693 = arith.index_cast %get3A_1692 : i32 to index
      %get3A_1694 = arith.constant 320 : index
      %get3A_1695 = tpu.vector_load %arg21[%get3A_1693, %get3A_1694] {strides = array<i32>} : memref<16x384xf32, #tpu.memory_space<vmem>>, vector<16xf32>,
      %add3A_1696 = arith.addf %add3A_1691, %get3A_1695 : vector<16xf32>
      %get3A_1697 = arith.constant 7 : i32
      %get3A_1698 = arith.index_cast %get3A_1697 : i32 to index
      %get3A_1699 = arith.constant 320 : index
      %get3A_1700 = tpu.vector_load %arg21[%get3A_1698, %get3A_1699] {strides = array<i32>} : memref<16x384xf32, #tpu.memory_space<vmem>>, vector<16xf32>,
      %add3A_1701 = arith.addf %add3A_1696, %get3A_1700 : vector<16xf32>
      %get3A_1702 = arith.constant 8 : i32
      %get3A_1703 = arith.index_cast %get3A_1702 : i32 to index
      %get3A_1704 = arith.constant 320 : index
      %get3A_1705 = tpu.vector_load %arg21[%get3A_1703, %get3A_1704] {strides = array<i32>} : memref<16x384xf32, #tpu.memory_space<vmem>>, vector<16xf32>,
      %add3A_1706 = arith.addf %add3A_1701, %get3A_1705 : vector<16xf32>
      %get3A_1707 = arith.constant 9 : i32
      %get3A_1708 = arith.index_cast %get3A_1707 : i32 to index
      %get3A_1709 = arith.constant 320 : index
      %get3A_1710 = tpu.vector_load %arg21[%get3A_1708, %get3A_1709] {strides = array<i32>} : memref<16x384xf32, #tpu.memory_space<vmem>>, vector<16xf32>,
      %add3A_1711 = arith.addf %add3A_1706, %get3A_1710 : vector<16xf32>
      %get3A_1712 = arith.constant 10 : i32
      %get3A_1713 = arith.index_cast %get3A_1712 : i32 to index
      %get3A_1714 = arith.constant 320 : index
      %get3A_1715 = tpu.vector_load %arg21[%get3A_1713, %get3A_1714] {strides = array<i32>} : memref<16x384xf32, #tpu.memory_space<vmem>>, vector<16xf32>,
      %add3A_1716 = arith.addf %add3A_1711, %get3A_1715 : vector<16xf32>
      %get3A_1717 = arith.constant 11 : i32
      %get3A_1718 = arith.index_cast %get3A_1717 : i32 to index
      %get3A_1719 = arith.constant 320 : index
      %get3A_1720 = tpu.vector_load %arg21[%get3A_1718, %get3A_1719] {strides = array<i32>} : memref<16x384xf32, #tpu.memory_space<vmem>>, vector<16xf32>,
      %add3A_1721 = arith.addf %add3A_1716, %get3A_1720 : vector<16xf32>
      %get3A_1722 = arith.constant 12 : i32
      %get3A_1723 = arith.index_cast %get3A_1722 : i32 to index
      %get3A_1724 = arith.constant 320 : index
      %get3A_1725 = tpu.vector_load %arg21[%get3A_1723, %get3A_1724] {strides = array<i32>} : memref<16x384xf32, #tpu.memory_space<vmem>>, vector<16xf32>,
      %add3A_1726 = arith.addf %add3A_1721, %get3A_1725 : vector<16xf32>
      %get3A_1727 = arith.constant 13 : i32
      %get3A_1728 = arith.index_cast %get3A_1727 : i32 to index
      %get3A_1729 = arith.constant 320 : index
      %get3A_1730 = tpu.vector_load %arg21[%get3A_1728, %get3A_1729] {strides = array<i32>} : memref<16x384xf32, #tpu.memory_space<vmem>>, vector<16xf32>,
      %add3A_1731 = arith.addf %add3A_1726, %get3A_1730 : vector<16xf32>
      %get3A_1732 = arith.constant 14 : i32
      %get3A_1733 = arith.index_cast %get3A_1732 : i32 to index
      %get3A_1734 = arith.constant 320 : index
      %get3A_1735 = tpu.vector_load %arg21[%get3A_1733, %get3A_1734] {strides = array<i32>} : memref<16x384xf32, #tpu.memory_space<vmem>>, vector<16xf32>,
      %add3A_1736 = arith.addf %add3A_1731, %get3A_1735 : vector<16xf32>
      %get3A_1737 = arith.constant 15 : i32
      %get3A_1738 = arith.index_cast %get3A_1737 : i32 to index
      %get3A_1739 = arith.constant 320 : index
      %get3A_1740 = tpu.vector_load %arg21[%get3A_1738, %get3A_1739] {strides = array<i32>} : memref<16x384xf32, #tpu.memory_space<vmem>>, vector<16xf32>,
      %add3A_1741 = arith.addf %add3A_1736, %get3A_1740 : vector<16xf32>
      %swap3A_1742 = arith.constant 320 : index
      %swap3A_1743 = tpu.vector_load %arg22[%swap3A_1742] {strides = array<i32>} : memref<384xf32, #tpu.memory_space<vmem>>, vector<16xf32>,
      tpu.vector_store %arg22[%swap3A_1742], %add3A_1741 {strides = array<i32>} : memref<384xf32, #tpu.memory_space<vmem>>, vector<16xf32>,
      %get3A_1744 = arith.constant 0 : i32
      %get3A_1745 = arith.index_cast %get3A_1744 : i32 to index
      %get3A_1746 = arith.constant 336 : index
      %get3A_1747 = tpu.vector_load %arg21[%get3A_1745, %get3A_1746] {strides = array<i32>} : memref<16x384xf32, #tpu.memory_space<vmem>>, vector<16xf32>,
      %get3A_1748 = arith.constant 1 : i32
      %get3A_1749 = arith.index_cast %get3A_1748 : i32 to index
      %get3A_1750 = arith.constant 336 : index
      %get3A_1751 = tpu.vector_load %arg21[%get3A_1749, %get3A_1750] {strides = array<i32>} : memref<16x384xf32, #tpu.memory_space<vmem>>, vector<16xf32>,
      %add3A_1752 = arith.addf %get3A_1747, %get3A_1751 : vector<16xf32>
      %get3A_1753 = arith.constant 2 : i32
      %get3A_1754 = arith.index_cast %get3A_1753 : i32 to index
      %get3A_1755 = arith.constant 336 : index
      %get3A_1756 = tpu.vector_load %arg21[%get3A_1754, %get3A_1755] {strides = array<i32>} : memref<16x384xf32, #tpu.memory_space<vmem>>, vector<16xf32>,
      %add3A_1757 = arith.addf %add3A_1752, %get3A_1756 : vector<16xf32>
      %get3A_1758 = arith.constant 3 : i32
      %get3A_1759 = arith.index_cast %get3A_1758 : i32 to index
      %get3A_1760 = arith.constant 336 : index
      %get3A_1761 = tpu.vector_load %arg21[%get3A_1759, %get3A_1760] {strides = array<i32>} : memref<16x384xf32, #tpu.memory_space<vmem>>, vector<16xf32>,
      %add3A_1762 = arith.addf %add3A_1757, %get3A_1761 : vector<16xf32>
      %get3A_1763 = arith.constant 4 : i32
      %get3A_1764 = arith.index_cast %get3A_1763 : i32 to index
      %get3A_1765 = arith.constant 336 : index
      %get3A_1766 = tpu.vector_load %arg21[%get3A_1764, %get3A_1765] {strides = array<i32>} : memref<16x384xf32, #tpu.memory_space<vmem>>, vector<16xf32>,
      %add3A_1767 = arith.addf %add3A_1762, %get3A_1766 : vector<16xf32>
      %get3A_1768 = arith.constant 5 : i32
      %get3A_1769 = arith.index_cast %get3A_1768 : i32 to index
      %get3A_1770 = arith.constant 336 : index
      %get3A_1771 = tpu.vector_load %arg21[%get3A_1769, %get3A_1770] {strides = array<i32>} : memref<16x384xf32, #tpu.memory_space<vmem>>, vector<16xf32>,
      %add3A_1772 = arith.addf %add3A_1767, %get3A_1771 : vector<16xf32>
      %get3A_1773 = arith.constant 6 : i32
      %get3A_1774 = arith.index_cast %get3A_1773 : i32 to index
      %get3A_1775 = arith.constant 336 : index
      %get3A_1776 = tpu.vector_load %arg21[%get3A_1774, %get3A_1775] {strides = array<i32>} : memref<16x384xf32, #tpu.memory_space<vmem>>, vector<16xf32>,
      %add3A_1777 = arith.addf %add3A_1772, %get3A_1776 : vector<16xf32>
      %get3A_1778 = arith.constant 7 : i32
      %get3A_1779 = arith.index_cast %get3A_1778 : i32 to index
      %get3A_1780 = arith.constant 336 : index
      %get3A_1781 = tpu.vector_load %arg21[%get3A_1779, %get3A_1780] {strides = array<i32>} : memref<16x384xf32, #tpu.memory_space<vmem>>, vector<16xf32>,
      %add3A_1782 = arith.addf %add3A_1777, %get3A_1781 : vector<16xf32>
      %get3A_1783 = arith.constant 8 : i32
      %get3A_1784 = arith.index_cast %get3A_1783 : i32 to index
      %get3A_1785 = arith.constant 336 : index
      %get3A_1786 = tpu.vector_load %arg21[%get3A_1784, %get3A_1785] {strides = array<i32>} : memref<16x384xf32, #tpu.memory_space<vmem>>, vector<16xf32>,
      %add3A_1787 = arith.addf %add3A_1782, %get3A_1786 : vector<16xf32>
      %get3A_1788 = arith.constant 9 : i32
      %get3A_1789 = arith.index_cast %get3A_1788 : i32 to index
      %get3A_1790 = arith.constant 336 : index
      %get3A_1791 = tpu.vector_load %arg21[%get3A_1789, %get3A_1790] {strides = array<i32>} : memref<16x384xf32, #tpu.memory_space<vmem>>, vector<16xf32>,
      %add3A_1792 = arith.addf %add3A_1787, %get3A_1791 : vector<16xf32>
      %get3A_1793 = arith.constant 10 : i32
      %get3A_1794 = arith.index_cast %get3A_1793 : i32 to index
      %get3A_1795 = arith.constant 336 : index
      %get3A_1796 = tpu.vector_load %arg21[%get3A_1794, %get3A_1795] {strides = array<i32>} : memref<16x384xf32, #tpu.memory_space<vmem>>, vector<16xf32>,
      %add3A_1797 = arith.addf %add3A_1792, %get3A_1796 : vector<16xf32>
      %get3A_1798 = arith.constant 11 : i32
      %get3A_1799 = arith.index_cast %get3A_1798 : i32 to index
      %get3A_1800 = arith.constant 336 : index
      %get3A_1801 = tpu.vector_load %arg21[%get3A_1799, %get3A_1800] {strides = array<i32>} : memref<16x384xf32, #tpu.memory_space<vmem>>, vector<16xf32>,
      %add3A_1802 = arith.addf %add3A_1797, %get3A_1801 : vector<16xf32>
      %get3A_1803 = arith.constant 12 : i32
      %get3A_1804 = arith.index_cast %get3A_1803 : i32 to index
      %get3A_1805 = arith.constant 336 : index
      %get3A_1806 = tpu.vector_load %arg21[%get3A_1804, %get3A_1805] {strides = array<i32>} : memref<16x384xf32, #tpu.memory_space<vmem>>, vector<16xf32>,
      %add3A_1807 = arith.addf %add3A_1802, %get3A_1806 : vector<16xf32>
      %get3A_1808 = arith.constant 13 : i32
      %get3A_1809 = arith.index_cast %get3A_1808 : i32 to index
      %get3A_1810 = arith.constant 336 : index
      %get3A_1811 = tpu.vector_load %arg21[%get3A_1809, %get3A_1810] {strides = array<i32>} : memref<16x384xf32, #tpu.memory_space<vmem>>, vector<16xf32>,
      %add3A_1812 = arith.addf %add3A_1807, %get3A_1811 : vector<16xf32>
      %get3A_1813 = arith.constant 14 : i32
      %get3A_1814 = arith.index_cast %get3A_1813 : i32 to index
      %get3A_1815 = arith.constant 336 : index
      %get3A_1816 = tpu.vector_load %arg21[%get3A_1814, %get3A_1815] {strides = array<i32>} : memref<16x384xf32, #tpu.memory_space<vmem>>, vector<16xf32>,
      %add3A_1817 = arith.addf %add3A_1812, %get3A_1816 : vector<16xf32>
      %get3A_1818 = arith.constant 15 : i32
      %get3A_1819 = arith.index_cast %get3A_1818 : i32 to index
      %get3A_1820 = arith.constant 336 : index
      %get3A_1821 = tpu.vector_load %arg21[%get3A_1819, %get3A_1820] {strides = array<i32>} : memref<16x384xf32, #tpu.memory_space<vmem>>, vector<16xf32>,
      %add3A_1822 = arith.addf %add3A_1817, %get3A_1821 : vector<16xf32>
      %swap3A_1823 = arith.constant 336 : index
      %swap3A_1824 = tpu.vector_load %arg22[%swap3A_1823] {strides = array<i32>} : memref<384xf32, #tpu.memory_space<vmem>>, vector<16xf32>,
      tpu.vector_store %arg22[%swap3A_1823], %add3A_1822 {strides = array<i32>} : memref<384xf32, #tpu.memory_space<vmem>>, vector<16xf32>,
      %get3A_1825 = arith.constant 0 : i32
      %get3A_1826 = arith.index_cast %get3A_1825 : i32 to index
      %get3A_1827 = arith.constant 352 : index
      %get3A_1828 = tpu.vector_load %arg21[%get3A_1826, %get3A_1827] {strides = array<i32>} : memref<16x384xf32, #tpu.memory_space<vmem>>, vector<16xf32>,
      %get3A_1829 = arith.constant 1 : i32
      %get3A_1830 = arith.index_cast %get3A_1829 : i32 to index
      %get3A_1831 = arith.constant 352 : index
      %get3A_1832 = tpu.vector_load %arg21[%get3A_1830, %get3A_1831] {strides = array<i32>} : memref<16x384xf32, #tpu.memory_space<vmem>>, vector<16xf32>,
      %add3A_1833 = arith.addf %get3A_1828, %get3A_1832 : vector<16xf32>
      %get3A_1834 = arith.constant 2 : i32
      %get3A_1835 = arith.index_cast %get3A_1834 : i32 to index
      %get3A_1836 = arith.constant 352 : index
      %get3A_1837 = tpu.vector_load %arg21[%get3A_1835, %get3A_1836] {strides = array<i32>} : memref<16x384xf32, #tpu.memory_space<vmem>>, vector<16xf32>,
      %add3A_1838 = arith.addf %add3A_1833, %get3A_1837 : vector<16xf32>
      %get3A_1839 = arith.constant 3 : i32
      %get3A_1840 = arith.index_cast %get3A_1839 : i32 to index
      %get3A_1841 = arith.constant 352 : index
      %get3A_1842 = tpu.vector_load %arg21[%get3A_1840, %get3A_1841] {strides = array<i32>} : memref<16x384xf32, #tpu.memory_space<vmem>>, vector<16xf32>,
      %add3A_1843 = arith.addf %add3A_1838, %get3A_1842 : vector<16xf32>
      %get3A_1844 = arith.constant 4 : i32
      %get3A_1845 = arith.index_cast %get3A_1844 : i32 to index
      %get3A_1846 = arith.constant 352 : index
      %get3A_1847 = tpu.vector_load %arg21[%get3A_1845, %get3A_1846] {strides = array<i32>} : memref<16x384xf32, #tpu.memory_space<vmem>>, vector<16xf32>,
      %add3A_1848 = arith.addf %add3A_1843, %get3A_1847 : vector<16xf32>
      %get3A_1849 = arith.constant 5 : i32
      %get3A_1850 = arith.index_cast %get3A_1849 : i32 to index
      %get3A_1851 = arith.constant 352 : index
      %get3A_1852 = tpu.vector_load %arg21[%get3A_1850, %get3A_1851] {strides = array<i32>} : memref<16x384xf32, #tpu.memory_space<vmem>>, vector<16xf32>,
      %add3A_1853 = arith.addf %add3A_1848, %get3A_1852 : vector<16xf32>
      %get3A_1854 = arith.constant 6 : i32
      %get3A_1855 = arith.index_cast %get3A_1854 : i32 to index
      %get3A_1856 = arith.constant 352 : index
      %get3A_1857 = tpu.vector_load %arg21[%get3A_1855, %get3A_1856] {strides = array<i32>} : memref<16x384xf32, #tpu.memory_space<vmem>>, vector<16xf32>,
      %add3A_1858 = arith.addf %add3A_1853, %get3A_1857 : vector<16xf32>
      %get3A_1859 = arith.constant 7 : i32
      %get3A_1860 = arith.index_cast %get3A_1859 : i32 to index
      %get3A_1861 = arith.constant 352 : index
      %get3A_1862 = tpu.vector_load %arg21[%get3A_1860, %get3A_1861] {strides = array<i32>} : memref<16x384xf32, #tpu.memory_space<vmem>>, vector<16xf32>,
      %add3A_1863 = arith.addf %add3A_1858, %get3A_1862 : vector<16xf32>
      %get3A_1864 = arith.constant 8 : i32
      %get3A_1865 = arith.index_cast %get3A_1864 : i32 to index
      %get3A_1866 = arith.constant 352 : index
      %get3A_1867 = tpu.vector_load %arg21[%get3A_1865, %get3A_1866] {strides = array<i32>} : memref<16x384xf32, #tpu.memory_space<vmem>>, vector<16xf32>,
      %add3A_1868 = arith.addf %add3A_1863, %get3A_1867 : vector<16xf32>
      %get3A_1869 = arith.constant 9 : i32
      %get3A_1870 = arith.index_cast %get3A_1869 : i32 to index
      %get3A_1871 = arith.constant 352 : index
      %get3A_1872 = tpu.vector_load %arg21[%get3A_1870, %get3A_1871] {strides = array<i32>} : memref<16x384xf32, #tpu.memory_space<vmem>>, vector<16xf32>,
      %add3A_1873 = arith.addf %add3A_1868, %get3A_1872 : vector<16xf32>
      %get3A_1874 = arith.constant 10 : i32
      %get3A_1875 = arith.index_cast %get3A_1874 : i32 to index
      %get3A_1876 = arith.constant 352 : index
      %get3A_1877 = tpu.vector_load %arg21[%get3A_1875, %get3A_1876] {strides = array<i32>} : memref<16x384xf32, #tpu.memory_space<vmem>>, vector<16xf32>,
      %add3A_1878 = arith.addf %add3A_1873, %get3A_1877 : vector<16xf32>
      %get3A_1879 = arith.constant 11 : i32
      %get3A_1880 = arith.index_cast %get3A_1879 : i32 to index
      %get3A_1881 = arith.constant 352 : index
      %get3A_1882 = tpu.vector_load %arg21[%get3A_1880, %get3A_1881] {strides = array<i32>} : memref<16x384xf32, #tpu.memory_space<vmem>>, vector<16xf32>,
      %add3A_1883 = arith.addf %add3A_1878, %get3A_1882 : vector<16xf32>
      %get3A_1884 = arith.constant 12 : i32
      %get3A_1885 = arith.index_cast %get3A_1884 : i32 to index
      %get3A_1886 = arith.constant 352 : index
      %get3A_1887 = tpu.vector_load %arg21[%get3A_1885, %get3A_1886] {strides = array<i32>} : memref<16x384xf32, #tpu.memory_space<vmem>>, vector<16xf32>,
      %add3A_1888 = arith.addf %add3A_1883, %get3A_1887 : vector<16xf32>
      %get3A_1889 = arith.constant 13 : i32
      %get3A_1890 = arith.index_cast %get3A_1889 : i32 to index
      %get3A_1891 = arith.constant 352 : index
      %get3A_1892 = tpu.vector_load %arg21[%get3A_1890, %get3A_1891] {strides = array<i32>} : memref<16x384xf32, #tpu.memory_space<vmem>>, vector<16xf32>,
      %add3A_1893 = arith.addf %add3A_1888, %get3A_1892 : vector<16xf32>
      %get3A_1894 = arith.constant 14 : i32
      %get3A_1895 = arith.index_cast %get3A_1894 : i32 to index
      %get3A_1896 = arith.constant 352 : index
      %get3A_1897 = tpu.vector_load %arg21[%get3A_1895, %get3A_1896] {strides = array<i32>} : memref<16x384xf32, #tpu.memory_space<vmem>>, vector<16xf32>,
      %add3A_1898 = arith.addf %add3A_1893, %get3A_1897 : vector<16xf32>
      %get3A_1899 = arith.constant 15 : i32
      %get3A_1900 = arith.index_cast %get3A_1899 : i32 to index
      %get3A_1901 = arith.constant 352 : index
      %get3A_1902 = tpu.vector_load %arg21[%get3A_1900, %get3A_1901] {strides = array<i32>} : memref<16x384xf32, #tpu.memory_space<vmem>>, vector<16xf32>,
      %add3A_1903 = arith.addf %add3A_1898, %get3A_1902 : vector<16xf32>
      %swap3A_1904 = arith.constant 352 : index
      %swap3A_1905 = tpu.vector_load %arg22[%swap3A_1904] {strides = array<i32>} : memref<384xf32, #tpu.memory_space<vmem>>, vector<16xf32>,
      tpu.vector_store %arg22[%swap3A_1904], %add3A_1903 {strides = array<i32>} : memref<384xf32, #tpu.memory_space<vmem>>, vector<16xf32>,
      %get3A_1906 = arith.constant 0 : i32
      %get3A_1907 = arith.index_cast %get3A_1906 : i32 to index
      %get3A_1908 = arith.constant 368 : index
      %get3A_1909 = tpu.vector_load %arg21[%get3A_1907, %get3A_1908] {strides = array<i32>} : memref<16x384xf32, #tpu.memory_space<vmem>>, vector<16xf32>,
      %get3A_1910 = arith.constant 1 : i32
      %get3A_1911 = arith.index_cast %get3A_1910 : i32 to index
      %get3A_1912 = arith.constant 368 : index
      %get3A_1913 = tpu.vector_load %arg21[%get3A_1911, %get3A_1912] {strides = array<i32>} : memref<16x384xf32, #tpu.memory_space<vmem>>, vector<16xf32>,
      %add3A_1914 = arith.addf %get3A_1909, %get3A_1913 : vector<16xf32>
      %get3A_1915 = arith.constant 2 : i32
      %get3A_1916 = arith.index_cast %get3A_1915 : i32 to index
      %get3A_1917 = arith.constant 368 : index
      %get3A_1918 = tpu.vector_load %arg21[%get3A_1916, %get3A_1917] {strides = array<i32>} : memref<16x384xf32, #tpu.memory_space<vmem>>, vector<16xf32>,
      %add3A_1919 = arith.addf %add3A_1914, %get3A_1918 : vector<16xf32>
      %get3A_1920 = arith.constant 3 : i32
      %get3A_1921 = arith.index_cast %get3A_1920 : i32 to index
      %get3A_1922 = arith.constant 368 : index
      %get3A_1923 = tpu.vector_load %arg21[%get3A_1921, %get3A_1922] {strides = array<i32>} : memref<16x384xf32, #tpu.memory_space<vmem>>, vector<16xf32>,
      %add3A_1924 = arith.addf %add3A_1919, %get3A_1923 : vector<16xf32>
      %get3A_1925 = arith.constant 4 : i32
      %get3A_1926 = arith.index_cast %get3A_1925 : i32 to index
      %get3A_1927 = arith.constant 368 : index
      %get3A_1928 = tpu.vector_load %arg21[%get3A_1926, %get3A_1927] {strides = array<i32>} : memref<16x384xf32, #tpu.memory_space<vmem>>, vector<16xf32>,
      %add3A_1929 = arith.addf %add3A_1924, %get3A_1928 : vector<16xf32>
      %get3A_1930 = arith.constant 5 : i32
      %get3A_1931 = arith.index_cast %get3A_1930 : i32 to index
      %get3A_1932 = arith.constant 368 : index
      %get3A_1933 = tpu.vector_load %arg21[%get3A_1931, %get3A_1932] {strides = array<i32>} : memref<16x384xf32, #tpu.memory_space<vmem>>, vector<16xf32>,
      %add3A_1934 = arith.addf %add3A_1929, %get3A_1933 : vector<16xf32>
      %get3A_1935 = arith.constant 6 : i32
      %get3A_1936 = arith.index_cast %get3A_1935 : i32 to index
      %get3A_1937 = arith.constant 368 : index
      %get3A_1938 = tpu.vector_load %arg21[%get3A_1936, %get3A_1937] {strides = array<i32>} : memref<16x384xf32, #tpu.memory_space<vmem>>, vector<16xf32>,
      %add3A_1939 = arith.addf %add3A_1934, %get3A_1938 : vector<16xf32>
      %get3A_1940 = arith.constant 7 : i32
      %get3A_1941 = arith.index_cast %get3A_1940 : i32 to index
      %get3A_1942 = arith.constant 368 : index
      %get3A_1943 = tpu.vector_load %arg21[%get3A_1941, %get3A_1942] {strides = array<i32>} : memref<16x384xf32, #tpu.memory_space<vmem>>, vector<16xf32>,
      %add3A_1944 = arith.addf %add3A_1939, %get3A_1943 : vector<16xf32>
      %get3A_1945 = arith.constant 8 : i32
      %get3A_1946 = arith.index_cast %get3A_1945 : i32 to index
      %get3A_1947 = arith.constant 368 : index
      %get3A_1948 = tpu.vector_load %arg21[%get3A_1946, %get3A_1947] {strides = array<i32>} : memref<16x384xf32, #tpu.memory_space<vmem>>, vector<16xf32>,
      %add3A_1949 = arith.addf %add3A_1944, %get3A_1948 : vector<16xf32>
      %get3A_1950 = arith.constant 9 : i32
      %get3A_1951 = arith.index_cast %get3A_1950 : i32 to index
      %get3A_1952 = arith.constant 368 : index
      %get3A_1953 = tpu.vector_load %arg21[%get3A_1951, %get3A_1952] {strides = array<i32>} : memref<16x384xf32, #tpu.memory_space<vmem>>, vector<16xf32>,
      %add3A_1954 = arith.addf %add3A_1949, %get3A_1953 : vector<16xf32>
      %get3A_1955 = arith.constant 10 : i32
      %get3A_1956 = arith.index_cast %get3A_1955 : i32 to index
      %get3A_1957 = arith.constant 368 : index
      %get3A_1958 = tpu.vector_load %arg21[%get3A_1956, %get3A_1957] {strides = array<i32>} : memref<16x384xf32, #tpu.memory_space<vmem>>, vector<16xf32>,
      %add3A_1959 = arith.addf %add3A_1954, %get3A_1958 : vector<16xf32>
      %get3A_1960 = arith.constant 11 : i32
      %get3A_1961 = arith.index_cast %get3A_1960 : i32 to index
      %get3A_1962 = arith.constant 368 : index
      %get3A_1963 = tpu.vector_load %arg21[%get3A_1961, %get3A_1962] {strides = array<i32>} : memref<16x384xf32, #tpu.memory_space<vmem>>, vector<16xf32>,
      %add3A_1964 = arith.addf %add3A_1959, %get3A_1963 : vector<16xf32>
      %get3A_1965 = arith.constant 12 : i32
      %get3A_1966 = arith.index_cast %get3A_1965 : i32 to index
      %get3A_1967 = arith.constant 368 : index
      %get3A_1968 = tpu.vector_load %arg21[%get3A_1966, %get3A_1967] {strides = array<i32>} : memref<16x384xf32, #tpu.memory_space<vmem>>, vector<16xf32>,
      %add3A_1969 = arith.addf %add3A_1964, %get3A_1968 : vector<16xf32>
      %get3A_1970 = arith.constant 13 : i32
      %get3A_1971 = arith.index_cast %get3A_1970 : i32 to index
      %get3A_1972 = arith.constant 368 : index
      %get3A_1973 = tpu.vector_load %arg21[%get3A_1971, %get3A_1972] {strides = array<i32>} : memref<16x384xf32, #tpu.memory_space<vmem>>, vector<16xf32>,
      %add3A_1974 = arith.addf %add3A_1969, %get3A_1973 : vector<16xf32>
      %get3A_1975 = arith.constant 14 : i32
      %get3A_1976 = arith.index_cast %get3A_1975 : i32 to index
      %get3A_1977 = arith.constant 368 : index
      %get3A_1978 = tpu.vector_load %arg21[%get3A_1976, %get3A_1977] {strides = array<i32>} : memref<16x384xf32, #tpu.memory_space<vmem>>, vector<16xf32>,
      %add3A_1979 = arith.addf %add3A_1974, %get3A_1978 : vector<16xf32>
      %get3A_1980 = arith.constant 15 : i32
      %get3A_1981 = arith.index_cast %get3A_1980 : i32 to index
      %get3A_1982 = arith.constant 368 : index
      %get3A_1983 = tpu.vector_load %arg21[%get3A_1981, %get3A_1982] {strides = array<i32>} : memref<16x384xf32, #tpu.memory_space<vmem>>, vector<16xf32>,
      %add3A_1984 = arith.addf %add3A_1979, %get3A_1983 : vector<16xf32>
      %swap3A_1985 = arith.constant 368 : index
      %swap3A_1986 = tpu.vector_load %arg22[%swap3A_1985] {strides = array<i32>} : memref<384xf32, #tpu.memory_space<vmem>>, vector<16xf32>,
      tpu.vector_store %arg22[%swap3A_1985], %add3A_1984 {strides = array<i32>} : memref<384xf32, #tpu.memory_space<vmem>>, vector<16xf32>,
      %mul3A_1987 = arith.constant 384 : i32
      %mul3A_1988 = arith.muli %arg1, %mul3A_1987 : i32
      "tpu.region"() ({
        %run_scoped3A = tpu.sem_alloc : memref<!tpu.dma_semaphore, #tpu.memory_space<semaphore_mem>>
        %dma_start3A = tpu.memref_slice %arg29[%mul3A_1988] : memref<6144xf32, #tpu.memory_space<vmem_shared>> -> memref<384xf32, #tpu.memory_space<vmem_shared>>
        %dma_start3A_1989 = tpu.memref_slice %arg29[%mul3A_1988] : memref<6144xf32, #tpu.memory_space<vmem_shared>> -> memref<384xf32, #tpu.memory_space<vmem_shared>>
        tpu.enqueue_dma source(%arg22 : memref<384xf32, #tpu.memory_space<vmem>>) target(%dma_start3A_1989 : memref<384xf32, #tpu.memory_space<vmem_shared>>) target_semaphore(%run_scoped3A : memref<!tpu.dma_semaphore, #tpu.memory_space<semaphore_mem>>)
        %dma_wait3A = tpu.memref_slice %arg29[%mul3A_1988] : memref<6144xf32, #tpu.memory_space<vmem_shared>> -> memref<384xf32, #tpu.memory_space<vmem_shared>>
        %dma_wait3A_1990 = tpu.memref_slice %arg29[%mul3A_1988] : memref<6144xf32, #tpu.memory_space<vmem_shared>> -> memref<384xf32, #tpu.memory_space<vmem_shared>>
        tpu.wait_dma2 semaphore(%run_scoped3A : memref<!tpu.dma_semaphore, #tpu.memory_space<semaphore_mem>>) src(%arg22 : memref<384xf32, #tpu.memory_space<vmem>>) dst(%dma_wait3A_1990 : memref<384xf32, #tpu.memory_space<vmem_shared>>)
        tpu.yield
      }) : () -> ()
    } else {
    }
    %barrier3A_27 = arith.constant 0 : index
    tpu.barrier barrier_id(%barrier3A_27)
    %eq3A_28 = arith.constant 0 : i32
    %eq3A_29 = arith.cmpi eq, %arg0, %eq3A_28 : i32
    %eq3A_30 = arith.constant 0 : i32
    %eq3A_31 = arith.cmpi eq, %arg1, %eq3A_30 : i32
    %and3A = arith.andi %eq3A_29, %eq3A_31 : i1
    %convert_element_type3A_32 = arith.extui %and3A : i1 to i32
    %cond3A_33 = arith.constant 0 : i32
    %cond3A_34 = arith.cmpi ne, %convert_element_type3A_32, %cond3A_33 : i32
    scf.if %cond3A_34 {
      "tpu.region"() ({
        %run_scoped3A = tpu.sem_alloc : memref<!tpu.dma_semaphore, #tpu.memory_space<semaphore_mem>>
        tpu.enqueue_dma source(%arg29 : memref<6144xf32, #tpu.memory_space<vmem_shared>>) target(%arg23 : memref<6144xf32, #tpu.memory_space<vmem>>) target_semaphore(%run_scoped3A : memref<!tpu.dma_semaphore, #tpu.memory_space<semaphore_mem>>)
        tpu.wait_dma2 semaphore(%run_scoped3A : memref<!tpu.dma_semaphore, #tpu.memory_space<semaphore_mem>>) src(%arg29 : memref<6144xf32, #tpu.memory_space<vmem_shared>>) dst(%arg23 : memref<6144xf32, #tpu.memory_space<vmem>>)
        tpu.yield
      }) : () -> ()
      "tpu.region"() ({
        %run_scoped3A = tpu.sem_alloc : memref<!tpu.dma_semaphore, #tpu.memory_space<semaphore_mem>>
        tpu.enqueue_dma source(%arg9 : memref<64xf32, #tpu.memory_space<hbm>>) target(%arg25 : memref<64xf32, #tpu.memory_space<vmem>>) target_semaphore(%run_scoped3A : memref<!tpu.dma_semaphore, #tpu.memory_space<semaphore_mem>>)
        tpu.wait_dma2 semaphore(%run_scoped3A : memref<!tpu.dma_semaphore, #tpu.memory_space<semaphore_mem>>) src(%arg9 : memref<64xf32, #tpu.memory_space<hbm>>) dst(%arg25 : memref<64xf32, #tpu.memory_space<vmem>>)
        tpu.yield
      }) : () -> ()
      %add3A_43 = arith.constant 0 : i32
      %add3A_44 = vector.broadcast %add3A_43 : i32 to vector<16xi32>
      %add3A_45 = arith.addi %iota3A, %add3A_44 : vector<16xi32>
      %mul3A_46 = arith.constant 96 : i32
      %mul3A_47 = vector.broadcast %mul3A_46 : i32 to vector<16xi32>
      %mul3A_48 = arith.muli %add3A_45, %mul3A_47 : vector<16xi32>
      %get3A = arith.constant 0 : index
      %get3A_49 = tpu.vector_load %arg25[%get3A] {strides = array<i32>} : memref<64xf32, #tpu.memory_space<vmem>>, vector<16xf32>,
      %add3A_50 = arith.constant 0 : i32
      %add3A_51 = vector.broadcast %add3A_50 : i32 to vector<16xi32>
      %add3A_52 = arith.addi %mul3A_48, %add3A_51 : vector<16xi32>
      %gather3A = tpu.vector_load_idx %arg23[%add3A_52] : memref<6144xf32, #tpu.memory_space<vmem>>[vector<16xi32>], vector<16xf32>,
      %add3A_53 = arith.addf %broadcast_in_dim3A_19, %gather3A : vector<16xf32>
      %add3A_54 = arith.constant 1 : i32
      %add3A_55 = vector.broadcast %add3A_54 : i32 to vector<16xi32>
      %add3A_56 = arith.addi %mul3A_48, %add3A_55 : vector<16xi32>
      %gather3A_57 = tpu.vector_load_idx %arg23[%add3A_56] : memref<6144xf32, #tpu.memory_space<vmem>>[vector<16xi32>], vector<16xf32>,
      %add3A_58 = arith.addf %add3A_53, %gather3A_57 : vector<16xf32>
      %add3A_59 = arith.constant 2 : i32
      %add3A_60 = vector.broadcast %add3A_59 : i32 to vector<16xi32>
      %add3A_61 = arith.addi %mul3A_48, %add3A_60 : vector<16xi32>
      %gather3A_62 = tpu.vector_load_idx %arg23[%add3A_61] : memref<6144xf32, #tpu.memory_space<vmem>>[vector<16xi32>], vector<16xf32>,
      %add3A_63 = arith.addf %add3A_58, %gather3A_62 : vector<16xf32>
      %add3A_64 = arith.constant 3 : i32
      %add3A_65 = vector.broadcast %add3A_64 : i32 to vector<16xi32>
      %add3A_66 = arith.addi %mul3A_48, %add3A_65 : vector<16xi32>
      %gather3A_67 = tpu.vector_load_idx %arg23[%add3A_66] : memref<6144xf32, #tpu.memory_space<vmem>>[vector<16xi32>], vector<16xf32>,
      %add3A_68 = arith.addf %add3A_63, %gather3A_67 : vector<16xf32>
      %add3A_69 = arith.constant 4 : i32
      %add3A_70 = vector.broadcast %add3A_69 : i32 to vector<16xi32>
      %add3A_71 = arith.addi %mul3A_48, %add3A_70 : vector<16xi32>
      %gather3A_72 = tpu.vector_load_idx %arg23[%add3A_71] : memref<6144xf32, #tpu.memory_space<vmem>>[vector<16xi32>], vector<16xf32>,
      %add3A_73 = arith.addf %add3A_68, %gather3A_72 : vector<16xf32>
      %add3A_74 = arith.constant 5 : i32
      %add3A_75 = vector.broadcast %add3A_74 : i32 to vector<16xi32>
      %add3A_76 = arith.addi %mul3A_48, %add3A_75 : vector<16xi32>
      %gather3A_77 = tpu.vector_load_idx %arg23[%add3A_76] : memref<6144xf32, #tpu.memory_space<vmem>>[vector<16xi32>], vector<16xf32>,
      %add3A_78 = arith.addf %add3A_73, %gather3A_77 : vector<16xf32>
      %add3A_79 = arith.constant 6 : i32
      %add3A_80 = vector.broadcast %add3A_79 : i32 to vector<16xi32>
      %add3A_81 = arith.addi %mul3A_48, %add3A_80 : vector<16xi32>
      %gather3A_82 = tpu.vector_load_idx %arg23[%add3A_81] : memref<6144xf32, #tpu.memory_space<vmem>>[vector<16xi32>], vector<16xf32>,
      %add3A_83 = arith.addf %add3A_78, %gather3A_82 : vector<16xf32>
      %add3A_84 = arith.constant 7 : i32
      %add3A_85 = vector.broadcast %add3A_84 : i32 to vector<16xi32>
      %add3A_86 = arith.addi %mul3A_48, %add3A_85 : vector<16xi32>
      %gather3A_87 = tpu.vector_load_idx %arg23[%add3A_86] : memref<6144xf32, #tpu.memory_space<vmem>>[vector<16xi32>], vector<16xf32>,
      %add3A_88 = arith.addf %add3A_83, %gather3A_87 : vector<16xf32>
      %add3A_89 = arith.constant 8 : i32
      %add3A_90 = vector.broadcast %add3A_89 : i32 to vector<16xi32>
      %add3A_91 = arith.addi %mul3A_48, %add3A_90 : vector<16xi32>
      %gather3A_92 = tpu.vector_load_idx %arg23[%add3A_91] : memref<6144xf32, #tpu.memory_space<vmem>>[vector<16xi32>], vector<16xf32>,
      %add3A_93 = arith.addf %add3A_88, %gather3A_92 : vector<16xf32>
      %add3A_94 = arith.constant 9 : i32
      %add3A_95 = vector.broadcast %add3A_94 : i32 to vector<16xi32>
      %add3A_96 = arith.addi %mul3A_48, %add3A_95 : vector<16xi32>
      %gather3A_97 = tpu.vector_load_idx %arg23[%add3A_96] : memref<6144xf32, #tpu.memory_space<vmem>>[vector<16xi32>], vector<16xf32>,
      %add3A_98 = arith.addf %add3A_93, %gather3A_97 : vector<16xf32>
      %add3A_99 = arith.constant 10 : i32
      %add3A_100 = vector.broadcast %add3A_99 : i32 to vector<16xi32>
      %add3A_101 = arith.addi %mul3A_48, %add3A_100 : vector<16xi32>
      %gather3A_102 = tpu.vector_load_idx %arg23[%add3A_101] : memref<6144xf32, #tpu.memory_space<vmem>>[vector<16xi32>], vector<16xf32>,
      %add3A_103 = arith.addf %add3A_98, %gather3A_102 : vector<16xf32>
      %add3A_104 = arith.constant 11 : i32
      %add3A_105 = vector.broadcast %add3A_104 : i32 to vector<16xi32>
      %add3A_106 = arith.addi %mul3A_48, %add3A_105 : vector<16xi32>
      %gather3A_107 = tpu.vector_load_idx %arg23[%add3A_106] : memref<6144xf32, #tpu.memory_space<vmem>>[vector<16xi32>], vector<16xf32>,
      %add3A_108 = arith.addf %add3A_103, %gather3A_107 : vector<16xf32>
      %add3A_109 = arith.constant 12 : i32
      %add3A_110 = vector.broadcast %add3A_109 : i32 to vector<16xi32>
      %add3A_111 = arith.addi %mul3A_48, %add3A_110 : vector<16xi32>
      %gather3A_112 = tpu.vector_load_idx %arg23[%add3A_111] : memref<6144xf32, #tpu.memory_space<vmem>>[vector<16xi32>], vector<16xf32>,
      %add3A_113 = arith.addf %add3A_108, %gather3A_112 : vector<16xf32>
      %add3A_114 = arith.constant 13 : i32
      %add3A_115 = vector.broadcast %add3A_114 : i32 to vector<16xi32>
      %add3A_116 = arith.addi %mul3A_48, %add3A_115 : vector<16xi32>
      %gather3A_117 = tpu.vector_load_idx %arg23[%add3A_116] : memref<6144xf32, #tpu.memory_space<vmem>>[vector<16xi32>], vector<16xf32>,
      %add3A_118 = arith.addf %add3A_113, %gather3A_117 : vector<16xf32>
      %add3A_119 = arith.constant 14 : i32
      %add3A_120 = vector.broadcast %add3A_119 : i32 to vector<16xi32>
      %add3A_121 = arith.addi %mul3A_48, %add3A_120 : vector<16xi32>
      %gather3A_122 = tpu.vector_load_idx %arg23[%add3A_121] : memref<6144xf32, #tpu.memory_space<vmem>>[vector<16xi32>], vector<16xf32>,
      %add3A_123 = arith.addf %add3A_118, %gather3A_122 : vector<16xf32>
      %add3A_124 = arith.constant 15 : i32
      %add3A_125 = vector.broadcast %add3A_124 : i32 to vector<16xi32>
      %add3A_126 = arith.addi %mul3A_48, %add3A_125 : vector<16xi32>
      %gather3A_127 = tpu.vector_load_idx %arg23[%add3A_126] : memref<6144xf32, #tpu.memory_space<vmem>>[vector<16xi32>], vector<16xf32>,
      %add3A_128 = arith.addf %add3A_123, %gather3A_127 : vector<16xf32>
      %add3A_129 = arith.constant 0 : i32
      %add3A_130 = vector.broadcast %add3A_129 : i32 to vector<16xi32>
      %add3A_131 = arith.addi %mul3A_1, %add3A_130 : vector<16xi32>
      %div3A = arith.divf %add3A_128, %get3A_49 : vector<16xf32>
      tpu.vector_store_idx %arg24[%add3A_45, %add3A_131], %div3A : memref<64x6xf32, #tpu.memory_space<vmem>>[vector<16xi32>, vector<16xi32>], vector<16xf32>,
      %add3A_132 = arith.constant 16 : i32
      %add3A_133 = vector.broadcast %add3A_132 : i32 to vector<16xi32>
      %add3A_134 = arith.addi %mul3A_48, %add3A_133 : vector<16xi32>
      %gather3A_135 = tpu.vector_load_idx %arg23[%add3A_134] : memref<6144xf32, #tpu.memory_space<vmem>>[vector<16xi32>], vector<16xf32>,
      %add3A_136 = arith.addf %broadcast_in_dim3A_19, %gather3A_135 : vector<16xf32>
      %add3A_137 = arith.constant 17 : i32
      %add3A_138 = vector.broadcast %add3A_137 : i32 to vector<16xi32>
      %add3A_139 = arith.addi %mul3A_48, %add3A_138 : vector<16xi32>
      %gather3A_140 = tpu.vector_load_idx %arg23[%add3A_139] : memref<6144xf32, #tpu.memory_space<vmem>>[vector<16xi32>], vector<16xf32>,
      %add3A_141 = arith.addf %add3A_136, %gather3A_140 : vector<16xf32>
      %add3A_142 = arith.constant 18 : i32
      %add3A_143 = vector.broadcast %add3A_142 : i32 to vector<16xi32>
      %add3A_144 = arith.addi %mul3A_48, %add3A_143 : vector<16xi32>
      %gather3A_145 = tpu.vector_load_idx %arg23[%add3A_144] : memref<6144xf32, #tpu.memory_space<vmem>>[vector<16xi32>], vector<16xf32>,
      %add3A_146 = arith.addf %add3A_141, %gather3A_145 : vector<16xf32>
      %add3A_147 = arith.constant 19 : i32
      %add3A_148 = vector.broadcast %add3A_147 : i32 to vector<16xi32>
      %add3A_149 = arith.addi %mul3A_48, %add3A_148 : vector<16xi32>
      %gather3A_150 = tpu.vector_load_idx %arg23[%add3A_149] : memref<6144xf32, #tpu.memory_space<vmem>>[vector<16xi32>], vector<16xf32>,
      %add3A_151 = arith.addf %add3A_146, %gather3A_150 : vector<16xf32>
      %add3A_152 = arith.constant 20 : i32
      %add3A_153 = vector.broadcast %add3A_152 : i32 to vector<16xi32>
      %add3A_154 = arith.addi %mul3A_48, %add3A_153 : vector<16xi32>
      %gather3A_155 = tpu.vector_load_idx %arg23[%add3A_154] : memref<6144xf32, #tpu.memory_space<vmem>>[vector<16xi32>], vector<16xf32>,
      %add3A_156 = arith.addf %add3A_151, %gather3A_155 : vector<16xf32>
      %add3A_157 = arith.constant 21 : i32
      %add3A_158 = vector.broadcast %add3A_157 : i32 to vector<16xi32>
      %add3A_159 = arith.addi %mul3A_48, %add3A_158 : vector<16xi32>
      %gather3A_160 = tpu.vector_load_idx %arg23[%add3A_159] : memref<6144xf32, #tpu.memory_space<vmem>>[vector<16xi32>], vector<16xf32>,
      %add3A_161 = arith.addf %add3A_156, %gather3A_160 : vector<16xf32>
      %add3A_162 = arith.constant 22 : i32
      %add3A_163 = vector.broadcast %add3A_162 : i32 to vector<16xi32>
      %add3A_164 = arith.addi %mul3A_48, %add3A_163 : vector<16xi32>
      %gather3A_165 = tpu.vector_load_idx %arg23[%add3A_164] : memref<6144xf32, #tpu.memory_space<vmem>>[vector<16xi32>], vector<16xf32>,
      %add3A_166 = arith.addf %add3A_161, %gather3A_165 : vector<16xf32>
      %add3A_167 = arith.constant 23 : i32
      %add3A_168 = vector.broadcast %add3A_167 : i32 to vector<16xi32>
      %add3A_169 = arith.addi %mul3A_48, %add3A_168 : vector<16xi32>
      %gather3A_170 = tpu.vector_load_idx %arg23[%add3A_169] : memref<6144xf32, #tpu.memory_space<vmem>>[vector<16xi32>], vector<16xf32>,
      %add3A_171 = arith.addf %add3A_166, %gather3A_170 : vector<16xf32>
      %add3A_172 = arith.constant 24 : i32
      %add3A_173 = vector.broadcast %add3A_172 : i32 to vector<16xi32>
      %add3A_174 = arith.addi %mul3A_48, %add3A_173 : vector<16xi32>
      %gather3A_175 = tpu.vector_load_idx %arg23[%add3A_174] : memref<6144xf32, #tpu.memory_space<vmem>>[vector<16xi32>], vector<16xf32>,
      %add3A_176 = arith.addf %add3A_171, %gather3A_175 : vector<16xf32>
      %add3A_177 = arith.constant 25 : i32
      %add3A_178 = vector.broadcast %add3A_177 : i32 to vector<16xi32>
      %add3A_179 = arith.addi %mul3A_48, %add3A_178 : vector<16xi32>
      %gather3A_180 = tpu.vector_load_idx %arg23[%add3A_179] : memref<6144xf32, #tpu.memory_space<vmem>>[vector<16xi32>], vector<16xf32>,
      %add3A_181 = arith.addf %add3A_176, %gather3A_180 : vector<16xf32>
      %add3A_182 = arith.constant 26 : i32
      %add3A_183 = vector.broadcast %add3A_182 : i32 to vector<16xi32>
      %add3A_184 = arith.addi %mul3A_48, %add3A_183 : vector<16xi32>
      %gather3A_185 = tpu.vector_load_idx %arg23[%add3A_184] : memref<6144xf32, #tpu.memory_space<vmem>>[vector<16xi32>], vector<16xf32>,
      %add3A_186 = arith.addf %add3A_181, %gather3A_185 : vector<16xf32>
      %add3A_187 = arith.constant 27 : i32
      %add3A_188 = vector.broadcast %add3A_187 : i32 to vector<16xi32>
      %add3A_189 = arith.addi %mul3A_48, %add3A_188 : vector<16xi32>
      %gather3A_190 = tpu.vector_load_idx %arg23[%add3A_189] : memref<6144xf32, #tpu.memory_space<vmem>>[vector<16xi32>], vector<16xf32>,
      %add3A_191 = arith.addf %add3A_186, %gather3A_190 : vector<16xf32>
      %add3A_192 = arith.constant 28 : i32
      %add3A_193 = vector.broadcast %add3A_192 : i32 to vector<16xi32>
      %add3A_194 = arith.addi %mul3A_48, %add3A_193 : vector<16xi32>
      %gather3A_195 = tpu.vector_load_idx %arg23[%add3A_194] : memref<6144xf32, #tpu.memory_space<vmem>>[vector<16xi32>], vector<16xf32>,
      %add3A_196 = arith.addf %add3A_191, %gather3A_195 : vector<16xf32>
      %add3A_197 = arith.constant 29 : i32
      %add3A_198 = vector.broadcast %add3A_197 : i32 to vector<16xi32>
      %add3A_199 = arith.addi %mul3A_48, %add3A_198 : vector<16xi32>
      %gather3A_200 = tpu.vector_load_idx %arg23[%add3A_199] : memref<6144xf32, #tpu.memory_space<vmem>>[vector<16xi32>], vector<16xf32>,
      %add3A_201 = arith.addf %add3A_196, %gather3A_200 : vector<16xf32>
      %add3A_202 = arith.constant 30 : i32
      %add3A_203 = vector.broadcast %add3A_202 : i32 to vector<16xi32>
      %add3A_204 = arith.addi %mul3A_48, %add3A_203 : vector<16xi32>
      %gather3A_205 = tpu.vector_load_idx %arg23[%add3A_204] : memref<6144xf32, #tpu.memory_space<vmem>>[vector<16xi32>], vector<16xf32>,
      %add3A_206 = arith.addf %add3A_201, %gather3A_205 : vector<16xf32>
      %add3A_207 = arith.constant 31 : i32
      %add3A_208 = vector.broadcast %add3A_207 : i32 to vector<16xi32>
      %add3A_209 = arith.addi %mul3A_48, %add3A_208 : vector<16xi32>
      %gather3A_210 = tpu.vector_load_idx %arg23[%add3A_209] : memref<6144xf32, #tpu.memory_space<vmem>>[vector<16xi32>], vector<16xf32>,
      %add3A_211 = arith.addf %add3A_206, %gather3A_210 : vector<16xf32>
      %add3A_212 = arith.constant 1 : i32
      %add3A_213 = vector.broadcast %add3A_212 : i32 to vector<16xi32>
      %add3A_214 = arith.addi %mul3A_1, %add3A_213 : vector<16xi32>
      %div3A_215 = arith.divf %add3A_211, %get3A_49 : vector<16xf32>
      tpu.vector_store_idx %arg24[%add3A_45, %add3A_214], %div3A_215 : memref<64x6xf32, #tpu.memory_space<vmem>>[vector<16xi32>, vector<16xi32>], vector<16xf32>,
      %add3A_216 = arith.constant 32 : i32
      %add3A_217 = vector.broadcast %add3A_216 : i32 to vector<16xi32>
      %add3A_218 = arith.addi %mul3A_48, %add3A_217 : vector<16xi32>
      %gather3A_219 = tpu.vector_load_idx %arg23[%add3A_218] : memref<6144xf32, #tpu.memory_space<vmem>>[vector<16xi32>], vector<16xf32>,
      %add3A_220 = arith.addf %broadcast_in_dim3A_19, %gather3A_219 : vector<16xf32>
      %add3A_221 = arith.constant 33 : i32
      %add3A_222 = vector.broadcast %add3A_221 : i32 to vector<16xi32>
      %add3A_223 = arith.addi %mul3A_48, %add3A_222 : vector<16xi32>
      %gather3A_224 = tpu.vector_load_idx %arg23[%add3A_223] : memref<6144xf32, #tpu.memory_space<vmem>>[vector<16xi32>], vector<16xf32>,
      %add3A_225 = arith.addf %add3A_220, %gather3A_224 : vector<16xf32>
      %add3A_226 = arith.constant 34 : i32
      %add3A_227 = vector.broadcast %add3A_226 : i32 to vector<16xi32>
      %add3A_228 = arith.addi %mul3A_48, %add3A_227 : vector<16xi32>
      %gather3A_229 = tpu.vector_load_idx %arg23[%add3A_228] : memref<6144xf32, #tpu.memory_space<vmem>>[vector<16xi32>], vector<16xf32>,
      %add3A_230 = arith.addf %add3A_225, %gather3A_229 : vector<16xf32>
      %add3A_231 = arith.constant 35 : i32
      %add3A_232 = vector.broadcast %add3A_231 : i32 to vector<16xi32>
      %add3A_233 = arith.addi %mul3A_48, %add3A_232 : vector<16xi32>
      %gather3A_234 = tpu.vector_load_idx %arg23[%add3A_233] : memref<6144xf32, #tpu.memory_space<vmem>>[vector<16xi32>], vector<16xf32>,
      %add3A_235 = arith.addf %add3A_230, %gather3A_234 : vector<16xf32>
      %add3A_236 = arith.constant 36 : i32
      %add3A_237 = vector.broadcast %add3A_236 : i32 to vector<16xi32>
      %add3A_238 = arith.addi %mul3A_48, %add3A_237 : vector<16xi32>
      %gather3A_239 = tpu.vector_load_idx %arg23[%add3A_238] : memref<6144xf32, #tpu.memory_space<vmem>>[vector<16xi32>], vector<16xf32>,
      %add3A_240 = arith.addf %add3A_235, %gather3A_239 : vector<16xf32>
      %add3A_241 = arith.constant 37 : i32
      %add3A_242 = vector.broadcast %add3A_241 : i32 to vector<16xi32>
      %add3A_243 = arith.addi %mul3A_48, %add3A_242 : vector<16xi32>
      %gather3A_244 = tpu.vector_load_idx %arg23[%add3A_243] : memref<6144xf32, #tpu.memory_space<vmem>>[vector<16xi32>], vector<16xf32>,
      %add3A_245 = arith.addf %add3A_240, %gather3A_244 : vector<16xf32>
      %add3A_246 = arith.constant 38 : i32
      %add3A_247 = vector.broadcast %add3A_246 : i32 to vector<16xi32>
      %add3A_248 = arith.addi %mul3A_48, %add3A_247 : vector<16xi32>
      %gather3A_249 = tpu.vector_load_idx %arg23[%add3A_248] : memref<6144xf32, #tpu.memory_space<vmem>>[vector<16xi32>], vector<16xf32>,
      %add3A_250 = arith.addf %add3A_245, %gather3A_249 : vector<16xf32>
      %add3A_251 = arith.constant 39 : i32
      %add3A_252 = vector.broadcast %add3A_251 : i32 to vector<16xi32>
      %add3A_253 = arith.addi %mul3A_48, %add3A_252 : vector<16xi32>
      %gather3A_254 = tpu.vector_load_idx %arg23[%add3A_253] : memref<6144xf32, #tpu.memory_space<vmem>>[vector<16xi32>], vector<16xf32>,
      %add3A_255 = arith.addf %add3A_250, %gather3A_254 : vector<16xf32>
      %add3A_256 = arith.constant 40 : i32
      %add3A_257 = vector.broadcast %add3A_256 : i32 to vector<16xi32>
      %add3A_258 = arith.addi %mul3A_48, %add3A_257 : vector<16xi32>
      %gather3A_259 = tpu.vector_load_idx %arg23[%add3A_258] : memref<6144xf32, #tpu.memory_space<vmem>>[vector<16xi32>], vector<16xf32>,
      %add3A_260 = arith.addf %add3A_255, %gather3A_259 : vector<16xf32>
      %add3A_261 = arith.constant 41 : i32
      %add3A_262 = vector.broadcast %add3A_261 : i32 to vector<16xi32>
      %add3A_263 = arith.addi %mul3A_48, %add3A_262 : vector<16xi32>
      %gather3A_264 = tpu.vector_load_idx %arg23[%add3A_263] : memref<6144xf32, #tpu.memory_space<vmem>>[vector<16xi32>], vector<16xf32>,
      %add3A_265 = arith.addf %add3A_260, %gather3A_264 : vector<16xf32>
      %add3A_266 = arith.constant 42 : i32
      %add3A_267 = vector.broadcast %add3A_266 : i32 to vector<16xi32>
      %add3A_268 = arith.addi %mul3A_48, %add3A_267 : vector<16xi32>
      %gather3A_269 = tpu.vector_load_idx %arg23[%add3A_268] : memref<6144xf32, #tpu.memory_space<vmem>>[vector<16xi32>], vector<16xf32>,
      %add3A_270 = arith.addf %add3A_265, %gather3A_269 : vector<16xf32>
      %add3A_271 = arith.constant 43 : i32
      %add3A_272 = vector.broadcast %add3A_271 : i32 to vector<16xi32>
      %add3A_273 = arith.addi %mul3A_48, %add3A_272 : vector<16xi32>
      %gather3A_274 = tpu.vector_load_idx %arg23[%add3A_273] : memref<6144xf32, #tpu.memory_space<vmem>>[vector<16xi32>], vector<16xf32>,
      %add3A_275 = arith.addf %add3A_270, %gather3A_274 : vector<16xf32>
      %add3A_276 = arith.constant 44 : i32
      %add3A_277 = vector.broadcast %add3A_276 : i32 to vector<16xi32>
      %add3A_278 = arith.addi %mul3A_48, %add3A_277 : vector<16xi32>
      %gather3A_279 = tpu.vector_load_idx %arg23[%add3A_278] : memref<6144xf32, #tpu.memory_space<vmem>>[vector<16xi32>], vector<16xf32>,
      %add3A_280 = arith.addf %add3A_275, %gather3A_279 : vector<16xf32>
      %add3A_281 = arith.constant 45 : i32
      %add3A_282 = vector.broadcast %add3A_281 : i32 to vector<16xi32>
      %add3A_283 = arith.addi %mul3A_48, %add3A_282 : vector<16xi32>
      %gather3A_284 = tpu.vector_load_idx %arg23[%add3A_283] : memref<6144xf32, #tpu.memory_space<vmem>>[vector<16xi32>], vector<16xf32>,
      %add3A_285 = arith.addf %add3A_280, %gather3A_284 : vector<16xf32>
      %add3A_286 = arith.constant 46 : i32
      %add3A_287 = vector.broadcast %add3A_286 : i32 to vector<16xi32>
      %add3A_288 = arith.addi %mul3A_48, %add3A_287 : vector<16xi32>
      %gather3A_289 = tpu.vector_load_idx %arg23[%add3A_288] : memref<6144xf32, #tpu.memory_space<vmem>>[vector<16xi32>], vector<16xf32>,
      %add3A_290 = arith.addf %add3A_285, %gather3A_289 : vector<16xf32>
      %add3A_291 = arith.constant 47 : i32
      %add3A_292 = vector.broadcast %add3A_291 : i32 to vector<16xi32>
      %add3A_293 = arith.addi %mul3A_48, %add3A_292 : vector<16xi32>
      %gather3A_294 = tpu.vector_load_idx %arg23[%add3A_293] : memref<6144xf32, #tpu.memory_space<vmem>>[vector<16xi32>], vector<16xf32>,
      %add3A_295 = arith.addf %add3A_290, %gather3A_294 : vector<16xf32>
      %add3A_296 = arith.constant 2 : i32
      %add3A_297 = vector.broadcast %add3A_296 : i32 to vector<16xi32>
      %add3A_298 = arith.addi %mul3A_1, %add3A_297 : vector<16xi32>
      %div3A_299 = arith.divf %add3A_295, %get3A_49 : vector<16xf32>
      tpu.vector_store_idx %arg24[%add3A_45, %add3A_298], %div3A_299 : memref<64x6xf32, #tpu.memory_space<vmem>>[vector<16xi32>, vector<16xi32>], vector<16xf32>,
      %add3A_300 = arith.constant 48 : i32
      %add3A_301 = vector.broadcast %add3A_300 : i32 to vector<16xi32>
      %add3A_302 = arith.addi %mul3A_48, %add3A_301 : vector<16xi32>
      %gather3A_303 = tpu.vector_load_idx %arg23[%add3A_302] : memref<6144xf32, #tpu.memory_space<vmem>>[vector<16xi32>], vector<16xf32>,
      %add3A_304 = arith.addf %broadcast_in_dim3A_19, %gather3A_303 : vector<16xf32>
      %add3A_305 = arith.constant 49 : i32
      %add3A_306 = vector.broadcast %add3A_305 : i32 to vector<16xi32>
      %add3A_307 = arith.addi %mul3A_48, %add3A_306 : vector<16xi32>
      %gather3A_308 = tpu.vector_load_idx %arg23[%add3A_307] : memref<6144xf32, #tpu.memory_space<vmem>>[vector<16xi32>], vector<16xf32>,
      %add3A_309 = arith.addf %add3A_304, %gather3A_308 : vector<16xf32>
      %add3A_310 = arith.constant 50 : i32
      %add3A_311 = vector.broadcast %add3A_310 : i32 to vector<16xi32>
      %add3A_312 = arith.addi %mul3A_48, %add3A_311 : vector<16xi32>
      %gather3A_313 = tpu.vector_load_idx %arg23[%add3A_312] : memref<6144xf32, #tpu.memory_space<vmem>>[vector<16xi32>], vector<16xf32>,
      %add3A_314 = arith.addf %add3A_309, %gather3A_313 : vector<16xf32>
      %add3A_315 = arith.constant 51 : i32
      %add3A_316 = vector.broadcast %add3A_315 : i32 to vector<16xi32>
      %add3A_317 = arith.addi %mul3A_48, %add3A_316 : vector<16xi32>
      %gather3A_318 = tpu.vector_load_idx %arg23[%add3A_317] : memref<6144xf32, #tpu.memory_space<vmem>>[vector<16xi32>], vector<16xf32>,
      %add3A_319 = arith.addf %add3A_314, %gather3A_318 : vector<16xf32>
      %add3A_320 = arith.constant 52 : i32
      %add3A_321 = vector.broadcast %add3A_320 : i32 to vector<16xi32>
      %add3A_322 = arith.addi %mul3A_48, %add3A_321 : vector<16xi32>
      %gather3A_323 = tpu.vector_load_idx %arg23[%add3A_322] : memref<6144xf32, #tpu.memory_space<vmem>>[vector<16xi32>], vector<16xf32>,
      %add3A_324 = arith.addf %add3A_319, %gather3A_323 : vector<16xf32>
      %add3A_325 = arith.constant 53 : i32
      %add3A_326 = vector.broadcast %add3A_325 : i32 to vector<16xi32>
      %add3A_327 = arith.addi %mul3A_48, %add3A_326 : vector<16xi32>
      %gather3A_328 = tpu.vector_load_idx %arg23[%add3A_327] : memref<6144xf32, #tpu.memory_space<vmem>>[vector<16xi32>], vector<16xf32>,
      %add3A_329 = arith.addf %add3A_324, %gather3A_328 : vector<16xf32>
      %add3A_330 = arith.constant 54 : i32
      %add3A_331 = vector.broadcast %add3A_330 : i32 to vector<16xi32>
      %add3A_332 = arith.addi %mul3A_48, %add3A_331 : vector<16xi32>
      %gather3A_333 = tpu.vector_load_idx %arg23[%add3A_332] : memref<6144xf32, #tpu.memory_space<vmem>>[vector<16xi32>], vector<16xf32>,
      %add3A_334 = arith.addf %add3A_329, %gather3A_333 : vector<16xf32>
      %add3A_335 = arith.constant 55 : i32
      %add3A_336 = vector.broadcast %add3A_335 : i32 to vector<16xi32>
      %add3A_337 = arith.addi %mul3A_48, %add3A_336 : vector<16xi32>
      %gather3A_338 = tpu.vector_load_idx %arg23[%add3A_337] : memref<6144xf32, #tpu.memory_space<vmem>>[vector<16xi32>], vector<16xf32>,
      %add3A_339 = arith.addf %add3A_334, %gather3A_338 : vector<16xf32>
      %add3A_340 = arith.constant 56 : i32
      %add3A_341 = vector.broadcast %add3A_340 : i32 to vector<16xi32>
      %add3A_342 = arith.addi %mul3A_48, %add3A_341 : vector<16xi32>
      %gather3A_343 = tpu.vector_load_idx %arg23[%add3A_342] : memref<6144xf32, #tpu.memory_space<vmem>>[vector<16xi32>], vector<16xf32>,
      %add3A_344 = arith.addf %add3A_339, %gather3A_343 : vector<16xf32>
      %add3A_345 = arith.constant 57 : i32
      %add3A_346 = vector.broadcast %add3A_345 : i32 to vector<16xi32>
      %add3A_347 = arith.addi %mul3A_48, %add3A_346 : vector<16xi32>
      %gather3A_348 = tpu.vector_load_idx %arg23[%add3A_347] : memref<6144xf32, #tpu.memory_space<vmem>>[vector<16xi32>], vector<16xf32>,
      %add3A_349 = arith.addf %add3A_344, %gather3A_348 : vector<16xf32>
      %add3A_350 = arith.constant 58 : i32
      %add3A_351 = vector.broadcast %add3A_350 : i32 to vector<16xi32>
      %add3A_352 = arith.addi %mul3A_48, %add3A_351 : vector<16xi32>
      %gather3A_353 = tpu.vector_load_idx %arg23[%add3A_352] : memref<6144xf32, #tpu.memory_space<vmem>>[vector<16xi32>], vector<16xf32>,
      %add3A_354 = arith.addf %add3A_349, %gather3A_353 : vector<16xf32>
      %add3A_355 = arith.constant 59 : i32
      %add3A_356 = vector.broadcast %add3A_355 : i32 to vector<16xi32>
      %add3A_357 = arith.addi %mul3A_48, %add3A_356 : vector<16xi32>
      %gather3A_358 = tpu.vector_load_idx %arg23[%add3A_357] : memref<6144xf32, #tpu.memory_space<vmem>>[vector<16xi32>], vector<16xf32>,
      %add3A_359 = arith.addf %add3A_354, %gather3A_358 : vector<16xf32>
      %add3A_360 = arith.constant 60 : i32
      %add3A_361 = vector.broadcast %add3A_360 : i32 to vector<16xi32>
      %add3A_362 = arith.addi %mul3A_48, %add3A_361 : vector<16xi32>
      %gather3A_363 = tpu.vector_load_idx %arg23[%add3A_362] : memref<6144xf32, #tpu.memory_space<vmem>>[vector<16xi32>], vector<16xf32>,
      %add3A_364 = arith.addf %add3A_359, %gather3A_363 : vector<16xf32>
      %add3A_365 = arith.constant 61 : i32
      %add3A_366 = vector.broadcast %add3A_365 : i32 to vector<16xi32>
      %add3A_367 = arith.addi %mul3A_48, %add3A_366 : vector<16xi32>
      %gather3A_368 = tpu.vector_load_idx %arg23[%add3A_367] : memref<6144xf32, #tpu.memory_space<vmem>>[vector<16xi32>], vector<16xf32>,
      %add3A_369 = arith.addf %add3A_364, %gather3A_368 : vector<16xf32>
      %add3A_370 = arith.constant 62 : i32
      %add3A_371 = vector.broadcast %add3A_370 : i32 to vector<16xi32>
      %add3A_372 = arith.addi %mul3A_48, %add3A_371 : vector<16xi32>
      %gather3A_373 = tpu.vector_load_idx %arg23[%add3A_372] : memref<6144xf32, #tpu.memory_space<vmem>>[vector<16xi32>], vector<16xf32>,
      %add3A_374 = arith.addf %add3A_369, %gather3A_373 : vector<16xf32>
      %add3A_375 = arith.constant 63 : i32
      %add3A_376 = vector.broadcast %add3A_375 : i32 to vector<16xi32>
      %add3A_377 = arith.addi %mul3A_48, %add3A_376 : vector<16xi32>
      %gather3A_378 = tpu.vector_load_idx %arg23[%add3A_377] : memref<6144xf32, #tpu.memory_space<vmem>>[vector<16xi32>], vector<16xf32>,
      %add3A_379 = arith.addf %add3A_374, %gather3A_378 : vector<16xf32>
      %add3A_380 = arith.constant 3 : i32
      %add3A_381 = vector.broadcast %add3A_380 : i32 to vector<16xi32>
      %add3A_382 = arith.addi %mul3A_1, %add3A_381 : vector<16xi32>
      %div3A_383 = arith.divf %add3A_379, %get3A_49 : vector<16xf32>
      tpu.vector_store_idx %arg24[%add3A_45, %add3A_382], %div3A_383 : memref<64x6xf32, #tpu.memory_space<vmem>>[vector<16xi32>, vector<16xi32>], vector<16xf32>,
      %add3A_384 = arith.constant 64 : i32
      %add3A_385 = vector.broadcast %add3A_384 : i32 to vector<16xi32>
      %add3A_386 = arith.addi %mul3A_48, %add3A_385 : vector<16xi32>
      %gather3A_387 = tpu.vector_load_idx %arg23[%add3A_386] : memref<6144xf32, #tpu.memory_space<vmem>>[vector<16xi32>], vector<16xf32>,
      %add3A_388 = arith.addf %broadcast_in_dim3A_19, %gather3A_387 : vector<16xf32>
      %add3A_389 = arith.constant 65 : i32
      %add3A_390 = vector.broadcast %add3A_389 : i32 to vector<16xi32>
      %add3A_391 = arith.addi %mul3A_48, %add3A_390 : vector<16xi32>
      %gather3A_392 = tpu.vector_load_idx %arg23[%add3A_391] : memref<6144xf32, #tpu.memory_space<vmem>>[vector<16xi32>], vector<16xf32>,
      %add3A_393 = arith.addf %add3A_388, %gather3A_392 : vector<16xf32>
      %add3A_394 = arith.constant 66 : i32
      %add3A_395 = vector.broadcast %add3A_394 : i32 to vector<16xi32>
      %add3A_396 = arith.addi %mul3A_48, %add3A_395 : vector<16xi32>
      %gather3A_397 = tpu.vector_load_idx %arg23[%add3A_396] : memref<6144xf32, #tpu.memory_space<vmem>>[vector<16xi32>], vector<16xf32>,
      %add3A_398 = arith.addf %add3A_393, %gather3A_397 : vector<16xf32>
      %add3A_399 = arith.constant 67 : i32
      %add3A_400 = vector.broadcast %add3A_399 : i32 to vector<16xi32>
      %add3A_401 = arith.addi %mul3A_48, %add3A_400 : vector<16xi32>
      %gather3A_402 = tpu.vector_load_idx %arg23[%add3A_401] : memref<6144xf32, #tpu.memory_space<vmem>>[vector<16xi32>], vector<16xf32>,
      %add3A_403 = arith.addf %add3A_398, %gather3A_402 : vector<16xf32>
      %add3A_404 = arith.constant 68 : i32
      %add3A_405 = vector.broadcast %add3A_404 : i32 to vector<16xi32>
      %add3A_406 = arith.addi %mul3A_48, %add3A_405 : vector<16xi32>
      %gather3A_407 = tpu.vector_load_idx %arg23[%add3A_406] : memref<6144xf32, #tpu.memory_space<vmem>>[vector<16xi32>], vector<16xf32>,
      %add3A_408 = arith.addf %add3A_403, %gather3A_407 : vector<16xf32>
      %add3A_409 = arith.constant 69 : i32
      %add3A_410 = vector.broadcast %add3A_409 : i32 to vector<16xi32>
      %add3A_411 = arith.addi %mul3A_48, %add3A_410 : vector<16xi32>
      %gather3A_412 = tpu.vector_load_idx %arg23[%add3A_411] : memref<6144xf32, #tpu.memory_space<vmem>>[vector<16xi32>], vector<16xf32>,
      %add3A_413 = arith.addf %add3A_408, %gather3A_412 : vector<16xf32>
      %add3A_414 = arith.constant 70 : i32
      %add3A_415 = vector.broadcast %add3A_414 : i32 to vector<16xi32>
      %add3A_416 = arith.addi %mul3A_48, %add3A_415 : vector<16xi32>
      %gather3A_417 = tpu.vector_load_idx %arg23[%add3A_416] : memref<6144xf32, #tpu.memory_space<vmem>>[vector<16xi32>], vector<16xf32>,
      %add3A_418 = arith.addf %add3A_413, %gather3A_417 : vector<16xf32>
      %add3A_419 = arith.constant 71 : i32
      %add3A_420 = vector.broadcast %add3A_419 : i32 to vector<16xi32>
      %add3A_421 = arith.addi %mul3A_48, %add3A_420 : vector<16xi32>
      %gather3A_422 = tpu.vector_load_idx %arg23[%add3A_421] : memref<6144xf32, #tpu.memory_space<vmem>>[vector<16xi32>], vector<16xf32>,
      %add3A_423 = arith.addf %add3A_418, %gather3A_422 : vector<16xf32>
      %add3A_424 = arith.constant 72 : i32
      %add3A_425 = vector.broadcast %add3A_424 : i32 to vector<16xi32>
      %add3A_426 = arith.addi %mul3A_48, %add3A_425 : vector<16xi32>
      %gather3A_427 = tpu.vector_load_idx %arg23[%add3A_426] : memref<6144xf32, #tpu.memory_space<vmem>>[vector<16xi32>], vector<16xf32>,
      %add3A_428 = arith.addf %add3A_423, %gather3A_427 : vector<16xf32>
      %add3A_429 = arith.constant 73 : i32
      %add3A_430 = vector.broadcast %add3A_429 : i32 to vector<16xi32>
      %add3A_431 = arith.addi %mul3A_48, %add3A_430 : vector<16xi32>
      %gather3A_432 = tpu.vector_load_idx %arg23[%add3A_431] : memref<6144xf32, #tpu.memory_space<vmem>>[vector<16xi32>], vector<16xf32>,
      %add3A_433 = arith.addf %add3A_428, %gather3A_432 : vector<16xf32>
      %add3A_434 = arith.constant 74 : i32
      %add3A_435 = vector.broadcast %add3A_434 : i32 to vector<16xi32>
      %add3A_436 = arith.addi %mul3A_48, %add3A_435 : vector<16xi32>
      %gather3A_437 = tpu.vector_load_idx %arg23[%add3A_436] : memref<6144xf32, #tpu.memory_space<vmem>>[vector<16xi32>], vector<16xf32>,
      %add3A_438 = arith.addf %add3A_433, %gather3A_437 : vector<16xf32>
      %add3A_439 = arith.constant 75 : i32
      %add3A_440 = vector.broadcast %add3A_439 : i32 to vector<16xi32>
      %add3A_441 = arith.addi %mul3A_48, %add3A_440 : vector<16xi32>
      %gather3A_442 = tpu.vector_load_idx %arg23[%add3A_441] : memref<6144xf32, #tpu.memory_space<vmem>>[vector<16xi32>], vector<16xf32>,
      %add3A_443 = arith.addf %add3A_438, %gather3A_442 : vector<16xf32>
      %add3A_444 = arith.constant 76 : i32
      %add3A_445 = vector.broadcast %add3A_444 : i32 to vector<16xi32>
      %add3A_446 = arith.addi %mul3A_48, %add3A_445 : vector<16xi32>
      %gather3A_447 = tpu.vector_load_idx %arg23[%add3A_446] : memref<6144xf32, #tpu.memory_space<vmem>>[vector<16xi32>], vector<16xf32>,
      %add3A_448 = arith.addf %add3A_443, %gather3A_447 : vector<16xf32>
      %add3A_449 = arith.constant 77 : i32
      %add3A_450 = vector.broadcast %add3A_449 : i32 to vector<16xi32>
      %add3A_451 = arith.addi %mul3A_48, %add3A_450 : vector<16xi32>
      %gather3A_452 = tpu.vector_load_idx %arg23[%add3A_451] : memref<6144xf32, #tpu.memory_space<vmem>>[vector<16xi32>], vector<16xf32>,
      %add3A_453 = arith.addf %add3A_448, %gather3A_452 : vector<16xf32>
      %add3A_454 = arith.constant 78 : i32
      %add3A_455 = vector.broadcast %add3A_454 : i32 to vector<16xi32>
      %add3A_456 = arith.addi %mul3A_48, %add3A_455 : vector<16xi32>
      %gather3A_457 = tpu.vector_load_idx %arg23[%add3A_456] : memref<6144xf32, #tpu.memory_space<vmem>>[vector<16xi32>], vector<16xf32>,
      %add3A_458 = arith.addf %add3A_453, %gather3A_457 : vector<16xf32>
      %add3A_459 = arith.constant 79 : i32
      %add3A_460 = vector.broadcast %add3A_459 : i32 to vector<16xi32>
      %add3A_461 = arith.addi %mul3A_48, %add3A_460 : vector<16xi32>
      %gather3A_462 = tpu.vector_load_idx %arg23[%add3A_461] : memref<6144xf32, #tpu.memory_space<vmem>>[vector<16xi32>], vector<16xf32>,
      %add3A_463 = arith.addf %add3A_458, %gather3A_462 : vector<16xf32>
      %add3A_464 = arith.constant 4 : i32
      %add3A_465 = vector.broadcast %add3A_464 : i32 to vector<16xi32>
      %add3A_466 = arith.addi %mul3A_1, %add3A_465 : vector<16xi32>
      %div3A_467 = arith.divf %add3A_463, %get3A_49 : vector<16xf32>
      tpu.vector_store_idx %arg24[%add3A_45, %add3A_466], %div3A_467 : memref<64x6xf32, #tpu.memory_space<vmem>>[vector<16xi32>, vector<16xi32>], vector<16xf32>,
      %add3A_468 = arith.constant 80 : i32
      %add3A_469 = vector.broadcast %add3A_468 : i32 to vector<16xi32>
      %add3A_470 = arith.addi %mul3A_48, %add3A_469 : vector<16xi32>
      %gather3A_471 = tpu.vector_load_idx %arg23[%add3A_470] : memref<6144xf32, #tpu.memory_space<vmem>>[vector<16xi32>], vector<16xf32>,
      %add3A_472 = arith.addf %broadcast_in_dim3A_19, %gather3A_471 : vector<16xf32>
      %add3A_473 = arith.constant 81 : i32
      %add3A_474 = vector.broadcast %add3A_473 : i32 to vector<16xi32>
      %add3A_475 = arith.addi %mul3A_48, %add3A_474 : vector<16xi32>
      %gather3A_476 = tpu.vector_load_idx %arg23[%add3A_475] : memref<6144xf32, #tpu.memory_space<vmem>>[vector<16xi32>], vector<16xf32>,
      %add3A_477 = arith.addf %add3A_472, %gather3A_476 : vector<16xf32>
      %add3A_478 = arith.constant 82 : i32
      %add3A_479 = vector.broadcast %add3A_478 : i32 to vector<16xi32>
      %add3A_480 = arith.addi %mul3A_48, %add3A_479 : vector<16xi32>
      %gather3A_481 = tpu.vector_load_idx %arg23[%add3A_480] : memref<6144xf32, #tpu.memory_space<vmem>>[vector<16xi32>], vector<16xf32>,
      %add3A_482 = arith.addf %add3A_477, %gather3A_481 : vector<16xf32>
      %add3A_483 = arith.constant 83 : i32
      %add3A_484 = vector.broadcast %add3A_483 : i32 to vector<16xi32>
      %add3A_485 = arith.addi %mul3A_48, %add3A_484 : vector<16xi32>
      %gather3A_486 = tpu.vector_load_idx %arg23[%add3A_485] : memref<6144xf32, #tpu.memory_space<vmem>>[vector<16xi32>], vector<16xf32>,
      %add3A_487 = arith.addf %add3A_482, %gather3A_486 : vector<16xf32>
      %add3A_488 = arith.constant 84 : i32
      %add3A_489 = vector.broadcast %add3A_488 : i32 to vector<16xi32>
      %add3A_490 = arith.addi %mul3A_48, %add3A_489 : vector<16xi32>
      %gather3A_491 = tpu.vector_load_idx %arg23[%add3A_490] : memref<6144xf32, #tpu.memory_space<vmem>>[vector<16xi32>], vector<16xf32>,
      %add3A_492 = arith.addf %add3A_487, %gather3A_491 : vector<16xf32>
      %add3A_493 = arith.constant 85 : i32
      %add3A_494 = vector.broadcast %add3A_493 : i32 to vector<16xi32>
      %add3A_495 = arith.addi %mul3A_48, %add3A_494 : vector<16xi32>
      %gather3A_496 = tpu.vector_load_idx %arg23[%add3A_495] : memref<6144xf32, #tpu.memory_space<vmem>>[vector<16xi32>], vector<16xf32>,
      %add3A_497 = arith.addf %add3A_492, %gather3A_496 : vector<16xf32>
      %add3A_498 = arith.constant 86 : i32
      %add3A_499 = vector.broadcast %add3A_498 : i32 to vector<16xi32>
      %add3A_500 = arith.addi %mul3A_48, %add3A_499 : vector<16xi32>
      %gather3A_501 = tpu.vector_load_idx %arg23[%add3A_500] : memref<6144xf32, #tpu.memory_space<vmem>>[vector<16xi32>], vector<16xf32>,
      %add3A_502 = arith.addf %add3A_497, %gather3A_501 : vector<16xf32>
      %add3A_503 = arith.constant 87 : i32
      %add3A_504 = vector.broadcast %add3A_503 : i32 to vector<16xi32>
      %add3A_505 = arith.addi %mul3A_48, %add3A_504 : vector<16xi32>
      %gather3A_506 = tpu.vector_load_idx %arg23[%add3A_505] : memref<6144xf32, #tpu.memory_space<vmem>>[vector<16xi32>], vector<16xf32>,
      %add3A_507 = arith.addf %add3A_502, %gather3A_506 : vector<16xf32>
      %add3A_508 = arith.constant 88 : i32
      %add3A_509 = vector.broadcast %add3A_508 : i32 to vector<16xi32>
      %add3A_510 = arith.addi %mul3A_48, %add3A_509 : vector<16xi32>
      %gather3A_511 = tpu.vector_load_idx %arg23[%add3A_510] : memref<6144xf32, #tpu.memory_space<vmem>>[vector<16xi32>], vector<16xf32>,
      %add3A_512 = arith.addf %add3A_507, %gather3A_511 : vector<16xf32>
      %add3A_513 = arith.constant 89 : i32
      %add3A_514 = vector.broadcast %add3A_513 : i32 to vector<16xi32>
      %add3A_515 = arith.addi %mul3A_48, %add3A_514 : vector<16xi32>
      %gather3A_516 = tpu.vector_load_idx %arg23[%add3A_515] : memref<6144xf32, #tpu.memory_space<vmem>>[vector<16xi32>], vector<16xf32>,
      %add3A_517 = arith.addf %add3A_512, %gather3A_516 : vector<16xf32>
      %add3A_518 = arith.constant 90 : i32
      %add3A_519 = vector.broadcast %add3A_518 : i32 to vector<16xi32>
      %add3A_520 = arith.addi %mul3A_48, %add3A_519 : vector<16xi32>
      %gather3A_521 = tpu.vector_load_idx %arg23[%add3A_520] : memref<6144xf32, #tpu.memory_space<vmem>>[vector<16xi32>], vector<16xf32>,
      %add3A_522 = arith.addf %add3A_517, %gather3A_521 : vector<16xf32>
      %add3A_523 = arith.constant 91 : i32
      %add3A_524 = vector.broadcast %add3A_523 : i32 to vector<16xi32>
      %add3A_525 = arith.addi %mul3A_48, %add3A_524 : vector<16xi32>
      %gather3A_526 = tpu.vector_load_idx %arg23[%add3A_525] : memref<6144xf32, #tpu.memory_space<vmem>>[vector<16xi32>], vector<16xf32>,
      %add3A_527 = arith.addf %add3A_522, %gather3A_526 : vector<16xf32>
      %add3A_528 = arith.constant 92 : i32
      %add3A_529 = vector.broadcast %add3A_528 : i32 to vector<16xi32>
      %add3A_530 = arith.addi %mul3A_48, %add3A_529 : vector<16xi32>
      %gather3A_531 = tpu.vector_load_idx %arg23[%add3A_530] : memref<6144xf32, #tpu.memory_space<vmem>>[vector<16xi32>], vector<16xf32>,
      %add3A_532 = arith.addf %add3A_527, %gather3A_531 : vector<16xf32>
      %add3A_533 = arith.constant 93 : i32
      %add3A_534 = vector.broadcast %add3A_533 : i32 to vector<16xi32>
      %add3A_535 = arith.addi %mul3A_48, %add3A_534 : vector<16xi32>
      %gather3A_536 = tpu.vector_load_idx %arg23[%add3A_535] : memref<6144xf32, #tpu.memory_space<vmem>>[vector<16xi32>], vector<16xf32>,
      %add3A_537 = arith.addf %add3A_532, %gather3A_536 : vector<16xf32>
      %add3A_538 = arith.constant 94 : i32
      %add3A_539 = vector.broadcast %add3A_538 : i32 to vector<16xi32>
      %add3A_540 = arith.addi %mul3A_48, %add3A_539 : vector<16xi32>
      %gather3A_541 = tpu.vector_load_idx %arg23[%add3A_540] : memref<6144xf32, #tpu.memory_space<vmem>>[vector<16xi32>], vector<16xf32>,
      %add3A_542 = arith.addf %add3A_537, %gather3A_541 : vector<16xf32>
      %add3A_543 = arith.constant 95 : i32
      %add3A_544 = vector.broadcast %add3A_543 : i32 to vector<16xi32>
      %add3A_545 = arith.addi %mul3A_48, %add3A_544 : vector<16xi32>
      %gather3A_546 = tpu.vector_load_idx %arg23[%add3A_545] : memref<6144xf32, #tpu.memory_space<vmem>>[vector<16xi32>], vector<16xf32>,
      %add3A_547 = arith.addf %add3A_542, %gather3A_546 : vector<16xf32>
      %add3A_548 = arith.constant 5 : i32
      %add3A_549 = vector.broadcast %add3A_548 : i32 to vector<16xi32>
      %add3A_550 = arith.addi %mul3A_1, %add3A_549 : vector<16xi32>
      %div3A_551 = arith.divf %add3A_547, %get3A_49 : vector<16xf32>
      tpu.vector_store_idx %arg24[%add3A_45, %add3A_550], %div3A_551 : memref<64x6xf32, #tpu.memory_space<vmem>>[vector<16xi32>, vector<16xi32>], vector<16xf32>,
      %add3A_552 = arith.constant 16 : i32
      %add3A_553 = vector.broadcast %add3A_552 : i32 to vector<16xi32>
      %add3A_554 = arith.addi %iota3A, %add3A_553 : vector<16xi32>
      %mul3A_555 = arith.constant 96 : i32
      %mul3A_556 = vector.broadcast %mul3A_555 : i32 to vector<16xi32>
      %mul3A_557 = arith.muli %add3A_554, %mul3A_556 : vector<16xi32>
      %get3A_558 = arith.constant 16 : index
      %get3A_559 = tpu.vector_load %arg25[%get3A_558] {strides = array<i32>} : memref<64xf32, #tpu.memory_space<vmem>>, vector<16xf32>,
      %add3A_560 = arith.constant 0 : i32
      %add3A_561 = vector.broadcast %add3A_560 : i32 to vector<16xi32>
      %add3A_562 = arith.addi %mul3A_557, %add3A_561 : vector<16xi32>
      %gather3A_563 = tpu.vector_load_idx %arg23[%add3A_562] : memref<6144xf32, #tpu.memory_space<vmem>>[vector<16xi32>], vector<16xf32>,
      %add3A_564 = arith.addf %broadcast_in_dim3A_19, %gather3A_563 : vector<16xf32>
      %add3A_565 = arith.constant 1 : i32
      %add3A_566 = vector.broadcast %add3A_565 : i32 to vector<16xi32>
      %add3A_567 = arith.addi %mul3A_557, %add3A_566 : vector<16xi32>
      %gather3A_568 = tpu.vector_load_idx %arg23[%add3A_567] : memref<6144xf32, #tpu.memory_space<vmem>>[vector<16xi32>], vector<16xf32>,
      %add3A_569 = arith.addf %add3A_564, %gather3A_568 : vector<16xf32>
      %add3A_570 = arith.constant 2 : i32
      %add3A_571 = vector.broadcast %add3A_570 : i32 to vector<16xi32>
      %add3A_572 = arith.addi %mul3A_557, %add3A_571 : vector<16xi32>
      %gather3A_573 = tpu.vector_load_idx %arg23[%add3A_572] : memref<6144xf32, #tpu.memory_space<vmem>>[vector<16xi32>], vector<16xf32>,
      %add3A_574 = arith.addf %add3A_569, %gather3A_573 : vector<16xf32>
      %add3A_575 = arith.constant 3 : i32
      %add3A_576 = vector.broadcast %add3A_575 : i32 to vector<16xi32>
      %add3A_577 = arith.addi %mul3A_557, %add3A_576 : vector<16xi32>
      %gather3A_578 = tpu.vector_load_idx %arg23[%add3A_577] : memref<6144xf32, #tpu.memory_space<vmem>>[vector<16xi32>], vector<16xf32>,
      %add3A_579 = arith.addf %add3A_574, %gather3A_578 : vector<16xf32>
      %add3A_580 = arith.constant 4 : i32
      %add3A_581 = vector.broadcast %add3A_580 : i32 to vector<16xi32>
      %add3A_582 = arith.addi %mul3A_557, %add3A_581 : vector<16xi32>
      %gather3A_583 = tpu.vector_load_idx %arg23[%add3A_582] : memref<6144xf32, #tpu.memory_space<vmem>>[vector<16xi32>], vector<16xf32>,
      %add3A_584 = arith.addf %add3A_579, %gather3A_583 : vector<16xf32>
      %add3A_585 = arith.constant 5 : i32
      %add3A_586 = vector.broadcast %add3A_585 : i32 to vector<16xi32>
      %add3A_587 = arith.addi %mul3A_557, %add3A_586 : vector<16xi32>
      %gather3A_588 = tpu.vector_load_idx %arg23[%add3A_587] : memref<6144xf32, #tpu.memory_space<vmem>>[vector<16xi32>], vector<16xf32>,
      %add3A_589 = arith.addf %add3A_584, %gather3A_588 : vector<16xf32>
      %add3A_590 = arith.constant 6 : i32
      %add3A_591 = vector.broadcast %add3A_590 : i32 to vector<16xi32>
      %add3A_592 = arith.addi %mul3A_557, %add3A_591 : vector<16xi32>
      %gather3A_593 = tpu.vector_load_idx %arg23[%add3A_592] : memref<6144xf32, #tpu.memory_space<vmem>>[vector<16xi32>], vector<16xf32>,
      %add3A_594 = arith.addf %add3A_589, %gather3A_593 : vector<16xf32>
      %add3A_595 = arith.constant 7 : i32
      %add3A_596 = vector.broadcast %add3A_595 : i32 to vector<16xi32>
      %add3A_597 = arith.addi %mul3A_557, %add3A_596 : vector<16xi32>
      %gather3A_598 = tpu.vector_load_idx %arg23[%add3A_597] : memref<6144xf32, #tpu.memory_space<vmem>>[vector<16xi32>], vector<16xf32>,
      %add3A_599 = arith.addf %add3A_594, %gather3A_598 : vector<16xf32>
      %add3A_600 = arith.constant 8 : i32
      %add3A_601 = vector.broadcast %add3A_600 : i32 to vector<16xi32>
      %add3A_602 = arith.addi %mul3A_557, %add3A_601 : vector<16xi32>
      %gather3A_603 = tpu.vector_load_idx %arg23[%add3A_602] : memref<6144xf32, #tpu.memory_space<vmem>>[vector<16xi32>], vector<16xf32>,
      %add3A_604 = arith.addf %add3A_599, %gather3A_603 : vector<16xf32>
      %add3A_605 = arith.constant 9 : i32
      %add3A_606 = vector.broadcast %add3A_605 : i32 to vector<16xi32>
      %add3A_607 = arith.addi %mul3A_557, %add3A_606 : vector<16xi32>
      %gather3A_608 = tpu.vector_load_idx %arg23[%add3A_607] : memref<6144xf32, #tpu.memory_space<vmem>>[vector<16xi32>], vector<16xf32>,
      %add3A_609 = arith.addf %add3A_604, %gather3A_608 : vector<16xf32>
      %add3A_610 = arith.constant 10 : i32
      %add3A_611 = vector.broadcast %add3A_610 : i32 to vector<16xi32>
      %add3A_612 = arith.addi %mul3A_557, %add3A_611 : vector<16xi32>
      %gather3A_613 = tpu.vector_load_idx %arg23[%add3A_612] : memref<6144xf32, #tpu.memory_space<vmem>>[vector<16xi32>], vector<16xf32>,
      %add3A_614 = arith.addf %add3A_609, %gather3A_613 : vector<16xf32>
      %add3A_615 = arith.constant 11 : i32
      %add3A_616 = vector.broadcast %add3A_615 : i32 to vector<16xi32>
      %add3A_617 = arith.addi %mul3A_557, %add3A_616 : vector<16xi32>
      %gather3A_618 = tpu.vector_load_idx %arg23[%add3A_617] : memref<6144xf32, #tpu.memory_space<vmem>>[vector<16xi32>], vector<16xf32>,
      %add3A_619 = arith.addf %add3A_614, %gather3A_618 : vector<16xf32>
      %add3A_620 = arith.constant 12 : i32
      %add3A_621 = vector.broadcast %add3A_620 : i32 to vector<16xi32>
      %add3A_622 = arith.addi %mul3A_557, %add3A_621 : vector<16xi32>
      %gather3A_623 = tpu.vector_load_idx %arg23[%add3A_622] : memref<6144xf32, #tpu.memory_space<vmem>>[vector<16xi32>], vector<16xf32>,
      %add3A_624 = arith.addf %add3A_619, %gather3A_623 : vector<16xf32>
      %add3A_625 = arith.constant 13 : i32
      %add3A_626 = vector.broadcast %add3A_625 : i32 to vector<16xi32>
      %add3A_627 = arith.addi %mul3A_557, %add3A_626 : vector<16xi32>
      %gather3A_628 = tpu.vector_load_idx %arg23[%add3A_627] : memref<6144xf32, #tpu.memory_space<vmem>>[vector<16xi32>], vector<16xf32>,
      %add3A_629 = arith.addf %add3A_624, %gather3A_628 : vector<16xf32>
      %add3A_630 = arith.constant 14 : i32
      %add3A_631 = vector.broadcast %add3A_630 : i32 to vector<16xi32>
      %add3A_632 = arith.addi %mul3A_557, %add3A_631 : vector<16xi32>
      %gather3A_633 = tpu.vector_load_idx %arg23[%add3A_632] : memref<6144xf32, #tpu.memory_space<vmem>>[vector<16xi32>], vector<16xf32>,
      %add3A_634 = arith.addf %add3A_629, %gather3A_633 : vector<16xf32>
      %add3A_635 = arith.constant 15 : i32
      %add3A_636 = vector.broadcast %add3A_635 : i32 to vector<16xi32>
      %add3A_637 = arith.addi %mul3A_557, %add3A_636 : vector<16xi32>
      %gather3A_638 = tpu.vector_load_idx %arg23[%add3A_637] : memref<6144xf32, #tpu.memory_space<vmem>>[vector<16xi32>], vector<16xf32>,
      %add3A_639 = arith.addf %add3A_634, %gather3A_638 : vector<16xf32>
      %add3A_640 = arith.constant 0 : i32
      %add3A_641 = vector.broadcast %add3A_640 : i32 to vector<16xi32>
      %add3A_642 = arith.addi %mul3A_1, %add3A_641 : vector<16xi32>
      %div3A_643 = arith.divf %add3A_639, %get3A_559 : vector<16xf32>
      tpu.vector_store_idx %arg24[%add3A_554, %add3A_642], %div3A_643 : memref<64x6xf32, #tpu.memory_space<vmem>>[vector<16xi32>, vector<16xi32>], vector<16xf32>,
      %add3A_644 = arith.constant 16 : i32
      %add3A_645 = vector.broadcast %add3A_644 : i32 to vector<16xi32>
      %add3A_646 = arith.addi %mul3A_557, %add3A_645 : vector<16xi32>
      %gather3A_647 = tpu.vector_load_idx %arg23[%add3A_646] : memref<6144xf32, #tpu.memory_space<vmem>>[vector<16xi32>], vector<16xf32>,
      %add3A_648 = arith.addf %broadcast_in_dim3A_19, %gather3A_647 : vector<16xf32>
      %add3A_649 = arith.constant 17 : i32
      %add3A_650 = vector.broadcast %add3A_649 : i32 to vector<16xi32>
      %add3A_651 = arith.addi %mul3A_557, %add3A_650 : vector<16xi32>
      %gather3A_652 = tpu.vector_load_idx %arg23[%add3A_651] : memref<6144xf32, #tpu.memory_space<vmem>>[vector<16xi32>], vector<16xf32>,
      %add3A_653 = arith.addf %add3A_648, %gather3A_652 : vector<16xf32>
      %add3A_654 = arith.constant 18 : i32
      %add3A_655 = vector.broadcast %add3A_654 : i32 to vector<16xi32>
      %add3A_656 = arith.addi %mul3A_557, %add3A_655 : vector<16xi32>
      %gather3A_657 = tpu.vector_load_idx %arg23[%add3A_656] : memref<6144xf32, #tpu.memory_space<vmem>>[vector<16xi32>], vector<16xf32>,
      %add3A_658 = arith.addf %add3A_653, %gather3A_657 : vector<16xf32>
      %add3A_659 = arith.constant 19 : i32
      %add3A_660 = vector.broadcast %add3A_659 : i32 to vector<16xi32>
      %add3A_661 = arith.addi %mul3A_557, %add3A_660 : vector<16xi32>
      %gather3A_662 = tpu.vector_load_idx %arg23[%add3A_661] : memref<6144xf32, #tpu.memory_space<vmem>>[vector<16xi32>], vector<16xf32>,
      %add3A_663 = arith.addf %add3A_658, %gather3A_662 : vector<16xf32>
      %add3A_664 = arith.constant 20 : i32
      %add3A_665 = vector.broadcast %add3A_664 : i32 to vector<16xi32>
      %add3A_666 = arith.addi %mul3A_557, %add3A_665 : vector<16xi32>
      %gather3A_667 = tpu.vector_load_idx %arg23[%add3A_666] : memref<6144xf32, #tpu.memory_space<vmem>>[vector<16xi32>], vector<16xf32>,
      %add3A_668 = arith.addf %add3A_663, %gather3A_667 : vector<16xf32>
      %add3A_669 = arith.constant 21 : i32
      %add3A_670 = vector.broadcast %add3A_669 : i32 to vector<16xi32>
      %add3A_671 = arith.addi %mul3A_557, %add3A_670 : vector<16xi32>
      %gather3A_672 = tpu.vector_load_idx %arg23[%add3A_671] : memref<6144xf32, #tpu.memory_space<vmem>>[vector<16xi32>], vector<16xf32>,
      %add3A_673 = arith.addf %add3A_668, %gather3A_672 : vector<16xf32>
      %add3A_674 = arith.constant 22 : i32
      %add3A_675 = vector.broadcast %add3A_674 : i32 to vector<16xi32>
      %add3A_676 = arith.addi %mul3A_557, %add3A_675 : vector<16xi32>
      %gather3A_677 = tpu.vector_load_idx %arg23[%add3A_676] : memref<6144xf32, #tpu.memory_space<vmem>>[vector<16xi32>], vector<16xf32>,
      %add3A_678 = arith.addf %add3A_673, %gather3A_677 : vector<16xf32>
      %add3A_679 = arith.constant 23 : i32
      %add3A_680 = vector.broadcast %add3A_679 : i32 to vector<16xi32>
      %add3A_681 = arith.addi %mul3A_557, %add3A_680 : vector<16xi32>
      %gather3A_682 = tpu.vector_load_idx %arg23[%add3A_681] : memref<6144xf32, #tpu.memory_space<vmem>>[vector<16xi32>], vector<16xf32>,
      %add3A_683 = arith.addf %add3A_678, %gather3A_682 : vector<16xf32>
      %add3A_684 = arith.constant 24 : i32
      %add3A_685 = vector.broadcast %add3A_684 : i32 to vector<16xi32>
      %add3A_686 = arith.addi %mul3A_557, %add3A_685 : vector<16xi32>
      %gather3A_687 = tpu.vector_load_idx %arg23[%add3A_686] : memref<6144xf32, #tpu.memory_space<vmem>>[vector<16xi32>], vector<16xf32>,
      %add3A_688 = arith.addf %add3A_683, %gather3A_687 : vector<16xf32>
      %add3A_689 = arith.constant 25 : i32
      %add3A_690 = vector.broadcast %add3A_689 : i32 to vector<16xi32>
      %add3A_691 = arith.addi %mul3A_557, %add3A_690 : vector<16xi32>
      %gather3A_692 = tpu.vector_load_idx %arg23[%add3A_691] : memref<6144xf32, #tpu.memory_space<vmem>>[vector<16xi32>], vector<16xf32>,
      %add3A_693 = arith.addf %add3A_688, %gather3A_692 : vector<16xf32>
      %add3A_694 = arith.constant 26 : i32
      %add3A_695 = vector.broadcast %add3A_694 : i32 to vector<16xi32>
      %add3A_696 = arith.addi %mul3A_557, %add3A_695 : vector<16xi32>
      %gather3A_697 = tpu.vector_load_idx %arg23[%add3A_696] : memref<6144xf32, #tpu.memory_space<vmem>>[vector<16xi32>], vector<16xf32>,
      %add3A_698 = arith.addf %add3A_693, %gather3A_697 : vector<16xf32>
      %add3A_699 = arith.constant 27 : i32
      %add3A_700 = vector.broadcast %add3A_699 : i32 to vector<16xi32>
      %add3A_701 = arith.addi %mul3A_557, %add3A_700 : vector<16xi32>
      %gather3A_702 = tpu.vector_load_idx %arg23[%add3A_701] : memref<6144xf32, #tpu.memory_space<vmem>>[vector<16xi32>], vector<16xf32>,
      %add3A_703 = arith.addf %add3A_698, %gather3A_702 : vector<16xf32>
      %add3A_704 = arith.constant 28 : i32
      %add3A_705 = vector.broadcast %add3A_704 : i32 to vector<16xi32>
      %add3A_706 = arith.addi %mul3A_557, %add3A_705 : vector<16xi32>
      %gather3A_707 = tpu.vector_load_idx %arg23[%add3A_706] : memref<6144xf32, #tpu.memory_space<vmem>>[vector<16xi32>], vector<16xf32>,
      %add3A_708 = arith.addf %add3A_703, %gather3A_707 : vector<16xf32>
      %add3A_709 = arith.constant 29 : i32
      %add3A_710 = vector.broadcast %add3A_709 : i32 to vector<16xi32>
      %add3A_711 = arith.addi %mul3A_557, %add3A_710 : vector<16xi32>
      %gather3A_712 = tpu.vector_load_idx %arg23[%add3A_711] : memref<6144xf32, #tpu.memory_space<vmem>>[vector<16xi32>], vector<16xf32>,
      %add3A_713 = arith.addf %add3A_708, %gather3A_712 : vector<16xf32>
      %add3A_714 = arith.constant 30 : i32
      %add3A_715 = vector.broadcast %add3A_714 : i32 to vector<16xi32>
      %add3A_716 = arith.addi %mul3A_557, %add3A_715 : vector<16xi32>
      %gather3A_717 = tpu.vector_load_idx %arg23[%add3A_716] : memref<6144xf32, #tpu.memory_space<vmem>>[vector<16xi32>], vector<16xf32>,
      %add3A_718 = arith.addf %add3A_713, %gather3A_717 : vector<16xf32>
      %add3A_719 = arith.constant 31 : i32
      %add3A_720 = vector.broadcast %add3A_719 : i32 to vector<16xi32>
      %add3A_721 = arith.addi %mul3A_557, %add3A_720 : vector<16xi32>
      %gather3A_722 = tpu.vector_load_idx %arg23[%add3A_721] : memref<6144xf32, #tpu.memory_space<vmem>>[vector<16xi32>], vector<16xf32>,
      %add3A_723 = arith.addf %add3A_718, %gather3A_722 : vector<16xf32>
      %add3A_724 = arith.constant 1 : i32
      %add3A_725 = vector.broadcast %add3A_724 : i32 to vector<16xi32>
      %add3A_726 = arith.addi %mul3A_1, %add3A_725 : vector<16xi32>
      %div3A_727 = arith.divf %add3A_723, %get3A_559 : vector<16xf32>
      tpu.vector_store_idx %arg24[%add3A_554, %add3A_726], %div3A_727 : memref<64x6xf32, #tpu.memory_space<vmem>>[vector<16xi32>, vector<16xi32>], vector<16xf32>,
      %add3A_728 = arith.constant 32 : i32
      %add3A_729 = vector.broadcast %add3A_728 : i32 to vector<16xi32>
      %add3A_730 = arith.addi %mul3A_557, %add3A_729 : vector<16xi32>
      %gather3A_731 = tpu.vector_load_idx %arg23[%add3A_730] : memref<6144xf32, #tpu.memory_space<vmem>>[vector<16xi32>], vector<16xf32>,
      %add3A_732 = arith.addf %broadcast_in_dim3A_19, %gather3A_731 : vector<16xf32>
      %add3A_733 = arith.constant 33 : i32
      %add3A_734 = vector.broadcast %add3A_733 : i32 to vector<16xi32>
      %add3A_735 = arith.addi %mul3A_557, %add3A_734 : vector<16xi32>
      %gather3A_736 = tpu.vector_load_idx %arg23[%add3A_735] : memref<6144xf32, #tpu.memory_space<vmem>>[vector<16xi32>], vector<16xf32>,
      %add3A_737 = arith.addf %add3A_732, %gather3A_736 : vector<16xf32>
      %add3A_738 = arith.constant 34 : i32
      %add3A_739 = vector.broadcast %add3A_738 : i32 to vector<16xi32>
      %add3A_740 = arith.addi %mul3A_557, %add3A_739 : vector<16xi32>
      %gather3A_741 = tpu.vector_load_idx %arg23[%add3A_740] : memref<6144xf32, #tpu.memory_space<vmem>>[vector<16xi32>], vector<16xf32>,
      %add3A_742 = arith.addf %add3A_737, %gather3A_741 : vector<16xf32>
      %add3A_743 = arith.constant 35 : i32
      %add3A_744 = vector.broadcast %add3A_743 : i32 to vector<16xi32>
      %add3A_745 = arith.addi %mul3A_557, %add3A_744 : vector<16xi32>
      %gather3A_746 = tpu.vector_load_idx %arg23[%add3A_745] : memref<6144xf32, #tpu.memory_space<vmem>>[vector<16xi32>], vector<16xf32>,
      %add3A_747 = arith.addf %add3A_742, %gather3A_746 : vector<16xf32>
      %add3A_748 = arith.constant 36 : i32
      %add3A_749 = vector.broadcast %add3A_748 : i32 to vector<16xi32>
      %add3A_750 = arith.addi %mul3A_557, %add3A_749 : vector<16xi32>
      %gather3A_751 = tpu.vector_load_idx %arg23[%add3A_750] : memref<6144xf32, #tpu.memory_space<vmem>>[vector<16xi32>], vector<16xf32>,
      %add3A_752 = arith.addf %add3A_747, %gather3A_751 : vector<16xf32>
      %add3A_753 = arith.constant 37 : i32
      %add3A_754 = vector.broadcast %add3A_753 : i32 to vector<16xi32>
      %add3A_755 = arith.addi %mul3A_557, %add3A_754 : vector<16xi32>
      %gather3A_756 = tpu.vector_load_idx %arg23[%add3A_755] : memref<6144xf32, #tpu.memory_space<vmem>>[vector<16xi32>], vector<16xf32>,
      %add3A_757 = arith.addf %add3A_752, %gather3A_756 : vector<16xf32>
      %add3A_758 = arith.constant 38 : i32
      %add3A_759 = vector.broadcast %add3A_758 : i32 to vector<16xi32>
      %add3A_760 = arith.addi %mul3A_557, %add3A_759 : vector<16xi32>
      %gather3A_761 = tpu.vector_load_idx %arg23[%add3A_760] : memref<6144xf32, #tpu.memory_space<vmem>>[vector<16xi32>], vector<16xf32>,
      %add3A_762 = arith.addf %add3A_757, %gather3A_761 : vector<16xf32>
      %add3A_763 = arith.constant 39 : i32
      %add3A_764 = vector.broadcast %add3A_763 : i32 to vector<16xi32>
      %add3A_765 = arith.addi %mul3A_557, %add3A_764 : vector<16xi32>
      %gather3A_766 = tpu.vector_load_idx %arg23[%add3A_765] : memref<6144xf32, #tpu.memory_space<vmem>>[vector<16xi32>], vector<16xf32>,
      %add3A_767 = arith.addf %add3A_762, %gather3A_766 : vector<16xf32>
      %add3A_768 = arith.constant 40 : i32
      %add3A_769 = vector.broadcast %add3A_768 : i32 to vector<16xi32>
      %add3A_770 = arith.addi %mul3A_557, %add3A_769 : vector<16xi32>
      %gather3A_771 = tpu.vector_load_idx %arg23[%add3A_770] : memref<6144xf32, #tpu.memory_space<vmem>>[vector<16xi32>], vector<16xf32>,
      %add3A_772 = arith.addf %add3A_767, %gather3A_771 : vector<16xf32>
      %add3A_773 = arith.constant 41 : i32
      %add3A_774 = vector.broadcast %add3A_773 : i32 to vector<16xi32>
      %add3A_775 = arith.addi %mul3A_557, %add3A_774 : vector<16xi32>
      %gather3A_776 = tpu.vector_load_idx %arg23[%add3A_775] : memref<6144xf32, #tpu.memory_space<vmem>>[vector<16xi32>], vector<16xf32>,
      %add3A_777 = arith.addf %add3A_772, %gather3A_776 : vector<16xf32>
      %add3A_778 = arith.constant 42 : i32
      %add3A_779 = vector.broadcast %add3A_778 : i32 to vector<16xi32>
      %add3A_780 = arith.addi %mul3A_557, %add3A_779 : vector<16xi32>
      %gather3A_781 = tpu.vector_load_idx %arg23[%add3A_780] : memref<6144xf32, #tpu.memory_space<vmem>>[vector<16xi32>], vector<16xf32>,
      %add3A_782 = arith.addf %add3A_777, %gather3A_781 : vector<16xf32>
      %add3A_783 = arith.constant 43 : i32
      %add3A_784 = vector.broadcast %add3A_783 : i32 to vector<16xi32>
      %add3A_785 = arith.addi %mul3A_557, %add3A_784 : vector<16xi32>
      %gather3A_786 = tpu.vector_load_idx %arg23[%add3A_785] : memref<6144xf32, #tpu.memory_space<vmem>>[vector<16xi32>], vector<16xf32>,
      %add3A_787 = arith.addf %add3A_782, %gather3A_786 : vector<16xf32>
      %add3A_788 = arith.constant 44 : i32
      %add3A_789 = vector.broadcast %add3A_788 : i32 to vector<16xi32>
      %add3A_790 = arith.addi %mul3A_557, %add3A_789 : vector<16xi32>
      %gather3A_791 = tpu.vector_load_idx %arg23[%add3A_790] : memref<6144xf32, #tpu.memory_space<vmem>>[vector<16xi32>], vector<16xf32>,
      %add3A_792 = arith.addf %add3A_787, %gather3A_791 : vector<16xf32>
      %add3A_793 = arith.constant 45 : i32
      %add3A_794 = vector.broadcast %add3A_793 : i32 to vector<16xi32>
      %add3A_795 = arith.addi %mul3A_557, %add3A_794 : vector<16xi32>
      %gather3A_796 = tpu.vector_load_idx %arg23[%add3A_795] : memref<6144xf32, #tpu.memory_space<vmem>>[vector<16xi32>], vector<16xf32>,
      %add3A_797 = arith.addf %add3A_792, %gather3A_796 : vector<16xf32>
      %add3A_798 = arith.constant 46 : i32
      %add3A_799 = vector.broadcast %add3A_798 : i32 to vector<16xi32>
      %add3A_800 = arith.addi %mul3A_557, %add3A_799 : vector<16xi32>
      %gather3A_801 = tpu.vector_load_idx %arg23[%add3A_800] : memref<6144xf32, #tpu.memory_space<vmem>>[vector<16xi32>], vector<16xf32>,
      %add3A_802 = arith.addf %add3A_797, %gather3A_801 : vector<16xf32>
      %add3A_803 = arith.constant 47 : i32
      %add3A_804 = vector.broadcast %add3A_803 : i32 to vector<16xi32>
      %add3A_805 = arith.addi %mul3A_557, %add3A_804 : vector<16xi32>
      %gather3A_806 = tpu.vector_load_idx %arg23[%add3A_805] : memref<6144xf32, #tpu.memory_space<vmem>>[vector<16xi32>], vector<16xf32>,
      %add3A_807 = arith.addf %add3A_802, %gather3A_806 : vector<16xf32>
      %add3A_808 = arith.constant 2 : i32
      %add3A_809 = vector.broadcast %add3A_808 : i32 to vector<16xi32>
      %add3A_810 = arith.addi %mul3A_1, %add3A_809 : vector<16xi32>
      %div3A_811 = arith.divf %add3A_807, %get3A_559 : vector<16xf32>
      tpu.vector_store_idx %arg24[%add3A_554, %add3A_810], %div3A_811 : memref<64x6xf32, #tpu.memory_space<vmem>>[vector<16xi32>, vector<16xi32>], vector<16xf32>,
      %add3A_812 = arith.constant 48 : i32
      %add3A_813 = vector.broadcast %add3A_812 : i32 to vector<16xi32>
      %add3A_814 = arith.addi %mul3A_557, %add3A_813 : vector<16xi32>
      %gather3A_815 = tpu.vector_load_idx %arg23[%add3A_814] : memref<6144xf32, #tpu.memory_space<vmem>>[vector<16xi32>], vector<16xf32>,
      %add3A_816 = arith.addf %broadcast_in_dim3A_19, %gather3A_815 : vector<16xf32>
      %add3A_817 = arith.constant 49 : i32
      %add3A_818 = vector.broadcast %add3A_817 : i32 to vector<16xi32>
      %add3A_819 = arith.addi %mul3A_557, %add3A_818 : vector<16xi32>
      %gather3A_820 = tpu.vector_load_idx %arg23[%add3A_819] : memref<6144xf32, #tpu.memory_space<vmem>>[vector<16xi32>], vector<16xf32>,
      %add3A_821 = arith.addf %add3A_816, %gather3A_820 : vector<16xf32>
      %add3A_822 = arith.constant 50 : i32
      %add3A_823 = vector.broadcast %add3A_822 : i32 to vector<16xi32>
      %add3A_824 = arith.addi %mul3A_557, %add3A_823 : vector<16xi32>
      %gather3A_825 = tpu.vector_load_idx %arg23[%add3A_824] : memref<6144xf32, #tpu.memory_space<vmem>>[vector<16xi32>], vector<16xf32>,
      %add3A_826 = arith.addf %add3A_821, %gather3A_825 : vector<16xf32>
      %add3A_827 = arith.constant 51 : i32
      %add3A_828 = vector.broadcast %add3A_827 : i32 to vector<16xi32>
      %add3A_829 = arith.addi %mul3A_557, %add3A_828 : vector<16xi32>
      %gather3A_830 = tpu.vector_load_idx %arg23[%add3A_829] : memref<6144xf32, #tpu.memory_space<vmem>>[vector<16xi32>], vector<16xf32>,
      %add3A_831 = arith.addf %add3A_826, %gather3A_830 : vector<16xf32>
      %add3A_832 = arith.constant 52 : i32
      %add3A_833 = vector.broadcast %add3A_832 : i32 to vector<16xi32>
      %add3A_834 = arith.addi %mul3A_557, %add3A_833 : vector<16xi32>
      %gather3A_835 = tpu.vector_load_idx %arg23[%add3A_834] : memref<6144xf32, #tpu.memory_space<vmem>>[vector<16xi32>], vector<16xf32>,
      %add3A_836 = arith.addf %add3A_831, %gather3A_835 : vector<16xf32>
      %add3A_837 = arith.constant 53 : i32
      %add3A_838 = vector.broadcast %add3A_837 : i32 to vector<16xi32>
      %add3A_839 = arith.addi %mul3A_557, %add3A_838 : vector<16xi32>
      %gather3A_840 = tpu.vector_load_idx %arg23[%add3A_839] : memref<6144xf32, #tpu.memory_space<vmem>>[vector<16xi32>], vector<16xf32>,
      %add3A_841 = arith.addf %add3A_836, %gather3A_840 : vector<16xf32>
      %add3A_842 = arith.constant 54 : i32
      %add3A_843 = vector.broadcast %add3A_842 : i32 to vector<16xi32>
      %add3A_844 = arith.addi %mul3A_557, %add3A_843 : vector<16xi32>
      %gather3A_845 = tpu.vector_load_idx %arg23[%add3A_844] : memref<6144xf32, #tpu.memory_space<vmem>>[vector<16xi32>], vector<16xf32>,
      %add3A_846 = arith.addf %add3A_841, %gather3A_845 : vector<16xf32>
      %add3A_847 = arith.constant 55 : i32
      %add3A_848 = vector.broadcast %add3A_847 : i32 to vector<16xi32>
      %add3A_849 = arith.addi %mul3A_557, %add3A_848 : vector<16xi32>
      %gather3A_850 = tpu.vector_load_idx %arg23[%add3A_849] : memref<6144xf32, #tpu.memory_space<vmem>>[vector<16xi32>], vector<16xf32>,
      %add3A_851 = arith.addf %add3A_846, %gather3A_850 : vector<16xf32>
      %add3A_852 = arith.constant 56 : i32
      %add3A_853 = vector.broadcast %add3A_852 : i32 to vector<16xi32>
      %add3A_854 = arith.addi %mul3A_557, %add3A_853 : vector<16xi32>
      %gather3A_855 = tpu.vector_load_idx %arg23[%add3A_854] : memref<6144xf32, #tpu.memory_space<vmem>>[vector<16xi32>], vector<16xf32>,
      %add3A_856 = arith.addf %add3A_851, %gather3A_855 : vector<16xf32>
      %add3A_857 = arith.constant 57 : i32
      %add3A_858 = vector.broadcast %add3A_857 : i32 to vector<16xi32>
      %add3A_859 = arith.addi %mul3A_557, %add3A_858 : vector<16xi32>
      %gather3A_860 = tpu.vector_load_idx %arg23[%add3A_859] : memref<6144xf32, #tpu.memory_space<vmem>>[vector<16xi32>], vector<16xf32>,
      %add3A_861 = arith.addf %add3A_856, %gather3A_860 : vector<16xf32>
      %add3A_862 = arith.constant 58 : i32
      %add3A_863 = vector.broadcast %add3A_862 : i32 to vector<16xi32>
      %add3A_864 = arith.addi %mul3A_557, %add3A_863 : vector<16xi32>
      %gather3A_865 = tpu.vector_load_idx %arg23[%add3A_864] : memref<6144xf32, #tpu.memory_space<vmem>>[vector<16xi32>], vector<16xf32>,
      %add3A_866 = arith.addf %add3A_861, %gather3A_865 : vector<16xf32>
      %add3A_867 = arith.constant 59 : i32
      %add3A_868 = vector.broadcast %add3A_867 : i32 to vector<16xi32>
      %add3A_869 = arith.addi %mul3A_557, %add3A_868 : vector<16xi32>
      %gather3A_870 = tpu.vector_load_idx %arg23[%add3A_869] : memref<6144xf32, #tpu.memory_space<vmem>>[vector<16xi32>], vector<16xf32>,
      %add3A_871 = arith.addf %add3A_866, %gather3A_870 : vector<16xf32>
      %add3A_872 = arith.constant 60 : i32
      %add3A_873 = vector.broadcast %add3A_872 : i32 to vector<16xi32>
      %add3A_874 = arith.addi %mul3A_557, %add3A_873 : vector<16xi32>
      %gather3A_875 = tpu.vector_load_idx %arg23[%add3A_874] : memref<6144xf32, #tpu.memory_space<vmem>>[vector<16xi32>], vector<16xf32>,
      %add3A_876 = arith.addf %add3A_871, %gather3A_875 : vector<16xf32>
      %add3A_877 = arith.constant 61 : i32
      %add3A_878 = vector.broadcast %add3A_877 : i32 to vector<16xi32>
      %add3A_879 = arith.addi %mul3A_557, %add3A_878 : vector<16xi32>
      %gather3A_880 = tpu.vector_load_idx %arg23[%add3A_879] : memref<6144xf32, #tpu.memory_space<vmem>>[vector<16xi32>], vector<16xf32>,
      %add3A_881 = arith.addf %add3A_876, %gather3A_880 : vector<16xf32>
      %add3A_882 = arith.constant 62 : i32
      %add3A_883 = vector.broadcast %add3A_882 : i32 to vector<16xi32>
      %add3A_884 = arith.addi %mul3A_557, %add3A_883 : vector<16xi32>
      %gather3A_885 = tpu.vector_load_idx %arg23[%add3A_884] : memref<6144xf32, #tpu.memory_space<vmem>>[vector<16xi32>], vector<16xf32>,
      %add3A_886 = arith.addf %add3A_881, %gather3A_885 : vector<16xf32>
      %add3A_887 = arith.constant 63 : i32
      %add3A_888 = vector.broadcast %add3A_887 : i32 to vector<16xi32>
      %add3A_889 = arith.addi %mul3A_557, %add3A_888 : vector<16xi32>
      %gather3A_890 = tpu.vector_load_idx %arg23[%add3A_889] : memref<6144xf32, #tpu.memory_space<vmem>>[vector<16xi32>], vector<16xf32>,
      %add3A_891 = arith.addf %add3A_886, %gather3A_890 : vector<16xf32>
      %add3A_892 = arith.constant 3 : i32
      %add3A_893 = vector.broadcast %add3A_892 : i32 to vector<16xi32>
      %add3A_894 = arith.addi %mul3A_1, %add3A_893 : vector<16xi32>
      %div3A_895 = arith.divf %add3A_891, %get3A_559 : vector<16xf32>
      tpu.vector_store_idx %arg24[%add3A_554, %add3A_894], %div3A_895 : memref<64x6xf32, #tpu.memory_space<vmem>>[vector<16xi32>, vector<16xi32>], vector<16xf32>,
      %add3A_896 = arith.constant 64 : i32
      %add3A_897 = vector.broadcast %add3A_896 : i32 to vector<16xi32>
      %add3A_898 = arith.addi %mul3A_557, %add3A_897 : vector<16xi32>
      %gather3A_899 = tpu.vector_load_idx %arg23[%add3A_898] : memref<6144xf32, #tpu.memory_space<vmem>>[vector<16xi32>], vector<16xf32>,
      %add3A_900 = arith.addf %broadcast_in_dim3A_19, %gather3A_899 : vector<16xf32>
      %add3A_901 = arith.constant 65 : i32
      %add3A_902 = vector.broadcast %add3A_901 : i32 to vector<16xi32>
      %add3A_903 = arith.addi %mul3A_557, %add3A_902 : vector<16xi32>
      %gather3A_904 = tpu.vector_load_idx %arg23[%add3A_903] : memref<6144xf32, #tpu.memory_space<vmem>>[vector<16xi32>], vector<16xf32>,
      %add3A_905 = arith.addf %add3A_900, %gather3A_904 : vector<16xf32>
      %add3A_906 = arith.constant 66 : i32
      %add3A_907 = vector.broadcast %add3A_906 : i32 to vector<16xi32>
      %add3A_908 = arith.addi %mul3A_557, %add3A_907 : vector<16xi32>
      %gather3A_909 = tpu.vector_load_idx %arg23[%add3A_908] : memref<6144xf32, #tpu.memory_space<vmem>>[vector<16xi32>], vector<16xf32>,
      %add3A_910 = arith.addf %add3A_905, %gather3A_909 : vector<16xf32>
      %add3A_911 = arith.constant 67 : i32
      %add3A_912 = vector.broadcast %add3A_911 : i32 to vector<16xi32>
      %add3A_913 = arith.addi %mul3A_557, %add3A_912 : vector<16xi32>
      %gather3A_914 = tpu.vector_load_idx %arg23[%add3A_913] : memref<6144xf32, #tpu.memory_space<vmem>>[vector<16xi32>], vector<16xf32>,
      %add3A_915 = arith.addf %add3A_910, %gather3A_914 : vector<16xf32>
      %add3A_916 = arith.constant 68 : i32
      %add3A_917 = vector.broadcast %add3A_916 : i32 to vector<16xi32>
      %add3A_918 = arith.addi %mul3A_557, %add3A_917 : vector<16xi32>
      %gather3A_919 = tpu.vector_load_idx %arg23[%add3A_918] : memref<6144xf32, #tpu.memory_space<vmem>>[vector<16xi32>], vector<16xf32>,
      %add3A_920 = arith.addf %add3A_915, %gather3A_919 : vector<16xf32>
      %add3A_921 = arith.constant 69 : i32
      %add3A_922 = vector.broadcast %add3A_921 : i32 to vector<16xi32>
      %add3A_923 = arith.addi %mul3A_557, %add3A_922 : vector<16xi32>
      %gather3A_924 = tpu.vector_load_idx %arg23[%add3A_923] : memref<6144xf32, #tpu.memory_space<vmem>>[vector<16xi32>], vector<16xf32>,
      %add3A_925 = arith.addf %add3A_920, %gather3A_924 : vector<16xf32>
      %add3A_926 = arith.constant 70 : i32
      %add3A_927 = vector.broadcast %add3A_926 : i32 to vector<16xi32>
      %add3A_928 = arith.addi %mul3A_557, %add3A_927 : vector<16xi32>
      %gather3A_929 = tpu.vector_load_idx %arg23[%add3A_928] : memref<6144xf32, #tpu.memory_space<vmem>>[vector<16xi32>], vector<16xf32>,
      %add3A_930 = arith.addf %add3A_925, %gather3A_929 : vector<16xf32>
      %add3A_931 = arith.constant 71 : i32
      %add3A_932 = vector.broadcast %add3A_931 : i32 to vector<16xi32>
      %add3A_933 = arith.addi %mul3A_557, %add3A_932 : vector<16xi32>
      %gather3A_934 = tpu.vector_load_idx %arg23[%add3A_933] : memref<6144xf32, #tpu.memory_space<vmem>>[vector<16xi32>], vector<16xf32>,
      %add3A_935 = arith.addf %add3A_930, %gather3A_934 : vector<16xf32>
      %add3A_936 = arith.constant 72 : i32
      %add3A_937 = vector.broadcast %add3A_936 : i32 to vector<16xi32>
      %add3A_938 = arith.addi %mul3A_557, %add3A_937 : vector<16xi32>
      %gather3A_939 = tpu.vector_load_idx %arg23[%add3A_938] : memref<6144xf32, #tpu.memory_space<vmem>>[vector<16xi32>], vector<16xf32>,
      %add3A_940 = arith.addf %add3A_935, %gather3A_939 : vector<16xf32>
      %add3A_941 = arith.constant 73 : i32
      %add3A_942 = vector.broadcast %add3A_941 : i32 to vector<16xi32>
      %add3A_943 = arith.addi %mul3A_557, %add3A_942 : vector<16xi32>
      %gather3A_944 = tpu.vector_load_idx %arg23[%add3A_943] : memref<6144xf32, #tpu.memory_space<vmem>>[vector<16xi32>], vector<16xf32>,
      %add3A_945 = arith.addf %add3A_940, %gather3A_944 : vector<16xf32>
      %add3A_946 = arith.constant 74 : i32
      %add3A_947 = vector.broadcast %add3A_946 : i32 to vector<16xi32>
      %add3A_948 = arith.addi %mul3A_557, %add3A_947 : vector<16xi32>
      %gather3A_949 = tpu.vector_load_idx %arg23[%add3A_948] : memref<6144xf32, #tpu.memory_space<vmem>>[vector<16xi32>], vector<16xf32>,
      %add3A_950 = arith.addf %add3A_945, %gather3A_949 : vector<16xf32>
      %add3A_951 = arith.constant 75 : i32
      %add3A_952 = vector.broadcast %add3A_951 : i32 to vector<16xi32>
      %add3A_953 = arith.addi %mul3A_557, %add3A_952 : vector<16xi32>
      %gather3A_954 = tpu.vector_load_idx %arg23[%add3A_953] : memref<6144xf32, #tpu.memory_space<vmem>>[vector<16xi32>], vector<16xf32>,
      %add3A_955 = arith.addf %add3A_950, %gather3A_954 : vector<16xf32>
      %add3A_956 = arith.constant 76 : i32
      %add3A_957 = vector.broadcast %add3A_956 : i32 to vector<16xi32>
      %add3A_958 = arith.addi %mul3A_557, %add3A_957 : vector<16xi32>
      %gather3A_959 = tpu.vector_load_idx %arg23[%add3A_958] : memref<6144xf32, #tpu.memory_space<vmem>>[vector<16xi32>], vector<16xf32>,
      %add3A_960 = arith.addf %add3A_955, %gather3A_959 : vector<16xf32>
      %add3A_961 = arith.constant 77 : i32
      %add3A_962 = vector.broadcast %add3A_961 : i32 to vector<16xi32>
      %add3A_963 = arith.addi %mul3A_557, %add3A_962 : vector<16xi32>
      %gather3A_964 = tpu.vector_load_idx %arg23[%add3A_963] : memref<6144xf32, #tpu.memory_space<vmem>>[vector<16xi32>], vector<16xf32>,
      %add3A_965 = arith.addf %add3A_960, %gather3A_964 : vector<16xf32>
      %add3A_966 = arith.constant 78 : i32
      %add3A_967 = vector.broadcast %add3A_966 : i32 to vector<16xi32>
      %add3A_968 = arith.addi %mul3A_557, %add3A_967 : vector<16xi32>
      %gather3A_969 = tpu.vector_load_idx %arg23[%add3A_968] : memref<6144xf32, #tpu.memory_space<vmem>>[vector<16xi32>], vector<16xf32>,
      %add3A_970 = arith.addf %add3A_965, %gather3A_969 : vector<16xf32>
      %add3A_971 = arith.constant 79 : i32
      %add3A_972 = vector.broadcast %add3A_971 : i32 to vector<16xi32>
      %add3A_973 = arith.addi %mul3A_557, %add3A_972 : vector<16xi32>
      %gather3A_974 = tpu.vector_load_idx %arg23[%add3A_973] : memref<6144xf32, #tpu.memory_space<vmem>>[vector<16xi32>], vector<16xf32>,
      %add3A_975 = arith.addf %add3A_970, %gather3A_974 : vector<16xf32>
      %add3A_976 = arith.constant 4 : i32
      %add3A_977 = vector.broadcast %add3A_976 : i32 to vector<16xi32>
      %add3A_978 = arith.addi %mul3A_1, %add3A_977 : vector<16xi32>
      %div3A_979 = arith.divf %add3A_975, %get3A_559 : vector<16xf32>
      tpu.vector_store_idx %arg24[%add3A_554, %add3A_978], %div3A_979 : memref<64x6xf32, #tpu.memory_space<vmem>>[vector<16xi32>, vector<16xi32>], vector<16xf32>,
      %add3A_980 = arith.constant 80 : i32
      %add3A_981 = vector.broadcast %add3A_980 : i32 to vector<16xi32>
      %add3A_982 = arith.addi %mul3A_557, %add3A_981 : vector<16xi32>
      %gather3A_983 = tpu.vector_load_idx %arg23[%add3A_982] : memref<6144xf32, #tpu.memory_space<vmem>>[vector<16xi32>], vector<16xf32>,
      %add3A_984 = arith.addf %broadcast_in_dim3A_19, %gather3A_983 : vector<16xf32>
      %add3A_985 = arith.constant 81 : i32
      %add3A_986 = vector.broadcast %add3A_985 : i32 to vector<16xi32>
      %add3A_987 = arith.addi %mul3A_557, %add3A_986 : vector<16xi32>
      %gather3A_988 = tpu.vector_load_idx %arg23[%add3A_987] : memref<6144xf32, #tpu.memory_space<vmem>>[vector<16xi32>], vector<16xf32>,
      %add3A_989 = arith.addf %add3A_984, %gather3A_988 : vector<16xf32>
      %add3A_990 = arith.constant 82 : i32
      %add3A_991 = vector.broadcast %add3A_990 : i32 to vector<16xi32>
      %add3A_992 = arith.addi %mul3A_557, %add3A_991 : vector<16xi32>
      %gather3A_993 = tpu.vector_load_idx %arg23[%add3A_992] : memref<6144xf32, #tpu.memory_space<vmem>>[vector<16xi32>], vector<16xf32>,
      %add3A_994 = arith.addf %add3A_989, %gather3A_993 : vector<16xf32>
      %add3A_995 = arith.constant 83 : i32
      %add3A_996 = vector.broadcast %add3A_995 : i32 to vector<16xi32>
      %add3A_997 = arith.addi %mul3A_557, %add3A_996 : vector<16xi32>
      %gather3A_998 = tpu.vector_load_idx %arg23[%add3A_997] : memref<6144xf32, #tpu.memory_space<vmem>>[vector<16xi32>], vector<16xf32>,
      %add3A_999 = arith.addf %add3A_994, %gather3A_998 : vector<16xf32>
      %add3A_1000 = arith.constant 84 : i32
      %add3A_1001 = vector.broadcast %add3A_1000 : i32 to vector<16xi32>
      %add3A_1002 = arith.addi %mul3A_557, %add3A_1001 : vector<16xi32>
      %gather3A_1003 = tpu.vector_load_idx %arg23[%add3A_1002] : memref<6144xf32, #tpu.memory_space<vmem>>[vector<16xi32>], vector<16xf32>,
      %add3A_1004 = arith.addf %add3A_999, %gather3A_1003 : vector<16xf32>
      %add3A_1005 = arith.constant 85 : i32
      %add3A_1006 = vector.broadcast %add3A_1005 : i32 to vector<16xi32>
      %add3A_1007 = arith.addi %mul3A_557, %add3A_1006 : vector<16xi32>
      %gather3A_1008 = tpu.vector_load_idx %arg23[%add3A_1007] : memref<6144xf32, #tpu.memory_space<vmem>>[vector<16xi32>], vector<16xf32>,
      %add3A_1009 = arith.addf %add3A_1004, %gather3A_1008 : vector<16xf32>
      %add3A_1010 = arith.constant 86 : i32
      %add3A_1011 = vector.broadcast %add3A_1010 : i32 to vector<16xi32>
      %add3A_1012 = arith.addi %mul3A_557, %add3A_1011 : vector<16xi32>
      %gather3A_1013 = tpu.vector_load_idx %arg23[%add3A_1012] : memref<6144xf32, #tpu.memory_space<vmem>>[vector<16xi32>], vector<16xf32>,
      %add3A_1014 = arith.addf %add3A_1009, %gather3A_1013 : vector<16xf32>
      %add3A_1015 = arith.constant 87 : i32
      %add3A_1016 = vector.broadcast %add3A_1015 : i32 to vector<16xi32>
      %add3A_1017 = arith.addi %mul3A_557, %add3A_1016 : vector<16xi32>
      %gather3A_1018 = tpu.vector_load_idx %arg23[%add3A_1017] : memref<6144xf32, #tpu.memory_space<vmem>>[vector<16xi32>], vector<16xf32>,
      %add3A_1019 = arith.addf %add3A_1014, %gather3A_1018 : vector<16xf32>
      %add3A_1020 = arith.constant 88 : i32
      %add3A_1021 = vector.broadcast %add3A_1020 : i32 to vector<16xi32>
      %add3A_1022 = arith.addi %mul3A_557, %add3A_1021 : vector<16xi32>
      %gather3A_1023 = tpu.vector_load_idx %arg23[%add3A_1022] : memref<6144xf32, #tpu.memory_space<vmem>>[vector<16xi32>], vector<16xf32>,
      %add3A_1024 = arith.addf %add3A_1019, %gather3A_1023 : vector<16xf32>
      %add3A_1025 = arith.constant 89 : i32
      %add3A_1026 = vector.broadcast %add3A_1025 : i32 to vector<16xi32>
      %add3A_1027 = arith.addi %mul3A_557, %add3A_1026 : vector<16xi32>
      %gather3A_1028 = tpu.vector_load_idx %arg23[%add3A_1027] : memref<6144xf32, #tpu.memory_space<vmem>>[vector<16xi32>], vector<16xf32>,
      %add3A_1029 = arith.addf %add3A_1024, %gather3A_1028 : vector<16xf32>
      %add3A_1030 = arith.constant 90 : i32
      %add3A_1031 = vector.broadcast %add3A_1030 : i32 to vector<16xi32>
      %add3A_1032 = arith.addi %mul3A_557, %add3A_1031 : vector<16xi32>
      %gather3A_1033 = tpu.vector_load_idx %arg23[%add3A_1032] : memref<6144xf32, #tpu.memory_space<vmem>>[vector<16xi32>], vector<16xf32>,
      %add3A_1034 = arith.addf %add3A_1029, %gather3A_1033 : vector<16xf32>
      %add3A_1035 = arith.constant 91 : i32
      %add3A_1036 = vector.broadcast %add3A_1035 : i32 to vector<16xi32>
      %add3A_1037 = arith.addi %mul3A_557, %add3A_1036 : vector<16xi32>
      %gather3A_1038 = tpu.vector_load_idx %arg23[%add3A_1037] : memref<6144xf32, #tpu.memory_space<vmem>>[vector<16xi32>], vector<16xf32>,
      %add3A_1039 = arith.addf %add3A_1034, %gather3A_1038 : vector<16xf32>
      %add3A_1040 = arith.constant 92 : i32
      %add3A_1041 = vector.broadcast %add3A_1040 : i32 to vector<16xi32>
      %add3A_1042 = arith.addi %mul3A_557, %add3A_1041 : vector<16xi32>
      %gather3A_1043 = tpu.vector_load_idx %arg23[%add3A_1042] : memref<6144xf32, #tpu.memory_space<vmem>>[vector<16xi32>], vector<16xf32>,
      %add3A_1044 = arith.addf %add3A_1039, %gather3A_1043 : vector<16xf32>
      %add3A_1045 = arith.constant 93 : i32
      %add3A_1046 = vector.broadcast %add3A_1045 : i32 to vector<16xi32>
      %add3A_1047 = arith.addi %mul3A_557, %add3A_1046 : vector<16xi32>
      %gather3A_1048 = tpu.vector_load_idx %arg23[%add3A_1047] : memref<6144xf32, #tpu.memory_space<vmem>>[vector<16xi32>], vector<16xf32>,
      %add3A_1049 = arith.addf %add3A_1044, %gather3A_1048 : vector<16xf32>
      %add3A_1050 = arith.constant 94 : i32
      %add3A_1051 = vector.broadcast %add3A_1050 : i32 to vector<16xi32>
      %add3A_1052 = arith.addi %mul3A_557, %add3A_1051 : vector<16xi32>
      %gather3A_1053 = tpu.vector_load_idx %arg23[%add3A_1052] : memref<6144xf32, #tpu.memory_space<vmem>>[vector<16xi32>], vector<16xf32>,
      %add3A_1054 = arith.addf %add3A_1049, %gather3A_1053 : vector<16xf32>
      %add3A_1055 = arith.constant 95 : i32
      %add3A_1056 = vector.broadcast %add3A_1055 : i32 to vector<16xi32>
      %add3A_1057 = arith.addi %mul3A_557, %add3A_1056 : vector<16xi32>
      %gather3A_1058 = tpu.vector_load_idx %arg23[%add3A_1057] : memref<6144xf32, #tpu.memory_space<vmem>>[vector<16xi32>], vector<16xf32>,
      %add3A_1059 = arith.addf %add3A_1054, %gather3A_1058 : vector<16xf32>
      %add3A_1060 = arith.constant 5 : i32
      %add3A_1061 = vector.broadcast %add3A_1060 : i32 to vector<16xi32>
      %add3A_1062 = arith.addi %mul3A_1, %add3A_1061 : vector<16xi32>
      %div3A_1063 = arith.divf %add3A_1059, %get3A_559 : vector<16xf32>
      tpu.vector_store_idx %arg24[%add3A_554, %add3A_1062], %div3A_1063 : memref<64x6xf32, #tpu.memory_space<vmem>>[vector<16xi32>, vector<16xi32>], vector<16xf32>,
      %add3A_1064 = arith.constant 32 : i32
      %add3A_1065 = vector.broadcast %add3A_1064 : i32 to vector<16xi32>
      %add3A_1066 = arith.addi %iota3A, %add3A_1065 : vector<16xi32>
      %mul3A_1067 = arith.constant 96 : i32
      %mul3A_1068 = vector.broadcast %mul3A_1067 : i32 to vector<16xi32>
      %mul3A_1069 = arith.muli %add3A_1066, %mul3A_1068 : vector<16xi32>
      %get3A_1070 = arith.constant 32 : index
      %get3A_1071 = tpu.vector_load %arg25[%get3A_1070] {strides = array<i32>} : memref<64xf32, #tpu.memory_space<vmem>>, vector<16xf32>,
      %add3A_1072 = arith.constant 0 : i32
      %add3A_1073 = vector.broadcast %add3A_1072 : i32 to vector<16xi32>
      %add3A_1074 = arith.addi %mul3A_1069, %add3A_1073 : vector<16xi32>
      %gather3A_1075 = tpu.vector_load_idx %arg23[%add3A_1074] : memref<6144xf32, #tpu.memory_space<vmem>>[vector<16xi32>], vector<16xf32>,
      %add3A_1076 = arith.addf %broadcast_in_dim3A_19, %gather3A_1075 : vector<16xf32>
      %add3A_1077 = arith.constant 1 : i32
      %add3A_1078 = vector.broadcast %add3A_1077 : i32 to vector<16xi32>
      %add3A_1079 = arith.addi %mul3A_1069, %add3A_1078 : vector<16xi32>
      %gather3A_1080 = tpu.vector_load_idx %arg23[%add3A_1079] : memref<6144xf32, #tpu.memory_space<vmem>>[vector<16xi32>], vector<16xf32>,
      %add3A_1081 = arith.addf %add3A_1076, %gather3A_1080 : vector<16xf32>
      %add3A_1082 = arith.constant 2 : i32
      %add3A_1083 = vector.broadcast %add3A_1082 : i32 to vector<16xi32>
      %add3A_1084 = arith.addi %mul3A_1069, %add3A_1083 : vector<16xi32>
      %gather3A_1085 = tpu.vector_load_idx %arg23[%add3A_1084] : memref<6144xf32, #tpu.memory_space<vmem>>[vector<16xi32>], vector<16xf32>,
      %add3A_1086 = arith.addf %add3A_1081, %gather3A_1085 : vector<16xf32>
      %add3A_1087 = arith.constant 3 : i32
      %add3A_1088 = vector.broadcast %add3A_1087 : i32 to vector<16xi32>
      %add3A_1089 = arith.addi %mul3A_1069, %add3A_1088 : vector<16xi32>
      %gather3A_1090 = tpu.vector_load_idx %arg23[%add3A_1089] : memref<6144xf32, #tpu.memory_space<vmem>>[vector<16xi32>], vector<16xf32>,
      %add3A_1091 = arith.addf %add3A_1086, %gather3A_1090 : vector<16xf32>
      %add3A_1092 = arith.constant 4 : i32
      %add3A_1093 = vector.broadcast %add3A_1092 : i32 to vector<16xi32>
      %add3A_1094 = arith.addi %mul3A_1069, %add3A_1093 : vector<16xi32>
      %gather3A_1095 = tpu.vector_load_idx %arg23[%add3A_1094] : memref<6144xf32, #tpu.memory_space<vmem>>[vector<16xi32>], vector<16xf32>,
      %add3A_1096 = arith.addf %add3A_1091, %gather3A_1095 : vector<16xf32>
      %add3A_1097 = arith.constant 5 : i32
      %add3A_1098 = vector.broadcast %add3A_1097 : i32 to vector<16xi32>
      %add3A_1099 = arith.addi %mul3A_1069, %add3A_1098 : vector<16xi32>
      %gather3A_1100 = tpu.vector_load_idx %arg23[%add3A_1099] : memref<6144xf32, #tpu.memory_space<vmem>>[vector<16xi32>], vector<16xf32>,
      %add3A_1101 = arith.addf %add3A_1096, %gather3A_1100 : vector<16xf32>
      %add3A_1102 = arith.constant 6 : i32
      %add3A_1103 = vector.broadcast %add3A_1102 : i32 to vector<16xi32>
      %add3A_1104 = arith.addi %mul3A_1069, %add3A_1103 : vector<16xi32>
      %gather3A_1105 = tpu.vector_load_idx %arg23[%add3A_1104] : memref<6144xf32, #tpu.memory_space<vmem>>[vector<16xi32>], vector<16xf32>,
      %add3A_1106 = arith.addf %add3A_1101, %gather3A_1105 : vector<16xf32>
      %add3A_1107 = arith.constant 7 : i32
      %add3A_1108 = vector.broadcast %add3A_1107 : i32 to vector<16xi32>
      %add3A_1109 = arith.addi %mul3A_1069, %add3A_1108 : vector<16xi32>
      %gather3A_1110 = tpu.vector_load_idx %arg23[%add3A_1109] : memref<6144xf32, #tpu.memory_space<vmem>>[vector<16xi32>], vector<16xf32>,
      %add3A_1111 = arith.addf %add3A_1106, %gather3A_1110 : vector<16xf32>
      %add3A_1112 = arith.constant 8 : i32
      %add3A_1113 = vector.broadcast %add3A_1112 : i32 to vector<16xi32>
      %add3A_1114 = arith.addi %mul3A_1069, %add3A_1113 : vector<16xi32>
      %gather3A_1115 = tpu.vector_load_idx %arg23[%add3A_1114] : memref<6144xf32, #tpu.memory_space<vmem>>[vector<16xi32>], vector<16xf32>,
      %add3A_1116 = arith.addf %add3A_1111, %gather3A_1115 : vector<16xf32>
      %add3A_1117 = arith.constant 9 : i32
      %add3A_1118 = vector.broadcast %add3A_1117 : i32 to vector<16xi32>
      %add3A_1119 = arith.addi %mul3A_1069, %add3A_1118 : vector<16xi32>
      %gather3A_1120 = tpu.vector_load_idx %arg23[%add3A_1119] : memref<6144xf32, #tpu.memory_space<vmem>>[vector<16xi32>], vector<16xf32>,
      %add3A_1121 = arith.addf %add3A_1116, %gather3A_1120 : vector<16xf32>
      %add3A_1122 = arith.constant 10 : i32
      %add3A_1123 = vector.broadcast %add3A_1122 : i32 to vector<16xi32>
      %add3A_1124 = arith.addi %mul3A_1069, %add3A_1123 : vector<16xi32>
      %gather3A_1125 = tpu.vector_load_idx %arg23[%add3A_1124] : memref<6144xf32, #tpu.memory_space<vmem>>[vector<16xi32>], vector<16xf32>,
      %add3A_1126 = arith.addf %add3A_1121, %gather3A_1125 : vector<16xf32>
      %add3A_1127 = arith.constant 11 : i32
      %add3A_1128 = vector.broadcast %add3A_1127 : i32 to vector<16xi32>
      %add3A_1129 = arith.addi %mul3A_1069, %add3A_1128 : vector<16xi32>
      %gather3A_1130 = tpu.vector_load_idx %arg23[%add3A_1129] : memref<6144xf32, #tpu.memory_space<vmem>>[vector<16xi32>], vector<16xf32>,
      %add3A_1131 = arith.addf %add3A_1126, %gather3A_1130 : vector<16xf32>
      %add3A_1132 = arith.constant 12 : i32
      %add3A_1133 = vector.broadcast %add3A_1132 : i32 to vector<16xi32>
      %add3A_1134 = arith.addi %mul3A_1069, %add3A_1133 : vector<16xi32>
      %gather3A_1135 = tpu.vector_load_idx %arg23[%add3A_1134] : memref<6144xf32, #tpu.memory_space<vmem>>[vector<16xi32>], vector<16xf32>,
      %add3A_1136 = arith.addf %add3A_1131, %gather3A_1135 : vector<16xf32>
      %add3A_1137 = arith.constant 13 : i32
      %add3A_1138 = vector.broadcast %add3A_1137 : i32 to vector<16xi32>
      %add3A_1139 = arith.addi %mul3A_1069, %add3A_1138 : vector<16xi32>
      %gather3A_1140 = tpu.vector_load_idx %arg23[%add3A_1139] : memref<6144xf32, #tpu.memory_space<vmem>>[vector<16xi32>], vector<16xf32>,
      %add3A_1141 = arith.addf %add3A_1136, %gather3A_1140 : vector<16xf32>
      %add3A_1142 = arith.constant 14 : i32
      %add3A_1143 = vector.broadcast %add3A_1142 : i32 to vector<16xi32>
      %add3A_1144 = arith.addi %mul3A_1069, %add3A_1143 : vector<16xi32>
      %gather3A_1145 = tpu.vector_load_idx %arg23[%add3A_1144] : memref<6144xf32, #tpu.memory_space<vmem>>[vector<16xi32>], vector<16xf32>,
      %add3A_1146 = arith.addf %add3A_1141, %gather3A_1145 : vector<16xf32>
      %add3A_1147 = arith.constant 15 : i32
      %add3A_1148 = vector.broadcast %add3A_1147 : i32 to vector<16xi32>
      %add3A_1149 = arith.addi %mul3A_1069, %add3A_1148 : vector<16xi32>
      %gather3A_1150 = tpu.vector_load_idx %arg23[%add3A_1149] : memref<6144xf32, #tpu.memory_space<vmem>>[vector<16xi32>], vector<16xf32>,
      %add3A_1151 = arith.addf %add3A_1146, %gather3A_1150 : vector<16xf32>
      %add3A_1152 = arith.constant 0 : i32
      %add3A_1153 = vector.broadcast %add3A_1152 : i32 to vector<16xi32>
      %add3A_1154 = arith.addi %mul3A_1, %add3A_1153 : vector<16xi32>
      %div3A_1155 = arith.divf %add3A_1151, %get3A_1071 : vector<16xf32>
      tpu.vector_store_idx %arg24[%add3A_1066, %add3A_1154], %div3A_1155 : memref<64x6xf32, #tpu.memory_space<vmem>>[vector<16xi32>, vector<16xi32>], vector<16xf32>,
      %add3A_1156 = arith.constant 16 : i32
      %add3A_1157 = vector.broadcast %add3A_1156 : i32 to vector<16xi32>
      %add3A_1158 = arith.addi %mul3A_1069, %add3A_1157 : vector<16xi32>
      %gather3A_1159 = tpu.vector_load_idx %arg23[%add3A_1158] : memref<6144xf32, #tpu.memory_space<vmem>>[vector<16xi32>], vector<16xf32>,
      %add3A_1160 = arith.addf %broadcast_in_dim3A_19, %gather3A_1159 : vector<16xf32>
      %add3A_1161 = arith.constant 17 : i32
      %add3A_1162 = vector.broadcast %add3A_1161 : i32 to vector<16xi32>
      %add3A_1163 = arith.addi %mul3A_1069, %add3A_1162 : vector<16xi32>
      %gather3A_1164 = tpu.vector_load_idx %arg23[%add3A_1163] : memref<6144xf32, #tpu.memory_space<vmem>>[vector<16xi32>], vector<16xf32>,
      %add3A_1165 = arith.addf %add3A_1160, %gather3A_1164 : vector<16xf32>
      %add3A_1166 = arith.constant 18 : i32
      %add3A_1167 = vector.broadcast %add3A_1166 : i32 to vector<16xi32>
      %add3A_1168 = arith.addi %mul3A_1069, %add3A_1167 : vector<16xi32>
      %gather3A_1169 = tpu.vector_load_idx %arg23[%add3A_1168] : memref<6144xf32, #tpu.memory_space<vmem>>[vector<16xi32>], vector<16xf32>,
      %add3A_1170 = arith.addf %add3A_1165, %gather3A_1169 : vector<16xf32>
      %add3A_1171 = arith.constant 19 : i32
      %add3A_1172 = vector.broadcast %add3A_1171 : i32 to vector<16xi32>
      %add3A_1173 = arith.addi %mul3A_1069, %add3A_1172 : vector<16xi32>
      %gather3A_1174 = tpu.vector_load_idx %arg23[%add3A_1173] : memref<6144xf32, #tpu.memory_space<vmem>>[vector<16xi32>], vector<16xf32>,
      %add3A_1175 = arith.addf %add3A_1170, %gather3A_1174 : vector<16xf32>
      %add3A_1176 = arith.constant 20 : i32
      %add3A_1177 = vector.broadcast %add3A_1176 : i32 to vector<16xi32>
      %add3A_1178 = arith.addi %mul3A_1069, %add3A_1177 : vector<16xi32>
      %gather3A_1179 = tpu.vector_load_idx %arg23[%add3A_1178] : memref<6144xf32, #tpu.memory_space<vmem>>[vector<16xi32>], vector<16xf32>,
      %add3A_1180 = arith.addf %add3A_1175, %gather3A_1179 : vector<16xf32>
      %add3A_1181 = arith.constant 21 : i32
      %add3A_1182 = vector.broadcast %add3A_1181 : i32 to vector<16xi32>
      %add3A_1183 = arith.addi %mul3A_1069, %add3A_1182 : vector<16xi32>
      %gather3A_1184 = tpu.vector_load_idx %arg23[%add3A_1183] : memref<6144xf32, #tpu.memory_space<vmem>>[vector<16xi32>], vector<16xf32>,
      %add3A_1185 = arith.addf %add3A_1180, %gather3A_1184 : vector<16xf32>
      %add3A_1186 = arith.constant 22 : i32
      %add3A_1187 = vector.broadcast %add3A_1186 : i32 to vector<16xi32>
      %add3A_1188 = arith.addi %mul3A_1069, %add3A_1187 : vector<16xi32>
      %gather3A_1189 = tpu.vector_load_idx %arg23[%add3A_1188] : memref<6144xf32, #tpu.memory_space<vmem>>[vector<16xi32>], vector<16xf32>,
      %add3A_1190 = arith.addf %add3A_1185, %gather3A_1189 : vector<16xf32>
      %add3A_1191 = arith.constant 23 : i32
      %add3A_1192 = vector.broadcast %add3A_1191 : i32 to vector<16xi32>
      %add3A_1193 = arith.addi %mul3A_1069, %add3A_1192 : vector<16xi32>
      %gather3A_1194 = tpu.vector_load_idx %arg23[%add3A_1193] : memref<6144xf32, #tpu.memory_space<vmem>>[vector<16xi32>], vector<16xf32>,
      %add3A_1195 = arith.addf %add3A_1190, %gather3A_1194 : vector<16xf32>
      %add3A_1196 = arith.constant 24 : i32
      %add3A_1197 = vector.broadcast %add3A_1196 : i32 to vector<16xi32>
      %add3A_1198 = arith.addi %mul3A_1069, %add3A_1197 : vector<16xi32>
      %gather3A_1199 = tpu.vector_load_idx %arg23[%add3A_1198] : memref<6144xf32, #tpu.memory_space<vmem>>[vector<16xi32>], vector<16xf32>,
      %add3A_1200 = arith.addf %add3A_1195, %gather3A_1199 : vector<16xf32>
      %add3A_1201 = arith.constant 25 : i32
      %add3A_1202 = vector.broadcast %add3A_1201 : i32 to vector<16xi32>
      %add3A_1203 = arith.addi %mul3A_1069, %add3A_1202 : vector<16xi32>
      %gather3A_1204 = tpu.vector_load_idx %arg23[%add3A_1203] : memref<6144xf32, #tpu.memory_space<vmem>>[vector<16xi32>], vector<16xf32>,
      %add3A_1205 = arith.addf %add3A_1200, %gather3A_1204 : vector<16xf32>
      %add3A_1206 = arith.constant 26 : i32
      %add3A_1207 = vector.broadcast %add3A_1206 : i32 to vector<16xi32>
      %add3A_1208 = arith.addi %mul3A_1069, %add3A_1207 : vector<16xi32>
      %gather3A_1209 = tpu.vector_load_idx %arg23[%add3A_1208] : memref<6144xf32, #tpu.memory_space<vmem>>[vector<16xi32>], vector<16xf32>,
      %add3A_1210 = arith.addf %add3A_1205, %gather3A_1209 : vector<16xf32>
      %add3A_1211 = arith.constant 27 : i32
      %add3A_1212 = vector.broadcast %add3A_1211 : i32 to vector<16xi32>
      %add3A_1213 = arith.addi %mul3A_1069, %add3A_1212 : vector<16xi32>
      %gather3A_1214 = tpu.vector_load_idx %arg23[%add3A_1213] : memref<6144xf32, #tpu.memory_space<vmem>>[vector<16xi32>], vector<16xf32>,
      %add3A_1215 = arith.addf %add3A_1210, %gather3A_1214 : vector<16xf32>
      %add3A_1216 = arith.constant 28 : i32
      %add3A_1217 = vector.broadcast %add3A_1216 : i32 to vector<16xi32>
      %add3A_1218 = arith.addi %mul3A_1069, %add3A_1217 : vector<16xi32>
      %gather3A_1219 = tpu.vector_load_idx %arg23[%add3A_1218] : memref<6144xf32, #tpu.memory_space<vmem>>[vector<16xi32>], vector<16xf32>,
      %add3A_1220 = arith.addf %add3A_1215, %gather3A_1219 : vector<16xf32>
      %add3A_1221 = arith.constant 29 : i32
      %add3A_1222 = vector.broadcast %add3A_1221 : i32 to vector<16xi32>
      %add3A_1223 = arith.addi %mul3A_1069, %add3A_1222 : vector<16xi32>
      %gather3A_1224 = tpu.vector_load_idx %arg23[%add3A_1223] : memref<6144xf32, #tpu.memory_space<vmem>>[vector<16xi32>], vector<16xf32>,
      %add3A_1225 = arith.addf %add3A_1220, %gather3A_1224 : vector<16xf32>
      %add3A_1226 = arith.constant 30 : i32
      %add3A_1227 = vector.broadcast %add3A_1226 : i32 to vector<16xi32>
      %add3A_1228 = arith.addi %mul3A_1069, %add3A_1227 : vector<16xi32>
      %gather3A_1229 = tpu.vector_load_idx %arg23[%add3A_1228] : memref<6144xf32, #tpu.memory_space<vmem>>[vector<16xi32>], vector<16xf32>,
      %add3A_1230 = arith.addf %add3A_1225, %gather3A_1229 : vector<16xf32>
      %add3A_1231 = arith.constant 31 : i32
      %add3A_1232 = vector.broadcast %add3A_1231 : i32 to vector<16xi32>
      %add3A_1233 = arith.addi %mul3A_1069, %add3A_1232 : vector<16xi32>
      %gather3A_1234 = tpu.vector_load_idx %arg23[%add3A_1233] : memref<6144xf32, #tpu.memory_space<vmem>>[vector<16xi32>], vector<16xf32>,
      %add3A_1235 = arith.addf %add3A_1230, %gather3A_1234 : vector<16xf32>
      %add3A_1236 = arith.constant 1 : i32
      %add3A_1237 = vector.broadcast %add3A_1236 : i32 to vector<16xi32>
      %add3A_1238 = arith.addi %mul3A_1, %add3A_1237 : vector<16xi32>
      %div3A_1239 = arith.divf %add3A_1235, %get3A_1071 : vector<16xf32>
      tpu.vector_store_idx %arg24[%add3A_1066, %add3A_1238], %div3A_1239 : memref<64x6xf32, #tpu.memory_space<vmem>>[vector<16xi32>, vector<16xi32>], vector<16xf32>,
      %add3A_1240 = arith.constant 32 : i32
      %add3A_1241 = vector.broadcast %add3A_1240 : i32 to vector<16xi32>
      %add3A_1242 = arith.addi %mul3A_1069, %add3A_1241 : vector<16xi32>
      %gather3A_1243 = tpu.vector_load_idx %arg23[%add3A_1242] : memref<6144xf32, #tpu.memory_space<vmem>>[vector<16xi32>], vector<16xf32>,
      %add3A_1244 = arith.addf %broadcast_in_dim3A_19, %gather3A_1243 : vector<16xf32>
      %add3A_1245 = arith.constant 33 : i32
      %add3A_1246 = vector.broadcast %add3A_1245 : i32 to vector<16xi32>
      %add3A_1247 = arith.addi %mul3A_1069, %add3A_1246 : vector<16xi32>
      %gather3A_1248 = tpu.vector_load_idx %arg23[%add3A_1247] : memref<6144xf32, #tpu.memory_space<vmem>>[vector<16xi32>], vector<16xf32>,
      %add3A_1249 = arith.addf %add3A_1244, %gather3A_1248 : vector<16xf32>
      %add3A_1250 = arith.constant 34 : i32
      %add3A_1251 = vector.broadcast %add3A_1250 : i32 to vector<16xi32>
      %add3A_1252 = arith.addi %mul3A_1069, %add3A_1251 : vector<16xi32>
      %gather3A_1253 = tpu.vector_load_idx %arg23[%add3A_1252] : memref<6144xf32, #tpu.memory_space<vmem>>[vector<16xi32>], vector<16xf32>,
      %add3A_1254 = arith.addf %add3A_1249, %gather3A_1253 : vector<16xf32>
      %add3A_1255 = arith.constant 35 : i32
      %add3A_1256 = vector.broadcast %add3A_1255 : i32 to vector<16xi32>
      %add3A_1257 = arith.addi %mul3A_1069, %add3A_1256 : vector<16xi32>
      %gather3A_1258 = tpu.vector_load_idx %arg23[%add3A_1257] : memref<6144xf32, #tpu.memory_space<vmem>>[vector<16xi32>], vector<16xf32>,
      %add3A_1259 = arith.addf %add3A_1254, %gather3A_1258 : vector<16xf32>
      %add3A_1260 = arith.constant 36 : i32
      %add3A_1261 = vector.broadcast %add3A_1260 : i32 to vector<16xi32>
      %add3A_1262 = arith.addi %mul3A_1069, %add3A_1261 : vector<16xi32>
      %gather3A_1263 = tpu.vector_load_idx %arg23[%add3A_1262] : memref<6144xf32, #tpu.memory_space<vmem>>[vector<16xi32>], vector<16xf32>,
      %add3A_1264 = arith.addf %add3A_1259, %gather3A_1263 : vector<16xf32>
      %add3A_1265 = arith.constant 37 : i32
      %add3A_1266 = vector.broadcast %add3A_1265 : i32 to vector<16xi32>
      %add3A_1267 = arith.addi %mul3A_1069, %add3A_1266 : vector<16xi32>
      %gather3A_1268 = tpu.vector_load_idx %arg23[%add3A_1267] : memref<6144xf32, #tpu.memory_space<vmem>>[vector<16xi32>], vector<16xf32>,
      %add3A_1269 = arith.addf %add3A_1264, %gather3A_1268 : vector<16xf32>
      %add3A_1270 = arith.constant 38 : i32
      %add3A_1271 = vector.broadcast %add3A_1270 : i32 to vector<16xi32>
      %add3A_1272 = arith.addi %mul3A_1069, %add3A_1271 : vector<16xi32>
      %gather3A_1273 = tpu.vector_load_idx %arg23[%add3A_1272] : memref<6144xf32, #tpu.memory_space<vmem>>[vector<16xi32>], vector<16xf32>,
      %add3A_1274 = arith.addf %add3A_1269, %gather3A_1273 : vector<16xf32>
      %add3A_1275 = arith.constant 39 : i32
      %add3A_1276 = vector.broadcast %add3A_1275 : i32 to vector<16xi32>
      %add3A_1277 = arith.addi %mul3A_1069, %add3A_1276 : vector<16xi32>
      %gather3A_1278 = tpu.vector_load_idx %arg23[%add3A_1277] : memref<6144xf32, #tpu.memory_space<vmem>>[vector<16xi32>], vector<16xf32>,
      %add3A_1279 = arith.addf %add3A_1274, %gather3A_1278 : vector<16xf32>
      %add3A_1280 = arith.constant 40 : i32
      %add3A_1281 = vector.broadcast %add3A_1280 : i32 to vector<16xi32>
      %add3A_1282 = arith.addi %mul3A_1069, %add3A_1281 : vector<16xi32>
      %gather3A_1283 = tpu.vector_load_idx %arg23[%add3A_1282] : memref<6144xf32, #tpu.memory_space<vmem>>[vector<16xi32>], vector<16xf32>,
      %add3A_1284 = arith.addf %add3A_1279, %gather3A_1283 : vector<16xf32>
      %add3A_1285 = arith.constant 41 : i32
      %add3A_1286 = vector.broadcast %add3A_1285 : i32 to vector<16xi32>
      %add3A_1287 = arith.addi %mul3A_1069, %add3A_1286 : vector<16xi32>
      %gather3A_1288 = tpu.vector_load_idx %arg23[%add3A_1287] : memref<6144xf32, #tpu.memory_space<vmem>>[vector<16xi32>], vector<16xf32>,
      %add3A_1289 = arith.addf %add3A_1284, %gather3A_1288 : vector<16xf32>
      %add3A_1290 = arith.constant 42 : i32
      %add3A_1291 = vector.broadcast %add3A_1290 : i32 to vector<16xi32>
      %add3A_1292 = arith.addi %mul3A_1069, %add3A_1291 : vector<16xi32>
      %gather3A_1293 = tpu.vector_load_idx %arg23[%add3A_1292] : memref<6144xf32, #tpu.memory_space<vmem>>[vector<16xi32>], vector<16xf32>,
      %add3A_1294 = arith.addf %add3A_1289, %gather3A_1293 : vector<16xf32>
      %add3A_1295 = arith.constant 43 : i32
      %add3A_1296 = vector.broadcast %add3A_1295 : i32 to vector<16xi32>
      %add3A_1297 = arith.addi %mul3A_1069, %add3A_1296 : vector<16xi32>
      %gather3A_1298 = tpu.vector_load_idx %arg23[%add3A_1297] : memref<6144xf32, #tpu.memory_space<vmem>>[vector<16xi32>], vector<16xf32>,
      %add3A_1299 = arith.addf %add3A_1294, %gather3A_1298 : vector<16xf32>
      %add3A_1300 = arith.constant 44 : i32
      %add3A_1301 = vector.broadcast %add3A_1300 : i32 to vector<16xi32>
      %add3A_1302 = arith.addi %mul3A_1069, %add3A_1301 : vector<16xi32>
      %gather3A_1303 = tpu.vector_load_idx %arg23[%add3A_1302] : memref<6144xf32, #tpu.memory_space<vmem>>[vector<16xi32>], vector<16xf32>,
      %add3A_1304 = arith.addf %add3A_1299, %gather3A_1303 : vector<16xf32>
      %add3A_1305 = arith.constant 45 : i32
      %add3A_1306 = vector.broadcast %add3A_1305 : i32 to vector<16xi32>
      %add3A_1307 = arith.addi %mul3A_1069, %add3A_1306 : vector<16xi32>
      %gather3A_1308 = tpu.vector_load_idx %arg23[%add3A_1307] : memref<6144xf32, #tpu.memory_space<vmem>>[vector<16xi32>], vector<16xf32>,
      %add3A_1309 = arith.addf %add3A_1304, %gather3A_1308 : vector<16xf32>
      %add3A_1310 = arith.constant 46 : i32
      %add3A_1311 = vector.broadcast %add3A_1310 : i32 to vector<16xi32>
      %add3A_1312 = arith.addi %mul3A_1069, %add3A_1311 : vector<16xi32>
      %gather3A_1313 = tpu.vector_load_idx %arg23[%add3A_1312] : memref<6144xf32, #tpu.memory_space<vmem>>[vector<16xi32>], vector<16xf32>,
      %add3A_1314 = arith.addf %add3A_1309, %gather3A_1313 : vector<16xf32>
      %add3A_1315 = arith.constant 47 : i32
      %add3A_1316 = vector.broadcast %add3A_1315 : i32 to vector<16xi32>
      %add3A_1317 = arith.addi %mul3A_1069, %add3A_1316 : vector<16xi32>
      %gather3A_1318 = tpu.vector_load_idx %arg23[%add3A_1317] : memref<6144xf32, #tpu.memory_space<vmem>>[vector<16xi32>], vector<16xf32>,
      %add3A_1319 = arith.addf %add3A_1314, %gather3A_1318 : vector<16xf32>
      %add3A_1320 = arith.constant 2 : i32
      %add3A_1321 = vector.broadcast %add3A_1320 : i32 to vector<16xi32>
      %add3A_1322 = arith.addi %mul3A_1, %add3A_1321 : vector<16xi32>
      %div3A_1323 = arith.divf %add3A_1319, %get3A_1071 : vector<16xf32>
      tpu.vector_store_idx %arg24[%add3A_1066, %add3A_1322], %div3A_1323 : memref<64x6xf32, #tpu.memory_space<vmem>>[vector<16xi32>, vector<16xi32>], vector<16xf32>,
      %add3A_1324 = arith.constant 48 : i32
      %add3A_1325 = vector.broadcast %add3A_1324 : i32 to vector<16xi32>
      %add3A_1326 = arith.addi %mul3A_1069, %add3A_1325 : vector<16xi32>
      %gather3A_1327 = tpu.vector_load_idx %arg23[%add3A_1326] : memref<6144xf32, #tpu.memory_space<vmem>>[vector<16xi32>], vector<16xf32>,
      %add3A_1328 = arith.addf %broadcast_in_dim3A_19, %gather3A_1327 : vector<16xf32>
      %add3A_1329 = arith.constant 49 : i32
      %add3A_1330 = vector.broadcast %add3A_1329 : i32 to vector<16xi32>
      %add3A_1331 = arith.addi %mul3A_1069, %add3A_1330 : vector<16xi32>
      %gather3A_1332 = tpu.vector_load_idx %arg23[%add3A_1331] : memref<6144xf32, #tpu.memory_space<vmem>>[vector<16xi32>], vector<16xf32>,
      %add3A_1333 = arith.addf %add3A_1328, %gather3A_1332 : vector<16xf32>
      %add3A_1334 = arith.constant 50 : i32
      %add3A_1335 = vector.broadcast %add3A_1334 : i32 to vector<16xi32>
      %add3A_1336 = arith.addi %mul3A_1069, %add3A_1335 : vector<16xi32>
      %gather3A_1337 = tpu.vector_load_idx %arg23[%add3A_1336] : memref<6144xf32, #tpu.memory_space<vmem>>[vector<16xi32>], vector<16xf32>,
      %add3A_1338 = arith.addf %add3A_1333, %gather3A_1337 : vector<16xf32>
      %add3A_1339 = arith.constant 51 : i32
      %add3A_1340 = vector.broadcast %add3A_1339 : i32 to vector<16xi32>
      %add3A_1341 = arith.addi %mul3A_1069, %add3A_1340 : vector<16xi32>
      %gather3A_1342 = tpu.vector_load_idx %arg23[%add3A_1341] : memref<6144xf32, #tpu.memory_space<vmem>>[vector<16xi32>], vector<16xf32>,
      %add3A_1343 = arith.addf %add3A_1338, %gather3A_1342 : vector<16xf32>
      %add3A_1344 = arith.constant 52 : i32
      %add3A_1345 = vector.broadcast %add3A_1344 : i32 to vector<16xi32>
      %add3A_1346 = arith.addi %mul3A_1069, %add3A_1345 : vector<16xi32>
      %gather3A_1347 = tpu.vector_load_idx %arg23[%add3A_1346] : memref<6144xf32, #tpu.memory_space<vmem>>[vector<16xi32>], vector<16xf32>,
      %add3A_1348 = arith.addf %add3A_1343, %gather3A_1347 : vector<16xf32>
      %add3A_1349 = arith.constant 53 : i32
      %add3A_1350 = vector.broadcast %add3A_1349 : i32 to vector<16xi32>
      %add3A_1351 = arith.addi %mul3A_1069, %add3A_1350 : vector<16xi32>
      %gather3A_1352 = tpu.vector_load_idx %arg23[%add3A_1351] : memref<6144xf32, #tpu.memory_space<vmem>>[vector<16xi32>], vector<16xf32>,
      %add3A_1353 = arith.addf %add3A_1348, %gather3A_1352 : vector<16xf32>
      %add3A_1354 = arith.constant 54 : i32
      %add3A_1355 = vector.broadcast %add3A_1354 : i32 to vector<16xi32>
      %add3A_1356 = arith.addi %mul3A_1069, %add3A_1355 : vector<16xi32>
      %gather3A_1357 = tpu.vector_load_idx %arg23[%add3A_1356] : memref<6144xf32, #tpu.memory_space<vmem>>[vector<16xi32>], vector<16xf32>,
      %add3A_1358 = arith.addf %add3A_1353, %gather3A_1357 : vector<16xf32>
      %add3A_1359 = arith.constant 55 : i32
      %add3A_1360 = vector.broadcast %add3A_1359 : i32 to vector<16xi32>
      %add3A_1361 = arith.addi %mul3A_1069, %add3A_1360 : vector<16xi32>
      %gather3A_1362 = tpu.vector_load_idx %arg23[%add3A_1361] : memref<6144xf32, #tpu.memory_space<vmem>>[vector<16xi32>], vector<16xf32>,
      %add3A_1363 = arith.addf %add3A_1358, %gather3A_1362 : vector<16xf32>
      %add3A_1364 = arith.constant 56 : i32
      %add3A_1365 = vector.broadcast %add3A_1364 : i32 to vector<16xi32>
      %add3A_1366 = arith.addi %mul3A_1069, %add3A_1365 : vector<16xi32>
      %gather3A_1367 = tpu.vector_load_idx %arg23[%add3A_1366] : memref<6144xf32, #tpu.memory_space<vmem>>[vector<16xi32>], vector<16xf32>,
      %add3A_1368 = arith.addf %add3A_1363, %gather3A_1367 : vector<16xf32>
      %add3A_1369 = arith.constant 57 : i32
      %add3A_1370 = vector.broadcast %add3A_1369 : i32 to vector<16xi32>
      %add3A_1371 = arith.addi %mul3A_1069, %add3A_1370 : vector<16xi32>
      %gather3A_1372 = tpu.vector_load_idx %arg23[%add3A_1371] : memref<6144xf32, #tpu.memory_space<vmem>>[vector<16xi32>], vector<16xf32>,
      %add3A_1373 = arith.addf %add3A_1368, %gather3A_1372 : vector<16xf32>
      %add3A_1374 = arith.constant 58 : i32
      %add3A_1375 = vector.broadcast %add3A_1374 : i32 to vector<16xi32>
      %add3A_1376 = arith.addi %mul3A_1069, %add3A_1375 : vector<16xi32>
      %gather3A_1377 = tpu.vector_load_idx %arg23[%add3A_1376] : memref<6144xf32, #tpu.memory_space<vmem>>[vector<16xi32>], vector<16xf32>,
      %add3A_1378 = arith.addf %add3A_1373, %gather3A_1377 : vector<16xf32>
      %add3A_1379 = arith.constant 59 : i32
      %add3A_1380 = vector.broadcast %add3A_1379 : i32 to vector<16xi32>
      %add3A_1381 = arith.addi %mul3A_1069, %add3A_1380 : vector<16xi32>
      %gather3A_1382 = tpu.vector_load_idx %arg23[%add3A_1381] : memref<6144xf32, #tpu.memory_space<vmem>>[vector<16xi32>], vector<16xf32>,
      %add3A_1383 = arith.addf %add3A_1378, %gather3A_1382 : vector<16xf32>
      %add3A_1384 = arith.constant 60 : i32
      %add3A_1385 = vector.broadcast %add3A_1384 : i32 to vector<16xi32>
      %add3A_1386 = arith.addi %mul3A_1069, %add3A_1385 : vector<16xi32>
      %gather3A_1387 = tpu.vector_load_idx %arg23[%add3A_1386] : memref<6144xf32, #tpu.memory_space<vmem>>[vector<16xi32>], vector<16xf32>,
      %add3A_1388 = arith.addf %add3A_1383, %gather3A_1387 : vector<16xf32>
      %add3A_1389 = arith.constant 61 : i32
      %add3A_1390 = vector.broadcast %add3A_1389 : i32 to vector<16xi32>
      %add3A_1391 = arith.addi %mul3A_1069, %add3A_1390 : vector<16xi32>
      %gather3A_1392 = tpu.vector_load_idx %arg23[%add3A_1391] : memref<6144xf32, #tpu.memory_space<vmem>>[vector<16xi32>], vector<16xf32>,
      %add3A_1393 = arith.addf %add3A_1388, %gather3A_1392 : vector<16xf32>
      %add3A_1394 = arith.constant 62 : i32
      %add3A_1395 = vector.broadcast %add3A_1394 : i32 to vector<16xi32>
      %add3A_1396 = arith.addi %mul3A_1069, %add3A_1395 : vector<16xi32>
      %gather3A_1397 = tpu.vector_load_idx %arg23[%add3A_1396] : memref<6144xf32, #tpu.memory_space<vmem>>[vector<16xi32>], vector<16xf32>,
      %add3A_1398 = arith.addf %add3A_1393, %gather3A_1397 : vector<16xf32>
      %add3A_1399 = arith.constant 63 : i32
      %add3A_1400 = vector.broadcast %add3A_1399 : i32 to vector<16xi32>
      %add3A_1401 = arith.addi %mul3A_1069, %add3A_1400 : vector<16xi32>
      %gather3A_1402 = tpu.vector_load_idx %arg23[%add3A_1401] : memref<6144xf32, #tpu.memory_space<vmem>>[vector<16xi32>], vector<16xf32>,
      %add3A_1403 = arith.addf %add3A_1398, %gather3A_1402 : vector<16xf32>
      %add3A_1404 = arith.constant 3 : i32
      %add3A_1405 = vector.broadcast %add3A_1404 : i32 to vector<16xi32>
      %add3A_1406 = arith.addi %mul3A_1, %add3A_1405 : vector<16xi32>
      %div3A_1407 = arith.divf %add3A_1403, %get3A_1071 : vector<16xf32>
      tpu.vector_store_idx %arg24[%add3A_1066, %add3A_1406], %div3A_1407 : memref<64x6xf32, #tpu.memory_space<vmem>>[vector<16xi32>, vector<16xi32>], vector<16xf32>,
      %add3A_1408 = arith.constant 64 : i32
      %add3A_1409 = vector.broadcast %add3A_1408 : i32 to vector<16xi32>
      %add3A_1410 = arith.addi %mul3A_1069, %add3A_1409 : vector<16xi32>
      %gather3A_1411 = tpu.vector_load_idx %arg23[%add3A_1410] : memref<6144xf32, #tpu.memory_space<vmem>>[vector<16xi32>], vector<16xf32>,
      %add3A_1412 = arith.addf %broadcast_in_dim3A_19, %gather3A_1411 : vector<16xf32>
      %add3A_1413 = arith.constant 65 : i32
      %add3A_1414 = vector.broadcast %add3A_1413 : i32 to vector<16xi32>
      %add3A_1415 = arith.addi %mul3A_1069, %add3A_1414 : vector<16xi32>
      %gather3A_1416 = tpu.vector_load_idx %arg23[%add3A_1415] : memref<6144xf32, #tpu.memory_space<vmem>>[vector<16xi32>], vector<16xf32>,
      %add3A_1417 = arith.addf %add3A_1412, %gather3A_1416 : vector<16xf32>
      %add3A_1418 = arith.constant 66 : i32
      %add3A_1419 = vector.broadcast %add3A_1418 : i32 to vector<16xi32>
      %add3A_1420 = arith.addi %mul3A_1069, %add3A_1419 : vector<16xi32>
      %gather3A_1421 = tpu.vector_load_idx %arg23[%add3A_1420] : memref<6144xf32, #tpu.memory_space<vmem>>[vector<16xi32>], vector<16xf32>,
      %add3A_1422 = arith.addf %add3A_1417, %gather3A_1421 : vector<16xf32>
      %add3A_1423 = arith.constant 67 : i32
      %add3A_1424 = vector.broadcast %add3A_1423 : i32 to vector<16xi32>
      %add3A_1425 = arith.addi %mul3A_1069, %add3A_1424 : vector<16xi32>
      %gather3A_1426 = tpu.vector_load_idx %arg23[%add3A_1425] : memref<6144xf32, #tpu.memory_space<vmem>>[vector<16xi32>], vector<16xf32>,
      %add3A_1427 = arith.addf %add3A_1422, %gather3A_1426 : vector<16xf32>
      %add3A_1428 = arith.constant 68 : i32
      %add3A_1429 = vector.broadcast %add3A_1428 : i32 to vector<16xi32>
      %add3A_1430 = arith.addi %mul3A_1069, %add3A_1429 : vector<16xi32>
      %gather3A_1431 = tpu.vector_load_idx %arg23[%add3A_1430] : memref<6144xf32, #tpu.memory_space<vmem>>[vector<16xi32>], vector<16xf32>,
      %add3A_1432 = arith.addf %add3A_1427, %gather3A_1431 : vector<16xf32>
      %add3A_1433 = arith.constant 69 : i32
      %add3A_1434 = vector.broadcast %add3A_1433 : i32 to vector<16xi32>
      %add3A_1435 = arith.addi %mul3A_1069, %add3A_1434 : vector<16xi32>
      %gather3A_1436 = tpu.vector_load_idx %arg23[%add3A_1435] : memref<6144xf32, #tpu.memory_space<vmem>>[vector<16xi32>], vector<16xf32>,
      %add3A_1437 = arith.addf %add3A_1432, %gather3A_1436 : vector<16xf32>
      %add3A_1438 = arith.constant 70 : i32
      %add3A_1439 = vector.broadcast %add3A_1438 : i32 to vector<16xi32>
      %add3A_1440 = arith.addi %mul3A_1069, %add3A_1439 : vector<16xi32>
      %gather3A_1441 = tpu.vector_load_idx %arg23[%add3A_1440] : memref<6144xf32, #tpu.memory_space<vmem>>[vector<16xi32>], vector<16xf32>,
      %add3A_1442 = arith.addf %add3A_1437, %gather3A_1441 : vector<16xf32>
      %add3A_1443 = arith.constant 71 : i32
      %add3A_1444 = vector.broadcast %add3A_1443 : i32 to vector<16xi32>
      %add3A_1445 = arith.addi %mul3A_1069, %add3A_1444 : vector<16xi32>
      %gather3A_1446 = tpu.vector_load_idx %arg23[%add3A_1445] : memref<6144xf32, #tpu.memory_space<vmem>>[vector<16xi32>], vector<16xf32>,
      %add3A_1447 = arith.addf %add3A_1442, %gather3A_1446 : vector<16xf32>
      %add3A_1448 = arith.constant 72 : i32
      %add3A_1449 = vector.broadcast %add3A_1448 : i32 to vector<16xi32>
      %add3A_1450 = arith.addi %mul3A_1069, %add3A_1449 : vector<16xi32>
      %gather3A_1451 = tpu.vector_load_idx %arg23[%add3A_1450] : memref<6144xf32, #tpu.memory_space<vmem>>[vector<16xi32>], vector<16xf32>,
      %add3A_1452 = arith.addf %add3A_1447, %gather3A_1451 : vector<16xf32>
      %add3A_1453 = arith.constant 73 : i32
      %add3A_1454 = vector.broadcast %add3A_1453 : i32 to vector<16xi32>
      %add3A_1455 = arith.addi %mul3A_1069, %add3A_1454 : vector<16xi32>
      %gather3A_1456 = tpu.vector_load_idx %arg23[%add3A_1455] : memref<6144xf32, #tpu.memory_space<vmem>>[vector<16xi32>], vector<16xf32>,
      %add3A_1457 = arith.addf %add3A_1452, %gather3A_1456 : vector<16xf32>
      %add3A_1458 = arith.constant 74 : i32
      %add3A_1459 = vector.broadcast %add3A_1458 : i32 to vector<16xi32>
      %add3A_1460 = arith.addi %mul3A_1069, %add3A_1459 : vector<16xi32>
      %gather3A_1461 = tpu.vector_load_idx %arg23[%add3A_1460] : memref<6144xf32, #tpu.memory_space<vmem>>[vector<16xi32>], vector<16xf32>,
      %add3A_1462 = arith.addf %add3A_1457, %gather3A_1461 : vector<16xf32>
      %add3A_1463 = arith.constant 75 : i32
      %add3A_1464 = vector.broadcast %add3A_1463 : i32 to vector<16xi32>
      %add3A_1465 = arith.addi %mul3A_1069, %add3A_1464 : vector<16xi32>
      %gather3A_1466 = tpu.vector_load_idx %arg23[%add3A_1465] : memref<6144xf32, #tpu.memory_space<vmem>>[vector<16xi32>], vector<16xf32>,
      %add3A_1467 = arith.addf %add3A_1462, %gather3A_1466 : vector<16xf32>
      %add3A_1468 = arith.constant 76 : i32
      %add3A_1469 = vector.broadcast %add3A_1468 : i32 to vector<16xi32>
      %add3A_1470 = arith.addi %mul3A_1069, %add3A_1469 : vector<16xi32>
      %gather3A_1471 = tpu.vector_load_idx %arg23[%add3A_1470] : memref<6144xf32, #tpu.memory_space<vmem>>[vector<16xi32>], vector<16xf32>,
      %add3A_1472 = arith.addf %add3A_1467, %gather3A_1471 : vector<16xf32>
      %add3A_1473 = arith.constant 77 : i32
      %add3A_1474 = vector.broadcast %add3A_1473 : i32 to vector<16xi32>
      %add3A_1475 = arith.addi %mul3A_1069, %add3A_1474 : vector<16xi32>
      %gather3A_1476 = tpu.vector_load_idx %arg23[%add3A_1475] : memref<6144xf32, #tpu.memory_space<vmem>>[vector<16xi32>], vector<16xf32>,
      %add3A_1477 = arith.addf %add3A_1472, %gather3A_1476 : vector<16xf32>
      %add3A_1478 = arith.constant 78 : i32
      %add3A_1479 = vector.broadcast %add3A_1478 : i32 to vector<16xi32>
      %add3A_1480 = arith.addi %mul3A_1069, %add3A_1479 : vector<16xi32>
      %gather3A_1481 = tpu.vector_load_idx %arg23[%add3A_1480] : memref<6144xf32, #tpu.memory_space<vmem>>[vector<16xi32>], vector<16xf32>,
      %add3A_1482 = arith.addf %add3A_1477, %gather3A_1481 : vector<16xf32>
      %add3A_1483 = arith.constant 79 : i32
      %add3A_1484 = vector.broadcast %add3A_1483 : i32 to vector<16xi32>
      %add3A_1485 = arith.addi %mul3A_1069, %add3A_1484 : vector<16xi32>
      %gather3A_1486 = tpu.vector_load_idx %arg23[%add3A_1485] : memref<6144xf32, #tpu.memory_space<vmem>>[vector<16xi32>], vector<16xf32>,
      %add3A_1487 = arith.addf %add3A_1482, %gather3A_1486 : vector<16xf32>
      %add3A_1488 = arith.constant 4 : i32
      %add3A_1489 = vector.broadcast %add3A_1488 : i32 to vector<16xi32>
      %add3A_1490 = arith.addi %mul3A_1, %add3A_1489 : vector<16xi32>
      %div3A_1491 = arith.divf %add3A_1487, %get3A_1071 : vector<16xf32>
      tpu.vector_store_idx %arg24[%add3A_1066, %add3A_1490], %div3A_1491 : memref<64x6xf32, #tpu.memory_space<vmem>>[vector<16xi32>, vector<16xi32>], vector<16xf32>,
      %add3A_1492 = arith.constant 80 : i32
      %add3A_1493 = vector.broadcast %add3A_1492 : i32 to vector<16xi32>
      %add3A_1494 = arith.addi %mul3A_1069, %add3A_1493 : vector<16xi32>
      %gather3A_1495 = tpu.vector_load_idx %arg23[%add3A_1494] : memref<6144xf32, #tpu.memory_space<vmem>>[vector<16xi32>], vector<16xf32>,
      %add3A_1496 = arith.addf %broadcast_in_dim3A_19, %gather3A_1495 : vector<16xf32>
      %add3A_1497 = arith.constant 81 : i32
      %add3A_1498 = vector.broadcast %add3A_1497 : i32 to vector<16xi32>
      %add3A_1499 = arith.addi %mul3A_1069, %add3A_1498 : vector<16xi32>
      %gather3A_1500 = tpu.vector_load_idx %arg23[%add3A_1499] : memref<6144xf32, #tpu.memory_space<vmem>>[vector<16xi32>], vector<16xf32>,
      %add3A_1501 = arith.addf %add3A_1496, %gather3A_1500 : vector<16xf32>
      %add3A_1502 = arith.constant 82 : i32
      %add3A_1503 = vector.broadcast %add3A_1502 : i32 to vector<16xi32>
      %add3A_1504 = arith.addi %mul3A_1069, %add3A_1503 : vector<16xi32>
      %gather3A_1505 = tpu.vector_load_idx %arg23[%add3A_1504] : memref<6144xf32, #tpu.memory_space<vmem>>[vector<16xi32>], vector<16xf32>,
      %add3A_1506 = arith.addf %add3A_1501, %gather3A_1505 : vector<16xf32>
      %add3A_1507 = arith.constant 83 : i32
      %add3A_1508 = vector.broadcast %add3A_1507 : i32 to vector<16xi32>
      %add3A_1509 = arith.addi %mul3A_1069, %add3A_1508 : vector<16xi32>
      %gather3A_1510 = tpu.vector_load_idx %arg23[%add3A_1509] : memref<6144xf32, #tpu.memory_space<vmem>>[vector<16xi32>], vector<16xf32>,
      %add3A_1511 = arith.addf %add3A_1506, %gather3A_1510 : vector<16xf32>
      %add3A_1512 = arith.constant 84 : i32
      %add3A_1513 = vector.broadcast %add3A_1512 : i32 to vector<16xi32>
      %add3A_1514 = arith.addi %mul3A_1069, %add3A_1513 : vector<16xi32>
      %gather3A_1515 = tpu.vector_load_idx %arg23[%add3A_1514] : memref<6144xf32, #tpu.memory_space<vmem>>[vector<16xi32>], vector<16xf32>,
      %add3A_1516 = arith.addf %add3A_1511, %gather3A_1515 : vector<16xf32>
      %add3A_1517 = arith.constant 85 : i32
      %add3A_1518 = vector.broadcast %add3A_1517 : i32 to vector<16xi32>
      %add3A_1519 = arith.addi %mul3A_1069, %add3A_1518 : vector<16xi32>
      %gather3A_1520 = tpu.vector_load_idx %arg23[%add3A_1519] : memref<6144xf32, #tpu.memory_space<vmem>>[vector<16xi32>], vector<16xf32>,
      %add3A_1521 = arith.addf %add3A_1516, %gather3A_1520 : vector<16xf32>
      %add3A_1522 = arith.constant 86 : i32
      %add3A_1523 = vector.broadcast %add3A_1522 : i32 to vector<16xi32>
      %add3A_1524 = arith.addi %mul3A_1069, %add3A_1523 : vector<16xi32>
      %gather3A_1525 = tpu.vector_load_idx %arg23[%add3A_1524] : memref<6144xf32, #tpu.memory_space<vmem>>[vector<16xi32>], vector<16xf32>,
      %add3A_1526 = arith.addf %add3A_1521, %gather3A_1525 : vector<16xf32>
      %add3A_1527 = arith.constant 87 : i32
      %add3A_1528 = vector.broadcast %add3A_1527 : i32 to vector<16xi32>
      %add3A_1529 = arith.addi %mul3A_1069, %add3A_1528 : vector<16xi32>
      %gather3A_1530 = tpu.vector_load_idx %arg23[%add3A_1529] : memref<6144xf32, #tpu.memory_space<vmem>>[vector<16xi32>], vector<16xf32>,
      %add3A_1531 = arith.addf %add3A_1526, %gather3A_1530 : vector<16xf32>
      %add3A_1532 = arith.constant 88 : i32
      %add3A_1533 = vector.broadcast %add3A_1532 : i32 to vector<16xi32>
      %add3A_1534 = arith.addi %mul3A_1069, %add3A_1533 : vector<16xi32>
      %gather3A_1535 = tpu.vector_load_idx %arg23[%add3A_1534] : memref<6144xf32, #tpu.memory_space<vmem>>[vector<16xi32>], vector<16xf32>,
      %add3A_1536 = arith.addf %add3A_1531, %gather3A_1535 : vector<16xf32>
      %add3A_1537 = arith.constant 89 : i32
      %add3A_1538 = vector.broadcast %add3A_1537 : i32 to vector<16xi32>
      %add3A_1539 = arith.addi %mul3A_1069, %add3A_1538 : vector<16xi32>
      %gather3A_1540 = tpu.vector_load_idx %arg23[%add3A_1539] : memref<6144xf32, #tpu.memory_space<vmem>>[vector<16xi32>], vector<16xf32>,
      %add3A_1541 = arith.addf %add3A_1536, %gather3A_1540 : vector<16xf32>
      %add3A_1542 = arith.constant 90 : i32
      %add3A_1543 = vector.broadcast %add3A_1542 : i32 to vector<16xi32>
      %add3A_1544 = arith.addi %mul3A_1069, %add3A_1543 : vector<16xi32>
      %gather3A_1545 = tpu.vector_load_idx %arg23[%add3A_1544] : memref<6144xf32, #tpu.memory_space<vmem>>[vector<16xi32>], vector<16xf32>,
      %add3A_1546 = arith.addf %add3A_1541, %gather3A_1545 : vector<16xf32>
      %add3A_1547 = arith.constant 91 : i32
      %add3A_1548 = vector.broadcast %add3A_1547 : i32 to vector<16xi32>
      %add3A_1549 = arith.addi %mul3A_1069, %add3A_1548 : vector<16xi32>
      %gather3A_1550 = tpu.vector_load_idx %arg23[%add3A_1549] : memref<6144xf32, #tpu.memory_space<vmem>>[vector<16xi32>], vector<16xf32>,
      %add3A_1551 = arith.addf %add3A_1546, %gather3A_1550 : vector<16xf32>
      %add3A_1552 = arith.constant 92 : i32
      %add3A_1553 = vector.broadcast %add3A_1552 : i32 to vector<16xi32>
      %add3A_1554 = arith.addi %mul3A_1069, %add3A_1553 : vector<16xi32>
      %gather3A_1555 = tpu.vector_load_idx %arg23[%add3A_1554] : memref<6144xf32, #tpu.memory_space<vmem>>[vector<16xi32>], vector<16xf32>,
      %add3A_1556 = arith.addf %add3A_1551, %gather3A_1555 : vector<16xf32>
      %add3A_1557 = arith.constant 93 : i32
      %add3A_1558 = vector.broadcast %add3A_1557 : i32 to vector<16xi32>
      %add3A_1559 = arith.addi %mul3A_1069, %add3A_1558 : vector<16xi32>
      %gather3A_1560 = tpu.vector_load_idx %arg23[%add3A_1559] : memref<6144xf32, #tpu.memory_space<vmem>>[vector<16xi32>], vector<16xf32>,
      %add3A_1561 = arith.addf %add3A_1556, %gather3A_1560 : vector<16xf32>
      %add3A_1562 = arith.constant 94 : i32
      %add3A_1563 = vector.broadcast %add3A_1562 : i32 to vector<16xi32>
      %add3A_1564 = arith.addi %mul3A_1069, %add3A_1563 : vector<16xi32>
      %gather3A_1565 = tpu.vector_load_idx %arg23[%add3A_1564] : memref<6144xf32, #tpu.memory_space<vmem>>[vector<16xi32>], vector<16xf32>,
      %add3A_1566 = arith.addf %add3A_1561, %gather3A_1565 : vector<16xf32>
      %add3A_1567 = arith.constant 95 : i32
      %add3A_1568 = vector.broadcast %add3A_1567 : i32 to vector<16xi32>
      %add3A_1569 = arith.addi %mul3A_1069, %add3A_1568 : vector<16xi32>
      %gather3A_1570 = tpu.vector_load_idx %arg23[%add3A_1569] : memref<6144xf32, #tpu.memory_space<vmem>>[vector<16xi32>], vector<16xf32>,
      %add3A_1571 = arith.addf %add3A_1566, %gather3A_1570 : vector<16xf32>
      %add3A_1572 = arith.constant 5 : i32
      %add3A_1573 = vector.broadcast %add3A_1572 : i32 to vector<16xi32>
      %add3A_1574 = arith.addi %mul3A_1, %add3A_1573 : vector<16xi32>
      %div3A_1575 = arith.divf %add3A_1571, %get3A_1071 : vector<16xf32>
      tpu.vector_store_idx %arg24[%add3A_1066, %add3A_1574], %div3A_1575 : memref<64x6xf32, #tpu.memory_space<vmem>>[vector<16xi32>, vector<16xi32>], vector<16xf32>,
      %add3A_1576 = arith.constant 48 : i32
      %add3A_1577 = vector.broadcast %add3A_1576 : i32 to vector<16xi32>
      %add3A_1578 = arith.addi %iota3A, %add3A_1577 : vector<16xi32>
      %mul3A_1579 = arith.constant 96 : i32
      %mul3A_1580 = vector.broadcast %mul3A_1579 : i32 to vector<16xi32>
      %mul3A_1581 = arith.muli %add3A_1578, %mul3A_1580 : vector<16xi32>
      %get3A_1582 = arith.constant 48 : index
      %get3A_1583 = tpu.vector_load %arg25[%get3A_1582] {strides = array<i32>} : memref<64xf32, #tpu.memory_space<vmem>>, vector<16xf32>,
      %add3A_1584 = arith.constant 0 : i32
      %add3A_1585 = vector.broadcast %add3A_1584 : i32 to vector<16xi32>
      %add3A_1586 = arith.addi %mul3A_1581, %add3A_1585 : vector<16xi32>
      %gather3A_1587 = tpu.vector_load_idx %arg23[%add3A_1586] : memref<6144xf32, #tpu.memory_space<vmem>>[vector<16xi32>], vector<16xf32>,
      %add3A_1588 = arith.addf %broadcast_in_dim3A_19, %gather3A_1587 : vector<16xf32>
      %add3A_1589 = arith.constant 1 : i32
      %add3A_1590 = vector.broadcast %add3A_1589 : i32 to vector<16xi32>
      %add3A_1591 = arith.addi %mul3A_1581, %add3A_1590 : vector<16xi32>
      %gather3A_1592 = tpu.vector_load_idx %arg23[%add3A_1591] : memref<6144xf32, #tpu.memory_space<vmem>>[vector<16xi32>], vector<16xf32>,
      %add3A_1593 = arith.addf %add3A_1588, %gather3A_1592 : vector<16xf32>
      %add3A_1594 = arith.constant 2 : i32
      %add3A_1595 = vector.broadcast %add3A_1594 : i32 to vector<16xi32>
      %add3A_1596 = arith.addi %mul3A_1581, %add3A_1595 : vector<16xi32>
      %gather3A_1597 = tpu.vector_load_idx %arg23[%add3A_1596] : memref<6144xf32, #tpu.memory_space<vmem>>[vector<16xi32>], vector<16xf32>,
      %add3A_1598 = arith.addf %add3A_1593, %gather3A_1597 : vector<16xf32>
      %add3A_1599 = arith.constant 3 : i32
      %add3A_1600 = vector.broadcast %add3A_1599 : i32 to vector<16xi32>
      %add3A_1601 = arith.addi %mul3A_1581, %add3A_1600 : vector<16xi32>
      %gather3A_1602 = tpu.vector_load_idx %arg23[%add3A_1601] : memref<6144xf32, #tpu.memory_space<vmem>>[vector<16xi32>], vector<16xf32>,
      %add3A_1603 = arith.addf %add3A_1598, %gather3A_1602 : vector<16xf32>
      %add3A_1604 = arith.constant 4 : i32
      %add3A_1605 = vector.broadcast %add3A_1604 : i32 to vector<16xi32>
      %add3A_1606 = arith.addi %mul3A_1581, %add3A_1605 : vector<16xi32>
      %gather3A_1607 = tpu.vector_load_idx %arg23[%add3A_1606] : memref<6144xf32, #tpu.memory_space<vmem>>[vector<16xi32>], vector<16xf32>,
      %add3A_1608 = arith.addf %add3A_1603, %gather3A_1607 : vector<16xf32>
      %add3A_1609 = arith.constant 5 : i32
      %add3A_1610 = vector.broadcast %add3A_1609 : i32 to vector<16xi32>
      %add3A_1611 = arith.addi %mul3A_1581, %add3A_1610 : vector<16xi32>
      %gather3A_1612 = tpu.vector_load_idx %arg23[%add3A_1611] : memref<6144xf32, #tpu.memory_space<vmem>>[vector<16xi32>], vector<16xf32>,
      %add3A_1613 = arith.addf %add3A_1608, %gather3A_1612 : vector<16xf32>
      %add3A_1614 = arith.constant 6 : i32
      %add3A_1615 = vector.broadcast %add3A_1614 : i32 to vector<16xi32>
      %add3A_1616 = arith.addi %mul3A_1581, %add3A_1615 : vector<16xi32>
      %gather3A_1617 = tpu.vector_load_idx %arg23[%add3A_1616] : memref<6144xf32, #tpu.memory_space<vmem>>[vector<16xi32>], vector<16xf32>,
      %add3A_1618 = arith.addf %add3A_1613, %gather3A_1617 : vector<16xf32>
      %add3A_1619 = arith.constant 7 : i32
      %add3A_1620 = vector.broadcast %add3A_1619 : i32 to vector<16xi32>
      %add3A_1621 = arith.addi %mul3A_1581, %add3A_1620 : vector<16xi32>
      %gather3A_1622 = tpu.vector_load_idx %arg23[%add3A_1621] : memref<6144xf32, #tpu.memory_space<vmem>>[vector<16xi32>], vector<16xf32>,
      %add3A_1623 = arith.addf %add3A_1618, %gather3A_1622 : vector<16xf32>
      %add3A_1624 = arith.constant 8 : i32
      %add3A_1625 = vector.broadcast %add3A_1624 : i32 to vector<16xi32>
      %add3A_1626 = arith.addi %mul3A_1581, %add3A_1625 : vector<16xi32>
      %gather3A_1627 = tpu.vector_load_idx %arg23[%add3A_1626] : memref<6144xf32, #tpu.memory_space<vmem>>[vector<16xi32>], vector<16xf32>,
      %add3A_1628 = arith.addf %add3A_1623, %gather3A_1627 : vector<16xf32>
      %add3A_1629 = arith.constant 9 : i32
      %add3A_1630 = vector.broadcast %add3A_1629 : i32 to vector<16xi32>
      %add3A_1631 = arith.addi %mul3A_1581, %add3A_1630 : vector<16xi32>
      %gather3A_1632 = tpu.vector_load_idx %arg23[%add3A_1631] : memref<6144xf32, #tpu.memory_space<vmem>>[vector<16xi32>], vector<16xf32>,
      %add3A_1633 = arith.addf %add3A_1628, %gather3A_1632 : vector<16xf32>
      %add3A_1634 = arith.constant 10 : i32
      %add3A_1635 = vector.broadcast %add3A_1634 : i32 to vector<16xi32>
      %add3A_1636 = arith.addi %mul3A_1581, %add3A_1635 : vector<16xi32>
      %gather3A_1637 = tpu.vector_load_idx %arg23[%add3A_1636] : memref<6144xf32, #tpu.memory_space<vmem>>[vector<16xi32>], vector<16xf32>,
      %add3A_1638 = arith.addf %add3A_1633, %gather3A_1637 : vector<16xf32>
      %add3A_1639 = arith.constant 11 : i32
      %add3A_1640 = vector.broadcast %add3A_1639 : i32 to vector<16xi32>
      %add3A_1641 = arith.addi %mul3A_1581, %add3A_1640 : vector<16xi32>
      %gather3A_1642 = tpu.vector_load_idx %arg23[%add3A_1641] : memref<6144xf32, #tpu.memory_space<vmem>>[vector<16xi32>], vector<16xf32>,
      %add3A_1643 = arith.addf %add3A_1638, %gather3A_1642 : vector<16xf32>
      %add3A_1644 = arith.constant 12 : i32
      %add3A_1645 = vector.broadcast %add3A_1644 : i32 to vector<16xi32>
      %add3A_1646 = arith.addi %mul3A_1581, %add3A_1645 : vector<16xi32>
      %gather3A_1647 = tpu.vector_load_idx %arg23[%add3A_1646] : memref<6144xf32, #tpu.memory_space<vmem>>[vector<16xi32>], vector<16xf32>,
      %add3A_1648 = arith.addf %add3A_1643, %gather3A_1647 : vector<16xf32>
      %add3A_1649 = arith.constant 13 : i32
      %add3A_1650 = vector.broadcast %add3A_1649 : i32 to vector<16xi32>
      %add3A_1651 = arith.addi %mul3A_1581, %add3A_1650 : vector<16xi32>
      %gather3A_1652 = tpu.vector_load_idx %arg23[%add3A_1651] : memref<6144xf32, #tpu.memory_space<vmem>>[vector<16xi32>], vector<16xf32>,
      %add3A_1653 = arith.addf %add3A_1648, %gather3A_1652 : vector<16xf32>
      %add3A_1654 = arith.constant 14 : i32
      %add3A_1655 = vector.broadcast %add3A_1654 : i32 to vector<16xi32>
      %add3A_1656 = arith.addi %mul3A_1581, %add3A_1655 : vector<16xi32>
      %gather3A_1657 = tpu.vector_load_idx %arg23[%add3A_1656] : memref<6144xf32, #tpu.memory_space<vmem>>[vector<16xi32>], vector<16xf32>,
      %add3A_1658 = arith.addf %add3A_1653, %gather3A_1657 : vector<16xf32>
      %add3A_1659 = arith.constant 15 : i32
      %add3A_1660 = vector.broadcast %add3A_1659 : i32 to vector<16xi32>
      %add3A_1661 = arith.addi %mul3A_1581, %add3A_1660 : vector<16xi32>
      %gather3A_1662 = tpu.vector_load_idx %arg23[%add3A_1661] : memref<6144xf32, #tpu.memory_space<vmem>>[vector<16xi32>], vector<16xf32>,
      %add3A_1663 = arith.addf %add3A_1658, %gather3A_1662 : vector<16xf32>
      %add3A_1664 = arith.constant 0 : i32
      %add3A_1665 = vector.broadcast %add3A_1664 : i32 to vector<16xi32>
      %add3A_1666 = arith.addi %mul3A_1, %add3A_1665 : vector<16xi32>
      %div3A_1667 = arith.divf %add3A_1663, %get3A_1583 : vector<16xf32>
      tpu.vector_store_idx %arg24[%add3A_1578, %add3A_1666], %div3A_1667 : memref<64x6xf32, #tpu.memory_space<vmem>>[vector<16xi32>, vector<16xi32>], vector<16xf32>,
      %add3A_1668 = arith.constant 16 : i32
      %add3A_1669 = vector.broadcast %add3A_1668 : i32 to vector<16xi32>
      %add3A_1670 = arith.addi %mul3A_1581, %add3A_1669 : vector<16xi32>
      %gather3A_1671 = tpu.vector_load_idx %arg23[%add3A_1670] : memref<6144xf32, #tpu.memory_space<vmem>>[vector<16xi32>], vector<16xf32>,
      %add3A_1672 = arith.addf %broadcast_in_dim3A_19, %gather3A_1671 : vector<16xf32>
      %add3A_1673 = arith.constant 17 : i32
      %add3A_1674 = vector.broadcast %add3A_1673 : i32 to vector<16xi32>
      %add3A_1675 = arith.addi %mul3A_1581, %add3A_1674 : vector<16xi32>
      %gather3A_1676 = tpu.vector_load_idx %arg23[%add3A_1675] : memref<6144xf32, #tpu.memory_space<vmem>>[vector<16xi32>], vector<16xf32>,
      %add3A_1677 = arith.addf %add3A_1672, %gather3A_1676 : vector<16xf32>
      %add3A_1678 = arith.constant 18 : i32
      %add3A_1679 = vector.broadcast %add3A_1678 : i32 to vector<16xi32>
      %add3A_1680 = arith.addi %mul3A_1581, %add3A_1679 : vector<16xi32>
      %gather3A_1681 = tpu.vector_load_idx %arg23[%add3A_1680] : memref<6144xf32, #tpu.memory_space<vmem>>[vector<16xi32>], vector<16xf32>,
      %add3A_1682 = arith.addf %add3A_1677, %gather3A_1681 : vector<16xf32>
      %add3A_1683 = arith.constant 19 : i32
      %add3A_1684 = vector.broadcast %add3A_1683 : i32 to vector<16xi32>
      %add3A_1685 = arith.addi %mul3A_1581, %add3A_1684 : vector<16xi32>
      %gather3A_1686 = tpu.vector_load_idx %arg23[%add3A_1685] : memref<6144xf32, #tpu.memory_space<vmem>>[vector<16xi32>], vector<16xf32>,
      %add3A_1687 = arith.addf %add3A_1682, %gather3A_1686 : vector<16xf32>
      %add3A_1688 = arith.constant 20 : i32
      %add3A_1689 = vector.broadcast %add3A_1688 : i32 to vector<16xi32>
      %add3A_1690 = arith.addi %mul3A_1581, %add3A_1689 : vector<16xi32>
      %gather3A_1691 = tpu.vector_load_idx %arg23[%add3A_1690] : memref<6144xf32, #tpu.memory_space<vmem>>[vector<16xi32>], vector<16xf32>,
      %add3A_1692 = arith.addf %add3A_1687, %gather3A_1691 : vector<16xf32>
      %add3A_1693 = arith.constant 21 : i32
      %add3A_1694 = vector.broadcast %add3A_1693 : i32 to vector<16xi32>
      %add3A_1695 = arith.addi %mul3A_1581, %add3A_1694 : vector<16xi32>
      %gather3A_1696 = tpu.vector_load_idx %arg23[%add3A_1695] : memref<6144xf32, #tpu.memory_space<vmem>>[vector<16xi32>], vector<16xf32>,
      %add3A_1697 = arith.addf %add3A_1692, %gather3A_1696 : vector<16xf32>
      %add3A_1698 = arith.constant 22 : i32
      %add3A_1699 = vector.broadcast %add3A_1698 : i32 to vector<16xi32>
      %add3A_1700 = arith.addi %mul3A_1581, %add3A_1699 : vector<16xi32>
      %gather3A_1701 = tpu.vector_load_idx %arg23[%add3A_1700] : memref<6144xf32, #tpu.memory_space<vmem>>[vector<16xi32>], vector<16xf32>,
      %add3A_1702 = arith.addf %add3A_1697, %gather3A_1701 : vector<16xf32>
      %add3A_1703 = arith.constant 23 : i32
      %add3A_1704 = vector.broadcast %add3A_1703 : i32 to vector<16xi32>
      %add3A_1705 = arith.addi %mul3A_1581, %add3A_1704 : vector<16xi32>
      %gather3A_1706 = tpu.vector_load_idx %arg23[%add3A_1705] : memref<6144xf32, #tpu.memory_space<vmem>>[vector<16xi32>], vector<16xf32>,
      %add3A_1707 = arith.addf %add3A_1702, %gather3A_1706 : vector<16xf32>
      %add3A_1708 = arith.constant 24 : i32
      %add3A_1709 = vector.broadcast %add3A_1708 : i32 to vector<16xi32>
      %add3A_1710 = arith.addi %mul3A_1581, %add3A_1709 : vector<16xi32>
      %gather3A_1711 = tpu.vector_load_idx %arg23[%add3A_1710] : memref<6144xf32, #tpu.memory_space<vmem>>[vector<16xi32>], vector<16xf32>,
      %add3A_1712 = arith.addf %add3A_1707, %gather3A_1711 : vector<16xf32>
      %add3A_1713 = arith.constant 25 : i32
      %add3A_1714 = vector.broadcast %add3A_1713 : i32 to vector<16xi32>
      %add3A_1715 = arith.addi %mul3A_1581, %add3A_1714 : vector<16xi32>
      %gather3A_1716 = tpu.vector_load_idx %arg23[%add3A_1715] : memref<6144xf32, #tpu.memory_space<vmem>>[vector<16xi32>], vector<16xf32>,
      %add3A_1717 = arith.addf %add3A_1712, %gather3A_1716 : vector<16xf32>
      %add3A_1718 = arith.constant 26 : i32
      %add3A_1719 = vector.broadcast %add3A_1718 : i32 to vector<16xi32>
      %add3A_1720 = arith.addi %mul3A_1581, %add3A_1719 : vector<16xi32>
      %gather3A_1721 = tpu.vector_load_idx %arg23[%add3A_1720] : memref<6144xf32, #tpu.memory_space<vmem>>[vector<16xi32>], vector<16xf32>,
      %add3A_1722 = arith.addf %add3A_1717, %gather3A_1721 : vector<16xf32>
      %add3A_1723 = arith.constant 27 : i32
      %add3A_1724 = vector.broadcast %add3A_1723 : i32 to vector<16xi32>
      %add3A_1725 = arith.addi %mul3A_1581, %add3A_1724 : vector<16xi32>
      %gather3A_1726 = tpu.vector_load_idx %arg23[%add3A_1725] : memref<6144xf32, #tpu.memory_space<vmem>>[vector<16xi32>], vector<16xf32>,
      %add3A_1727 = arith.addf %add3A_1722, %gather3A_1726 : vector<16xf32>
      %add3A_1728 = arith.constant 28 : i32
      %add3A_1729 = vector.broadcast %add3A_1728 : i32 to vector<16xi32>
      %add3A_1730 = arith.addi %mul3A_1581, %add3A_1729 : vector<16xi32>
      %gather3A_1731 = tpu.vector_load_idx %arg23[%add3A_1730] : memref<6144xf32, #tpu.memory_space<vmem>>[vector<16xi32>], vector<16xf32>,
      %add3A_1732 = arith.addf %add3A_1727, %gather3A_1731 : vector<16xf32>
      %add3A_1733 = arith.constant 29 : i32
      %add3A_1734 = vector.broadcast %add3A_1733 : i32 to vector<16xi32>
      %add3A_1735 = arith.addi %mul3A_1581, %add3A_1734 : vector<16xi32>
      %gather3A_1736 = tpu.vector_load_idx %arg23[%add3A_1735] : memref<6144xf32, #tpu.memory_space<vmem>>[vector<16xi32>], vector<16xf32>,
      %add3A_1737 = arith.addf %add3A_1732, %gather3A_1736 : vector<16xf32>
      %add3A_1738 = arith.constant 30 : i32
      %add3A_1739 = vector.broadcast %add3A_1738 : i32 to vector<16xi32>
      %add3A_1740 = arith.addi %mul3A_1581, %add3A_1739 : vector<16xi32>
      %gather3A_1741 = tpu.vector_load_idx %arg23[%add3A_1740] : memref<6144xf32, #tpu.memory_space<vmem>>[vector<16xi32>], vector<16xf32>,
      %add3A_1742 = arith.addf %add3A_1737, %gather3A_1741 : vector<16xf32>
      %add3A_1743 = arith.constant 31 : i32
      %add3A_1744 = vector.broadcast %add3A_1743 : i32 to vector<16xi32>
      %add3A_1745 = arith.addi %mul3A_1581, %add3A_1744 : vector<16xi32>
      %gather3A_1746 = tpu.vector_load_idx %arg23[%add3A_1745] : memref<6144xf32, #tpu.memory_space<vmem>>[vector<16xi32>], vector<16xf32>,
      %add3A_1747 = arith.addf %add3A_1742, %gather3A_1746 : vector<16xf32>
      %add3A_1748 = arith.constant 1 : i32
      %add3A_1749 = vector.broadcast %add3A_1748 : i32 to vector<16xi32>
      %add3A_1750 = arith.addi %mul3A_1, %add3A_1749 : vector<16xi32>
      %div3A_1751 = arith.divf %add3A_1747, %get3A_1583 : vector<16xf32>
      tpu.vector_store_idx %arg24[%add3A_1578, %add3A_1750], %div3A_1751 : memref<64x6xf32, #tpu.memory_space<vmem>>[vector<16xi32>, vector<16xi32>], vector<16xf32>,
      %add3A_1752 = arith.constant 32 : i32
      %add3A_1753 = vector.broadcast %add3A_1752 : i32 to vector<16xi32>
      %add3A_1754 = arith.addi %mul3A_1581, %add3A_1753 : vector<16xi32>
      %gather3A_1755 = tpu.vector_load_idx %arg23[%add3A_1754] : memref<6144xf32, #tpu.memory_space<vmem>>[vector<16xi32>], vector<16xf32>,
      %add3A_1756 = arith.addf %broadcast_in_dim3A_19, %gather3A_1755 : vector<16xf32>
      %add3A_1757 = arith.constant 33 : i32
      %add3A_1758 = vector.broadcast %add3A_1757 : i32 to vector<16xi32>
      %add3A_1759 = arith.addi %mul3A_1581, %add3A_1758 : vector<16xi32>
      %gather3A_1760 = tpu.vector_load_idx %arg23[%add3A_1759] : memref<6144xf32, #tpu.memory_space<vmem>>[vector<16xi32>], vector<16xf32>,
      %add3A_1761 = arith.addf %add3A_1756, %gather3A_1760 : vector<16xf32>
      %add3A_1762 = arith.constant 34 : i32
      %add3A_1763 = vector.broadcast %add3A_1762 : i32 to vector<16xi32>
      %add3A_1764 = arith.addi %mul3A_1581, %add3A_1763 : vector<16xi32>
      %gather3A_1765 = tpu.vector_load_idx %arg23[%add3A_1764] : memref<6144xf32, #tpu.memory_space<vmem>>[vector<16xi32>], vector<16xf32>,
      %add3A_1766 = arith.addf %add3A_1761, %gather3A_1765 : vector<16xf32>
      %add3A_1767 = arith.constant 35 : i32
      %add3A_1768 = vector.broadcast %add3A_1767 : i32 to vector<16xi32>
      %add3A_1769 = arith.addi %mul3A_1581, %add3A_1768 : vector<16xi32>
      %gather3A_1770 = tpu.vector_load_idx %arg23[%add3A_1769] : memref<6144xf32, #tpu.memory_space<vmem>>[vector<16xi32>], vector<16xf32>,
      %add3A_1771 = arith.addf %add3A_1766, %gather3A_1770 : vector<16xf32>
      %add3A_1772 = arith.constant 36 : i32
      %add3A_1773 = vector.broadcast %add3A_1772 : i32 to vector<16xi32>
      %add3A_1774 = arith.addi %mul3A_1581, %add3A_1773 : vector<16xi32>
      %gather3A_1775 = tpu.vector_load_idx %arg23[%add3A_1774] : memref<6144xf32, #tpu.memory_space<vmem>>[vector<16xi32>], vector<16xf32>,
      %add3A_1776 = arith.addf %add3A_1771, %gather3A_1775 : vector<16xf32>
      %add3A_1777 = arith.constant 37 : i32
      %add3A_1778 = vector.broadcast %add3A_1777 : i32 to vector<16xi32>
      %add3A_1779 = arith.addi %mul3A_1581, %add3A_1778 : vector<16xi32>
      %gather3A_1780 = tpu.vector_load_idx %arg23[%add3A_1779] : memref<6144xf32, #tpu.memory_space<vmem>>[vector<16xi32>], vector<16xf32>,
      %add3A_1781 = arith.addf %add3A_1776, %gather3A_1780 : vector<16xf32>
      %add3A_1782 = arith.constant 38 : i32
      %add3A_1783 = vector.broadcast %add3A_1782 : i32 to vector<16xi32>
      %add3A_1784 = arith.addi %mul3A_1581, %add3A_1783 : vector<16xi32>
      %gather3A_1785 = tpu.vector_load_idx %arg23[%add3A_1784] : memref<6144xf32, #tpu.memory_space<vmem>>[vector<16xi32>], vector<16xf32>,
      %add3A_1786 = arith.addf %add3A_1781, %gather3A_1785 : vector<16xf32>
      %add3A_1787 = arith.constant 39 : i32
      %add3A_1788 = vector.broadcast %add3A_1787 : i32 to vector<16xi32>
      %add3A_1789 = arith.addi %mul3A_1581, %add3A_1788 : vector<16xi32>
      %gather3A_1790 = tpu.vector_load_idx %arg23[%add3A_1789] : memref<6144xf32, #tpu.memory_space<vmem>>[vector<16xi32>], vector<16xf32>,
      %add3A_1791 = arith.addf %add3A_1786, %gather3A_1790 : vector<16xf32>
      %add3A_1792 = arith.constant 40 : i32
      %add3A_1793 = vector.broadcast %add3A_1792 : i32 to vector<16xi32>
      %add3A_1794 = arith.addi %mul3A_1581, %add3A_1793 : vector<16xi32>
      %gather3A_1795 = tpu.vector_load_idx %arg23[%add3A_1794] : memref<6144xf32, #tpu.memory_space<vmem>>[vector<16xi32>], vector<16xf32>,
      %add3A_1796 = arith.addf %add3A_1791, %gather3A_1795 : vector<16xf32>
      %add3A_1797 = arith.constant 41 : i32
      %add3A_1798 = vector.broadcast %add3A_1797 : i32 to vector<16xi32>
      %add3A_1799 = arith.addi %mul3A_1581, %add3A_1798 : vector<16xi32>
      %gather3A_1800 = tpu.vector_load_idx %arg23[%add3A_1799] : memref<6144xf32, #tpu.memory_space<vmem>>[vector<16xi32>], vector<16xf32>,
      %add3A_1801 = arith.addf %add3A_1796, %gather3A_1800 : vector<16xf32>
      %add3A_1802 = arith.constant 42 : i32
      %add3A_1803 = vector.broadcast %add3A_1802 : i32 to vector<16xi32>
      %add3A_1804 = arith.addi %mul3A_1581, %add3A_1803 : vector<16xi32>
      %gather3A_1805 = tpu.vector_load_idx %arg23[%add3A_1804] : memref<6144xf32, #tpu.memory_space<vmem>>[vector<16xi32>], vector<16xf32>,
      %add3A_1806 = arith.addf %add3A_1801, %gather3A_1805 : vector<16xf32>
      %add3A_1807 = arith.constant 43 : i32
      %add3A_1808 = vector.broadcast %add3A_1807 : i32 to vector<16xi32>
      %add3A_1809 = arith.addi %mul3A_1581, %add3A_1808 : vector<16xi32>
      %gather3A_1810 = tpu.vector_load_idx %arg23[%add3A_1809] : memref<6144xf32, #tpu.memory_space<vmem>>[vector<16xi32>], vector<16xf32>,
      %add3A_1811 = arith.addf %add3A_1806, %gather3A_1810 : vector<16xf32>
      %add3A_1812 = arith.constant 44 : i32
      %add3A_1813 = vector.broadcast %add3A_1812 : i32 to vector<16xi32>
      %add3A_1814 = arith.addi %mul3A_1581, %add3A_1813 : vector<16xi32>
      %gather3A_1815 = tpu.vector_load_idx %arg23[%add3A_1814] : memref<6144xf32, #tpu.memory_space<vmem>>[vector<16xi32>], vector<16xf32>,
      %add3A_1816 = arith.addf %add3A_1811, %gather3A_1815 : vector<16xf32>
      %add3A_1817 = arith.constant 45 : i32
      %add3A_1818 = vector.broadcast %add3A_1817 : i32 to vector<16xi32>
      %add3A_1819 = arith.addi %mul3A_1581, %add3A_1818 : vector<16xi32>
      %gather3A_1820 = tpu.vector_load_idx %arg23[%add3A_1819] : memref<6144xf32, #tpu.memory_space<vmem>>[vector<16xi32>], vector<16xf32>,
      %add3A_1821 = arith.addf %add3A_1816, %gather3A_1820 : vector<16xf32>
      %add3A_1822 = arith.constant 46 : i32
      %add3A_1823 = vector.broadcast %add3A_1822 : i32 to vector<16xi32>
      %add3A_1824 = arith.addi %mul3A_1581, %add3A_1823 : vector<16xi32>
      %gather3A_1825 = tpu.vector_load_idx %arg23[%add3A_1824] : memref<6144xf32, #tpu.memory_space<vmem>>[vector<16xi32>], vector<16xf32>,
      %add3A_1826 = arith.addf %add3A_1821, %gather3A_1825 : vector<16xf32>
      %add3A_1827 = arith.constant 47 : i32
      %add3A_1828 = vector.broadcast %add3A_1827 : i32 to vector<16xi32>
      %add3A_1829 = arith.addi %mul3A_1581, %add3A_1828 : vector<16xi32>
      %gather3A_1830 = tpu.vector_load_idx %arg23[%add3A_1829] : memref<6144xf32, #tpu.memory_space<vmem>>[vector<16xi32>], vector<16xf32>,
      %add3A_1831 = arith.addf %add3A_1826, %gather3A_1830 : vector<16xf32>
      %add3A_1832 = arith.constant 2 : i32
      %add3A_1833 = vector.broadcast %add3A_1832 : i32 to vector<16xi32>
      %add3A_1834 = arith.addi %mul3A_1, %add3A_1833 : vector<16xi32>
      %div3A_1835 = arith.divf %add3A_1831, %get3A_1583 : vector<16xf32>
      tpu.vector_store_idx %arg24[%add3A_1578, %add3A_1834], %div3A_1835 : memref<64x6xf32, #tpu.memory_space<vmem>>[vector<16xi32>, vector<16xi32>], vector<16xf32>,
      %add3A_1836 = arith.constant 48 : i32
      %add3A_1837 = vector.broadcast %add3A_1836 : i32 to vector<16xi32>
      %add3A_1838 = arith.addi %mul3A_1581, %add3A_1837 : vector<16xi32>
      %gather3A_1839 = tpu.vector_load_idx %arg23[%add3A_1838] : memref<6144xf32, #tpu.memory_space<vmem>>[vector<16xi32>], vector<16xf32>,
      %add3A_1840 = arith.addf %broadcast_in_dim3A_19, %gather3A_1839 : vector<16xf32>
      %add3A_1841 = arith.constant 49 : i32
      %add3A_1842 = vector.broadcast %add3A_1841 : i32 to vector<16xi32>
      %add3A_1843 = arith.addi %mul3A_1581, %add3A_1842 : vector<16xi32>
      %gather3A_1844 = tpu.vector_load_idx %arg23[%add3A_1843] : memref<6144xf32, #tpu.memory_space<vmem>>[vector<16xi32>], vector<16xf32>,
      %add3A_1845 = arith.addf %add3A_1840, %gather3A_1844 : vector<16xf32>
      %add3A_1846 = arith.constant 50 : i32
      %add3A_1847 = vector.broadcast %add3A_1846 : i32 to vector<16xi32>
      %add3A_1848 = arith.addi %mul3A_1581, %add3A_1847 : vector<16xi32>
      %gather3A_1849 = tpu.vector_load_idx %arg23[%add3A_1848] : memref<6144xf32, #tpu.memory_space<vmem>>[vector<16xi32>], vector<16xf32>,
      %add3A_1850 = arith.addf %add3A_1845, %gather3A_1849 : vector<16xf32>
      %add3A_1851 = arith.constant 51 : i32
      %add3A_1852 = vector.broadcast %add3A_1851 : i32 to vector<16xi32>
      %add3A_1853 = arith.addi %mul3A_1581, %add3A_1852 : vector<16xi32>
      %gather3A_1854 = tpu.vector_load_idx %arg23[%add3A_1853] : memref<6144xf32, #tpu.memory_space<vmem>>[vector<16xi32>], vector<16xf32>,
      %add3A_1855 = arith.addf %add3A_1850, %gather3A_1854 : vector<16xf32>
      %add3A_1856 = arith.constant 52 : i32
      %add3A_1857 = vector.broadcast %add3A_1856 : i32 to vector<16xi32>
      %add3A_1858 = arith.addi %mul3A_1581, %add3A_1857 : vector<16xi32>
      %gather3A_1859 = tpu.vector_load_idx %arg23[%add3A_1858] : memref<6144xf32, #tpu.memory_space<vmem>>[vector<16xi32>], vector<16xf32>,
      %add3A_1860 = arith.addf %add3A_1855, %gather3A_1859 : vector<16xf32>
      %add3A_1861 = arith.constant 53 : i32
      %add3A_1862 = vector.broadcast %add3A_1861 : i32 to vector<16xi32>
      %add3A_1863 = arith.addi %mul3A_1581, %add3A_1862 : vector<16xi32>
      %gather3A_1864 = tpu.vector_load_idx %arg23[%add3A_1863] : memref<6144xf32, #tpu.memory_space<vmem>>[vector<16xi32>], vector<16xf32>,
      %add3A_1865 = arith.addf %add3A_1860, %gather3A_1864 : vector<16xf32>
      %add3A_1866 = arith.constant 54 : i32
      %add3A_1867 = vector.broadcast %add3A_1866 : i32 to vector<16xi32>
      %add3A_1868 = arith.addi %mul3A_1581, %add3A_1867 : vector<16xi32>
      %gather3A_1869 = tpu.vector_load_idx %arg23[%add3A_1868] : memref<6144xf32, #tpu.memory_space<vmem>>[vector<16xi32>], vector<16xf32>,
      %add3A_1870 = arith.addf %add3A_1865, %gather3A_1869 : vector<16xf32>
      %add3A_1871 = arith.constant 55 : i32
      %add3A_1872 = vector.broadcast %add3A_1871 : i32 to vector<16xi32>
      %add3A_1873 = arith.addi %mul3A_1581, %add3A_1872 : vector<16xi32>
      %gather3A_1874 = tpu.vector_load_idx %arg23[%add3A_1873] : memref<6144xf32, #tpu.memory_space<vmem>>[vector<16xi32>], vector<16xf32>,
      %add3A_1875 = arith.addf %add3A_1870, %gather3A_1874 : vector<16xf32>
      %add3A_1876 = arith.constant 56 : i32
      %add3A_1877 = vector.broadcast %add3A_1876 : i32 to vector<16xi32>
      %add3A_1878 = arith.addi %mul3A_1581, %add3A_1877 : vector<16xi32>
      %gather3A_1879 = tpu.vector_load_idx %arg23[%add3A_1878] : memref<6144xf32, #tpu.memory_space<vmem>>[vector<16xi32>], vector<16xf32>,
      %add3A_1880 = arith.addf %add3A_1875, %gather3A_1879 : vector<16xf32>
      %add3A_1881 = arith.constant 57 : i32
      %add3A_1882 = vector.broadcast %add3A_1881 : i32 to vector<16xi32>
      %add3A_1883 = arith.addi %mul3A_1581, %add3A_1882 : vector<16xi32>
      %gather3A_1884 = tpu.vector_load_idx %arg23[%add3A_1883] : memref<6144xf32, #tpu.memory_space<vmem>>[vector<16xi32>], vector<16xf32>,
      %add3A_1885 = arith.addf %add3A_1880, %gather3A_1884 : vector<16xf32>
      %add3A_1886 = arith.constant 58 : i32
      %add3A_1887 = vector.broadcast %add3A_1886 : i32 to vector<16xi32>
      %add3A_1888 = arith.addi %mul3A_1581, %add3A_1887 : vector<16xi32>
      %gather3A_1889 = tpu.vector_load_idx %arg23[%add3A_1888] : memref<6144xf32, #tpu.memory_space<vmem>>[vector<16xi32>], vector<16xf32>,
      %add3A_1890 = arith.addf %add3A_1885, %gather3A_1889 : vector<16xf32>
      %add3A_1891 = arith.constant 59 : i32
      %add3A_1892 = vector.broadcast %add3A_1891 : i32 to vector<16xi32>
      %add3A_1893 = arith.addi %mul3A_1581, %add3A_1892 : vector<16xi32>
      %gather3A_1894 = tpu.vector_load_idx %arg23[%add3A_1893] : memref<6144xf32, #tpu.memory_space<vmem>>[vector<16xi32>], vector<16xf32>,
      %add3A_1895 = arith.addf %add3A_1890, %gather3A_1894 : vector<16xf32>
      %add3A_1896 = arith.constant 60 : i32
      %add3A_1897 = vector.broadcast %add3A_1896 : i32 to vector<16xi32>
      %add3A_1898 = arith.addi %mul3A_1581, %add3A_1897 : vector<16xi32>
      %gather3A_1899 = tpu.vector_load_idx %arg23[%add3A_1898] : memref<6144xf32, #tpu.memory_space<vmem>>[vector<16xi32>], vector<16xf32>,
      %add3A_1900 = arith.addf %add3A_1895, %gather3A_1899 : vector<16xf32>
      %add3A_1901 = arith.constant 61 : i32
      %add3A_1902 = vector.broadcast %add3A_1901 : i32 to vector<16xi32>
      %add3A_1903 = arith.addi %mul3A_1581, %add3A_1902 : vector<16xi32>
      %gather3A_1904 = tpu.vector_load_idx %arg23[%add3A_1903] : memref<6144xf32, #tpu.memory_space<vmem>>[vector<16xi32>], vector<16xf32>,
      %add3A_1905 = arith.addf %add3A_1900, %gather3A_1904 : vector<16xf32>
      %add3A_1906 = arith.constant 62 : i32
      %add3A_1907 = vector.broadcast %add3A_1906 : i32 to vector<16xi32>
      %add3A_1908 = arith.addi %mul3A_1581, %add3A_1907 : vector<16xi32>
      %gather3A_1909 = tpu.vector_load_idx %arg23[%add3A_1908] : memref<6144xf32, #tpu.memory_space<vmem>>[vector<16xi32>], vector<16xf32>,
      %add3A_1910 = arith.addf %add3A_1905, %gather3A_1909 : vector<16xf32>
      %add3A_1911 = arith.constant 63 : i32
      %add3A_1912 = vector.broadcast %add3A_1911 : i32 to vector<16xi32>
      %add3A_1913 = arith.addi %mul3A_1581, %add3A_1912 : vector<16xi32>
      %gather3A_1914 = tpu.vector_load_idx %arg23[%add3A_1913] : memref<6144xf32, #tpu.memory_space<vmem>>[vector<16xi32>], vector<16xf32>,
      %add3A_1915 = arith.addf %add3A_1910, %gather3A_1914 : vector<16xf32>
      %add3A_1916 = arith.constant 3 : i32
      %add3A_1917 = vector.broadcast %add3A_1916 : i32 to vector<16xi32>
      %add3A_1918 = arith.addi %mul3A_1, %add3A_1917 : vector<16xi32>
      %div3A_1919 = arith.divf %add3A_1915, %get3A_1583 : vector<16xf32>
      tpu.vector_store_idx %arg24[%add3A_1578, %add3A_1918], %div3A_1919 : memref<64x6xf32, #tpu.memory_space<vmem>>[vector<16xi32>, vector<16xi32>], vector<16xf32>,
      %add3A_1920 = arith.constant 64 : i32
      %add3A_1921 = vector.broadcast %add3A_1920 : i32 to vector<16xi32>
      %add3A_1922 = arith.addi %mul3A_1581, %add3A_1921 : vector<16xi32>
      %gather3A_1923 = tpu.vector_load_idx %arg23[%add3A_1922] : memref<6144xf32, #tpu.memory_space<vmem>>[vector<16xi32>], vector<16xf32>,
      %add3A_1924 = arith.addf %broadcast_in_dim3A_19, %gather3A_1923 : vector<16xf32>
      %add3A_1925 = arith.constant 65 : i32
      %add3A_1926 = vector.broadcast %add3A_1925 : i32 to vector<16xi32>
      %add3A_1927 = arith.addi %mul3A_1581, %add3A_1926 : vector<16xi32>
      %gather3A_1928 = tpu.vector_load_idx %arg23[%add3A_1927] : memref<6144xf32, #tpu.memory_space<vmem>>[vector<16xi32>], vector<16xf32>,
      %add3A_1929 = arith.addf %add3A_1924, %gather3A_1928 : vector<16xf32>
      %add3A_1930 = arith.constant 66 : i32
      %add3A_1931 = vector.broadcast %add3A_1930 : i32 to vector<16xi32>
      %add3A_1932 = arith.addi %mul3A_1581, %add3A_1931 : vector<16xi32>
      %gather3A_1933 = tpu.vector_load_idx %arg23[%add3A_1932] : memref<6144xf32, #tpu.memory_space<vmem>>[vector<16xi32>], vector<16xf32>,
      %add3A_1934 = arith.addf %add3A_1929, %gather3A_1933 : vector<16xf32>
      %add3A_1935 = arith.constant 67 : i32
      %add3A_1936 = vector.broadcast %add3A_1935 : i32 to vector<16xi32>
      %add3A_1937 = arith.addi %mul3A_1581, %add3A_1936 : vector<16xi32>
      %gather3A_1938 = tpu.vector_load_idx %arg23[%add3A_1937] : memref<6144xf32, #tpu.memory_space<vmem>>[vector<16xi32>], vector<16xf32>,
      %add3A_1939 = arith.addf %add3A_1934, %gather3A_1938 : vector<16xf32>
      %add3A_1940 = arith.constant 68 : i32
      %add3A_1941 = vector.broadcast %add3A_1940 : i32 to vector<16xi32>
      %add3A_1942 = arith.addi %mul3A_1581, %add3A_1941 : vector<16xi32>
      %gather3A_1943 = tpu.vector_load_idx %arg23[%add3A_1942] : memref<6144xf32, #tpu.memory_space<vmem>>[vector<16xi32>], vector<16xf32>,
      %add3A_1944 = arith.addf %add3A_1939, %gather3A_1943 : vector<16xf32>
      %add3A_1945 = arith.constant 69 : i32
      %add3A_1946 = vector.broadcast %add3A_1945 : i32 to vector<16xi32>
      %add3A_1947 = arith.addi %mul3A_1581, %add3A_1946 : vector<16xi32>
      %gather3A_1948 = tpu.vector_load_idx %arg23[%add3A_1947] : memref<6144xf32, #tpu.memory_space<vmem>>[vector<16xi32>], vector<16xf32>,
      %add3A_1949 = arith.addf %add3A_1944, %gather3A_1948 : vector<16xf32>
      %add3A_1950 = arith.constant 70 : i32
      %add3A_1951 = vector.broadcast %add3A_1950 : i32 to vector<16xi32>
      %add3A_1952 = arith.addi %mul3A_1581, %add3A_1951 : vector<16xi32>
      %gather3A_1953 = tpu.vector_load_idx %arg23[%add3A_1952] : memref<6144xf32, #tpu.memory_space<vmem>>[vector<16xi32>], vector<16xf32>,
      %add3A_1954 = arith.addf %add3A_1949, %gather3A_1953 : vector<16xf32>
      %add3A_1955 = arith.constant 71 : i32
      %add3A_1956 = vector.broadcast %add3A_1955 : i32 to vector<16xi32>
      %add3A_1957 = arith.addi %mul3A_1581, %add3A_1956 : vector<16xi32>
      %gather3A_1958 = tpu.vector_load_idx %arg23[%add3A_1957] : memref<6144xf32, #tpu.memory_space<vmem>>[vector<16xi32>], vector<16xf32>,
      %add3A_1959 = arith.addf %add3A_1954, %gather3A_1958 : vector<16xf32>
      %add3A_1960 = arith.constant 72 : i32
      %add3A_1961 = vector.broadcast %add3A_1960 : i32 to vector<16xi32>
      %add3A_1962 = arith.addi %mul3A_1581, %add3A_1961 : vector<16xi32>
      %gather3A_1963 = tpu.vector_load_idx %arg23[%add3A_1962] : memref<6144xf32, #tpu.memory_space<vmem>>[vector<16xi32>], vector<16xf32>,
      %add3A_1964 = arith.addf %add3A_1959, %gather3A_1963 : vector<16xf32>
      %add3A_1965 = arith.constant 73 : i32
      %add3A_1966 = vector.broadcast %add3A_1965 : i32 to vector<16xi32>
      %add3A_1967 = arith.addi %mul3A_1581, %add3A_1966 : vector<16xi32>
      %gather3A_1968 = tpu.vector_load_idx %arg23[%add3A_1967] : memref<6144xf32, #tpu.memory_space<vmem>>[vector<16xi32>], vector<16xf32>,
      %add3A_1969 = arith.addf %add3A_1964, %gather3A_1968 : vector<16xf32>
      %add3A_1970 = arith.constant 74 : i32
      %add3A_1971 = vector.broadcast %add3A_1970 : i32 to vector<16xi32>
      %add3A_1972 = arith.addi %mul3A_1581, %add3A_1971 : vector<16xi32>
      %gather3A_1973 = tpu.vector_load_idx %arg23[%add3A_1972] : memref<6144xf32, #tpu.memory_space<vmem>>[vector<16xi32>], vector<16xf32>,
      %add3A_1974 = arith.addf %add3A_1969, %gather3A_1973 : vector<16xf32>
      %add3A_1975 = arith.constant 75 : i32
      %add3A_1976 = vector.broadcast %add3A_1975 : i32 to vector<16xi32>
      %add3A_1977 = arith.addi %mul3A_1581, %add3A_1976 : vector<16xi32>
      %gather3A_1978 = tpu.vector_load_idx %arg23[%add3A_1977] : memref<6144xf32, #tpu.memory_space<vmem>>[vector<16xi32>], vector<16xf32>,
      %add3A_1979 = arith.addf %add3A_1974, %gather3A_1978 : vector<16xf32>
      %add3A_1980 = arith.constant 76 : i32
      %add3A_1981 = vector.broadcast %add3A_1980 : i32 to vector<16xi32>
      %add3A_1982 = arith.addi %mul3A_1581, %add3A_1981 : vector<16xi32>
      %gather3A_1983 = tpu.vector_load_idx %arg23[%add3A_1982] : memref<6144xf32, #tpu.memory_space<vmem>>[vector<16xi32>], vector<16xf32>,
      %add3A_1984 = arith.addf %add3A_1979, %gather3A_1983 : vector<16xf32>
      %add3A_1985 = arith.constant 77 : i32
      %add3A_1986 = vector.broadcast %add3A_1985 : i32 to vector<16xi32>
      %add3A_1987 = arith.addi %mul3A_1581, %add3A_1986 : vector<16xi32>
      %gather3A_1988 = tpu.vector_load_idx %arg23[%add3A_1987] : memref<6144xf32, #tpu.memory_space<vmem>>[vector<16xi32>], vector<16xf32>,
      %add3A_1989 = arith.addf %add3A_1984, %gather3A_1988 : vector<16xf32>
      %add3A_1990 = arith.constant 78 : i32
      %add3A_1991 = vector.broadcast %add3A_1990 : i32 to vector<16xi32>
      %add3A_1992 = arith.addi %mul3A_1581, %add3A_1991 : vector<16xi32>
      %gather3A_1993 = tpu.vector_load_idx %arg23[%add3A_1992] : memref<6144xf32, #tpu.memory_space<vmem>>[vector<16xi32>], vector<16xf32>,
      %add3A_1994 = arith.addf %add3A_1989, %gather3A_1993 : vector<16xf32>
      %add3A_1995 = arith.constant 79 : i32
      %add3A_1996 = vector.broadcast %add3A_1995 : i32 to vector<16xi32>
      %add3A_1997 = arith.addi %mul3A_1581, %add3A_1996 : vector<16xi32>
      %gather3A_1998 = tpu.vector_load_idx %arg23[%add3A_1997] : memref<6144xf32, #tpu.memory_space<vmem>>[vector<16xi32>], vector<16xf32>,
      %add3A_1999 = arith.addf %add3A_1994, %gather3A_1998 : vector<16xf32>
      %add3A_2000 = arith.constant 4 : i32
      %add3A_2001 = vector.broadcast %add3A_2000 : i32 to vector<16xi32>
      %add3A_2002 = arith.addi %mul3A_1, %add3A_2001 : vector<16xi32>
      %div3A_2003 = arith.divf %add3A_1999, %get3A_1583 : vector<16xf32>
      tpu.vector_store_idx %arg24[%add3A_1578, %add3A_2002], %div3A_2003 : memref<64x6xf32, #tpu.memory_space<vmem>>[vector<16xi32>, vector<16xi32>], vector<16xf32>,
      %add3A_2004 = arith.constant 80 : i32
      %add3A_2005 = vector.broadcast %add3A_2004 : i32 to vector<16xi32>
      %add3A_2006 = arith.addi %mul3A_1581, %add3A_2005 : vector<16xi32>
      %gather3A_2007 = tpu.vector_load_idx %arg23[%add3A_2006] : memref<6144xf32, #tpu.memory_space<vmem>>[vector<16xi32>], vector<16xf32>,
      %add3A_2008 = arith.addf %broadcast_in_dim3A_19, %gather3A_2007 : vector<16xf32>
      %add3A_2009 = arith.constant 81 : i32
      %add3A_2010 = vector.broadcast %add3A_2009 : i32 to vector<16xi32>
      %add3A_2011 = arith.addi %mul3A_1581, %add3A_2010 : vector<16xi32>
      %gather3A_2012 = tpu.vector_load_idx %arg23[%add3A_2011] : memref<6144xf32, #tpu.memory_space<vmem>>[vector<16xi32>], vector<16xf32>,
      %add3A_2013 = arith.addf %add3A_2008, %gather3A_2012 : vector<16xf32>
      %add3A_2014 = arith.constant 82 : i32
      %add3A_2015 = vector.broadcast %add3A_2014 : i32 to vector<16xi32>
      %add3A_2016 = arith.addi %mul3A_1581, %add3A_2015 : vector<16xi32>
      %gather3A_2017 = tpu.vector_load_idx %arg23[%add3A_2016] : memref<6144xf32, #tpu.memory_space<vmem>>[vector<16xi32>], vector<16xf32>,
      %add3A_2018 = arith.addf %add3A_2013, %gather3A_2017 : vector<16xf32>
      %add3A_2019 = arith.constant 83 : i32
      %add3A_2020 = vector.broadcast %add3A_2019 : i32 to vector<16xi32>
      %add3A_2021 = arith.addi %mul3A_1581, %add3A_2020 : vector<16xi32>
      %gather3A_2022 = tpu.vector_load_idx %arg23[%add3A_2021] : memref<6144xf32, #tpu.memory_space<vmem>>[vector<16xi32>], vector<16xf32>,
      %add3A_2023 = arith.addf %add3A_2018, %gather3A_2022 : vector<16xf32>
      %add3A_2024 = arith.constant 84 : i32
      %add3A_2025 = vector.broadcast %add3A_2024 : i32 to vector<16xi32>
      %add3A_2026 = arith.addi %mul3A_1581, %add3A_2025 : vector<16xi32>
      %gather3A_2027 = tpu.vector_load_idx %arg23[%add3A_2026] : memref<6144xf32, #tpu.memory_space<vmem>>[vector<16xi32>], vector<16xf32>,
      %add3A_2028 = arith.addf %add3A_2023, %gather3A_2027 : vector<16xf32>
      %add3A_2029 = arith.constant 85 : i32
      %add3A_2030 = vector.broadcast %add3A_2029 : i32 to vector<16xi32>
      %add3A_2031 = arith.addi %mul3A_1581, %add3A_2030 : vector<16xi32>
      %gather3A_2032 = tpu.vector_load_idx %arg23[%add3A_2031] : memref<6144xf32, #tpu.memory_space<vmem>>[vector<16xi32>], vector<16xf32>,
      %add3A_2033 = arith.addf %add3A_2028, %gather3A_2032 : vector<16xf32>
      %add3A_2034 = arith.constant 86 : i32
      %add3A_2035 = vector.broadcast %add3A_2034 : i32 to vector<16xi32>
      %add3A_2036 = arith.addi %mul3A_1581, %add3A_2035 : vector<16xi32>
      %gather3A_2037 = tpu.vector_load_idx %arg23[%add3A_2036] : memref<6144xf32, #tpu.memory_space<vmem>>[vector<16xi32>], vector<16xf32>,
      %add3A_2038 = arith.addf %add3A_2033, %gather3A_2037 : vector<16xf32>
      %add3A_2039 = arith.constant 87 : i32
      %add3A_2040 = vector.broadcast %add3A_2039 : i32 to vector<16xi32>
      %add3A_2041 = arith.addi %mul3A_1581, %add3A_2040 : vector<16xi32>
      %gather3A_2042 = tpu.vector_load_idx %arg23[%add3A_2041] : memref<6144xf32, #tpu.memory_space<vmem>>[vector<16xi32>], vector<16xf32>,
      %add3A_2043 = arith.addf %add3A_2038, %gather3A_2042 : vector<16xf32>
      %add3A_2044 = arith.constant 88 : i32
      %add3A_2045 = vector.broadcast %add3A_2044 : i32 to vector<16xi32>
      %add3A_2046 = arith.addi %mul3A_1581, %add3A_2045 : vector<16xi32>
      %gather3A_2047 = tpu.vector_load_idx %arg23[%add3A_2046] : memref<6144xf32, #tpu.memory_space<vmem>>[vector<16xi32>], vector<16xf32>,
      %add3A_2048 = arith.addf %add3A_2043, %gather3A_2047 : vector<16xf32>
      %add3A_2049 = arith.constant 89 : i32
      %add3A_2050 = vector.broadcast %add3A_2049 : i32 to vector<16xi32>
      %add3A_2051 = arith.addi %mul3A_1581, %add3A_2050 : vector<16xi32>
      %gather3A_2052 = tpu.vector_load_idx %arg23[%add3A_2051] : memref<6144xf32, #tpu.memory_space<vmem>>[vector<16xi32>], vector<16xf32>,
      %add3A_2053 = arith.addf %add3A_2048, %gather3A_2052 : vector<16xf32>
      %add3A_2054 = arith.constant 90 : i32
      %add3A_2055 = vector.broadcast %add3A_2054 : i32 to vector<16xi32>
      %add3A_2056 = arith.addi %mul3A_1581, %add3A_2055 : vector<16xi32>
      %gather3A_2057 = tpu.vector_load_idx %arg23[%add3A_2056] : memref<6144xf32, #tpu.memory_space<vmem>>[vector<16xi32>], vector<16xf32>,
      %add3A_2058 = arith.addf %add3A_2053, %gather3A_2057 : vector<16xf32>
      %add3A_2059 = arith.constant 91 : i32
      %add3A_2060 = vector.broadcast %add3A_2059 : i32 to vector<16xi32>
      %add3A_2061 = arith.addi %mul3A_1581, %add3A_2060 : vector<16xi32>
      %gather3A_2062 = tpu.vector_load_idx %arg23[%add3A_2061] : memref<6144xf32, #tpu.memory_space<vmem>>[vector<16xi32>], vector<16xf32>,
      %add3A_2063 = arith.addf %add3A_2058, %gather3A_2062 : vector<16xf32>
      %add3A_2064 = arith.constant 92 : i32
      %add3A_2065 = vector.broadcast %add3A_2064 : i32 to vector<16xi32>
      %add3A_2066 = arith.addi %mul3A_1581, %add3A_2065 : vector<16xi32>
      %gather3A_2067 = tpu.vector_load_idx %arg23[%add3A_2066] : memref<6144xf32, #tpu.memory_space<vmem>>[vector<16xi32>], vector<16xf32>,
      %add3A_2068 = arith.addf %add3A_2063, %gather3A_2067 : vector<16xf32>
      %add3A_2069 = arith.constant 93 : i32
      %add3A_2070 = vector.broadcast %add3A_2069 : i32 to vector<16xi32>
      %add3A_2071 = arith.addi %mul3A_1581, %add3A_2070 : vector<16xi32>
      %gather3A_2072 = tpu.vector_load_idx %arg23[%add3A_2071] : memref<6144xf32, #tpu.memory_space<vmem>>[vector<16xi32>], vector<16xf32>,
      %add3A_2073 = arith.addf %add3A_2068, %gather3A_2072 : vector<16xf32>
      %add3A_2074 = arith.constant 94 : i32
      %add3A_2075 = vector.broadcast %add3A_2074 : i32 to vector<16xi32>
      %add3A_2076 = arith.addi %mul3A_1581, %add3A_2075 : vector<16xi32>
      %gather3A_2077 = tpu.vector_load_idx %arg23[%add3A_2076] : memref<6144xf32, #tpu.memory_space<vmem>>[vector<16xi32>], vector<16xf32>,
      %add3A_2078 = arith.addf %add3A_2073, %gather3A_2077 : vector<16xf32>
      %add3A_2079 = arith.constant 95 : i32
      %add3A_2080 = vector.broadcast %add3A_2079 : i32 to vector<16xi32>
      %add3A_2081 = arith.addi %mul3A_1581, %add3A_2080 : vector<16xi32>
      %gather3A_2082 = tpu.vector_load_idx %arg23[%add3A_2081] : memref<6144xf32, #tpu.memory_space<vmem>>[vector<16xi32>], vector<16xf32>,
      %add3A_2083 = arith.addf %add3A_2078, %gather3A_2082 : vector<16xf32>
      %add3A_2084 = arith.constant 5 : i32
      %add3A_2085 = vector.broadcast %add3A_2084 : i32 to vector<16xi32>
      %add3A_2086 = arith.addi %mul3A_1, %add3A_2085 : vector<16xi32>
      %div3A_2087 = arith.divf %add3A_2083, %get3A_1583 : vector<16xf32>
      tpu.vector_store_idx %arg24[%add3A_1578, %add3A_2086], %div3A_2087 : memref<64x6xf32, #tpu.memory_space<vmem>>[vector<16xi32>, vector<16xi32>], vector<16xf32>,
      "tpu.region"() ({
        %run_scoped3A = tpu.sem_alloc : memref<!tpu.dma_semaphore, #tpu.memory_space<semaphore_mem>>
        tpu.enqueue_dma source(%arg24 : memref<64x6xf32, #tpu.memory_space<vmem>>) target(%arg11 : memref<64x6xf32, #tpu.memory_space<hbm>>) target_semaphore(%run_scoped3A : memref<!tpu.dma_semaphore, #tpu.memory_space<semaphore_mem>>)
        tpu.wait_dma2 semaphore(%run_scoped3A : memref<!tpu.dma_semaphore, #tpu.memory_space<semaphore_mem>>) src(%arg24 : memref<64x6xf32, #tpu.memory_space<vmem>>) dst(%arg11 : memref<64x6xf32, #tpu.memory_space<hbm>>)
        tpu.yield
      }) : () -> ()
    } else {
    }
    %eq3A_35 = arith.constant 0 : i32
    %eq3A_36 = arith.cmpi eq, %arg0, %eq3A_35 : i32
    %eq3A_37 = arith.constant 1 : i32
    %eq3A_38 = arith.cmpi eq, %arg1, %eq3A_37 : i32
    %and3A_39 = arith.andi %eq3A_36, %eq3A_38 : i1
    %convert_element_type3A_40 = arith.extui %and3A_39 : i1 to i32
    %cond3A_41 = arith.constant 0 : i32
    %cond3A_42 = arith.cmpi ne, %convert_element_type3A_40, %cond3A_41 : i32
    scf.if %cond3A_42 {
      "tpu.region"() ({
        %run_scoped3A = tpu.sem_alloc : memref<!tpu.dma_semaphore, #tpu.memory_space<semaphore_mem>>
        tpu.enqueue_dma source(%arg10 : memref<64x1xf32, #tpu.memory_space<hbm>>) target(%arg26 : memref<64x1xf32, #tpu.memory_space<vmem>>) target_semaphore(%run_scoped3A : memref<!tpu.dma_semaphore, #tpu.memory_space<semaphore_mem>>)
        tpu.wait_dma2 semaphore(%run_scoped3A : memref<!tpu.dma_semaphore, #tpu.memory_space<semaphore_mem>>) src(%arg10 : memref<64x1xf32, #tpu.memory_space<hbm>>) dst(%arg26 : memref<64x1xf32, #tpu.memory_space<vmem>>)
        tpu.yield
      }) : () -> ()
      %add3A_43 = arith.constant 0 : i32
      %add3A_44 = vector.broadcast %add3A_43 : i32 to vector<16xi32>
      %add3A_45 = arith.addi %iota3A, %add3A_44 : vector<16xi32>
      %gather3A = tpu.vector_load_idx %arg26[%add3A_45, %mul3A_1] : memref<64x1xf32, #tpu.memory_space<vmem>>[vector<16xi32>, vector<16xi32>], vector<16xf32>,
      %swap3A = arith.constant 0 : index
      %swap3A_46 = tpu.vector_load %arg27[%swap3A] {strides = array<i32>} : memref<64xf32, #tpu.memory_space<vmem>>, vector<16xf32>,
      tpu.vector_store %arg27[%swap3A], %gather3A {strides = array<i32>} : memref<64xf32, #tpu.memory_space<vmem>>, vector<16xf32>,
      %add3A_47 = arith.constant 16 : i32
      %add3A_48 = vector.broadcast %add3A_47 : i32 to vector<16xi32>
      %add3A_49 = arith.addi %iota3A, %add3A_48 : vector<16xi32>
      %gather3A_50 = tpu.vector_load_idx %arg26[%add3A_49, %mul3A_1] : memref<64x1xf32, #tpu.memory_space<vmem>>[vector<16xi32>, vector<16xi32>], vector<16xf32>,
      %swap3A_51 = arith.constant 16 : index
      %swap3A_52 = tpu.vector_load %arg27[%swap3A_51] {strides = array<i32>} : memref<64xf32, #tpu.memory_space<vmem>>, vector<16xf32>,
      tpu.vector_store %arg27[%swap3A_51], %gather3A_50 {strides = array<i32>} : memref<64xf32, #tpu.memory_space<vmem>>, vector<16xf32>,
      %add3A_53 = arith.constant 32 : i32
      %add3A_54 = vector.broadcast %add3A_53 : i32 to vector<16xi32>
      %add3A_55 = arith.addi %iota3A, %add3A_54 : vector<16xi32>
      %gather3A_56 = tpu.vector_load_idx %arg26[%add3A_55, %mul3A_1] : memref<64x1xf32, #tpu.memory_space<vmem>>[vector<16xi32>, vector<16xi32>], vector<16xf32>,
      %swap3A_57 = arith.constant 32 : index
      %swap3A_58 = tpu.vector_load %arg27[%swap3A_57] {strides = array<i32>} : memref<64xf32, #tpu.memory_space<vmem>>, vector<16xf32>,
      tpu.vector_store %arg27[%swap3A_57], %gather3A_56 {strides = array<i32>} : memref<64xf32, #tpu.memory_space<vmem>>, vector<16xf32>,
      %add3A_59 = arith.constant 48 : i32
      %add3A_60 = vector.broadcast %add3A_59 : i32 to vector<16xi32>
      %add3A_61 = arith.addi %iota3A, %add3A_60 : vector<16xi32>
      %gather3A_62 = tpu.vector_load_idx %arg26[%add3A_61, %mul3A_1] : memref<64x1xf32, #tpu.memory_space<vmem>>[vector<16xi32>, vector<16xi32>], vector<16xf32>,
      %swap3A_63 = arith.constant 48 : index
      %swap3A_64 = tpu.vector_load %arg27[%swap3A_63] {strides = array<i32>} : memref<64xf32, #tpu.memory_space<vmem>>, vector<16xf32>,
      tpu.vector_store %arg27[%swap3A_63], %gather3A_62 {strides = array<i32>} : memref<64xf32, #tpu.memory_space<vmem>>, vector<16xf32>,
      "tpu.region"() ({
        %run_scoped3A = tpu.sem_alloc : memref<!tpu.dma_semaphore, #tpu.memory_space<semaphore_mem>>
        tpu.enqueue_dma source(%arg27 : memref<64xf32, #tpu.memory_space<vmem>>) target(%arg12 : memref<64xf32, #tpu.memory_space<hbm>>) target_semaphore(%run_scoped3A : memref<!tpu.dma_semaphore, #tpu.memory_space<semaphore_mem>>)
        tpu.wait_dma2 semaphore(%run_scoped3A : memref<!tpu.dma_semaphore, #tpu.memory_space<semaphore_mem>>) src(%arg27 : memref<64xf32, #tpu.memory_space<vmem>>) dst(%arg12 : memref<64xf32, #tpu.memory_space<hbm>>)
        tpu.yield
      }) : () -> ()
    } else {
    }
    return
  }
}

module attributes {stable_mosaic.version = 14 : i64} {
  func.func @_prep_body(%arg0: i32, %arg1: memref<2048x3xf32, #tpu.memory_space<vmem>>, %arg2: memref<2048xf32, #tpu.memory_space<vmem>>, %arg3: memref<2048xf32, #tpu.memory_space<vmem>>, %arg4: memref<2048xf32, #tpu.memory_space<vmem>>, %arg5: memref<2048xf32, #tpu.memory_space<vmem>>, %arg6: memref<2048xf32, #tpu.memory_space<vmem>>, %arg7: memref<2048xf32, #tpu.memory_space<vmem>>) attributes {dimension_semantics = [#tpu.dimension_semantics<arbitrary>], iteration_bounds = array<i64: 49>, scalar_prefetch = 0 : i64, scratch_operands = 0 : i64, tpu.core_type = #tpu.core_type<tc>, window_params = [{transform_indices = @transform_0, window_bounds = array<i64: 2048, 3>}, {transform_indices = @transform_1, window_bounds = array<i64: 2048>}, {transform_indices = @transform_2, window_bounds = array<i64: 2048>}, {transform_indices = @transform_3, window_bounds = array<i64: 2048>}, {transform_indices = @transform_4, window_bounds = array<i64: 2048>}, {transform_indices = @transform_5, window_bounds = array<i64: 2048>}, {transform_indices = @transform_6, window_bounds = array<i64: 2048>}]} {
    %get3A = arith.constant 0 : index
    %get3A_0 = arith.constant 0 : index
    %get3A_1 = vector.load %arg1[%get3A, %get3A_0] : memref<2048x3xf32, #tpu.memory_space<vmem>>, vector<2048x3xf32>
    %slice3A = vector.extract_strided_slice %get3A_1 {offsets = [0, 0], sizes = [2048, 1], strides = [1, 1]} : vector<2048x3xf32> to vector<2048x1xf32>
    %squeeze3A = vector.shape_cast %slice3A : vector<2048x1xf32> to vector<2048xf32>
    %slice3A_2 = vector.extract_strided_slice %get3A_1 {offsets = [0, 1], sizes = [2048, 1], strides = [1, 1]} : vector<2048x3xf32> to vector<2048x1xf32>
    %squeeze3A_3 = vector.shape_cast %slice3A_2 : vector<2048x1xf32> to vector<2048xf32>
    %slice3A_4 = vector.extract_strided_slice %get3A_1 {offsets = [0, 2], sizes = [2048, 1], strides = [1, 1]} : vector<2048x3xf32> to vector<2048x1xf32>
    %squeeze3A_5 = vector.shape_cast %slice3A_4 : vector<2048x1xf32> to vector<2048xf32>
    %mul3A = arith.mulf %squeeze3A, %squeeze3A : vector<2048xf32>
    %swap3A = arith.constant 0 : index
    %swap3A_6 = vector.load %arg2[%swap3A] : memref<2048xf32, #tpu.memory_space<vmem>>, vector<2048xf32>
    tpu.vector_store %arg2[%swap3A], %mul3A {strides = array<i32>} : memref<2048xf32, #tpu.memory_space<vmem>>, vector<2048xf32>,
    %mul3A_7 = arith.mulf %squeeze3A_3, %squeeze3A_3 : vector<2048xf32>
    %swap3A_8 = arith.constant 0 : index
    %swap3A_9 = vector.load %arg3[%swap3A_8] : memref<2048xf32, #tpu.memory_space<vmem>>, vector<2048xf32>
    tpu.vector_store %arg3[%swap3A_8], %mul3A_7 {strides = array<i32>} : memref<2048xf32, #tpu.memory_space<vmem>>, vector<2048xf32>,
    %mul3A_10 = arith.mulf %squeeze3A_5, %squeeze3A_5 : vector<2048xf32>
    %swap3A_11 = arith.constant 0 : index
    %swap3A_12 = vector.load %arg4[%swap3A_11] : memref<2048xf32, #tpu.memory_space<vmem>>, vector<2048xf32>
    tpu.vector_store %arg4[%swap3A_11], %mul3A_10 {strides = array<i32>} : memref<2048xf32, #tpu.memory_space<vmem>>, vector<2048xf32>,
    %mul3A_13 = arith.mulf %squeeze3A, %squeeze3A_3 : vector<2048xf32>
    %swap3A_14 = arith.constant 0 : index
    %swap3A_15 = vector.load %arg5[%swap3A_14] : memref<2048xf32, #tpu.memory_space<vmem>>, vector<2048xf32>
    tpu.vector_store %arg5[%swap3A_14], %mul3A_13 {strides = array<i32>} : memref<2048xf32, #tpu.memory_space<vmem>>, vector<2048xf32>,
    %mul3A_16 = arith.mulf %squeeze3A_3, %squeeze3A_5 : vector<2048xf32>
    %swap3A_17 = arith.constant 0 : index
    %swap3A_18 = vector.load %arg6[%swap3A_17] : memref<2048xf32, #tpu.memory_space<vmem>>, vector<2048xf32>
    tpu.vector_store %arg6[%swap3A_17], %mul3A_16 {strides = array<i32>} : memref<2048xf32, #tpu.memory_space<vmem>>, vector<2048xf32>,
    %mul3A_19 = arith.mulf %squeeze3A, %squeeze3A_5 : vector<2048xf32>
    %swap3A_20 = arith.constant 0 : index
    %swap3A_21 = vector.load %arg7[%swap3A_20] : memref<2048xf32, #tpu.memory_space<vmem>>, vector<2048xf32>
    tpu.vector_store %arg7[%swap3A_20], %mul3A_19 {strides = array<i32>} : memref<2048xf32, #tpu.memory_space<vmem>>, vector<2048xf32>,
    return
  }
  func.func @transform_0(%arg0: i32) -> (i32, i32) {
    %c0_i32 = arith.constant 0 : i32
    %c0_i32_0 = arith.constant 0 : i32
    return %arg0, %c0_i32 : i32, i32
  }
  func.func @transform_1(%arg0: i32) -> i32 {
    %c0_i32 = arith.constant 0 : i32
    return %arg0 : i32
  }
  func.func @transform_2(%arg0: i32) -> i32 {
    %c0_i32 = arith.constant 0 : i32
    return %arg0 : i32
  }
  func.func @transform_3(%arg0: i32) -> i32 {
    %c0_i32 = arith.constant 0 : i32
    return %arg0 : i32
  }
  func.func @transform_4(%arg0: i32) -> i32 {
    %c0_i32 = arith.constant 0 : i32
    return %arg0 : i32
  }
  func.func @transform_5(%arg0: i32) -> i32 {
    %c0_i32 = arith.constant 0 : i32
    return %arg0 : i32
  }
  func.func @transform_6(%arg0: i32) -> i32 {
    %c0_i32 = arith.constant 0 : i32
    return %arg0 : i32
  }
}

</mosaic_0001>

<sc_bundles>
// kernel: kernel.4.cloned.1.call-start
scs
__scs_entry_jumppad:
0x0: {  	(pc) =	sbr.rel $0x88, $3  }
0x1: {  	(tag) =	ssettag $0x0;
	lr =	simm.s32 $0x1  }
0x2: {  	[smem:$0x3F9D] =	sst lr;
	_ =	strace $0xD0000000  }
0x3: {  	_ = 	snop  }
0x4: {  	_ = 	snop  }
0x5: {  	_ = 	snop  }
0x6: {  	_ = 	snop  }
0x7: {  	_ = 	snop  }
__scs_overlays_trampoline_lowered:
0x8: {  	[smem:$0x3FAC] =	sst s0  }
0x9: {  	[smem:$0x3FAD] =	sst s1  }
0xa: {  	[smem:$0x3FAE] =	sst s2  }
0xb: {  	[smem:$0x3FAF] =	sst s3  }
0xc: {  	[smem:$0x3FB0] =	sst s4  }
0xd: {  	[smem:$0x3FB1] =	sst s5  }
0xe: {  	[smem:$0x3FB2] =	sst s6  }
0xf: {  	[smem:$0x3FB3] =	sst s7  }
0x10: {  	[smem:$0x3FB4] =	sst s8  }
0x11: {  	[smem:$0x3FB5] =	sst s9;
	s0 =	simm.s32 @!p0 $0x0  }
0x12: {  	s1 =	sld [smem:$0x3F9B];
	s0 =	simm.s32 @p0 $0x1  }
0x13: {  	[smem:$0x3FB6] =	sst s0;
	s0 =	simm.s32 @!p1 $0x0  }
0x14: {  	s2 =	sld [smem:$0x3F9A];
	s0 =	simm.s32 @p1 $0x1  }
0x15: {  	[smem:$0x3FB7] =	sst s0;
	s0 =	simm.s32 @!p2 $0x0  }
0x16: {  	s3 =	sld [smem:$0x3FDB];
	s0 =	simm.s32 @p2 $0x1  }
0x17: {  	s4 =	simm.s32 $0x1BF5;
	[smem:$0x3FB9] =	sst s0  }
0x18: {  	s0 =	sld [smem:$0x3F9C];
	_ =	swait.ge [sflag:s4], $0x0  }
0x19: {  	s7 =	sld [smem:$0x3F9D]  }
0x1a: {  	s8 =	sadd.s32 $0xFFFFE003, lr  }
0x1b: {  	s9 =	sadd.s32 $0xFFFFFEF7, lr;
	s5 =	simm.s32 $0xFFFFFFFF;
	p2 =	slt.u32 s8, $0xFFFFF086  }
0x1c: {  	p1 =	slt.u32 s9, $0xF7A;
	s5 =	simm.s32 @!p2 $0x0  }
0x1d: {  	s5 =	simm.s32 @p1 $0x1;
	p0 =	seq.s32 s7, s2  }
0x1e: {  	s7 =	smul.u32 @!p0 $0xF7A, s2;
	p2 =	seq.s32 @!p0 s5, $0x0  }
0x1f: {  	s9 =	smul.u32 $0xF7A, s1;
	s8 =	simm.s32 @!p0 $0x1BF5;
	p2 =	por !p2, p0  }
0x20: {  	[sflag:s8] =	ssyncset.s32 @!p0 $0xFFFFF086;
	s6 =	sadd.s32 @!p0 s3, s7;
	s7 =	simm.s32 @!p0 $0x108  }
0x21: {  	s3 =	sadd.s32 s3, s9;
	s6 =	sadd.s32 @!p0 $0x88, s6;
	s7 =	simm.s32 @p2 $0x1082  }
0x22: {  	[simem:s7], [sflag:s8] =	dma.local @!p0 [hbm:s6], $0xF7A  }
0x23: {  	s9 =	sor.u32 $0xD0000000, s2;
	s6 =	simm.s32 $0x108;
	_ =	swait.ge @!p0 [sflag:s8], $0x0  }
0x24: {  	s3 =	sadd.s32 $0x88, s3;
	s6 =	simm.s32 @!p1 $0x1082;
	[sflag:s4] =	ssyncset.s32 $0xFFFFF086  }
0x25: {  	[simem:s6], [sflag:s4] =	dma.local [hbm:s3], $0xF7A  }
0x26: {  	[smem:$0x3F9D] =	sst s1;
	(tag) =	ssettag s2;
	_ =	strace s9  }
0x27: {  	s1 =	sld [smem:$0x3FAD]  }
0x28: {  	s2 =	sld [smem:$0x3FAE]  }
0x29: {  	s4 =	sld [smem:$0x3FB0]  }
0x2a: {  	p0 =	seq.s32 s5, $0x0;
	s5 =	sld [smem:$0x3FB1]  }
0x2b: {  	s6 =	sld [smem:$0x3FB2]  }
0x2c: {  	s7 =	sld [smem:$0x3FB3]  }
0x2d: {  	s3 =	simm.s32 $0x108;
	s8 =	sld [smem:$0x3FB4]  }
0x2e: {  	s3 =	simm.s32 @!p0 $0x1082;
	s9 =	sld [smem:$0x3FB5]  }
0x2f: {  	lr =	sadd.s32 s0, s3;
	s0 =	sld [smem:$0x3FAC]  }
0x30: {  	s3 =	sld [smem:$0x3FAF]  }
0x31: {  	[smem:$0x3FB8] =	sst s10  }
0x32: {  	s10 =	sld [smem:$0x3FB6];
	_ =	sdelay $0x3  }
0x33: {  	p0 =	seq.s32 s10, $0x1;
	s10 =	sld [smem:$0x3FB8];
	_ =	sdelay $0x3  }
0x34: {  	[smem:$0x3FB8] =	sst s10  }
0x35: {  	s10 =	sld [smem:$0x3FB7];
	_ =	sdelay $0x3  }
0x36: {  	p1 =	seq.s32 s10, $0x1;
	s10 =	sld [smem:$0x3FB8];
	_ =	sdelay $0x3  }
0x37: {  	[smem:$0x3FB8] =	sst s10  }
0x38: {  	s10 =	sld [smem:$0x3FB9]  }
0x39: {  	_ = 	snop;
	(pc) =	sbr.ind lr, $3  }
0x3a: {  	_ = 	snop  }
0x3b: {  	_ = 	snop  }
0x3c: {  	p2 =	seq.s32 s10, $0x1;
	s10 =	sld [smem:$0x3FB8]  }
0x3d: {  	_ =	shalt  }
0x3e: {  	_ =	shalt  }
0x3f: {  	_ =	shalt  }
0x40: {  	_ =	shalt  }
0x41: {  	_ =	shalt  }
0x42: {  	_ =	shalt  }
0x43: {  	_ =	shalt  }
0x44: {  	_ =	shalt  }
0x45: {  	_ =	shalt  }
0x46: {  	_ =	shalt  }
0x47: {  	_ =	shalt  }
0x48: {  	_ =	shalt  }
0x49: {  	_ =	shalt  }
0x4a: {  	_ =	shalt  }
0x4b: {  	_ =	shalt  }
0x4c: {  	_ =	shalt  }
0x4d: {  	_ =	shalt  }
0x4e: {  	_ =	shalt  }
0x4f: {  	_ =	shalt  }
0x50: {  	_ =	shalt  }
0x51: {  	_ =	shalt  }
0x52: {  	_ =	shalt  }
0x53: {  	_ =	shalt  }
0x54: {  	_ =	shalt  }
0x55: {  	_ =	shalt  }
0x56: {  	_ =	shalt  }
0x57: {  	_ =	shalt  }
0x58: {  	_ =	shalt  }
0x59: {  	_ =	shalt  }
0x5a: {  	_ =	shalt  }
0x5b: {  	_ =	shalt  }
0x5c: {  	_ =	shalt  }
0x5d: {  	_ =	shalt  }
0x5e: {  	_ =	shalt  }
0x5f: {  	_ =	shalt  }
0x60: {  	_ =	shalt  }
0x61: {  	_ =	shalt  }
0x62: {  	_ =	shalt  }
0x63: {  	_ =	shalt  }
0x64: {  	_ =	shalt  }
0x65: {  	_ =	shalt  }
0x66: {  	_ =	shalt  }
0x67: {  	_ =	shalt  }
0x68: {  	_ =	shalt  }
0x69: {  	_ =	shalt  }
0x6a: {  	_ =	shalt  }
0x6b: {  	_ =	shalt  }
0x6c: {  	_ =	shalt  }
0x6d: {  	_ =	shalt  }
0x6e: {  	_ =	shalt  }
0x6f: {  	_ =	shalt  }
0x70: {  	_ =	shalt  }
0x71: {  	_ =	shalt  }
0x72: {  	_ =	shalt  }
0x73: {  	_ =	shalt  }
0x74: {  	_ =	shalt  }
0x75: {  	_ =	shalt  }
0x76: {  	_ =	shalt  }
0x77: {  	_ =	shalt  }
0x78: {  	_ =	shalt  }
0x79: {  	_ =	shalt  }
0x7a: {  	_ =	shalt  }
0x7b: {  	_ =	shalt  }
0x7c: {  	_ =	shalt  }
0x7d: {  	_ =	shalt  }
0x7e: {  	_ =	shalt  }
0x7f: {  	_ =	shalt  }
0x80: {  	_ =	shalt  }
0x81: {  	_ =	shalt  }
0x82: {  	_ =	shalt  }
0x83: {  	_ =	shalt  }
0x84: {  	_ =	shalt  }
0x85: {  	_ =	shalt  }
0x86: {  	_ =	shalt  }
0x87: {  	_ =	shalt  }
.Lfunc_end0:
.L_simem_size_0:
called_computation_lowered:
.L_overlay_start_0:
0x88: {  	s2 =	sld [smem:$0x3FD9]  }
0x89: {  	s3 =	sld [smem:$0x3FFE];
	_ =	sdelay $0x1  }
0x8a: {  	s1 =	srdreg.scid  }
0x8b: {  	s0 =	sand.u32 $0x1, s1  }
0x8c: {  	s14 =	sshll.u32 s0, $0xA;
	s2 =	sadd.s32 s3, s2  }
0x8d: {  	s2 =	sadd.s32 s2, s14  }
0x8e: {  	[smem:$0x3FC4] =	sst s2  }
0x8f: {  	_ = 	snop  }
0x90: {  	s2 =	sld [smem:$0x3FD0];
	_ =	sdelay $0x1  }
0x91: {  	s15 =	sld [smem:$0x3FC7]  }
0x92: {  	s5 =	simm.s32 $0xA;
	s6 =	simm.s32 $0x10;
	s4 =	sld [smem:$0x3FC6]  }
0x93: {  	[smem:s6], [sflag:s5] =	dma.local [hbm:s2], $0x1  }
0x94: {  	_ =	swait.eq [sflag:s5], $0x1  }
0x95: {  	[sflag:s5] =	ssyncset.done $0x0  }
0x96: {  	s16 =	sld [smem:$0x10];
	[sflag:s5] =	ssyncadd.s32 $0xFFFFFFFF  }
0x97: {  	s17 =	sld [smem:$0x11];
	(tm) =	ssettm $0x1  }
0x98: {  	s18 =	sld [smem:$0x3FFB];
	_ =	sdelay $0x3  }
0x99: {  	_ =	strace s18  }
0x9a: {  	s6 =	sld [smem:$0x3FFC];
	_ =	sdelay $0x3  }
0x9b: {  	_ =	strace s6  }
0x9c: {  	s6 =	sld [smem:$0x3FFD];
	_ =	sdelay $0x3  }
0x9d: {  	_ =	strace s6  }
0x9e: {  	_ =	strace $0x8FFFFFFF  }
0x9f: {  	s19 =	sld [smem:$0x3FDB];
	_ =	sdelay $0x1  }
0xa0: {  	s7 =	simm.s32 $_scs_section_size  }
0xa1: {  	s8 =	simm.s32 $_size__tile_overlayer_lowered;
	s9 =	simm.s32 $_tile_overlayer_lowered  }
0xa2: {  	s22 =	simm.s32 $0x1BFF;
	s21 =	sshll.u32 s9, $0x1;
	s6 =	sadd.s32 s7, s19  }
0xa3: {  	s10 =	simm.s32 $0x0;
	s20 =	sshll.u32 s8, $0x1;
	s8 =	sadd.s32 s21, s6  }
0xa4: {  	[timem:s10], [sflag:s22] =	dma.local [hbm:s8], s20  }
0xa5: {  	_ =	swait.ge [sflag:s22], s20  }
0xa6: {  	s7 =	ssub.s32 $0x0, s20;
	[sflag:s22] =	ssyncset.done $0x0  }
0xa7: {  	[sflag:s22] =	ssyncadd.s32 s7;
	_ =	sdelay $0x1  }
0xa8: {  	s23 =	simm.s32 $0x1B8B  }
0xa9: {  	_ =	swait.ge [sflag:s23], $0x1  }
0xaa: {  	[sflag:s23] =	ssyncset.done $0x0  }
0xab: {  	s25 =	simm.s32 $0x1B8E;
	s24 =	sld [smem:$0x3FFE];
	[sflag:s23] =	ssyncadd.s32 $0xFFFFFFFF  }
0xac: {  	s26 =	simm.s32 $execute0_lowered;
	[smem:$0x3FD2] =	sst s25  }
0xad: {  	s8 =	sshll.u32 s26, $0x1;
	_ =	strace $0x80000046;
	[dreg:$0x1] =	wrdreg $0xFFFFFFFF  }
0xae: {  	s28 =	simm.s32 $_size_execute0_lowered;
	s6 =	sadd.s32 s6, s8;
	[dreg:$0x0] =	wrdreg $0x0  }
0xaf: {  	s8 =	sshll.u32 s28, $0x1;
	[dreg:$0x2] =	wrdreg s6  }
0xb0: {  	[dreg:$0x3] =	wrdreg s8  }
0xb1: {  	[dreg:$0x4] =	wrdreg $0xC0  }
0xb2: {  	_ =	task [dreg:s10], $0x5FFFF  }
0xb3: {  	[dreg:$0x1] =	wrdreg $0xFFFFFFFF  }
0xb4: {  	[dreg:$0x0] =	wrdreg $0x60  }
0xb5: {  	[dreg:$0x2] =	wrdreg s4  }
0xb6: {  	[dreg:$0x3] =	wrdreg s24  }
0xb7: {  	[dreg:$0x4] =	wrdreg s15  }
0xb8: {  	[dreg:$0x5] =	wrdreg s17  }
0xb9: {  	[dreg:$0x6] =	wrdreg s16  }
0xba: {  	[dreg:$0x7] =	wrdreg $0xF9B80  }
0xbb: {  	[dreg:$0x8] =	wrdreg $0x111B80  }
0xbc: {  	[dreg:$0x9] =	wrdreg $0x9  }
0xbd: {  	_ =	task.clear_ibuf [dreg:s10], $0xAFFFF;
	_ =	strace $0x90000046  }
0xbe: {  	s29 =	simm.s32 $0x9;
	_ =	strace $0x80000048  }
0xbf: {  	_ =	swait.ge [sflag:s29], $0x1  }
0xc0: {  	[sflag:s29] =	ssyncadd.s32 $0xFFFFFFFF  }
0xc1: {  	_ =	strace $0x90000048  }
0xc2: {  	_ =	sfence  }
0xc3: {  	s30 =	sld [smem:$0x0];
	_ =	sdelay $0x2  }
0xc4: {  	s31 =	sshll.u32 s1, $0xD;
	s1 =	sshrl.u32 s1, $0x2  }
0xc5: {  	s3 =	sand.u32 $0x4000, s31;
	s1 =	sadd.s32 s1, s30  }
0xc6: {  	s0 =	sor.u32 s3, s0;
	s1 =	sshll.u32 s1, $0x11  }
0xc7: {  	s0 =	sor.u32 s1, s0  }
0xc8: {  	s0 =	sadd.s32 $0x8F2B, s0  }
0xc9: {  	[sflag:s0] =	ssyncadd.remote.s32 $0x1  }
0xca: {  	_ =	sfence.sel $0xFFFF  }
0xcb: {  	[dreg:$0x0] =	wrdreg $0xFFFFFFFF;
	(pc) =	sbr.abs _section_cstart, $3  }
0xcc: {  	[dreg:$0x1] =	wrdreg $0xFFFFFFFF  }
0xcd: {  	_ =	task.clear_ibuf [dreg:s10], $0x2FFFF;
	_ =	strace $0x9FFFFFFF  }
0xce: {  	(tm) =	ssettm $0x7FFFFFFF  }
0xcf: {  	_ =	shalt  }
tec
execute0_lowered:
.L_overlay_start_1:
0x0: {  	(tag) =	ssettag $0x1  }
0x1: {  	s19 =	stileid.u32  }
0x2: {  	s1 =	sshll.u32 s19, $0x1  }
0x3: {  	v0 =	vlaneseq.u32;
	s2 =	sor.u32 $0x1860, s1  }
0x4: {  	v4 =	vmul.u32 $0x60, v0;
	v1 =	vadd.s32 s2, v0  }
0x5: {  	v1 =	vmin.u32 v1, $0x1887  }
0x6: {  	[tilespmem:$0x1FC80] =	vst v1;
	v1 =	vor.u32 $0x1, v4  }
0x7: {  	[tilespmem:$0x1FC90] =	vst v1;
	v1 =	vor.u32 $0x2, v4  }
0x8: {  	[tilespmem:$0x1FCA0] =	vst v1;
	v1 =	vor.u32 $0x3, v4  }
0x9: {  	[tilespmem:$0x1FCB0] =	vst v1;
	v1 =	vor.u32 $0x4, v4  }
0xa: {  	[tilespmem:$0x1FCC0] =	vst v1;
	v1 =	vor.u32 $0x5, v4  }
0xb: {  	[tilespmem:$0x1FCD0] =	vst v1;
	v1 =	vor.u32 $0x6, v4  }
0xc: {  	[tilespmem:$0x1FCE0] =	vst v1;
	v1 =	vor.u32 $0x7, v4  }
0xd: {  	[tilespmem:$0x1FCF0] =	vst v1;
	v1 =	vor.u32 $0x8, v4  }
0xe: {  	s0 =	rddreg [dreg:$0x0];
	[tilespmem:$0x1FD00] =	vst v1;
	v1 =	vor.u32 $0x9, v4  }
0xf: {  	s5 =	rddreg [dreg:$0x1];
	[tilespmem:$0x1FD10] =	vst v1;
	v1 =	vor.u32 $0xA, v4  }
0x10: {  	s3 =	rddreg [dreg:$0x3];
	[tilespmem:$0x1FD20] =	vst v1;
	v1 =	vor.u32 $0xB, v4  }
0x11: {  	s4 =	rddreg [dreg:$0x4];
	[tilespmem:$0x1FD30] =	vst v1;
	v1 =	vor.u32 $0xC, v4  }
0x12: {  	s26 =	rddreg [dreg:$0x5];
	s7 =	simm.s32 $0x0;
	[tilespmem:$0x1FD40] =	vst v1;
	v1 =	vor.u32 $0xD, v4  }
0x13: {  	[smem:$0x7FF] =	sst s7;
	[tilespmem:$0x1FD50] =	vst v1;
	v1 =	vor.u32 $0xE, v4  }
0x14: {  	s20 =	rddreg [dreg:$0x6];
	v10 =	vor.u32 $0x10, v4;
	_ =	strace $0x80000047;
	[tilespmem:$0x1FD60] =	vst v1  }
0x15: {  	v1 =	vor.u32 $0xF, v4;
	[tilespmem:$0x1FD80] =	vst v10  }
0x16: {  	v10 =	vor.u32 $0x11, v4;
	[tilespmem:$0x1FD70] =	vst v1  }
0x17: {  	[tilespmem:$0x1FD90] =	vst v10;
	v10 =	vor.u32 $0x12, v4  }
0x18: {  	v1 =	vmul.u32 $0x8, v0;
	[tilespmem:$0x1FDA0] =	vst v10;
	v10 =	vor.u32 $0x13, v4  }
0x19: {  	[tilespmem:$0x1FDB0] =	vst v10  }
0x1a: {  	v10 =	vor.u32 $0x14, v4;
	[tilespmem:$0x1FF90] =	vst v1  }
0x1b: {  	[tilespmem:$0x1FDC0] =	vst v10;
	v10 =	vor.u32 $0x15, v4  }
0x1c: {  	[tilespmem:$0x1FDD0] =	vst v10;
	v10 =	vor.u32 $0x16, v4  }
0x1d: {  	[tilespmem:$0x1FDE0] =	vst v10;
	v10 =	vor.u32 $0x17, v4  }
0x1e: {  	[tilespmem:$0x1FDF0] =	vst v10;
	v10 =	vor.u32 $0x18, v4  }
0x1f: {  	[tilespmem:$0x1FE00] =	vst v10;
	v10 =	vor.u32 $0x19, v4  }
0x20: {  	[tilespmem:$0x1FE10] =	vst v10;
	v10 =	vor.u32 $0x1A, v4  }
0x21: {  	[tilespmem:$0x1FE20] =	vst v10;
	v10 =	vor.u32 $0x1B, v4  }
0x22: {  	[tilespmem:$0x1FE30] =	vst v10;
	v10 =	vor.u32 $0x1C, v4  }
0x23: {  	[tilespmem:$0x1FE40] =	vst v10;
	v10 =	vor.u32 $0x1D, v4  }
0x24: {  	[tilespmem:$0x1FE50] =	vst v10;
	v10 =	vor.u32 $0x1E, v4  }
0x25: {  	[tilespmem:$0x1FE60] =	vst v10;
	v10 =	vor.u32 $0x1F, v4  }
0x26: {  	[tilespmem:$0x1FE70] =	vst v10;
	v10 =	vor.u32 $0x1, v1  }
0x27: {  	v1 =	vor.u32 $0x2, v1;
	[tilespmem:$0x1FE80] =	vst v10  }
0x28: {  	v10 =	vadd.s32 $0x20, v4;
	[tilespmem:$0x1FFA0] =	vst v1  }
0x29: {  	v1 =	vadd.s32 $0x30, v4;
	[tilespmem:$0x1FE90] =	vst v10  }
0x2a: {  	v10 =	vadd.s32 $0x21, v4;
	[tilespmem:$0x1FFB0] =	vst v1  }
0x2b: {  	v1 =	vadd.s32 $0x31, v4;
	[tilespmem:$0x1FEA0] =	vst v10  }
0x2c: {  	v10 =	vadd.s32 $0x22, v4;
	[tilespmem:$0x1FFC0] =	vst v1  }
0x2d: {  	v1 =	vadd.s32 $0x32, v4;
	[tilespmem:$0x1FEB0] =	vst v10  }
0x2e: {  	v10 =	vadd.s32 $0x23, v4;
	[tilespmem:$0x1FFD0] =	vst v1  }
0x2f: {  	v1 =	vadd.s32 $0x33, v4;
	[tilespmem:$0x1FEC0] =	vst v10  }
0x30: {  	s6 =	srdreg.scid;
	s21 =	simm.s32 $0x1888;
	s22 =	simm.s32 $0x3110;
	v10 =	vadd.s32 $0x24, v4;
	[tilespmem:$0x1FFE0] =	vst v1  }
0x31: {  	s23 =	simm.s32 $0x4998;
	s24 =	simm.s32 $0x6220;
	s9 =	smul.u32 $0x30D, s19;
	v1 =	vadd.s32 $0x34, v4;
	[tilespmem:$0x1FED0] =	vst v10  }
0x32: {  	s25 =	simm.s32 $0x7AA8;
	s28 =	simm.s32 $0xABB8;
	s30 =	smul.u32 $0x6000, s19;
	v10 =	vadd.s32 $0x25, v4;
	[tilespmem:$0x1FFF0] =	vst v1  }
0x33: {  	s6 =	sand.u32 $0x1, s6;
	s8 =	sadd.s32 $0x14400, s5;
	s18 =	smul.u32 $0x180, s19;
	[tilespmem:$0x1FEE0] =	vst v10;
	v10 =	vadd.s32 $0x26, v4  }
0x34: {  	p1 =	seq.s32 s19, $0x1;
	s10 =	ssub.s32 $0x2, s6;
	p0 =	seq.s32 s6, $0x0;
	[tilespmem:$0x1FEF0] =	vst v10;
	v10 =	vadd.s32 $0x27, v4  }
0x35: {  	s31 =	sor.u32 s19, s6;
	s15 =	sadd.s32 s9, s5;
	s11 =	sshrl.u32 s10, $0x1;
	[tilespmem:$0x1FF00] =	vst v10;
	v10 =	vadd.s32 $0x28, v4  }
0x36: {  	s9 =	sadd.s32 s0, s9;
	s0 =	sshrl.u32 s30, $0x2;
	s17 =	sadd.s32 s18, s26;
	[tilespmem:$0x1FF10] =	vst v10;
	v10 =	vadd.s32 $0x29, v4  }
0x37: {  	s18 =	sadd.s32 s18, s20;
	p0 =	por !p0, !p1;
	p1 =	sne.s32 s6, $0x0;
	[tilespmem:$0x1FF20] =	vst v10;
	v10 =	vadd.s32 $0x2A, v4  }
0x38: {  	s20 =	simm.s32 $0x1;
	p2 =	sne.s32 s31, $0x0;
	s5 =	simm.s32 $0xDBB8;
	[tilespmem:$0x1FF30] =	vst v10;
	v10 =	vadd.s32 $0x2B, v4  }
.Ltmp0:
0x39: {  	s2 =	simm.s32 $0xF538;
	s6 =	simm.s32 $0x0;
	[tilespmem:$0x1FF40] =	vst v10;
	v10 =	vadd.s32 $0x2C, v4;
	(pc) =	sbr.rel .LBB2_1-.Ltmp0, $4  }
0x3a: {  	s29 =	ssub.s32 s10, s11;
	s10 =	sadd.s32 $0x1800, s15;
	s11 =	sadd.s32 $0x4A00, s15;
	[tilespmem:$0x1FF50] =	vst v10;
	v10 =	vadd.s32 $0x2D, v4  }
0x3b: {  	v2 =	vimm.f32 $0.0e+00;
	v3 =	vor.u32 $0x10, v0;
	s12 =	sadd.s32 $0x7C00, s15;
	s13 =	sadd.s32 $0xAE00, s15;
	s14 =	sadd.s32 $0xE000, s15;
	[tilespmem:$0x1FF60] =	vst v10;
	v10 =	vadd.s32 $0x2E, v4  }
0x3c: {  	v5 =	vor.u32 $0x20, v0;
	v6 =	vand.u32 $0x7, v0;
	s15 =	sadd.s32 $0x11200, s15;
	s16 =	sadd.s32 s0, s26;
	p0 =	por !p0, !p0;
	[tilespmem:$0x1FF70] =	vst v10;
	v10 =	vadd.s32 $0x2F, v4  }
0x3d: {  	v7 =	vor.u32 $0x30, v0;
	v8 =	vor.u32 $0x40, v0;
	v9 =	vor.u32 $0x50, v0;
	s26 =	simm.s32 $0x9330;
	s0 =	simm.s32 $0xDD38;
	s19 =	smax.u32 s29, $0x1;
	[tilespmem:$0x1FF80] =	vst v10  }
.LBB2_10:
0x3e: {  	v1 =	vlaneseq.u32 @p0  }
0x3f: {  	v1 =	vmul.u32 @p0 $0x8, v1  }
0x40: {  	s29 =	simm.s32 @p0 $0x0;
	s30 =	simm.s32 @p0 $0xF778;
	s31 =	simm.s32 @p0 $0x1  }
0x41: {  	[tilespmem:s30], [sflag:$0x1] =	stream.linear.gather @p0 [hbm4b:s3+s29], $0x200, $0x38;
	[tilespmem:$0x11338] =	vst v63  }
0x42: {  	_ =	swait.ge @p0 [sflag:s31], $0x200  }
0x43: {  	[sflag:s31] =	ssyncset.done @p0 $0x0  }
0x44: {  	[sflag:s31] =	ssyncadd.s32 @p0 $0xFFFFFE00  }
0x45: {  	v10 =	vld.idx.msk @p0 [tilespmem:v1+s30+$0x0], $0xffff  }
0x46: {  	v11 =	vor.u32 @p0 $0x80, v1;
	_ =	sdelay $0x3  }
0x47: {  	[tilespmem:$0xF978] =	vst @p0 v10  }
0x48: {  	v10 =	vld.idx.msk @p0 [tilespmem:v11+s30+$0x0], $0xffff  }
0x49: {  	v11 =	vor.u32 @p0 $0x100, v1;
	_ =	sdelay $0x3  }
0x4a: {  	[tilespmem:$0xF988] =	vst @p0 v10  }
0x4b: {  	v10 =	vld.idx.msk @p0 [tilespmem:v11+s30+$0x0], $0xffff  }
0x4c: {  	v1 =	vor.u32 @p0 $0x180, v1;
	_ =	sdelay $0x3  }
0x4d: {  	[tilespmem:$0xF998] =	vst @p0 v10  }
0x4e: {  	v1 =	vld.idx.msk @p0 [tilespmem:v1+s30+$0x0], $0xffff;
	_ =	sdelay $0x2  }
0x4f: {  	s6 =	sadd.s32 $0x1, s6  }
0x50: {  	p3 =	sne.s32 s6, s19  }
.Ltmp1:
0x51: {  	s30 =	simm.s32 @p0 $0xF978;
	[tilespmem:$0xF9A8] =	vst @p0 v1;
	(pc) =	sbr.rel @!p3 .LBB2_11-.Ltmp1, $4  }
0x52: {  	[hbm4b:s4+s29] =	stream.linear.scatter @p0 [tilespmem:s30], [sflag:$0x1], $0x40, $0x38;
	[tilespmem:$0x11338] =	vst v63  }
0x53: {  	_ =	swait.ge @p0 [sflag:s31], $0x40  }
0x54: {  	[sflag:s31] =	ssyncset.done @p0 $0x0  }
0x55: {  	[sflag:s31] =	ssyncadd.s32 @p0 $0xFFFFFFC0  }
.LBB2_1:
.Ltmp2:
0x56: {  	(pc) =	sbr.rel @p1 .LBB2_7-.Ltmp2, $1  }
0x57: {  	_ =	sdelay $0x3  }
0x58: {  	s29 =	simm.s32 $0x0  }
0x59: {  	[tilespmem:s29], [sflag:$0x1] =	stream.linear.gather [hbm4b:s9+s29], $0x1888, $0x38;
	[tilespmem:$0x11338] =	vst v63  }
0x5a: {  	_ =	swait.ge [sflag:s20], $0x1888  }
0x5b: {  	[sflag:s20] =	ssyncset.done $0x0  }
0x5c: {  	[sflag:s20] =	ssyncadd.s32 $0xFFFFE778  }
0x5d: {  	[tilespmem:s21], [sflag:$0x1] =	stream.linear.gather [hbm4b:s10+s29], $0x1888, $0x38;
	[tilespmem:$0x11338] =	vst v63  }
0x5e: {  	_ =	swait.ge [sflag:s20], $0x1888  }
0x5f: {  	[sflag:s20] =	ssyncset.done $0x0  }
0x60: {  	[sflag:s20] =	ssyncadd.s32 $0xFFFFE778  }
0x61: {  	[tilespmem:s22], [sflag:$0x1] =	stream.linear.gather [hbm4b:s11+s29], $0x1888, $0x38;
	[tilespmem:$0x11338] =	vst v63  }
0x62: {  	_ =	swait.ge [sflag:s20], $0x1888  }
0x63: {  	[sflag:s20] =	ssyncset.done $0x0  }
0x64: {  	[sflag:s20] =	ssyncadd.s32 $0xFFFFE778  }
0x65: {  	[tilespmem:s23], [sflag:$0x1] =	stream.linear.gather [hbm4b:s12+s29], $0x1888, $0x38;
	[tilespmem:$0x11338] =	vst v63  }
0x66: {  	_ =	swait.ge [sflag:s20], $0x1888  }
0x67: {  	[sflag:s20] =	ssyncset.done $0x0  }
0x68: {  	[sflag:s20] =	ssyncadd.s32 $0xFFFFE778  }
0x69: {  	[tilespmem:s24], [sflag:$0x1] =	stream.linear.gather [hbm4b:s13+s29], $0x1888, $0x38;
	[tilespmem:$0x11338] =	vst v63  }
0x6a: {  	_ =	swait.ge [sflag:s20], $0x1888  }
0x6b: {  	[sflag:s20] =	ssyncset.done $0x0  }
0x6c: {  	[sflag:s20] =	ssyncadd.s32 $0xFFFFE778  }
0x6d: {  	[tilespmem:s25], [sflag:$0x1] =	stream.linear.gather [hbm4b:s14+s29], $0x1888, $0x38;
	[tilespmem:$0x11338] =	vst v63  }
0x6e: {  	_ =	swait.ge [sflag:s20], $0x1888  }
0x6f: {  	[sflag:s20] =	ssyncset.done $0x0  }
0x70: {  	[sflag:s20] =	ssyncadd.s32 $0xFFFFE778  }
0x71: {  	[tilespmem:s26], [sflag:$0x1] =	stream.linear.gather [hbm4b:s15+s29], $0x1888, $0x38;
	[tilespmem:$0x11338] =	vst v63  }
0x72: {  	_ =	swait.ge [sflag:s20], $0x1888  }
0x73: {  	[sflag:s20] =	ssyncset.done $0x0  }
0x74: {  	s30 =	simm.s32 $0x0;
	s29 =	simm.s32 $0x40;
	[sflag:s20] =	ssyncadd.s32 $0xFFFFE778  }
.LBB2_3:
0x75: {  	p3 =	sne.s32 s29, $0x5FC0;
	[tilespmem:s30+$0xABB8] =	vst v2;
	s30 =	smov.u32 s29;
	s29 =	sadd.s32 $0x40, s29  }
.Ltmp3:
0x76: {  	(pc) =	sbr.rel @p3 .LBB2_3-.Ltmp3, $2  }
0x77: {  	_ =	sdelay $0x2  }
0x78: {  	s30 =	sshra.s32 s30, $0x2  }
0x79: {  	s29 =	sadd.s32 $0x0, s1  }
0x7a: {  	v1 =	vadd.s32 s29, v0;
	_ =	sdelay $0x3  }
0x7b: {  	[tilespmem:s30+$0xABB8] =	vst v2  }
0x7c: {  	v10 =	vld.idx.msk [tilespmem:v1+s7+$0x0], $0xffff;
	_ =	sdelay $0x4  }
0x7d: {  	v10 =	vmul.u32 $0x60, v10;
	_ =	sdelay $0x1  }
0x7e: {  	v11 =	vld.idx.msk [tilespmem:v1+s21+$0x0], $0xffff;
	v12 =	vor.u32 v0, v10;
	_ =	sdelay $0x4  }
0x7f: {  	[tilespmem:v12+s28+$0x0] =	vst.idx.add.f32.msk $0xffff, v11  }
0x80: {  	v61 =	vor.u32 v3, v10;
	v11 =	vld.idx.msk [tilespmem:v1+s22+$0x0], $0xffff;
	_ =	sdelay $0x3  }
0x81: {  	v13 =	vadd.s32 v5, v10  }
0x82: {  	[tilespmem:v61+s28+$0x0] =	vst.idx.add.f32.msk $0xffff, v11;
	v11 =	vand.u32 $0xFFFFFFE8, v13  }
0x83: {  	v12 =	vld.idx.msk [tilespmem:v1+s23+$0x0], $0xffff;
	v11 =	vor.u32 v6, v11;
	_ =	sdelay $0x3  }
0x84: {  	v62 =	vadd.s32 v7, v10  }
0x85: {  	[tilespmem:v11+s28+$0x0] =	vst.idx.add.f32.msk $0xffff, v12;
	v11 =	vand.u32 $0xFFFFFFF8, v62  }
0x86: {  	v12 =	vld.idx.msk [tilespmem:v1+s24+$0x0], $0xffff;
	v11 =	vor.u32 v6, v11;
	_ =	sdelay $0x3  }
0x87: {  	v63 =	vadd.s32 v8, v10  }
0x88: {  	[tilespmem:v11+s28+$0x0] =	vst.idx.add.f32.msk $0xffff, v12;
	v11 =	vand.u32 $0xFFFFFFE8, v63  }
0x89: {  	v12 =	vld.idx.msk [tilespmem:v1+s25+$0x0], $0xffff;
	v11 =	vor.u32 v6, v11;
	_ =	sdelay $0x3  }
0x8a: {  	v10 =	vadd.s32 v9, v10  }
0x8b: {  	v10 =	vand.u32 $0xFFFFFFF8, v10;
	[tilespmem:v11+s28+$0x0] =	vst.idx.add.f32.msk $0xffff, v12  }
0x8c: {  	s30 =	sadd.s32 $0x10, s1;
	s29 =	simm.s32 $0x20;
	v10 =	vor.u32 v6, v10;
	v1 =	vld.idx.msk [tilespmem:v1+s26+$0x0], $0xffff  }
.LBB2_5:
0x8d: {  	p3 =	sne.s32 s29, $0x1850;
	v11 =	vadd.s32 s30, v0;
	_ =	sdelay $0x3  }
0x8e: {  	[tilespmem:v10+s28+$0x0] =	vst.idx.add.f32.msk $0xffff, v1  }
0x8f: {  	v1 =	vld.idx.msk [tilespmem:v11+s7+$0x0], $0xffff  }
0x90: {  	v10 =	vld.idx.msk [tilespmem:v11+s21+$0x0], $0xffff;
	_ =	sdelay $0x4  }
0x91: {  	v1 =	vmul.u32 $0x60, v1;
	_ =	sdelay $0x1  }
0x92: {  	v12 =	vor.u32 v0, v1;
	_ =	sdelay $0x4  }
0x93: {  	[tilespmem:v12+s28+$0x0] =	vst.idx.add.f32.msk $0xffff, v10  }
0x94: {  	v10 =	vld.idx.msk [tilespmem:v11+s22+$0x0], $0xffff  }
0x95: {  	v12 =	vor.u32 v3, v1;
	_ =	sdelay $0x4  }
0x96: {  	[tilespmem:v12+s28+$0x0] =	vst.idx.add.f32.msk $0xffff, v10;
	v10 =	vadd.s32 v5, v1  }
0x97: {  	v12 =	vld.idx.msk [tilespmem:v11+s23+$0x0], $0xffff;
	v10 =	vand.u32 $0xFFFFFFE8, v10  }
0x98: {  	v10 =	vor.u32 v6, v10;
	_ =	sdelay $0x4  }
0x99: {  	[tilespmem:v10+s28+$0x0] =	vst.idx.add.f32.msk $0xffff, v12;
	v10 =	vadd.s32 v7, v1  }
0x9a: {  	v12 =	vld.idx.msk [tilespmem:v11+s24+$0x0], $0xffff;
	v10 =	vand.u32 $0xFFFFFFF8, v10  }
0x9b: {  	v10 =	vor.u32 v6, v10;
	_ =	sdelay $0x4  }
0x9c: {  	[tilespmem:v10+s28+$0x0] =	vst.idx.add.f32.msk $0xffff, v12;
	v10 =	vadd.s32 v8, v1  }
0x9d: {  	v12 =	vld.idx.msk [tilespmem:v11+s25+$0x0], $0xffff;
	v10 =	vand.u32 $0xFFFFFFE8, v10  }
0x9e: {  	v10 =	vor.u32 v6, v10;
	_ =	sdelay $0x2  }
.Ltmp4:
0x9f: {  	(pc) =	sbr.rel @p3 .LBB2_5-.Ltmp4, $4  }
0xa0: {  	_ = 	snop  }
0xa1: {  	[tilespmem:v10+s28+$0x0] =	vst.idx.add.f32.msk $0xffff, v12;
	v10 =	vadd.s32 v9, v1  }
0xa2: {  	v1 =	vld.idx.msk [tilespmem:v11+s26+$0x0], $0xffff;
	v10 =	vand.u32 $0xFFFFFFF8, v10  }
0xa3: {  	s30 =	sadd.s32 s29, s1;
	s29 =	sadd.s32 $0x10, s29;
	v10 =	vor.u32 v6, v10  }
0xa4: {  	v11 =	vadd.s32 s30, v0;
	_ =	sdelay $0x3  }
0xa5: {  	[tilespmem:v10+s28+$0x0] =	vst.idx.add.f32.msk $0xffff, v1  }
0xa6: {  	v1 =	vld.idx.msk [tilespmem:v11+s7+$0x0], $0xffff;
	_ =	sdelay $0x4  }
0xa7: {  	v1 =	vmul.u32 $0x60, v1;
	_ =	sdelay $0x1  }
0xa8: {  	v10 =	vld.idx.msk [tilespmem:v11+s21+$0x0], $0xffff;
	v12 =	vor.u32 v0, v1;
	_ =	sdelay $0x4  }
0xa9: {  	[tilespmem:v12+s28+$0x0] =	vst.idx.add.f32.msk $0xffff, v10  }
0xaa: {  	v44 =	vor.u32 v3, v1;
	v10 =	vld.idx.msk [tilespmem:v11+s22+$0x0], $0xffff;
	_ =	sdelay $0x3  }
0xab: {  	v13 =	vadd.s32 v5, v1  }
0xac: {  	[tilespmem:v44+s28+$0x0] =	vst.idx.add.f32.msk $0xffff, v10;
	v10 =	vand.u32 $0xFFFFFFE8, v13  }
0xad: {  	v12 =	vld.idx.msk [tilespmem:v11+s23+$0x0], $0xffff;
	v10 =	vor.u32 v6, v10;
	_ =	sdelay $0x3  }
0xae: {  	v45 =	vadd.s32 v7, v1  }
0xaf: {  	[tilespmem:v10+s28+$0x0] =	vst.idx.add.f32.msk $0xffff, v12;
	v10 =	vand.u32 $0xFFFFFFF8, v45  }
0xb0: {  	v12 =	vld.idx.msk [tilespmem:v11+s24+$0x0], $0xffff;
	v10 =	vor.u32 v6, v10;
	_ =	sdelay $0x3  }
0xb1: {  	v46 =	vadd.s32 v8, v1  }
0xb2: {  	[tilespmem:v10+s28+$0x0] =	vst.idx.add.f32.msk $0xffff, v12;
	v10 =	vand.u32 $0xFFFFFFE8, v46  }
0xb3: {  	v12 =	vld.idx.msk [tilespmem:v11+s25+$0x0], $0xffff;
	v10 =	vor.u32 v6, v10;
	_ =	sdelay $0x3  }
0xb4: {  	v47 =	vld [tilespmem:$0x1FC80];
	v1 =	vadd.s32 v9, v1  }
0xb5: {  	v1 =	vand.u32 $0xFFFFFFF8, v1;
	[tilespmem:v10+s28+$0x0] =	vst.idx.add.f32.msk $0xffff, v12  }
0xb6: {  	v1 =	vor.u32 v6, v1;
	v10 =	vld.idx.msk [tilespmem:v11+s26+$0x0], $0xffff;
	_ =	sdelay $0x4  }
0xb7: {  	[tilespmem:v1+s28+$0x0] =	vst.idx.add.f32.msk $0xffff, v10  }
0xb8: {  	v1 =	vld.idx.msk [tilespmem:v47+s7+$0x0], $0xffff;
	_ =	sdelay $0x4  }
0xb9: {  	v1 =	vmul.u32 $0x60, v1;
	_ =	sdelay $0x1  }
0xba: {  	v10 =	vld.idx.msk [tilespmem:v47+s21+$0x0], $0xffff;
	v11 =	vor.u32 v0, v1;
	_ =	sdelay $0x4  }
0xbb: {  	[tilespmem:v11+s28+$0x0] =	vst.idx.add.f32.msk $0x3ff, v10  }
0xbc: {  	v11 =	vor.u32 v3, v1;
	v10 =	vld.idx.msk [tilespmem:v47+s22+$0x0], $0xffff;
	_ =	sdelay $0x3  }
0xbd: {  	v48 =	vadd.s32 v5, v1  }
0xbe: {  	[tilespmem:v11+s28+$0x0] =	vst.idx.add.f32.msk $0x3ff, v10;
	v10 =	vand.u32 $0xFFFFFFE8, v48  }
0xbf: {  	v11 =	vld.idx.msk [tilespmem:v47+s23+$0x0], $0xffff;
	v10 =	vor.u32 v6, v10;
	_ =	sdelay $0x3  }
0xc0: {  	v49 =	vadd.s32 v7, v1  }
0xc1: {  	[tilespmem:v10+s28+$0x0] =	vst.idx.add.f32.msk $0x3ff, v11;
	v10 =	vand.u32 $0xFFFFFFF8, v49  }
0xc2: {  	v11 =	vld.idx.msk [tilespmem:v47+s24+$0x0], $0xffff;
	v10 =	vor.u32 v6, v10;
	_ =	sdelay $0x3  }
0xc3: {  	v50 =	vadd.s32 v8, v1  }
0xc4: {  	[tilespmem:v10+s28+$0x0] =	vst.idx.add.f32.msk $0x3ff, v11;
	v10 =	vand.u32 $0xFFFFFFE8, v50  }
0xc5: {  	v11 =	vld.idx.msk [tilespmem:v47+s25+$0x0], $0xffff;
	v10 =	vor.u32 v6, v10;
	_ =	sdelay $0x3  }
0xc6: {  	v1 =	vadd.s32 v9, v1  }
0xc7: {  	v1 =	vand.u32 $0xFFFFFFF8, v1;
	[tilespmem:v10+s28+$0x0] =	vst.idx.add.f32.msk $0x3ff, v11  }
0xc8: {  	v1 =	vor.u32 v6, v1;
	v10 =	vld.idx.msk [tilespmem:v47+s26+$0x0], $0xffff;
	_ =	sdelay $0x4  }
0xc9: {  	[tilespmem:v1+s28+$0x0] =	vst.idx.add.f32.msk $0x3ff, v10  }
0xca: {  	[spmem:s16] =	stream.linear.scatter [tilespmem:s28], [sflag:$0x1], $0x1800, $0x38;
	[tilespmem:$0x11338] =	vst v63  }
0xcb: {  	_ =	swait.ge [sflag:s20], $0x1800  }
0xcc: {  	[sflag:s20] =	ssyncset.done $0x0  }
0xcd: {  	s29 =	simm.s32 $0x180;
	[sflag:s20] =	ssyncadd.s32 $0xFFFFE800  }
0xce: {  	s30 =	simm.s32 $0x1800;
	s31 =	simm.s32 $0xC3B8;
	[bflag:$0x0] =	sbarrier.arrive $0xFFFF  }
0xcf: {  	[tilespmem:s31], [sflag:$0x1] =	stream.strided.gather [spmem:s17], $0x1800, s30, s29, $0x38;
	[tilespmem:$0x11338] =	vst v63  }
0xd0: {  	_ =	swait.ge [sflag:s20], $0x1800  }
0xd1: {  	[sflag:s20] =	ssyncset.done $0x0  }
0xd2: {  	[sflag:s20] =	ssyncadd.s32 $0xFFFFE800  }
0xd3: {  	v62 =	vld [tilespmem:$0xCB78];
	_ =	sdelay $0x4  }
0xd4: {  	[tilespmem:$0x1F180] =	vst v62;
	v62 =	vld [tilespmem:$0xCD08];
	_ =	sdelay $0x4  }
0xd5: {  	[tilespmem:$0x1F1C0] =	vst v62;
	v62 =	vld [tilespmem:$0xD018];
	_ =	sdelay $0x4  }
0xd6: {  	[tilespmem:$0x1F240] =	vst v62;
	v62 =	vld [tilespmem:$0xD328];
	_ =	sdelay $0x4  }
0xd7: {  	[tilespmem:$0x1F2E0] =	vst v62;
	v62 =	vld [tilespmem:$0xD628];
	_ =	sdelay $0x4  }
0xd8: {  	[tilespmem:$0x1F360] =	vst v62;
	v62 =	vld [tilespmem:$0xD928];
	_ =	sdelay $0x4  }
0xd9: {  	[tilespmem:$0x1F3E0] =	vst v62;
	v62 =	vld [tilespmem:$0xC438];
	_ =	sdelay $0x4  }
0xda: {  	[tilespmem:$0x1F400] =	vst v62;
	v62 =	vld [tilespmem:$0xC738];
	_ =	sdelay $0x4  }
0xdb: {  	[tilespmem:$0x1F450] =	vst v62;
	v62 =	vld [tilespmem:$0xCA38];
	_ =	sdelay $0x4  }
0xdc: {  	[tilespmem:$0x1F4D0] =	vst v62;
	v62 =	vld [tilespmem:$0xCD38];
	_ =	sdelay $0x1  }
0xdd: {  	v39 =	vld [tilespmem:$0xC3B8]  }
0xde: {  	v37 =	vld [tilespmem:$0xC538]  }
0xdf: {  	v41 =	vld [tilespmem:$0xC6B8]  }
0xe0: {  	[tilespmem:$0x1F550] =	vst v62;
	v62 =	vld [tilespmem:$0xD038]  }
0xe1: {  	v46 =	vld [tilespmem:$0xC838]  }
0xe2: {  	v54 =	vld [tilespmem:$0xC9B8]  }
0xe3: {  	v1 =	vld [tilespmem:$0xCB38]  }
0xe4: {  	v23 =	vld [tilespmem:$0xC3C8]  }
0xe5: {  	[tilespmem:$0x1F5D0] =	vst v62;
	v62 =	vld [tilespmem:$0xD338]  }
0xe6: {  	v21 =	vld [tilespmem:$0xC548]  }
0xe7: {  	v25 =	vld [tilespmem:$0xC6C8]  }
0xe8: {  	v29 =	vld [tilespmem:$0xC848]  }
0xe9: {  	v34 =	vld [tilespmem:$0xC9C8]  }
0xea: {  	[tilespmem:$0x1F650] =	vst v62;
	v62 =	vld [tilespmem:$0xD638]  }
0xeb: {  	v44 =	vld [tilespmem:$0xCB48]  }
0xec: {  	v49 =	vld [tilespmem:$0xCCC8]  }
0xed: {  	v60 =	vld [tilespmem:$0xCE48]  }
0xee: {  	v14 =	vld [tilespmem:$0xC3D8]  }
0xef: {  	[tilespmem:$0x1F6D0] =	vst v62;
	v62 =	vld [tilespmem:$0xD938]  }
0xf0: {  	v13 =	vld [tilespmem:$0xC558]  }
0xf1: {  	v16 =	vld [tilespmem:$0xC6D8]  }
0xf2: {  	v18 =	vld [tilespmem:$0xC858]  }
0xf3: {  	v24 =	vld [tilespmem:$0xC9D8]  }
0xf4: {  	[tilespmem:$0x1F750] =	vst v62;
	v62 =	vld [tilespmem:$0xC448]  }
0xf5: {  	v28 =	vld [tilespmem:$0xCB58]  }
0xf6: {  	v32 =	vld [tilespmem:$0xCCD8]  }
0xf7: {  	v40 =	vld [tilespmem:$0xCE58]  }
0xf8: {  	v59 =	vld [tilespmem:$0xC878]  }
0xf9: {  	[tilespmem:$0x1F430] =	vst v62;
	v62 =	vld [tilespmem:$0xC748]  }
0xfa: {  	v47 =	vld [tilespmem:$0xCFD8]  }
0xfb: {  	v55 =	vld [tilespmem:$0xD158]  }
0xfc: {  	v10 =	vld [tilespmem:$0xC3E8]  }
0xfd: {  	[tilespmem:$0x1F140] =	vst v59;
	v59 =	vld [tilespmem:$0xCB88]  }
0xfe: {  	[tilespmem:$0x1F480] =	vst v62;
	v62 =	vld [tilespmem:$0xCA48]  }
0xff: {  	v11 =	vld [tilespmem:$0xC6E8]  }
0x100: {  	v12 =	vld [tilespmem:$0xC868]  }
0x101: {  	v15 =	vld [tilespmem:$0xC9E8]  }
0x102: {  	[tilespmem:$0x1F190] =	vst v59;
	v59 =	vld [tilespmem:$0xCE98]  }
0x103: {  	[tilespmem:$0x1F4F0] =	vst v62;
	v62 =	vld [tilespmem:$0xCD48]  }
0x104: {  	v17 =	vld [tilespmem:$0xCB68]  }
0x105: {  	v19 =	vld [tilespmem:$0xCCE8]  }
0x106: {  	v26 =	vld [tilespmem:$0xCE68]  }
0x107: {  	[tilespmem:$0x1F210] =	vst v59;
	v59 =	vld [tilespmem:$0xD1A8]  }
0x108: {  	[tilespmem:$0x1F570] =	vst v62;
	v62 =	vld [tilespmem:$0xD048]  }
0x109: {  	v30 =	vld [tilespmem:$0xCFE8]  }
0x10a: {  	v35 =	vld [tilespmem:$0xD168]  }
0x10b: {  	v43 =	vld [tilespmem:$0xD2E8]  }
0x10c: {  	[tilespmem:$0x1F2A0] =	vst v59;
	v59 =	vld [tilespmem:$0xD4A8]  }
0x10d: {  	[tilespmem:$0x1F5F0] =	vst v62;
	v62 =	vld [tilespmem:$0xD348]  }
0x10e: {  	v50 =	vld [tilespmem:$0xD468]  }
0x10f: {  	v58 =	vld [tilespmem:$0xD5E8]  }
0x110: {  	v20 =	vld [tilespmem:$0xD768]  }
0x111: {  	[tilespmem:$0x1F320] =	vst v59;
	v59 =	vld [tilespmem:$0xD7A8]  }
0x112: {  	[tilespmem:$0x1F670] =	vst v62;
	v62 =	vld [tilespmem:$0xD648]  }
0x113: {  	v51 =	vld [tilespmem:$0xD8E8]  }
0x114: {  	v52 =	vld [tilespmem:$0xDA68]  }
0x115: {  	v53 =	vld [tilespmem:$0xC3F8]  }
0x116: {  	[tilespmem:$0x1F3A0] =	vst v59;
	v59 =	vld [tilespmem:$0xDAA8]  }
0x117: {  	[tilespmem:$0x1F6F0] =	vst v62;
	v62 =	vld [tilespmem:$0xD948]  }
0x118: {  	v56 =	vld [tilespmem:$0xC578]  }
0x119: {  	v57 =	vld [tilespmem:$0xC6F8]  }
0x11a: {  	[tilespmem:$0x1EF50] =	vst v1;
	v1 =	vld [tilespmem:$0xCCB8]  }
0x11b: {  	[tilespmem:$0x1F420] =	vst v59;
	v59 =	vld [tilespmem:$0xC5B8]  }
0x11c: {  	[tilespmem:$0x1F770] =	vst v62;
	v62 =	vld [tilespmem:$0xC458]  }
0x11d: {  	v61 =	vld [tilespmem:$0xC9F8]  }
0x11e: {  	v63 =	vld [tilespmem:$0xCCF8]  }
0x11f: {  	[tilespmem:$0x1EF60] =	vst v1;
	v1 =	vld [tilespmem:$0xCE38]  }
0x120: {  	[tilespmem:$0x1F410] =	vst v59;
	v59 =	vld [tilespmem:$0xC8B8]  }
0x121: {  	[tilespmem:$0x1F460] =	vst v62;
	v62 =	vld [tilespmem:$0xC758]  }
0x122: {  	v27 =	vld [tilespmem:$0xCE78]  }
0x123: {  	v31 =	vld [tilespmem:$0xCFF8]  }
0x124: {  	[tilespmem:$0x1EF70] =	vst v1;
	v1 =	vld [tilespmem:$0xCFB8]  }
0x125: {  	[tilespmem:$0x1F490] =	vst v59;
	v59 =	vld [tilespmem:$0xCBB8]  }
0x126: {  	[tilespmem:$0x1F4A0] =	vst v62;
	v62 =	vld [tilespmem:$0xCA58]  }
0x127: {  	v33 =	vld [tilespmem:$0xD178]  }
0x128: {  	v36 =	vld [tilespmem:$0xD2F8]  }
0x129: {  	[tilespmem:$0x1EF80] =	vst v1;
	v1 =	vld [tilespmem:$0xD138]  }
0x12a: {  	[tilespmem:$0x1F510] =	vst v59;
	v59 =	vld [tilespmem:$0xCEB8]  }
0x12b: {  	[tilespmem:$0x1F520] =	vst v62;
	v62 =	vld [tilespmem:$0xCD58]  }
0x12c: {  	v38 =	vld [tilespmem:$0xD478]  }
0x12d: {  	v42 =	vld [tilespmem:$0xD5F8]  }
0x12e: {  	[tilespmem:$0x1EFA0] =	vst v1;
	v1 =	vld [tilespmem:$0xD2B8]  }
0x12f: {  	[tilespmem:$0x1F590] =	vst v59;
	v59 =	vld [tilespmem:$0xD1B8]  }
0x130: {  	[tilespmem:$0x1F5A0] =	vst v62;
	v62 =	vld [tilespmem:$0xD058]  }
0x131: {  	v45 =	vld [tilespmem:$0xD778]  }
0x132: {  	v48 =	vld [tilespmem:$0xD8F8]  }
0x133: {  	[tilespmem:$0x1EFC0] =	vst v1;
	v1 =	vld [tilespmem:$0xD438]  }
0x134: {  	[tilespmem:$0x1F610] =	vst v59;
	v59 =	vld [tilespmem:$0xD4B8]  }
0x135: {  	[tilespmem:$0x1F620] =	vst v62;
	v62 =	vld [tilespmem:$0xD358]  }
0x136: {  	v22 =	vld [tilespmem:$0xC428];
	[tilespmem:$0x1F0A0] =	vst v20  }
0x137: {  	[tilespmem:$0x1F0E0] =	vst v51;
	v51 =	vld [tilespmem:$0xDA78]  }
0x138: {  	[tilespmem:$0x1EFE0] =	vst v1;
	v1 =	vld [tilespmem:$0xD5B8]  }
0x139: {  	[tilespmem:$0x1F690] =	vst v59;
	v59 =	vld [tilespmem:$0xD7B8]  }
0x13a: {  	[tilespmem:$0x1F6A0] =	vst v62;
	v62 =	vld [tilespmem:$0xD658]  }
0x13b: {  	[tilespmem:$0x1F110] =	vst v56;
	v56 =	vld [tilespmem:$0xC408]  }
0x13c: {  	[tilespmem:$0x1F100] =	vst v53;
	v53 =	vld [tilespmem:$0xC588]  }
0x13d: {  	[tilespmem:$0x1F010] =	vst v1;
	v1 =	vld [tilespmem:$0xD738]  }
0x13e: {  	[tilespmem:$0x1F710] =	vst v59;
	v59 =	vld [tilespmem:$0xDAB8]  }
0x13f: {  	[tilespmem:$0x1F720] =	vst v62;
	v62 =	vld [tilespmem:$0xD958]  }
0x140: {  	[tilespmem:$0x1F160] =	vst v61;
	v61 =	vld [tilespmem:$0xC708]  }
0x141: {  	[tilespmem:$0x1F120] =	vst v52;
	v52 =	vld [tilespmem:$0xC888]  }
0x142: {  	[tilespmem:$0x1F040] =	vst v1;
	v1 =	vld [tilespmem:$0xD8B8]  }
0x143: {  	[tilespmem:$0x1F790] =	vst v59;
	v59 =	vld [tilespmem:$0xC5C8]  }
0x144: {  	[tilespmem:$0x1F7A0] =	vst v62;
	v62 =	vld [tilespmem:$0xC768]  }
0x145: {  	[tilespmem:$0x1F130] =	vst v57;
	v57 =	vld [tilespmem:$0xCA08]  }
0x146: {  	[tilespmem:$0x1F1A0] =	vst v63;
	v63 =	vld [tilespmem:$0xCE88]  }
0x147: {  	[tilespmem:$0x1F070] =	vst v1;
	v1 =	vld [tilespmem:$0xDA38]  }
0x148: {  	[tilespmem:$0x1F440] =	vst v59;
	v59 =	vld [tilespmem:$0xC8C8]  }
0x149: {  	[tilespmem:$0x1F4C0] =	vst v62;
	v62 =	vld [tilespmem:$0xC8E8]  }
0x14a: {  	[tilespmem:$0x1F1D0] =	vst v27;
	v27 =	vld [tilespmem:$0xD008]  }
0x14b: {  	[tilespmem:$0x1F200] =	vst v31;
	v31 =	vld [tilespmem:$0xD188]  }
0x14c: {  	[tilespmem:$0x1F0B0] =	vst v1;
	v1 =	vld [tilespmem:$0xCFC8]  }
0x14d: {  	[tilespmem:$0x1F4B0] =	vst v59;
	v59 =	vld [tilespmem:$0xCBC8]  }
0x14e: {  	[tilespmem:$0x1F500] =	vst v62;
	v62 =	vld [tilespmem:$0xCA68]  }
0x14f: {  	[tilespmem:$0x1F230] =	vst v33;
	v33 =	vld [tilespmem:$0xD308]  }
0x150: {  	[tilespmem:$0x1F270] =	vst v36;
	v36 =	vld [tilespmem:$0xD488]  }
0x151: {  	[tilespmem:$0x1EF90] =	vst v1;
	v1 =	vld [tilespmem:$0xD148]  }
0x152: {  	[tilespmem:$0x1F530] =	vst v59;
	v59 =	vld [tilespmem:$0xCEC8]  }
0x153: {  	[tilespmem:$0x1F540] =	vst v62;
	v62 =	vld [tilespmem:$0xCBE8]  }
0x154: {  	[tilespmem:$0x1F2B0] =	vst v38;
	v38 =	vld [tilespmem:$0xD608]  }
0x155: {  	[tilespmem:$0x1F2F0] =	vst v42;
	v42 =	vld [tilespmem:$0xD788]  }
0x156: {  	[tilespmem:$0x1EFB0] =	vst v1;
	v1 =	vld [tilespmem:$0xD2C8]  }
0x157: {  	[tilespmem:$0x1F5B0] =	vst v59;
	v59 =	vld [tilespmem:$0xD1C8]  }
0x158: {  	[tilespmem:$0x1F580] =	vst v62;
	v62 =	vld [tilespmem:$0xCD68]  }
0x159: {  	[tilespmem:$0x1F330] =	vst v45;
	v45 =	vld [tilespmem:$0xD908]  }
0x15a: {  	[tilespmem:$0x1F370] =	vst v48;
	v48 =	vld [tilespmem:$0xDA88]  }
0x15b: {  	[tilespmem:$0x1EFD0] =	vst v1;
	v1 =	vld [tilespmem:$0xD448]  }
0x15c: {  	[tilespmem:$0x1F630] =	vst v59;
	v59 =	vld [tilespmem:$0xD4C8]  }
0x15d: {  	[tilespmem:$0x1F5C0] =	vst v62;
	v62 =	vld [tilespmem:$0xCEE8]  }
0x15e: {  	v20 =	vld [tilespmem:$0xC5A8];
	[tilespmem:$0x1F3B0] =	vst v51  }
0x15f: {  	[tilespmem:$0x1F2D0] =	vst v36;
	v36 =	vld [tilespmem:$0xC418]  }
0x160: {  	[tilespmem:$0x1F000] =	vst v1;
	v1 =	vld [tilespmem:$0xD5C8]  }
0x161: {  	[tilespmem:$0x1F6B0] =	vst v59;
	v59 =	vld [tilespmem:$0xD7C8]  }
0x162: {  	[tilespmem:$0x1F600] =	vst v62;
	v62 =	vld [tilespmem:$0xD068]  }
0x163: {  	[tilespmem:$0x1F290] =	vst v33;
	v33 =	vld [tilespmem:$0xC598]  }
0x164: {  	[tilespmem:$0x1F350] =	vst v42;
	v42 =	vld [tilespmem:$0xC718]  }
0x165: {  	[tilespmem:$0x1F030] =	vst v1;
	v1 =	vld [tilespmem:$0xD748]  }
0x166: {  	[tilespmem:$0x1F730] =	vst v59;
	v59 =	vld [tilespmem:$0xDAC8]  }
0x167: {  	[tilespmem:$0x1F640] =	vst v62;
	v62 =	vld [tilespmem:$0xD1E8]  }
0x168: {  	[tilespmem:$0x1F3D0] =	vst v48;
	v48 =	vld [tilespmem:$0xC898]  }
0x169: {  	[tilespmem:$0x1F170] =	vst v57;
	v57 =	vld [tilespmem:$0xCA18]  }
0x16a: {  	[tilespmem:$0x1F060] =	vst v1;
	v1 =	vld [tilespmem:$0xD8C8]  }
0x16b: {  	[tilespmem:$0x1F7B0] =	vst v59;
	v59 =	vld [tilespmem:$0xC5D8]  }
0x16c: {  	[tilespmem:$0x1F680] =	vst v62;
	v62 =	vld [tilespmem:$0xD368]  }
0x16d: {  	[tilespmem:$0x1F150] =	vst v52;
	v51 =	vld [tilespmem:$0xCB98]  }
0x16e: {  	[tilespmem:$0x1F1F0] =	vst v63;
	v52 =	vld [tilespmem:$0xCD18]  }
0x16f: {  	[tilespmem:$0x1F090] =	vst v1;
	v1 =	vld [tilespmem:$0xDA48]  }
0x170: {  	[tilespmem:$0x1F470] =	vst v59;
	v59 =	vld [tilespmem:$0xC8D8]  }
0x171: {  	[tilespmem:$0x1F6C0] =	vst v62;
	v62 =	vld [tilespmem:$0xD4E8]  }
0x172: {  	[tilespmem:$0x1F220] =	vst v27;
	v63 =	vld [tilespmem:$0xD198]  }
0x173: {  	[tilespmem:$0x1F250] =	vst v31;
	v27 =	vld [tilespmem:$0xD318]  }
0x174: {  	[tilespmem:$0x1F0D0] =	vst v1;
	v1 =	vld [tilespmem:$0xD2D8]  }
0x175: {  	[tilespmem:$0x1F4E0] =	vst v59;
	v59 =	vld [tilespmem:$0xCBD8]  }
0x176: {  	[tilespmem:$0x1F700] =	vst v62;
	v62 =	vld [tilespmem:$0xD668]  }
0x177: {  	[tilespmem:$0x1F310] =	vst v38;
	v31 =	vld [tilespmem:$0xD498]  }
0x178: {  	[tilespmem:$0x1F390] =	vst v45;
	v38 =	vld [tilespmem:$0xD618]  }
0x179: {  	[tilespmem:$0x1EFF0] =	vst v1;
	v1 =	vld [tilespmem:$0xD458]  }
0x17a: {  	[tilespmem:$0x1F560] =	vst v59;
	v59 =	vld [tilespmem:$0xCED8]  }
0x17b: {  	[tilespmem:$0x1F740] =	vst v62;
	v62 =	vld [tilespmem:$0xD7E8]  }
0x17c: {  	v45 =	vld [tilespmem:$0xD798];
	[tilespmem:$0x1F1B0] =	vst v51  }
0x17d: {  	[tilespmem:$0x1F1E0] =	vst v52;
	v51 =	vld [tilespmem:$0xD918]  }
0x17e: {  	[tilespmem:$0x1F020] =	vst v1;
	v1 =	vld [tilespmem:$0xD5D8]  }
0x17f: {  	[tilespmem:$0x1F5E0] =	vst v59;
	v59 =	vld [tilespmem:$0xD1D8]  }
0x180: {  	[tilespmem:$0x1F780] =	vst v62;
	v62 =	vld [tilespmem:$0xD968]  }
0x181: {  	[tilespmem:$0x1F280] =	vst v63;
	v52 =	vld [tilespmem:$0xDA98]  }
0x182: {  	[tilespmem:$0x1F2C0] =	vst v27;
	v27 =	vld [tilespmem:$0xC728]  }
0x183: {  	[tilespmem:$0x1F050] =	vst v1;
	v1 =	vld [tilespmem:$0xD758]  }
0x184: {  	[tilespmem:$0x1F660] =	vst v59;
	v59 =	vld [tilespmem:$0xD4D8]  }
0x185: {  	[tilespmem:$0x1F7C0] =	vst v62;
	v62 =	vld [tilespmem:$0xDAE8]  }
0x186: {  	[tilespmem:$0x1F300] =	vst v31;
	v31 =	vld [tilespmem:$0xC8A8]  }
0x187: {  	[tilespmem:$0x1F340] =	vst v38;
	v38 =	vld [tilespmem:$0xCA28]  }
0x188: {  	[tilespmem:$0x1F080] =	vst v1;
	v1 =	vld [tilespmem:$0xD8D8]  }
0x189: {  	[tilespmem:$0x1F6E0] =	vst v59;
	v59 =	vld [tilespmem:$0xD7D8]  }
0x18a: {  	[tilespmem:$0x1F800] =	vst v62;
	v62 =	vld [tilespmem:$0xC478]  }
0x18b: {  	[tilespmem:$0x1F380] =	vst v45;
	v45 =	vld [tilespmem:$0xCBA8]  }
0x18c: {  	[tilespmem:$0x1F3F0] =	vst v52;
	v52 =	vld [tilespmem:$0xD028]  }
0x18d: {  	[tilespmem:$0x1F0C0] =	vst v1;
	v1 =	vld [tilespmem:$0xDA58]  }
0x18e: {  	[tilespmem:$0x1F760] =	vst v59;
	v59 =	vld [tilespmem:$0xDAD8]  }
0x18f: {  	[tilespmem:$0x1F7E0] =	vst v62;
	v62 =	vld [tilespmem:$0xC5F8]  }
0x190: {  	v63 =	vld [tilespmem:$0xCEA8];
	[tilespmem:$0x1F3C0] =	vst v51  }
0x191: {  	v51 =	vld [tilespmem:$0xCD28];
	[tilespmem:$0x1F260] =	vst v52  }
0x192: {  	v52 =	vld [tilespmem:$0xC5E8];
	[tilespmem:$0x1F0F0] =	vst v1  }
0x193: {  	v1 =	vld [tilespmem:$0xC568];
	[tilespmem:$0x1F7D0] =	vst v59  }
0x194: {  	v59 =	vld [tilespmem:$0xC468];
	[tilespmem:$0x1F7F0] =	vst v62  }
0x195: {  	v62 =	vld [tilespmem:$0xC778];
	_ =	sdelay $0x4  }
0x196: {  	[tilespmem:$0x1F810] =	vst v62;
	v62 =	vld [tilespmem:$0xC8F8];
	_ =	sdelay $0x4  }
0x197: {  	[tilespmem:$0x1F830] =	vst v62;
	v62 =	vld [tilespmem:$0xCA78];
	_ =	sdelay $0x4  }
0x198: {  	[tilespmem:$0x1F860] =	vst v62;
	v62 =	vld [tilespmem:$0xCBF8];
	_ =	sdelay $0x4  }
0x199: {  	[tilespmem:$0x1F880] =	vst v62;
	v62 =	vld [tilespmem:$0xCD78];
	_ =	sdelay $0x4  }
0x19a: {  	[tilespmem:$0x1F8B0] =	vst v62;
	v62 =	vld [tilespmem:$0xCEF8];
	_ =	sdelay $0x4  }
0x19b: {  	[tilespmem:$0x1F8E0] =	vst v62;
	v62 =	vld [tilespmem:$0xD078];
	_ =	sdelay $0x4  }
0x19c: {  	[tilespmem:$0x1F910] =	vst v62;
	v62 =	vld [tilespmem:$0xD1F8];
	_ =	sdelay $0x4  }
0x19d: {  	[tilespmem:$0x1F940] =	vst v62;
	v62 =	vld [tilespmem:$0xD378];
	_ =	sdelay $0x4  }
0x19e: {  	[tilespmem:$0x1F960] =	vst v62;
	v62 =	vld [tilespmem:$0xD4F8];
	_ =	sdelay $0x4  }
0x19f: {  	[tilespmem:$0x1F990] =	vst v62;
	v62 =	vld [tilespmem:$0xD678];
	_ =	sdelay $0x4  }
0x1a0: {  	[tilespmem:$0x1F9B0] =	vst v62;
	v62 =	vld [tilespmem:$0xD7F8];
	_ =	sdelay $0x4  }
0x1a1: {  	[tilespmem:$0x1F9D0] =	vst v62;
	v62 =	vld [tilespmem:$0xD978];
	_ =	sdelay $0x3  }
0x1a2: {  	v1 =	vadd.f32 v1, v10  }
0x1a3: {  	[tilespmem:$0x1FA00] =	vst v62;
	v62 =	vld [tilespmem:$0xDAF8]  }
0x1a4: {  	v1 =	vadd.f32 v11, v1;
	v11 =	vld [tilespmem:$0xCA88]  }
0x1a5: {  	v13 =	vadd.f32 v13, v14  }
0x1a6: {  	v37 =	vadd.f32 v37, v39;
	v21 =	vadd.f32 v21, v23  }
0x1a7: {  	v13 =	vadd.f32 v16, v13  }
0x1a8: {  	v25 =	vadd.f32 v25, v21;
	[tilespmem:$0x1FA20] =	vst v62;
	v62 =	vadd.f32 v41, v37  }
0x1a9: {  	v1 =	vadd.f32 v12, v1;
	[tilespmem:$0x1F870] =	vst v11;
	v11 =	vadd.f32 v18, v13;
	v18 =	vld [tilespmem:$0x1EF50]  }
0x1aa: {  	v10 =	vadd.f32 v46, v62  }
0x1ab: {  	v14 =	vadd.f32 v29, v25;
	v1 =	vadd.f32 v15, v1;
	v25 =	vld [tilespmem:$0x1EF60]  }
0x1ac: {  	v46 =	vld [tilespmem:$0xC908];
	v10 =	vadd.f32 v54, v10  }
0x1ad: {  	v1 =	vadd.f32 v17, v1;
	v29 =	vld [tilespmem:$0x1EF70]  }
0x1ae: {  	v10 =	vadd.f32 v18, v10  }
0x1af: {  	v1 =	vadd.f32 v19, v1;
	v62 =	vadd.f32 v34, v14;
	v34 =	vld [tilespmem:$0x1EF80]  }
0x1b0: {  	v19 =	vld [tilespmem:$0x1EFE0];
	v11 =	vadd.f32 v24, v11;
	v10 =	vadd.f32 v25, v10  }
0x1b1: {  	v1 =	vadd.f32 v26, v1;
	[tilespmem:$0x1F850] =	vst v46;
	v46 =	vld [tilespmem:$0x1EFA0]  }
0x1b2: {  	v11 =	vadd.f32 v28, v11;
	v28 =	vld [tilespmem:$0xD388];
	v10 =	vadd.f32 v29, v10  }
0x1b3: {  	v23 =	vadd.f32 v44, v62;
	v62 =	vld [tilespmem:$0x1EFC0]  }
0x1b4: {  	v1 =	vadd.f32 v30, v1;
	v44 =	vld [tilespmem:$0x1EF90];
	v10 =	vadd.f32 v34, v10  }
0x1b5: {  	v24 =	vld [tilespmem:$0xD088];
	v12 =	vadd.f32 v49, v23  }
0x1b6: {  	v1 =	vadd.f32 v35, v1;
	v49 =	vld [tilespmem:$0x1EFB0];
	v10 =	vadd.f32 v46, v10  }
0x1b7: {  	v11 =	vadd.f32 v32, v11;
	[tilespmem:$0x1F980] =	vst v28;
	v28 =	vld [tilespmem:$0x1F010];
	v12 =	vadd.f32 v60, v12  }
0x1b8: {  	v1 =	vadd.f32 v43, v1;
	v17 =	vld [tilespmem:$0x1EFD0];
	v10 =	vadd.f32 v62, v10  }
0x1b9: {  	v11 =	vadd.f32 v40, v11;
	v40 =	vld [tilespmem:$0x1F040];
	v12 =	vadd.f32 v44, v12  }
0x1ba: {  	v10 =	vadd.f32 v19, v10  }
0x1bb: {  	v1 =	vadd.f32 v50, v1;
	v50 =	vld [tilespmem:$0x1F070];
	v12 =	vadd.f32 v49, v12  }
0x1bc: {  	[tilespmem:$0x1F930] =	vst v24;
	v24 =	vld [tilespmem:$0x1EFF0];
	v10 =	vadd.f32 v28, v10  }
0x1bd: {  	v11 =	vadd.f32 v47, v11;
	v12 =	vadd.f32 v17, v12;
	v17 =	vld [tilespmem:$0x1F0B0]  }
0x1be: {  	v30 =	vld [tilespmem:$0x1F020];
	v10 =	vadd.f32 v40, v10  }
0x1bf: {  	v11 =	vadd.f32 v55, v11  }
0x1c0: {  	v43 =	vld [tilespmem:$0x1F050];
	v10 =	vadd.f32 v50, v10  }
0x1c1: {  	v11 =	vadd.f32 v24, v11  }
0x1c2: {  	v55 =	vld [tilespmem:$0x1F080];
	v10 =	vadd.f32 v17, v10  }
0x1c3: {  	v11 =	vadd.f32 v30, v11  }
0x1c4: {  	[tilespmem:$0x1FBC0] =	vst v10;
	v10 =	vld [tilespmem:$0x1F0C0]  }
0x1c5: {  	v11 =	vadd.f32 v43, v11  }
0x1c6: {  	v25 =	vld [tilespmem:$0x1F000]  }
0x1c7: {  	v11 =	vadd.f32 v55, v11;
	v60 =	vld [tilespmem:$0xC498]  }
0x1c8: {  	v34 =	vld [tilespmem:$0x1F030]  }
0x1c9: {  	v10 =	vadd.f32 v10, v11;
	v11 =	vld [tilespmem:$0xD518]  }
0x1ca: {  	v47 =	vld [tilespmem:$0x1F060]  }
0x1cb: {  	v12 =	vadd.f32 v25, v12  }
0x1cc: {  	[tilespmem:$0x1F820] =	vst v60;
	v60 =	vld [tilespmem:$0x1F090]  }
0x1cd: {  	v12 =	vadd.f32 v34, v12  }
0x1ce: {  	[tilespmem:$0x1F9C0] =	vst v11;
	v11 =	vld [tilespmem:$0x1F0D0]  }
0x1cf: {  	v12 =	vadd.f32 v47, v12;
	_ =	sdelay $0x1  }
0x1d0: {  	v12 =	vadd.f32 v60, v12;
	_ =	sdelay $0x1  }
0x1d1: {  	v62 =	vld [tilespmem:$0x1F0A0];
	v11 =	vadd.f32 v11, v12;
	_ =	sdelay $0x1  }
0x1d2: {  	[tilespmem:$0x1FBD0] =	vst v11;
	v11 =	vld [tilespmem:$0x1F0E0]  }
0x1d3: {  	v1 =	vadd.f32 v58, v1;
	_ =	sdelay $0x1  }
0x1d4: {  	v1 =	vadd.f32 v62, v1;
	_ =	sdelay $0x1  }
0x1d5: {  	v1 =	vadd.f32 v11, v1;
	v11 =	vld [tilespmem:$0xD698];
	_ =	sdelay $0x4  }
0x1d6: {  	[tilespmem:$0x1F9E0] =	vst v11;
	v11 =	vld [tilespmem:$0x1F0F0];
	_ =	sdelay $0x4  }
0x1d7: {  	v10 =	vadd.f32 v11, v10  }
0x1d8: {  	v11 =	vld [tilespmem:$0x1F110]  }
0x1d9: {  	[tilespmem:$0x1FBE0] =	vst v10;
	v10 =	vld [tilespmem:$0x1F100];
	_ =	sdelay $0x1  }
0x1da: {  	v26 =	vld [tilespmem:$0xCA98]  }
0x1db: {  	v35 =	vld [tilespmem:$0xCD98]  }
0x1dc: {  	v32 =	vld [tilespmem:$0xD508]  }
0x1dd: {  	v10 =	vadd.f32 v11, v10;
	v11 =	vld [tilespmem:$0xD818]  }
0x1de: {  	v58 =	vld [tilespmem:$0xD218]  }
0x1df: {  	[tilespmem:$0x1F890] =	vst v26;
	v26 =	vld [tilespmem:$0x1F180]  }
0x1e0: {  	[tilespmem:$0x1F8F0] =	vst v35;
	v35 =	vld [tilespmem:$0x1F1F0]  }
0x1e1: {  	[tilespmem:$0x1F9A0] =	vst v32;
	v32 =	vld [tilespmem:$0xCC18]  }
0x1e2: {  	[tilespmem:$0x1FA10] =	vst v11;
	v11 =	vld [tilespmem:$0x1F120]  }
0x1e3: {  	[tilespmem:$0x1F970] =	vst v58;
	v58 =	vld [tilespmem:$0x1F260]  }
0x1e4: {  	v18 =	vld [tilespmem:$0xC798]  }
0x1e5: {  	v24 =	vld [tilespmem:$0x1F160]  }
0x1e6: {  	[tilespmem:$0x1F8C0] =	vst v32;
	v32 =	vld [tilespmem:$0x1F1C0]  }
0x1e7: {  	v1 =	vadd.f32 v11, v1;
	v11 =	vld [tilespmem:$0x1F130]  }
0x1e8: {  	v43 =	vld [tilespmem:$0x1F220]  }
0x1e9: {  	[tilespmem:$0x1F840] =	vst v18;
	v18 =	vadd.f32 v20, v22;
	v20 =	vld [tilespmem:$0x1F140]  }
0x1ea: {  	v22 =	vld [tilespmem:$0x1F150]  }
0x1eb: {  	v46 =	vld [tilespmem:$0xCF18]  }
0x1ec: {  	v25 =	vld [tilespmem:$0x1F170];
	v10 =	vadd.f32 v11, v10  }
0x1ed: {  	v34 =	vld [tilespmem:$0x1F1E0];
	[tilespmem:$0x1FBF0] =	vst v1;
	v1 =	vadd.f32 v53, v56  }
0x1ee: {  	v28 =	vld [tilespmem:$0x1F1A0];
	v10 =	vadd.f32 v20, v10  }
0x1ef: {  	v47 =	vld [tilespmem:$0x1F230];
	v1 =	vadd.f32 v61, v1  }
0x1f0: {  	v12 =	vadd.f32 v27, v18;
	v27 =	vld [tilespmem:$0x1F190];
	v10 =	vadd.f32 v24, v10  }
0x1f1: {  	v11 =	vadd.f32 v33, v36;
	v33 =	vld [tilespmem:$0x1F1D0];
	v1 =	vadd.f32 v22, v1  }
0x1f2: {  	v50 =	vld [tilespmem:$0x1F250];
	v10 =	vadd.f32 v26, v10  }
0x1f3: {  	v36 =	vld [tilespmem:$0x1F200];
	v1 =	vadd.f32 v25, v1  }
0x1f4: {  	v18 =	vld [tilespmem:$0x1F270];
	v12 =	vadd.f32 v31, v12;
	v10 =	vadd.f32 v28, v10  }
0x1f5: {  	v31 =	vld [tilespmem:$0x1F1B0];
	v11 =	vadd.f32 v42, v11;
	v1 =	vadd.f32 v27, v1  }
0x1f6: {  	v12 =	vadd.f32 v38, v12;
	v38 =	vld [tilespmem:$0x1F210];
	v10 =	vadd.f32 v33, v10  }
0x1f7: {  	v22 =	vld [tilespmem:$0x1F280];
	v11 =	vadd.f32 v48, v11;
	v1 =	vadd.f32 v32, v1  }
0x1f8: {  	v25 =	vld [tilespmem:$0x1F290];
	v10 =	vadd.f32 v36, v10  }
0x1f9: {  	v11 =	vadd.f32 v57, v11;
	v28 =	vld [tilespmem:$0x1F2B0];
	v1 =	vadd.f32 v35, v1  }
0x1fa: {  	v48 =	vld [tilespmem:$0x1F240];
	v10 =	vadd.f32 v47, v10  }
0x1fb: {  	v11 =	vadd.f32 v31, v11;
	v1 =	vadd.f32 v43, v1;
	v36 =	vld [tilespmem:$0x1F2F0]  }
0x1fc: {  	v33 =	vld [tilespmem:$0x1F2D0];
	v10 =	vadd.f32 v18, v10  }
0x1fd: {  	v11 =	vadd.f32 v34, v11;
	v1 =	vadd.f32 v50, v1;
	v50 =	vld [tilespmem:$0x1F330]  }
0x1fe: {  	v12 =	vadd.f32 v45, v12;
	v26 =	vld [tilespmem:$0x1F2A0];
	v10 =	vadd.f32 v28, v10  }
0x1ff: {  	v11 =	vadd.f32 v38, v11;
	v1 =	vadd.f32 v25, v1;
	v25 =	vld [tilespmem:$0x1F370]  }
0x200: {  	v12 =	vadd.f32 v51, v12;
	v31 =	vld [tilespmem:$0x1F2C0];
	v10 =	vadd.f32 v36, v10  }
0x201: {  	v11 =	vadd.f32 v48, v11;
	v1 =	vadd.f32 v33, v1;
	v33 =	vld [tilespmem:$0x1F3B0]  }
0x202: {  	v12 =	vadd.f32 v63, v12;
	v38 =	vld [tilespmem:$0x1F300];
	v10 =	vadd.f32 v50, v10  }
0x203: {  	v11 =	vadd.f32 v22, v11  }
0x204: {  	v12 =	vadd.f32 v58, v12;
	v58 =	vld [tilespmem:$0x1F340];
	v10 =	vadd.f32 v25, v10  }
0x205: {  	v11 =	vadd.f32 v31, v11  }
0x206: {  	v12 =	vadd.f32 v26, v12;
	v26 =	vld [tilespmem:$0x1F380];
	v10 =	vadd.f32 v33, v10  }
0x207: {  	[tilespmem:$0x1F920] =	vst v46;
	v46 =	vld [tilespmem:$0xD6A8];
	v11 =	vadd.f32 v38, v11  }
0x208: {  	[tilespmem:$0x1FC00] =	vst v10;
	v10 =	vld [tilespmem:$0x1F3C0]  }
0x209: {  	v11 =	vadd.f32 v58, v11;
	_ =	sdelay $0x1  }
0x20a: {  	v11 =	vadd.f32 v26, v11  }
0x20b: {  	[tilespmem:$0x1F9F0] =	vst v46;
	v46 =	vld [tilespmem:$0x1F310]  }
0x20c: {  	v10 =	vadd.f32 v10, v11;
	v11 =	vld [tilespmem:$0xD238]  }
0x20d: {  	v18 =	vld [tilespmem:$0x1F350];
	_ =	sdelay $0x1  }
0x20e: {  	v28 =	vld [tilespmem:$0x1F390]  }
0x20f: {  	v63 =	vld [tilespmem:$0xD9A8];
	v1 =	vadd.f32 v46, v1  }
0x210: {  	[tilespmem:$0x1FAE0] =	vst v11;
	v11 =	vld [tilespmem:$0x1F3D0]  }
0x211: {  	v1 =	vadd.f32 v18, v1;
	_ =	sdelay $0x1  }
0x212: {  	v1 =	vadd.f32 v28, v1  }
0x213: {  	[tilespmem:$0x1FA30] =	vst v63;
	v63 =	vld [tilespmem:$0xCC38]  }
0x214: {  	v1 =	vadd.f32 v11, v1;
	v11 =	vld [tilespmem:$0xD3B8];
	_ =	sdelay $0x3  }
0x215: {  	[tilespmem:$0x1FAA0] =	vst v63;
	v63 =	vld [tilespmem:$0x1F4F0]  }
0x216: {  	[tilespmem:$0x1FB00] =	vst v11;
	v11 =	vld [tilespmem:$0x1F3F0]  }
0x217: {  	v24 =	vld [tilespmem:$0xDB28]  }
0x218: {  	v27 =	vld [tilespmem:$0xC4B8]  }
0x219: {  	v32 =	vld [tilespmem:$0xC638]  }
0x21a: {  	v35 =	vld [tilespmem:$0xC7B8]  }
0x21b: {  	v34 =	vld [tilespmem:$0x1F2E0];
	v10 =	vadd.f32 v11, v10  }
0x21c: {  	v11 =	vld [tilespmem:$0x1F410]  }
0x21d: {  	[tilespmem:$0x1FC20] =	vst v10;
	v10 =	vld [tilespmem:$0x1F400]  }
0x21e: {  	[tilespmem:$0x1FA60] =	vst v24;
	v24 =	vld [tilespmem:$0xCDB8]  }
0x21f: {  	v47 =	vld [tilespmem:$0x1F320]  }
0x220: {  	[tilespmem:$0x1FA40] =	vst v27;
	v27 =	vld [tilespmem:$0xCF38]  }
0x221: {  	v22 =	vld [tilespmem:$0x1F360]  }
0x222: {  	v12 =	vadd.f32 v34, v12;
	v10 =	vadd.f32 v11, v10;
	v11 =	vld [tilespmem:$0xD538]  }
0x223: {  	v31 =	vld [tilespmem:$0x1F3A0]  }
0x224: {  	v43 =	vld [tilespmem:$0xC938];
	v12 =	vadd.f32 v47, v12  }
0x225: {  	[tilespmem:$0x1FC10] =	vst v1;
	v1 =	vld [tilespmem:$0x1F3E0]  }
0x226: {  	[tilespmem:$0x1FA50] =	vst v32;
	v32 =	vld [tilespmem:$0xD0B8];
	v12 =	vadd.f32 v22, v12  }
0x227: {  	[tilespmem:$0x1FB20] =	vst v11;
	v11 =	vld [tilespmem:$0x1F420]  }
0x228: {  	[tilespmem:$0x1FA70] =	vst v35;
	v35 =	vld [tilespmem:$0xD838];
	v12 =	vadd.f32 v31, v12  }
0x229: {  	[tilespmem:$0x1FAB0] =	vst v24;
	v24 =	vld [tilespmem:$0x1F520]  }
0x22a: {  	v34 =	vld [tilespmem:$0x1F470];
	v1 =	vadd.f32 v1, v12  }
0x22b: {  	[tilespmem:$0x1FAC0] =	vst v27;
	v27 =	vld [tilespmem:$0x1F550]  }
0x22c: {  	[tilespmem:$0x1FA80] =	vst v43;
	v43 =	vld [tilespmem:$0xD9B8];
	v1 =	vadd.f32 v11, v1  }
0x22d: {  	v11 =	vld [tilespmem:$0x1F440]  }
0x22e: {  	[tilespmem:$0x1FC30] =	vst v1;
	v1 =	vld [tilespmem:$0x1F430]  }
0x22f: {  	[tilespmem:$0x1FAD0] =	vst v32;
	v32 =	vld [tilespmem:$0x1F580]  }
0x230: {  	v46 =	vld [tilespmem:$0x1F490]  }
0x231: {  	v47 =	vld [tilespmem:$0x1F4A0]  }
0x232: {  	[tilespmem:$0x1FB60] =	vst v35;
	v35 =	vld [tilespmem:$0x1F5B0]  }
0x233: {  	v1 =	vadd.f32 v11, v1;
	v11 =	vld [tilespmem:$0xD6B8]  }
0x234: {  	v36 =	vld [tilespmem:$0x1F480]  }
0x235: {  	v38 =	vadd.f32 v52, v59;
	v52 =	vld [tilespmem:$0x1F4C0]  }
0x236: {  	v59 =	vld [tilespmem:$0x1F4E0]  }
0x237: {  	v18 =	vld [tilespmem:$0x1F500]  }
0x238: {  	[tilespmem:$0x1FB40] =	vst v11;
	v11 =	vld [tilespmem:$0x1F450]  }
0x239: {  	v22 =	vld [tilespmem:$0x1F510]  }
0x23a: {  	[tilespmem:$0x1FB80] =	vst v43;
	v43 =	vld [tilespmem:$0x1F5D0]  }
0x23b: {  	v50 =	vld [tilespmem:$0x1F4B0]  }
0x23c: {  	v26 =	vld [tilespmem:$0x1F540]  }
0x23d: {  	v10 =	vadd.f32 v11, v10;
	v11 =	vld [tilespmem:$0x1F460]  }
0x23e: {  	v58 =	vld [tilespmem:$0x1F4D0];
	v12 =	vadd.f32 v52, v38  }
0x23f: {  	v28 =	vld [tilespmem:$0x1F560];
	v1 =	vadd.f32 v36, v1  }
0x240: {  	v25 =	vld [tilespmem:$0x1F530];
	v12 =	vadd.f32 v18, v12  }
0x241: {  	v31 =	vld [tilespmem:$0x1F570];
	v1 =	vadd.f32 v50, v1  }
0x242: {  	v33 =	vld [tilespmem:$0x1F590];
	v12 =	vadd.f32 v26, v12;
	v11 =	vadd.f32 v34, v11  }
0x243: {  	v18 =	vld [tilespmem:$0x1F5E0];
	v1 =	vadd.f32 v63, v1  }
0x244: {  	v12 =	vadd.f32 v32, v12;
	v32 =	vld [tilespmem:$0x1F630];
	v11 =	vadd.f32 v47, v11  }
0x245: {  	v36 =	vld [tilespmem:$0x1F5C0];
	v1 =	vadd.f32 v25, v1  }
0x246: {  	v25 =	vld [tilespmem:$0x1F600];
	v11 =	vadd.f32 v59, v11  }
0x247: {  	v1 =	vadd.f32 v31, v1;
	v34 =	vld [tilespmem:$0x1F5A0]  }
0x248: {  	v31 =	vld [tilespmem:$0xD548];
	v10 =	vadd.f32 v46, v10;
	v11 =	vadd.f32 v24, v11  }
0x249: {  	v1 =	vadd.f32 v35, v1;
	v35 =	vld [tilespmem:$0x1F650]  }
0x24a: {  	v10 =	vadd.f32 v58, v10;
	v24 =	vld [tilespmem:$0x1F5F0];
	v11 =	vadd.f32 v28, v11  }
0x24b: {  	v28 =	vld [tilespmem:$0x1F620]  }
0x24c: {  	v10 =	vadd.f32 v22, v10;
	v22 =	vld [tilespmem:$0xD248];
	v11 =	vadd.f32 v34, v11  }
0x24d: {  	v34 =	vld [tilespmem:$0xD6C8]  }
0x24e: {  	v11 =	vadd.f32 v18, v11;
	v18 =	vld [tilespmem:$0x1F670]  }
0x24f: {  	v10 =	vadd.f32 v27, v10;
	v27 =	vld [tilespmem:$0x1F610];
	v1 =	vadd.f32 v24, v1  }
0x250: {  	v11 =	vadd.f32 v28, v11;
	v28 =	vld [tilespmem:$0x1F6B0]  }
0x251: {  	v10 =	vadd.f32 v33, v10;
	v33 =	vld [tilespmem:$0x1F640];
	v1 =	vadd.f32 v32, v1  }
0x252: {  	v12 =	vadd.f32 v36, v12;
	[tilespmem:$0x1FB50] =	vst v34;
	v34 =	vld [tilespmem:$0x1F6F0]  }
0x253: {  	[tilespmem:$0x1FAF0] =	vst v22;
	v22 =	vld [tilespmem:$0x1F680];
	v10 =	vadd.f32 v43, v10;
	v1 =	vadd.f32 v18, v1  }
0x254: {  	v12 =	vadd.f32 v25, v12;
	v18 =	vld [tilespmem:$0x1F730]  }
0x255: {  	[tilespmem:$0x1FB30] =	vst v31;
	v31 =	vld [tilespmem:$0x1F6C0];
	v10 =	vadd.f32 v27, v10;
	v1 =	vadd.f32 v28, v1  }
0x256: {  	v36 =	vld [tilespmem:$0x1F660];
	v12 =	vadd.f32 v33, v12  }
0x257: {  	v10 =	vadd.f32 v35, v10;
	v35 =	vld [tilespmem:$0x1F700];
	v1 =	vadd.f32 v34, v1  }
0x258: {  	v25 =	vld [tilespmem:$0x1F690];
	v12 =	vadd.f32 v22, v12  }
0x259: {  	v22 =	vadd.f32 v18, v1;
	v1 =	vld [tilespmem:$0x1F740]  }
0x25a: {  	v32 =	vld [tilespmem:$0x1F6D0];
	v12 =	vadd.f32 v31, v12;
	_ =	sdelay $0x1  }
0x25b: {  	v11 =	vadd.f32 v36, v11;
	v12 =	vadd.f32 v35, v12;
	v36 =	vld [tilespmem:$0x1F710]  }
0x25c: {  	v26 =	vld [tilespmem:$0xD3C8];
	v10 =	vadd.f32 v25, v10  }
0x25d: {  	v12 =	vadd.f32 v1, v12;
	v1 =	vld [tilespmem:$0x1F750]  }
0x25e: {  	v10 =	vadd.f32 v32, v10;
	_ =	sdelay $0x1  }
0x25f: {  	v43 =	vld [tilespmem:$0xD848];
	v10 =	vadd.f32 v36, v10  }
0x260: {  	[tilespmem:$0x1FB10] =	vst v26;
	v26 =	vld [tilespmem:$0x1F6A0]  }
0x261: {  	v36 =	vadd.f32 v1, v10;
	v10 =	vld [tilespmem:$0x1F790]  }
0x262: {  	v33 =	vld [tilespmem:$0x1F6E0];
	_ =	sdelay $0x1  }
0x263: {  	[tilespmem:$0x1FB70] =	vst v43;
	v43 =	vld [tilespmem:$0x1F720]  }
0x264: {  	v11 =	vadd.f32 v26, v11  }
0x265: {  	v1 =	vld [tilespmem:$0x1F760];
	v10 =	vadd.f32 v10, v36  }
0x266: {  	v11 =	vadd.f32 v33, v11  }
0x267: {  	[tilespmem:$0x1FC40] =	vst v10;
	v10 =	vld [tilespmem:$0x1F7A0]  }
0x268: {  	v11 =	vadd.f32 v43, v11  }
0x269: {  	v16 =	vld [tilespmem:$0xCD88]  }
0x26a: {  	v43 =	vadd.f32 v1, v11;
	v1 =	vld [tilespmem:$0x1F770]  }
0x26b: {  	v21 =	vld [tilespmem:$0xCF08]  }
0x26c: {  	v15 =	vadd.f32 v10, v43;
	v10 =	vld [tilespmem:$0x1F7B0];
	_ =	sdelay $0x1  }
0x26d: {  	v39 =	vld [tilespmem:$0xC488]  }
0x26e: {  	[tilespmem:$0x1F8D0] =	vst v16;
	v16 =	vld [tilespmem:$0xD208];
	v17 =	vadd.f32 v1, v22  }
0x26f: {  	[tilespmem:$0x1F900] =	vst v21;
	v21 =	vld [tilespmem:$0xD808]  }
0x270: {  	v1 =	vld [tilespmem:$0x1F780];
	v10 =	vadd.f32 v10, v17  }
0x271: {  	v13 =	vld [tilespmem:$0xC7A8]  }
0x272: {  	[tilespmem:$0x1FC50] =	vst v10;
	v10 =	vld [tilespmem:$0x1F7C0]  }
0x273: {  	v30 =	vld [tilespmem:$0xC4A8]  }
0x274: {  	v55 =	vld [tilespmem:$0xDB18]  }
0x275: {  	v37 =	vld [tilespmem:$0xC608];
	v1 =	vadd.f32 v1, v12  }
0x276: {  	v54 =	vld [tilespmem:$0xCC08]  }
0x277: {  	v1 =	vadd.f32 v10, v1;
	v10 =	vld [tilespmem:$0x1F7D0]  }
0x278: {  	v41 =	vld [tilespmem:$0xC788]  }
0x279: {  	v14 =	vld [tilespmem:$0xC618]  }
0x27a: {  	v23 =	vld [tilespmem:$0xD988]  }
0x27b: {  	[tilespmem:$0x1F8A0] =	vst v54;
	v54 =	vld [tilespmem:$0xDB08]  }
0x27c: {  	v49 =	vld [tilespmem:$0xD098];
	v10 =	vadd.f32 v10, v15  }
0x27d: {  	v11 =	vld [tilespmem:$0x1F7F0]  }
0x27e: {  	[tilespmem:$0x1FC60] =	vst v10;
	v10 =	vld [tilespmem:$0x1F7E0]  }
0x27f: {  	v29 =	vld [tilespmem:$0xD688]  }
0x280: {  	v44 =	vld [tilespmem:$0xC918]  }
0x281: {  	[tilespmem:$0x1F950] =	vst v49;
	v49 =	vld [tilespmem:$0xCC28]  }
0x282: {  	v19 =	vld [tilespmem:$0xD398]  }
0x283: {  	v17 =	vadd.f32 v11, v10;
	v10 =	vld [tilespmem:$0x1F800]  }
0x284: {  	v40 =	vld [tilespmem:$0xC628]  }
0x285: {  	v62 =	vld [tilespmem:$0xCAA8]  }
0x286: {  	v60 =	vld [tilespmem:$0xD0A8]  }
0x287: {  	v24 =	vld [tilespmem:$0xD9C8]  }
0x288: {  	v1 =	vadd.f32 v10, v1;
	v10 =	vld [tilespmem:$0x1F810]  }
0x289: {  	v30 =	vadd.f32 v40, v30;
	v40 =	vld [tilespmem:$0xD6D8]  }
0x28a: {  	v11 =	vld [tilespmem:$0x1F830]  }
0x28b: {  	v30 =	vadd.f32 v13, v30;
	v13 =	vld [tilespmem:$0xCC68]  }
0x28c: {  	v45 =	vld [tilespmem:$0xD228]  }
0x28d: {  	[tilespmem:$0x1FB90] =	vst v24;
	v24 =	vadd.f32 v10, v17;
	v10 =	vld [tilespmem:$0x1F820]  }
0x28e: {  	v61 =	vld [tilespmem:$0xC928]  }
0x28f: {  	v24 =	vadd.f32 v11, v24;
	v11 =	vld [tilespmem:$0x1F840]  }
0x290: {  	v51 =	vld [tilespmem:$0xD828]  }
0x291: {  	v53 =	vld [tilespmem:$0xD998]  }
0x292: {  	v56 =	vld [tilespmem:$0xCF28];
	v10 =	vadd.f32 v14, v10  }
0x293: {  	v42 =	vld [tilespmem:$0xD3A8]  }
0x294: {  	v30 =	vadd.f32 v61, v30;
	v10 =	vadd.f32 v11, v10;
	v11 =	vld [tilespmem:$0x1F850]  }
0x295: {  	v57 =	vld [tilespmem:$0xCDA8];
	[tilespmem:$0x1FC70] =	vst v1;
	v1 =	vadd.f32 v37, v39  }
0x296: {  	v20 =	vld [tilespmem:$0xD528];
	v30 =	vadd.f32 v62, v30  }
0x297: {  	v61 =	vld [tilespmem:$0xC4E8];
	v1 =	vadd.f32 v41, v1  }
0x298: {  	v62 =	vld [tilespmem:$0xC7E8];
	v30 =	vadd.f32 v49, v30  }
0x299: {  	v1 =	vadd.f32 v11, v1;
	v11 =	vld [tilespmem:$0x1F860]  }
0x29a: {  	v49 =	vld [tilespmem:$0xCAE8];
	v30 =	vadd.f32 v57, v30  }
0x29b: {  	v57 =	vld [tilespmem:$0xCDE8]  }
0x29c: {  	v30 =	vadd.f32 v56, v30;
	v48 =	vld [tilespmem:$0xCAB8]  }
0x29d: {  	v56 =	vld [tilespmem:$0xD0E8]  }
0x29e: {  	v30 =	vadd.f32 v60, v30;
	v24 =	vadd.f32 v11, v24;
	v11 =	vld [tilespmem:$0x1F870]  }
0x29f: {  	v60 =	vld [tilespmem:$0xD3E8]  }
0x2a0: {  	v30 =	vadd.f32 v45, v30;
	v45 =	vld [tilespmem:$0xD6E8]  }
0x2a1: {  	[tilespmem:$0x1FA90] =	vst v48;
	v48 =	vld [tilespmem:$0xDB38]  }
0x2a2: {  	v30 =	vadd.f32 v42, v30;
	v42 =	vld [tilespmem:$0x1F9B0]  }
0x2a3: {  	v1 =	vadd.f32 v11, v1;
	v11 =	vld [tilespmem:$0x1F880]  }
0x2a4: {  	v30 =	vadd.f32 v20, v30;
	v20 =	vld [tilespmem:$0xC4F8]  }
0x2a5: {  	v22 =	vld [tilespmem:$0x1F8B0]  }
0x2a6: {  	[tilespmem:$0x1FBA0] =	vst v48;
	v48 =	vld [tilespmem:$0xC948]  }
0x2a7: {  	v38 =	vld [tilespmem:$0xC648]  }
0x2a8: {  	v18 =	vld [tilespmem:$0x1F8A0];
	v24 =	vadd.f32 v11, v24  }
0x2a9: {  	v52 =	vld [tilespmem:$0xCC48]  }
0x2aa: {  	v24 =	vadd.f32 v22, v24;
	v22 =	vld [tilespmem:$0x1F8E0]  }
0x2ab: {  	v50 =	vld [tilespmem:$0xCAC8]  }
0x2ac: {  	v63 =	vld [tilespmem:$0xD0C8]  }
0x2ad: {  	v1 =	vadd.f32 v18, v1;
	v18 =	vld [tilespmem:$0x1F8D0]  }
0x2ae: {  	v11 =	vld [tilespmem:$0x1F890]  }
0x2af: {  	v24 =	vadd.f32 v22, v24;
	v22 =	vld [tilespmem:$0x1F910]  }
0x2b0: {  	v17 =	vld [tilespmem:$0x1F8C0]  }
0x2b1: {  	v46 =	vld [tilespmem:$0xC4C8];
	v10 =	vadd.f32 v44, v10  }
0x2b2: {  	v1 =	vadd.f32 v18, v1;
	v18 =	vld [tilespmem:$0x1F900]  }
0x2b3: {  	v58 =	vld [tilespmem:$0xCDC8];
	v10 =	vadd.f32 v11, v10  }
0x2b4: {  	v24 =	vadd.f32 v22, v24;
	v22 =	vld [tilespmem:$0x1F940]  }
0x2b5: {  	v10 =	vadd.f32 v17, v10;
	v17 =	vld [tilespmem:$0x1F8F0]  }
0x2b6: {  	v47 =	vld [tilespmem:$0xC7C8]  }
0x2b7: {  	v1 =	vadd.f32 v18, v1;
	v18 =	vld [tilespmem:$0x1F930]  }
0x2b8: {  	v27 =	vld [tilespmem:$0xDB48]  }
0x2b9: {  	v24 =	vadd.f32 v22, v24;
	v22 =	vld [tilespmem:$0x1F960]  }
0x2ba: {  	v10 =	vadd.f32 v17, v10;
	v17 =	vld [tilespmem:$0x1F920]  }
0x2bb: {  	v25 =	vld [tilespmem:$0xC658]  }
0x2bc: {  	v1 =	vadd.f32 v18, v1;
	v18 =	vld [tilespmem:$0x1F950]  }
0x2bd: {  	[tilespmem:$0x1FBB0] =	vst v27;
	v27 =	vld [tilespmem:$0xC4D8]  }
0x2be: {  	v24 =	vadd.f32 v22, v24;
	v22 =	vld [tilespmem:$0x1F970]  }
0x2bf: {  	v26 =	vld [tilespmem:$0xC7D8];
	v10 =	vadd.f32 v17, v10  }
0x2c0: {  	v59 =	vld [tilespmem:$0xCF48]  }
0x2c1: {  	v28 =	vld [tilespmem:$0xC958];
	v10 =	vadd.f32 v18, v10  }
0x2c2: {  	v31 =	vld [tilespmem:$0xCAD8];
	v25 =	vadd.f32 v25, v27  }
0x2c3: {  	v10 =	vadd.f32 v22, v10;
	v22 =	vld [tilespmem:$0x1F980]  }
0x2c4: {  	v35 =	vld [tilespmem:$0xD0D8];
	v26 =	vadd.f32 v26, v25  }
0x2c5: {  	v32 =	vld [tilespmem:$0xCC58]  }
0x2c6: {  	v27 =	vld [tilespmem:$0xD3F8];
	v26 =	vadd.f32 v28, v26;
	v1 =	vadd.f32 v16, v1  }
0x2c7: {  	v33 =	vld [tilespmem:$0xCDD8]  }
0x2c8: {  	v26 =	vadd.f32 v31, v26;
	v1 =	vadd.f32 v22, v1;
	v22 =	vld [tilespmem:$0x1F990]  }
0x2c9: {  	v34 =	vld [tilespmem:$0xCF58]  }
0x2ca: {  	v25 =	vld [tilespmem:$0xD6F8];
	v26 =	vadd.f32 v32, v26  }
0x2cb: {  	v31 =	vld [tilespmem:$0xC808]  }
0x2cc: {  	v26 =	vadd.f32 v33, v26;
	v36 =	vld [tilespmem:$0xD258]  }
0x2cd: {  	v24 =	vadd.f32 v22, v24;
	v22 =	vld [tilespmem:$0x1F9A0]  }
0x2ce: {  	v32 =	vld [tilespmem:$0xC688];
	v26 =	vadd.f32 v34, v26  }
0x2cf: {  	v33 =	vld [tilespmem:$0xC988]  }
0x2d0: {  	v34 =	vld [tilespmem:$0xCC88];
	v26 =	vadd.f32 v35, v26  }
0x2d1: {  	v35 =	vld [tilespmem:$0xCF88]  }
0x2d2: {  	v26 =	vadd.f32 v36, v26;
	v36 =	vld [tilespmem:$0xD288];
	v1 =	vadd.f32 v22, v1  }
0x2d3: {  	v43 =	vld [tilespmem:$0xD9D8]  }
0x2d4: {  	v1 =	vadd.f32 v29, v1;
	v29 =	vld [tilespmem:$0x1F9D0]  }
0x2d5: {  	v12 =	vld [tilespmem:$0xC968]  }
0x2d6: {  	v37 =	vld [tilespmem:$0xD3D8]  }
0x2d7: {  	v24 =	vadd.f32 v42, v24;
	v42 =	vld [tilespmem:$0x1F9C0]  }
0x2d8: {  	v39 =	vld [tilespmem:$0xD558]  }
0x2d9: {  	v24 =	vadd.f32 v29, v24;
	v29 =	vld [tilespmem:$0x1F9E0]  }
0x2da: {  	v15 =	vld [tilespmem:$0xD268];
	v10 =	vadd.f32 v19, v10  }
0x2db: {  	v41 =	vld [tilespmem:$0xD858];
	v26 =	vadd.f32 v37, v26  }
0x2dc: {  	v37 =	vld [tilespmem:$0xD588];
	v10 =	vadd.f32 v42, v10  }
0x2dd: {  	v26 =	vadd.f32 v39, v26;
	v39 =	vld [tilespmem:$0xD888]  }
0x2de: {  	v10 =	vadd.f32 v29, v10;
	v29 =	vld [tilespmem:$0x1FA00]  }
0x2df: {  	v14 =	vld [tilespmem:$0xCF68]  }
0x2e0: {  	v26 =	vadd.f32 v40, v26;
	v40 =	vld [tilespmem:$0xDB88]  }
0x2e1: {  	v44 =	vld [tilespmem:$0xDB58]  }
0x2e2: {  	v26 =	vadd.f32 v41, v26;
	v41 =	vld [tilespmem:$0xC698]  }
0x2e3: {  	v24 =	vadd.f32 v29, v24;
	v29 =	vld [tilespmem:$0x1FA10]  }
0x2e4: {  	v26 =	vadd.f32 v43, v26;
	v1 =	vadd.f32 v21, v1;
	v21 =	vld [tilespmem:$0x1F9F0]  }
0x2e5: {  	v43 =	vld [tilespmem:$0xCE18]  }
0x2e6: {  	v26 =	vadd.f32 v44, v26;
	v44 =	vld [tilespmem:$0xCE28]  }
0x2e7: {  	v11 =	vld [tilespmem:$0xC668]  }
0x2e8: {  	v17 =	vld [tilespmem:$0xC678];
	v10 =	vadd.f32 v29, v10  }
0x2e9: {  	v18 =	vld [tilespmem:$0xC7F8];
	v30 =	vadd.f32 v21, v30  }
0x2ea: {  	v1 =	vadd.f32 v23, v1;
	v21 =	vld [tilespmem:$0xC978];
	v10 =	vadd.f32 v53, v10  }
0x2eb: {  	v30 =	vadd.f32 v51, v30;
	v51 =	vld [tilespmem:$0x1FA20]  }
0x2ec: {  	v53 =	vadd.f32 v54, v1;
	v54 =	vadd.f32 v55, v10;
	v10 =	vld [tilespmem:$0x1FA40]  }
0x2ed: {  	v55 =	vld [tilespmem:$0x1FA50]  }
0x2ee: {  	v17 =	vadd.f32 v17, v20;
	v1 =	vld [tilespmem:$0x1FA30]  }
0x2ef: {  	v23 =	vld [tilespmem:$0xCAF8]  }
0x2f0: {  	v16 =	vld [tilespmem:$0xD568];
	v17 =	vadd.f32 v18, v17  }
0x2f1: {  	v51 =	vadd.f32 v51, v24;
	v24 =	vld [tilespmem:$0xCC78]  }
0x2f2: {  	v17 =	vadd.f32 v21, v17;
	v10 =	vadd.f32 v55, v10;
	v55 =	vld [tilespmem:$0x1FA60]  }
0x2f3: {  	v1 =	vadd.f32 v1, v30;
	v30 =	vld [tilespmem:$0xCDF8]  }
0x2f4: {  	v19 =	vld [tilespmem:$0xD868];
	v17 =	vadd.f32 v23, v17  }
0x2f5: {  	v29 =	vld [tilespmem:$0xCF78]  }
0x2f6: {  	v22 =	vld [tilespmem:$0xD9E8];
	v17 =	vadd.f32 v24, v17  }
0x2f7: {  	v55 =	vadd.f32 v55, v1;
	v1 =	vadd.f32 v38, v46;
	v38 =	vld [tilespmem:$0x1FA70]  }
0x2f8: {  	v17 =	vadd.f32 v30, v17;
	v46 =	vld [tilespmem:$0xD0F8]  }
0x2f9: {  	v11 =	vadd.f32 v11, v61;
	v42 =	vld [tilespmem:$0xDB68];
	v47 =	vadd.f32 v47, v1  }
0x2fa: {  	v17 =	vadd.f32 v29, v17;
	v1 =	vld [tilespmem:$0x1FA80]  }
0x2fb: {  	v47 =	vadd.f32 v48, v47;
	v48 =	vadd.f32 v62, v11;
	v11 =	vld [tilespmem:$0x1FA90]  }
0x2fc: {  	v10 =	vadd.f32 v38, v10;
	v38 =	vld [tilespmem:$0xD278]  }
0x2fd: {  	v17 =	vadd.f32 v46, v17;
	v46 =	vld [tilespmem:$0xD718]  }
0x2fe: {  	v28 =	vadd.f32 v50, v47;
	v50 =	vld [tilespmem:$0x1FAA0]  }
0x2ff: {  	v62 =	vadd.f32 v12, v48;
	v12 =	vld [tilespmem:$0xDB78]  }
0x300: {  	v47 =	vld [tilespmem:$0xC508]  }
0x301: {  	v10 =	vadd.f32 v1, v10;
	v1 =	vld [tilespmem:$0xD578]  }
0x302: {  	v28 =	vadd.f32 v52, v28;
	v52 =	vld [tilespmem:$0x1FAB0]  }
0x303: {  	v62 =	vadd.f32 v49, v62;
	v49 =	vld [tilespmem:$0xCB08]  }
0x304: {  	v61 =	vadd.f32 v11, v10;
	v11 =	vld [tilespmem:$0xD878]  }
0x305: {  	v10 =	vld [tilespmem:$0xD9F8]  }
0x306: {  	v13 =	vadd.f32 v13, v62;
	v62 =	vld [tilespmem:$0x1FAD0]  }
0x307: {  	v28 =	vadd.f32 v58, v28;
	v58 =	vld [tilespmem:$0x1FB10]  }
0x308: {  	v17 =	vadd.f32 v38, v17;
	v38 =	vld [tilespmem:$0x1FC30]  }
0x309: {  	v61 =	vadd.f32 v50, v61;
	v50 =	vld [tilespmem:$0xD108]  }
0x30a: {  	v32 =	vadd.f32 v32, v47;
	v47 =	vld [tilespmem:$0x1FBC0]  }
0x30b: {  	v13 =	vadd.f32 v57, v13;
	v57 =	vld [tilespmem:$0x1FB00]  }
0x30c: {  	v28 =	vadd.f32 v59, v28;
	v59 =	vld [tilespmem:$0x1FB20]  }
0x30d: {  	v48 =	vadd.f32 v52, v61;
	v61 =	vld [tilespmem:$0x1FAC0]  }
0x30e: {  	v52 =	vld [tilespmem:$0x1FAF0]  }
0x30f: {  	v31 =	vadd.f32 v31, v32;
	v32 =	vld [tilespmem:$0x1FC10]  }
0x310: {  	v13 =	vadd.f32 v14, v13;
	v14 =	vld [tilespmem:$0xCE08]  }
0x311: {  	v28 =	vadd.f32 v63, v28;
	v63 =	vld [tilespmem:$0x1FAE0]  }
0x312: {  	v13 =	vadd.f32 v56, v13;
	v56 =	vld [tilespmem:$0xC828]  }
0x313: {  	[tilespmem:$0xDBB8] =	vst v47;
	v47 =	vld [tilespmem:$0x1FC60]  }
0x314: {  	v13 =	vadd.f32 v15, v13;
	v15 =	vld [tilespmem:$0xD408]  }
0x315: {  	v48 =	vadd.f32 v61, v48;
	v61 =	vld [tilespmem:$0x1FB30]  }
0x316: {  	v28 =	vadd.f32 v52, v28;
	v52 =	vld [tilespmem:$0xD708]  }
0x317: {  	v48 =	vadd.f32 v62, v48;
	v62 =	vld [tilespmem:$0x1FB40]  }
0x318: {  	v13 =	vadd.f32 v60, v13;
	v60 =	vld [tilespmem:$0x1FB60]  }
0x319: {  	v28 =	vadd.f32 v58, v28;
	v48 =	vadd.f32 v63, v48;
	v63 =	vld [tilespmem:$0x1FB50]  }
0x31a: {  	v13 =	vadd.f32 v16, v13;
	v16 =	vld [tilespmem:$0xDA08]  }
0x31b: {  	v28 =	vadd.f32 v61, v28;
	v61 =	vld [tilespmem:$0x1FB70]  }
0x31c: {  	v13 =	vadd.f32 v45, v13;
	v45 =	vld [tilespmem:$0xC518]  }
0x31d: {  	v48 =	vadd.f32 v57, v48;
	v57 =	vld [tilespmem:$0xC998]  }
0x31e: {  	v13 =	vadd.f32 v19, v13;
	v19 =	vld [tilespmem:$0xC528]  }
0x31f: {  	v48 =	vadd.f32 v59, v48;
	v59 =	vld [tilespmem:$0xC9A8]  }
0x320: {  	v28 =	vadd.f32 v63, v28;
	v63 =	vld [tilespmem:$0x1FB90]  }
0x321: {  	v48 =	vadd.f32 v62, v48;
	v62 =	vld [tilespmem:$0x1FB80]  }
0x322: {  	v28 =	vadd.f32 v61, v28;
	v61 =	vld [tilespmem:$0xC6A8]  }
0x323: {  	v58 =	vadd.f32 v41, v45;
	v45 =	vld [tilespmem:$0xCF98]  }
0x324: {  	v13 =	vadd.f32 v22, v13;
	v41 =	vld [tilespmem:$0xD598]  }
0x325: {  	v48 =	vadd.f32 v60, v48;
	v60 =	vld [tilespmem:$0x1FBA0]  }
0x326: {  	v13 =	vadd.f32 v42, v13;
	v42 =	vld [tilespmem:$0xCCA8]  }
0x327: {  	v28 =	vadd.f32 v63, v28;
	v63 =	vld [tilespmem:$0xC818]  }
0x328: {  	v48 =	vadd.f32 v62, v48;
	v62 =	vld [tilespmem:$0x1FBB0]  }
0x329: {  	v19 =	vadd.f32 v61, v19;
	v61 =	vld [tilespmem:$0xCB28]  }
0x32a: {  	v48 =	vadd.f32 v60, v48;
	v60 =	vld [tilespmem:$0xCB18]  }
0x32b: {  	v19 =	vadd.f32 v56, v19;
	v56 =	vld [tilespmem:$0x1FBD0]  }
0x32c: {  	v18 =	vadd.f32 v63, v58;
	v63 =	vld [tilespmem:$0xCC98]  }
0x32d: {  	v58 =	vld [tilespmem:$0x1FBE0];
	v28 =	vadd.f32 v62, v28;
	v62 =	vadd.f32 v33, v31  }
0x32e: {  	v19 =	vadd.f32 v59, v19;
	v59 =	vld [tilespmem:$0xD128];
	v18 =	vadd.f32 v57, v18  }
0x32f: {  	v33 =	vld [tilespmem:$0xD418];
	v22 =	vadd.f32 v49, v62  }
0x330: {  	v17 =	vadd.f32 v27, v17;
	v57 =	vld [tilespmem:$0xD118];
	v18 =	vadd.f32 v60, v18  }
0x331: {  	v19 =	vadd.f32 v61, v19;
	v49 =	vld [tilespmem:$0xCFA8];
	v22 =	vadd.f32 v34, v22  }
0x332: {  	v1 =	vadd.f32 v1, v17;
	v61 =	vld [tilespmem:$0xD298];
	v18 =	vadd.f32 v63, v18  }
0x333: {  	[tilespmem:$0xDCD8] =	vst v26;
	v62 =	vld [tilespmem:$0x1FC00];
	v19 =	vadd.f32 v42, v19;
	v14 =	vadd.f32 v14, v22  }
0x334: {  	[tilespmem:$0xDC78] =	vst v51;
	v1 =	vadd.f32 v25, v1;
	v60 =	vld [tilespmem:$0x1FBF0];
	v18 =	vadd.f32 v43, v18  }
0x335: {  	[tilespmem:$0xDBC8] =	vst v56;
	v56 =	vld [tilespmem:$0x1FC70];
	v19 =	vadd.f32 v44, v19;
	v14 =	vadd.f32 v35, v14  }
0x336: {  	[tilespmem:$0xDC88] =	vst v53;
	v1 =	vadd.f32 v11, v1;
	v63 =	vld [tilespmem:$0xD2A8];
	v18 =	vadd.f32 v45, v18  }
0x337: {  	[tilespmem:$0xDC98] =	vst v54;
	v34 =	vld [tilespmem:$0x1FC20];
	v19 =	vadd.f32 v49, v19;
	v14 =	vadd.f32 v50, v14  }
0x338: {  	[tilespmem:$0xDCA8] =	vst v55;
	v1 =	vadd.f32 v10, v1;
	v35 =	vld [tilespmem:$0xD428];
	v18 =	vadd.f32 v57, v18  }
0x339: {  	[tilespmem:$0xDC28] =	vst v38;
	v42 =	vld [tilespmem:$0x1FC40];
	v19 =	vadd.f32 v59, v19;
	v14 =	vadd.f32 v36, v14  }
0x33a: {  	[tilespmem:$0xDC08] =	vst v32;
	v1 =	vadd.f32 v12, v1;
	v43 =	vld [tilespmem:$0xD5A8];
	v18 =	vadd.f32 v61, v18  }
0x33b: {  	[tilespmem:$0xDBD8] =	vst v58;
	v58 =	vld [tilespmem:$0xD8A8];
	v45 =	vadd.f32 v63, v19;
	v14 =	vadd.f32 v15, v14  }
0x33c: {  	[tilespmem:$0xDC58] =	vst v47;
	v50 =	vld [tilespmem:$0xD728];
	v49 =	vadd.f32 v33, v18  }
0x33d: {  	[tilespmem:$0xDCF8] =	vst v1;
	v57 =	vld [tilespmem:$0xD898];
	v15 =	vadd.f32 v35, v45;
	v14 =	vadd.f32 v37, v14  }
0x33e: {  	[tilespmem:$0xDCE8] =	vst v13;
	v44 =	vld [tilespmem:$0x1FC50];
	v17 =	vadd.f32 v41, v49  }
0x33f: {  	[tilespmem:$0xDCB8] =	vst v48;
	v59 =	vld [tilespmem:$0xDA18];
	v15 =	vadd.f32 v43, v15;
	v14 =	vadd.f32 v52, v14  }
0x340: {  	[tilespmem:$0xDBE8] =	vst v60;
	v60 =	vld [tilespmem:$0xDA28];
	v11 =	vadd.f32 v46, v17  }
0x341: {  	[tilespmem:$0xDCC8] =	vst v28;
	v61 =	vld [tilespmem:$0xDB98];
	v15 =	vadd.f32 v50, v15;
	v14 =	vadd.f32 v39, v14  }
0x342: {  	[tilespmem:$0xDBF8] =	vst v62;
	v10 =	vadd.f32 v57, v11;
	v11 =	vld [tilespmem:$0xDBA8]  }
0x343: {  	[tilespmem:$0xDC68] =	vst v56;
	v15 =	vadd.f32 v58, v15;
	v14 =	vadd.f32 v16, v14  }
0x344: {  	[tilespmem:$0xDC18] =	vst v34;
	v10 =	vadd.f32 v59, v10  }
0x345: {  	[tilespmem:$0xDC38] =	vst v42;
	v63 =	vadd.f32 v60, v15;
	v62 =	vadd.f32 v40, v14  }
0x346: {  	[tilespmem:$0xDC48] =	vst v44;
	v1 =	vadd.f32 v61, v10  }
0x347: {  	[tilespmem:$0xDD08] =	vst v62;
	v10 =	vadd.f32 v11, v63  }
0x348: {  	[tilespmem:$0xDD18] =	vst v1  }
.Ltmp5:
0x349: {  	[tilespmem:$0xDD28] =	vst v10;
	(pc) =	sbr.rel .LBB2_8-.Ltmp5, $4  }
0x34a: {  	[spmem:s18] =	stream.linear.scatter [tilespmem:s5], [sflag:$0x1], $0x180, $0x38;
	[tilespmem:$0x11338] =	vst v63  }
0x34b: {  	_ =	swait.ge [sflag:s20], $0x180  }
0x34c: {  	[sflag:s20] =	ssyncset.done $0x0  }
0x34d: {  	[sflag:s20] =	ssyncadd.s32 $0xFFFFFE80  }
.LBB2_7:
0x34e: {  	[bflag:$0x0] =	sbarrier.arrive $0xFFFF  }
.LBB2_8:
.Ltmp6:
0x34f: {  	(pc) =	sbr.rel @p2 .LBB2_10-.Ltmp6, $2  }
0x350: {  	_ =	sdelay $0x1  }
0x351: {  	[bflag:$0x0] =	sbarrier.arrive $0xFFFF;
	_ =	sdelay $0x1  }
0x352: {  	s29 =	rddreg [dreg:$0x6]  }
0x353: {  	[tilespmem:s0], [sflag:$0x1] =	stream.linear.gather [spmem:s29], $0x1800, $0x38;
	[tilespmem:$0x11338] =	vst v63  }
0x354: {  	_ =	swait.ge [sflag:s20], $0x1800  }
0x355: {  	[sflag:s20] =	ssyncset.done $0x0  }
0x356: {  	[sflag:s20] =	ssyncadd.s32 $0xFFFFE800  }
0x357: {  	s30 =	simm.s32 $0xF738;
	s31 =	rddreg [dreg:$0x2]  }
0x358: {  	[tilespmem:s30], [sflag:$0x1] =	stream.linear.gather [hbm4b:s31+s7], $0x40, $0x38;
	[tilespmem:$0x11338] =	vst v63  }
0x359: {  	_ =	swait.ge [sflag:s20], $0x40  }
0x35a: {  	v10 =	vld [tilespmem:$0x1FC90];
	_ =	sdelay $0x1  }
0x35b: {  	v11 =	vld [tilespmem:$0x1FCA0];
	_ =	sdelay $0x1  }
0x35c: {  	[sflag:s20] =	ssyncset.done $0x0  }
0x35d: {  	[sflag:s20] =	ssyncadd.s32 $0xFFFFFFC0  }
0x35e: {  	v1 =	vld.idx.msk [tilespmem:v4+s0+$0x0], $0xffff;
	_ =	sdelay $0x1  }
0x35f: {  	v10 =	vld.idx.msk [tilespmem:v10+s0+$0x0], $0xffff;
	_ =	sdelay $0x1  }
0x360: {  	v11 =	vld.idx.msk [tilespmem:v11+s0+$0x0], $0xffff  }
0x361: {  	v12 =	vld [tilespmem:$0x1FCB0];
	v1 =	vadd.f32 $0.0e+00, v1;
	_ =	sdelay $0x1  }
0x362: {  	v1 =	vadd.f32 v10, v1;
	v10 =	vld [tilespmem:$0x1FCC0];
	_ =	sdelay $0x1  }
0x363: {  	v1 =	vadd.f32 v11, v1;
	v11 =	vld [tilespmem:$0x1FCD0];
	_ =	sdelay $0x3  }
0x364: {  	v12 =	vld.idx.msk [tilespmem:v12+s0+$0x0], $0xffff;
	_ =	sdelay $0x1  }
0x365: {  	v10 =	vld.idx.msk [tilespmem:v10+s0+$0x0], $0xffff;
	_ =	sdelay $0x1  }
0x366: {  	v11 =	vld.idx.msk [tilespmem:v11+s0+$0x0], $0xffff  }
0x367: {  	v35 =	vld [tilespmem:$0x1FCE0];
	v1 =	vadd.f32 v12, v1;
	_ =	sdelay $0x1  }
0x368: {  	v1 =	vadd.f32 v10, v1;
	v10 =	vld [tilespmem:$0x1FCF0];
	_ =	sdelay $0x1  }
0x369: {  	v1 =	vadd.f32 v11, v1;
	v11 =	vld [tilespmem:$0x1FD00];
	_ =	sdelay $0x3  }
0x36a: {  	v12 =	vld.idx.msk [tilespmem:v35+s0+$0x0], $0xffff;
	_ =	sdelay $0x1  }
0x36b: {  	v10 =	vld.idx.msk [tilespmem:v10+s0+$0x0], $0xffff;
	_ =	sdelay $0x1  }
0x36c: {  	v11 =	vld.idx.msk [tilespmem:v11+s0+$0x0], $0xffff  }
0x36d: {  	v36 =	vld [tilespmem:$0x1FD10];
	v1 =	vadd.f32 v12, v1;
	_ =	sdelay $0x1  }
0x36e: {  	v1 =	vadd.f32 v10, v1;
	v10 =	vld [tilespmem:$0x1FD20];
	_ =	sdelay $0x1  }
0x36f: {  	v1 =	vadd.f32 v11, v1;
	v11 =	vld [tilespmem:$0x1FD30];
	_ =	sdelay $0x3  }
0x370: {  	v12 =	vld.idx.msk [tilespmem:v36+s0+$0x0], $0xffff;
	_ =	sdelay $0x1  }
0x371: {  	v10 =	vld.idx.msk [tilespmem:v10+s0+$0x0], $0xffff;
	_ =	sdelay $0x1  }
0x372: {  	v11 =	vld.idx.msk [tilespmem:v11+s0+$0x0], $0xffff  }
0x373: {  	v37 =	vld [tilespmem:$0x1FD40];
	v1 =	vadd.f32 v12, v1;
	_ =	sdelay $0x1  }
0x374: {  	v1 =	vadd.f32 v10, v1;
	v10 =	vld [tilespmem:$0x1FD50];
	_ =	sdelay $0x1  }
0x375: {  	v1 =	vadd.f32 v11, v1;
	v11 =	vld [tilespmem:$0x1FD60];
	_ =	sdelay $0x1  }
0x376: {  	v38 =	vld [tilespmem:$0x1FD70]  }
0x377: {  	v13 =	vld [tilespmem:$0xF738]  }
0x378: {  	v12 =	vld.idx.msk [tilespmem:v37+s0+$0x0], $0xffff;
	_ =	sdelay $0x1  }
0x379: {  	v10 =	vld.idx.msk [tilespmem:v10+s0+$0x0], $0xffff;
	_ =	sdelay $0x1  }
0x37a: {  	(erf) = vrcp.f32 v13;
	v11 =	vld.idx.msk [tilespmem:v11+s0+$0x0], $0xffff  }
0x37b: {  	v1 =	vadd.f32 v12, v1;
	_ =	sdelay $0x1  }
0x37c: {  	v12 =	vld.idx.msk [tilespmem:v38+s0+$0x0], $0xffff;
	v1 =	vadd.f32 v10, v1  }
0x37d: {  	v16 =	vld [tilespmem:$0x1FF90]  }
0x37e: {  	v1 =	vadd.f32 v11, v1;
	_ =	sdelay $0x2  }
0x37f: {  	v10 =	vadd.f32 v12, v1  }
0x380: {  	v1 =	vpop (erf)  }
0x381: {  	v10 =	vmul.f32 v10, v1;
	_ =	sdelay $0x1  }
0x382: {  	[tilespmem:v16+s2+$0x0] =	vst.idx.msk $0xffff, v10;
	v10 =	vld [tilespmem:$0x1FD80];
	_ =	sdelay $0x1  }
0x383: {  	v11 =	vld [tilespmem:$0x1FD90];
	_ =	sdelay $0x5  }
0x384: {  	v10 =	vld.idx.msk [tilespmem:v10+s0+$0x0], $0xffff;
	_ =	sdelay $0x1  }
0x385: {  	v11 =	vld.idx.msk [tilespmem:v11+s0+$0x0], $0xffff  }
0x386: {  	v39 =	vld [tilespmem:$0x1FDA0];
	_ =	sdelay $0x1  }
0x387: {  	v40 =	vld [tilespmem:$0x1FDB0];
	v10 =	vadd.f32 $0.0e+00, v10;
	_ =	sdelay $0x1  }
0x388: {  	v10 =	vadd.f32 v11, v10;
	v11 =	vld [tilespmem:$0x1FDC0];
	_ =	sdelay $0x3  }
0x389: {  	v12 =	vld.idx.msk [tilespmem:v39+s0+$0x0], $0xffff;
	_ =	sdelay $0x1  }
0x38a: {  	v13 =	vld.idx.msk [tilespmem:v40+s0+$0x0], $0xffff;
	_ =	sdelay $0x1  }
0x38b: {  	v11 =	vld.idx.msk [tilespmem:v11+s0+$0x0], $0xffff  }
0x38c: {  	v41 =	vld [tilespmem:$0x1FDD0];
	v10 =	vadd.f32 v12, v10;
	_ =	sdelay $0x1  }
0x38d: {  	v42 =	vld [tilespmem:$0x1FDE0];
	v10 =	vadd.f32 v13, v10;
	_ =	sdelay $0x1  }
0x38e: {  	v10 =	vadd.f32 v11, v10;
	v11 =	vld [tilespmem:$0x1FDF0];
	_ =	sdelay $0x3  }
0x38f: {  	v12 =	vld.idx.msk [tilespmem:v41+s0+$0x0], $0xffff;
	_ =	sdelay $0x1  }
0x390: {  	v13 =	vld.idx.msk [tilespmem:v42+s0+$0x0], $0xffff;
	_ =	sdelay $0x1  }
0x391: {  	v11 =	vld.idx.msk [tilespmem:v11+s0+$0x0], $0xffff  }
0x392: {  	v43 =	vld [tilespmem:$0x1FE00];
	v10 =	vadd.f32 v12, v10;
	_ =	sdelay $0x1  }
0x393: {  	v44 =	vld [tilespmem:$0x1FE10];
	v10 =	vadd.f32 v13, v10;
	_ =	sdelay $0x1  }
0x394: {  	v10 =	vadd.f32 v11, v10;
	v11 =	vld [tilespmem:$0x1FE20];
	_ =	sdelay $0x3  }
0x395: {  	v12 =	vld.idx.msk [tilespmem:v43+s0+$0x0], $0xffff;
	_ =	sdelay $0x1  }
0x396: {  	v13 =	vld.idx.msk [tilespmem:v44+s0+$0x0], $0xffff;
	_ =	sdelay $0x1  }
0x397: {  	v11 =	vld.idx.msk [tilespmem:v11+s0+$0x0], $0xffff  }
0x398: {  	v45 =	vld [tilespmem:$0x1FE30];
	v10 =	vadd.f32 v12, v10;
	_ =	sdelay $0x1  }
0x399: {  	v46 =	vld [tilespmem:$0x1FE40];
	v10 =	vadd.f32 v13, v10;
	_ =	sdelay $0x1  }
0x39a: {  	v10 =	vadd.f32 v11, v10;
	v11 =	vld [tilespmem:$0x1FE50];
	_ =	sdelay $0x1  }
0x39b: {  	v47 =	vld [tilespmem:$0x1FE60]  }
0x39c: {  	v48 =	vld [tilespmem:$0x1FE70]  }
0x39d: {  	v12 =	vld.idx.msk [tilespmem:v45+s0+$0x0], $0xffff;
	_ =	sdelay $0x1  }
0x39e: {  	v13 =	vld.idx.msk [tilespmem:v46+s0+$0x0], $0xffff;
	_ =	sdelay $0x1  }
0x39f: {  	v11 =	vld.idx.msk [tilespmem:v11+s0+$0x0], $0xffff  }
0x3a0: {  	v10 =	vadd.f32 v12, v10  }
0x3a1: {  	v12 =	vld.idx.msk [tilespmem:v47+s0+$0x0], $0xffff  }
0x3a2: {  	v10 =	vadd.f32 v13, v10  }
0x3a3: {  	v13 =	vld.idx.msk [tilespmem:v48+s0+$0x0], $0xffff  }
0x3a4: {  	v10 =	vadd.f32 v11, v10;
	v11 =	vld [tilespmem:$0x1FE80];
	_ =	sdelay $0x1  }
0x3a5: {  	v10 =	vadd.f32 v12, v10;
	_ =	sdelay $0x1  }
0x3a6: {  	v10 =	vadd.f32 v13, v10;
	_ =	sdelay $0x1  }
0x3a7: {  	v10 =	vmul.f32 v10, v1;
	_ =	sdelay $0x1  }
0x3a8: {  	[tilespmem:v11+s2+$0x0] =	vst.idx.msk $0xffff, v10;
	v10 =	vld [tilespmem:$0x1FE90];
	_ =	sdelay $0x1  }
0x3a9: {  	v11 =	vld [tilespmem:$0x1FEA0];
	_ =	sdelay $0x5  }
0x3aa: {  	v10 =	vld.idx.msk [tilespmem:v10+s0+$0x0], $0xffff;
	_ =	sdelay $0x1  }
0x3ab: {  	v11 =	vld.idx.msk [tilespmem:v11+s0+$0x0], $0xffff  }
0x3ac: {  	v49 =	vld [tilespmem:$0x1FEB0];
	_ =	sdelay $0x1  }
0x3ad: {  	v50 =	vld [tilespmem:$0x1FEC0];
	v10 =	vadd.f32 $0.0e+00, v10;
	_ =	sdelay $0x1  }
0x3ae: {  	v10 =	vadd.f32 v11, v10;
	v11 =	vld [tilespmem:$0x1FED0];
	_ =	sdelay $0x3  }
0x3af: {  	v12 =	vld.idx.msk [tilespmem:v49+s0+$0x0], $0xffff;
	_ =	sdelay $0x1  }
0x3b0: {  	v13 =	vld.idx.msk [tilespmem:v50+s0+$0x0], $0xffff;
	_ =	sdelay $0x1  }
0x3b1: {  	v11 =	vld.idx.msk [tilespmem:v11+s0+$0x0], $0xffff  }
0x3b2: {  	v51 =	vld [tilespmem:$0x1FEE0];
	v10 =	vadd.f32 v12, v10;
	_ =	sdelay $0x1  }
0x3b3: {  	v52 =	vld [tilespmem:$0x1FEF0];
	v10 =	vadd.f32 v13, v10;
	_ =	sdelay $0x1  }
0x3b4: {  	v10 =	vadd.f32 v11, v10;
	v11 =	vld [tilespmem:$0x1FF00];
	_ =	sdelay $0x3  }
0x3b5: {  	v12 =	vld.idx.msk [tilespmem:v51+s0+$0x0], $0xffff;
	_ =	sdelay $0x1  }
0x3b6: {  	v13 =	vld.idx.msk [tilespmem:v52+s0+$0x0], $0xffff;
	_ =	sdelay $0x1  }
0x3b7: {  	v11 =	vld.idx.msk [tilespmem:v11+s0+$0x0], $0xffff  }
0x3b8: {  	v53 =	vld [tilespmem:$0x1FF10];
	v10 =	vadd.f32 v12, v10;
	_ =	sdelay $0x1  }
0x3b9: {  	v54 =	vld [tilespmem:$0x1FF20];
	v10 =	vadd.f32 v13, v10;
	_ =	sdelay $0x1  }
0x3ba: {  	v10 =	vadd.f32 v11, v10;
	v11 =	vld [tilespmem:$0x1FF30];
	_ =	sdelay $0x3  }
0x3bb: {  	v12 =	vld.idx.msk [tilespmem:v53+s0+$0x0], $0xffff;
	_ =	sdelay $0x1  }
0x3bc: {  	v13 =	vld.idx.msk [tilespmem:v54+s0+$0x0], $0xffff;
	_ =	sdelay $0x1  }
0x3bd: {  	v11 =	vld.idx.msk [tilespmem:v11+s0+$0x0], $0xffff  }
0x3be: {  	v55 =	vld [tilespmem:$0x1FF40];
	v10 =	vadd.f32 v12, v10;
	_ =	sdelay $0x1  }
0x3bf: {  	v56 =	vld [tilespmem:$0x1FF50];
	v10 =	vadd.f32 v13, v10;
	_ =	sdelay $0x1  }
0x3c0: {  	v10 =	vadd.f32 v11, v10;
	v11 =	vld [tilespmem:$0x1FF60];
	_ =	sdelay $0x1  }
0x3c1: {  	v57 =	vld [tilespmem:$0x1FF70]  }
0x3c2: {  	v58 =	vld [tilespmem:$0x1FF80]  }
0x3c3: {  	v12 =	vld.idx.msk [tilespmem:v55+s0+$0x0], $0xffff;
	_ =	sdelay $0x1  }
0x3c4: {  	v13 =	vld.idx.msk [tilespmem:v56+s0+$0x0], $0xffff;
	_ =	sdelay $0x1  }
0x3c5: {  	v11 =	vld.idx.msk [tilespmem:v11+s0+$0x0], $0xffff  }
0x3c6: {  	v10 =	vadd.f32 v12, v10  }
0x3c7: {  	v12 =	vld.idx.msk [tilespmem:v57+s0+$0x0], $0xffff  }
0x3c8: {  	v10 =	vadd.f32 v13, v10  }
0x3c9: {  	v13 =	vld.idx.msk [tilespmem:v58+s0+$0x0], $0xffff  }
0x3ca: {  	v10 =	vadd.f32 v11, v10;
	v11 =	vld [tilespmem:$0x1FFA0];
	_ =	sdelay $0x1  }
0x3cb: {  	v10 =	vadd.f32 v12, v10;
	_ =	sdelay $0x1  }
0x3cc: {  	v10 =	vadd.f32 v13, v10;
	_ =	sdelay $0x1  }
0x3cd: {  	v10 =	vmul.f32 v10, v1;
	_ =	sdelay $0x1  }
0x3ce: {  	[tilespmem:v11+s2+$0x0] =	vst.idx.msk $0xffff, v10;
	v10 =	vld [tilespmem:$0x1FFB0];
	_ =	sdelay $0x1  }
0x3cf: {  	v11 =	vld [tilespmem:$0x1FFC0];
	_ =	sdelay $0x1  }
0x3d0: {  	v59 =	vld [tilespmem:$0x1FFD0];
	_ =	sdelay $0x1  }
0x3d1: {  	v14 =	vld [tilespmem:$0x1FFE0]  }
0x3d2: {  	v15 =	vld [tilespmem:$0x1FFF0]  }
0x3d3: {  	v10 =	vld.idx.msk [tilespmem:v10+s0+$0x0], $0xffff;
	_ =	sdelay $0x1  }
0x3d4: {  	v11 =	vld.idx.msk [tilespmem:v11+s0+$0x0], $0xffff;
	_ =	sdelay $0x1  }
0x3d5: {  	v12 =	vld.idx.msk [tilespmem:v59+s0+$0x0], $0xffff  }
0x3d6: {  	v60 =	vadd.s32 $0x35, v4;
	v10 =	vadd.f32 $0.0e+00, v10  }
0x3d7: {  	v14 =	vld.idx.msk [tilespmem:v14+s0+$0x0], $0xffff  }
0x3d8: {  	v10 =	vadd.f32 v11, v10;
	v11 =	vadd.s32 $0x36, v4  }
0x3d9: {  	v15 =	vld.idx.msk [tilespmem:v15+s0+$0x0], $0xffff  }
0x3da: {  	v61 =	vadd.s32 $0x37, v4;
	v10 =	vadd.f32 v12, v10  }
0x3db: {  	v13 =	vld.idx.msk [tilespmem:v60+s0+$0x0], $0xffff  }
0x3dc: {  	v62 =	vadd.s32 $0x38, v4;
	v10 =	vadd.f32 v14, v10  }
0x3dd: {  	v11 =	vld.idx.msk [tilespmem:v11+s0+$0x0], $0xffff  }
0x3de: {  	v63 =	vadd.s32 $0x39, v4;
	v10 =	vadd.f32 v15, v10  }
0x3df: {  	v12 =	vld.idx.msk [tilespmem:v61+s0+$0x0], $0xffff  }
0x3e0: {  	v18 =	vadd.s32 $0x3A, v4;
	v10 =	vadd.f32 v13, v10  }
0x3e1: {  	v14 =	vld.idx.msk [tilespmem:v62+s0+$0x0], $0xffff  }
0x3e2: {  	v10 =	vadd.f32 v11, v10;
	v11 =	vadd.s32 $0x3B, v4  }
0x3e3: {  	v15 =	vld.idx.msk [tilespmem:v63+s0+$0x0], $0xffff  }
0x3e4: {  	v19 =	vadd.s32 $0x3C, v4;
	v10 =	vadd.f32 v12, v10  }
0x3e5: {  	v13 =	vld.idx.msk [tilespmem:v18+s0+$0x0], $0xffff  }
0x3e6: {  	v20 =	vadd.s32 $0x3D, v4;
	v10 =	vadd.f32 v14, v10  }
0x3e7: {  	v11 =	vld.idx.msk [tilespmem:v11+s0+$0x0], $0xffff  }
0x3e8: {  	v21 =	vadd.s32 $0x3E, v4;
	v10 =	vadd.f32 v15, v10  }
0x3e9: {  	v12 =	vld.idx.msk [tilespmem:v19+s0+$0x0], $0xffff  }
0x3ea: {  	v22 =	vadd.s32 $0x3F, v4;
	v10 =	vadd.f32 v13, v10  }
0x3eb: {  	v14 =	vld.idx.msk [tilespmem:v20+s0+$0x0], $0xffff  }
0x3ec: {  	v10 =	vadd.f32 v11, v10  }
0x3ed: {  	v11 =	vld.idx.msk [tilespmem:v21+s0+$0x0], $0xffff  }
0x3ee: {  	v10 =	vadd.f32 v12, v10  }
0x3ef: {  	v23 =	vld.idx.msk [tilespmem:v22+s0+$0x0], $0xffff  }
0x3f0: {  	v10 =	vadd.f32 v14, v10;
	_ =	sdelay $0x1  }
0x3f1: {  	v10 =	vadd.f32 v11, v10  }
0x3f2: {  	v11 =	vor.u32 $0x3, v16  }
0x3f3: {  	v24 =	vadd.s32 $0x40, v4;
	v10 =	vadd.f32 v23, v10;
	_ =	sdelay $0x1  }
0x3f4: {  	v25 =	vadd.s32 $0x41, v4;
	v10 =	vmul.f32 v10, v1;
	_ =	sdelay $0x1  }
0x3f5: {  	[tilespmem:v11+s2+$0x0] =	vst.idx.msk $0xffff, v10;
	v10 =	vadd.s32 $0x42, v4  }
0x3f6: {  	v11 =	vld.idx.msk [tilespmem:v24+s0+$0x0], $0xffff  }
0x3f7: {  	v26 =	vadd.s32 $0x43, v4  }
0x3f8: {  	v13 =	vld.idx.msk [tilespmem:v25+s0+$0x0], $0xffff  }
0x3f9: {  	v27 =	vadd.s32 $0x44, v4  }
0x3fa: {  	v10 =	vld.idx.msk [tilespmem:v10+s0+$0x0], $0xffff  }
0x3fb: {  	v28 =	vadd.s32 $0x45, v4;
	v11 =	vadd.f32 $0.0e+00, v11  }
0x3fc: {  	v12 =	vld.idx.msk [tilespmem:v26+s0+$0x0], $0xffff  }
0x3fd: {  	v29 =	vadd.s32 $0x46, v4;
	v11 =	vadd.f32 v13, v11  }
0x3fe: {  	v14 =	vld.idx.msk [tilespmem:v27+s0+$0x0], $0xffff  }
0x3ff: {  	v10 =	vadd.f32 v10, v11;
	v11 =	vadd.s32 $0x47, v4  }
0x400: {  	v15 =	vld.idx.msk [tilespmem:v28+s0+$0x0], $0xffff  }
0x401: {  	v30 =	vadd.s32 $0x48, v4;
	v10 =	vadd.f32 v12, v10  }
0x402: {  	v13 =	vld.idx.msk [tilespmem:v29+s0+$0x0], $0xffff  }
0x403: {  	v31 =	vadd.s32 $0x49, v4;
	v10 =	vadd.f32 v14, v10  }
0x404: {  	v11 =	vld.idx.msk [tilespmem:v11+s0+$0x0], $0xffff  }
0x405: {  	v32 =	vadd.s32 $0x4A, v4;
	v10 =	vadd.f32 v15, v10  }
0x406: {  	v12 =	vld.idx.msk [tilespmem:v30+s0+$0x0], $0xffff  }
0x407: {  	v33 =	vadd.s32 $0x4B, v4;
	v10 =	vadd.f32 v13, v10  }
0x408: {  	v14 =	vld.idx.msk [tilespmem:v31+s0+$0x0], $0xffff  }
0x409: {  	v10 =	vadd.f32 v11, v10;
	v11 =	vadd.s32 $0x4C, v4  }
0x40a: {  	v15 =	vld.idx.msk [tilespmem:v32+s0+$0x0], $0xffff  }
0x40b: {  	v34 =	vadd.s32 $0x4D, v4;
	v10 =	vadd.f32 v12, v10  }
0x40c: {  	v13 =	vld.idx.msk [tilespmem:v33+s0+$0x0], $0xffff  }
0x40d: {  	v35 =	vadd.s32 $0x4E, v4;
	v10 =	vadd.f32 v14, v10  }
0x40e: {  	v11 =	vld.idx.msk [tilespmem:v11+s0+$0x0], $0xffff  }
0x40f: {  	v36 =	vadd.s32 $0x4F, v4;
	v10 =	vadd.f32 v15, v10  }
0x410: {  	v12 =	vld.idx.msk [tilespmem:v34+s0+$0x0], $0xffff  }
0x411: {  	v10 =	vadd.f32 v13, v10  }
0x412: {  	v37 =	vld.idx.msk [tilespmem:v35+s0+$0x0], $0xffff  }
0x413: {  	v10 =	vadd.f32 v11, v10  }
0x414: {  	v11 =	vld.idx.msk [tilespmem:v36+s0+$0x0], $0xffff  }
0x415: {  	v10 =	vadd.f32 v12, v10;
	_ =	sdelay $0x1  }
0x416: {  	v10 =	vadd.f32 v37, v10  }
0x417: {  	v38 =	vor.u32 $0x4, v16  }
0x418: {  	v10 =	vadd.f32 v11, v10;
	v11 =	vadd.s32 $0x50, v4;
	_ =	sdelay $0x1  }
0x419: {  	v39 =	vadd.s32 $0x51, v4;
	v10 =	vmul.f32 v10, v1;
	_ =	sdelay $0x1  }
0x41a: {  	[tilespmem:v38+s2+$0x0] =	vst.idx.msk $0xffff, v10;
	v10 =	vadd.s32 $0x52, v4  }
0x41b: {  	v11 =	vld.idx.msk [tilespmem:v11+s0+$0x0], $0xffff  }
0x41c: {  	v40 =	vadd.s32 $0x53, v4  }
0x41d: {  	v13 =	vld.idx.msk [tilespmem:v39+s0+$0x0], $0xffff  }
0x41e: {  	v41 =	vadd.s32 $0x54, v4  }
0x41f: {  	v10 =	vld.idx.msk [tilespmem:v10+s0+$0x0], $0xffff  }
0x420: {  	v42 =	vadd.s32 $0x55, v4;
	v11 =	vadd.f32 $0.0e+00, v11  }
0x421: {  	v12 =	vld.idx.msk [tilespmem:v40+s0+$0x0], $0xffff  }
0x422: {  	v43 =	vadd.s32 $0x56, v4;
	v11 =	vadd.f32 v13, v11  }
0x423: {  	v14 =	vld.idx.msk [tilespmem:v41+s0+$0x0], $0xffff  }
0x424: {  	v10 =	vadd.f32 v10, v11;
	v11 =	vadd.s32 $0x57, v4  }
0x425: {  	v15 =	vld.idx.msk [tilespmem:v42+s0+$0x0], $0xffff  }
0x426: {  	v44 =	vadd.s32 $0x58, v4;
	v10 =	vadd.f32 v12, v10  }
0x427: {  	v13 =	vld.idx.msk [tilespmem:v43+s0+$0x0], $0xffff  }
0x428: {  	v45 =	vadd.s32 $0x59, v4;
	v10 =	vadd.f32 v14, v10  }
0x429: {  	v11 =	vld.idx.msk [tilespmem:v11+s0+$0x0], $0xffff  }
0x42a: {  	v46 =	vadd.s32 $0x5A, v4;
	v10 =	vadd.f32 v15, v10  }
0x42b: {  	v12 =	vld.idx.msk [tilespmem:v44+s0+$0x0], $0xffff  }
0x42c: {  	v47 =	vadd.s32 $0x5B, v4;
	v10 =	vadd.f32 v13, v10  }
0x42d: {  	v14 =	vld.idx.msk [tilespmem:v45+s0+$0x0], $0xffff  }
0x42e: {  	v10 =	vadd.f32 v11, v10;
	v11 =	vadd.s32 $0x5C, v4  }
0x42f: {  	v15 =	vld.idx.msk [tilespmem:v46+s0+$0x0], $0xffff  }
0x430: {  	v48 =	vadd.s32 $0x5D, v4;
	v10 =	vadd.f32 v12, v10  }
0x431: {  	v13 =	vld.idx.msk [tilespmem:v47+s0+$0x0], $0xffff  }
0x432: {  	v49 =	vadd.s32 $0x5E, v4;
	v10 =	vadd.f32 v14, v10  }
0x433: {  	v11 =	vld.idx.msk [tilespmem:v11+s0+$0x0], $0xffff  }
0x434: {  	v50 =	vadd.s32 $0x5F, v4;
	v10 =	vadd.f32 v15, v10  }
0x435: {  	v12 =	vld.idx.msk [tilespmem:v48+s0+$0x0], $0xffff  }
0x436: {  	v10 =	vadd.f32 v13, v10  }
0x437: {  	v51 =	vld.idx.msk [tilespmem:v49+s0+$0x0], $0xffff  }
0x438: {  	v10 =	vadd.f32 v11, v10  }
0x439: {  	v11 =	vld.idx.msk [tilespmem:v50+s0+$0x0], $0xffff  }
0x43a: {  	v10 =	vadd.f32 v12, v10;
	_ =	sdelay $0x1  }
0x43b: {  	v10 =	vadd.f32 v51, v10  }
0x43c: {  	v52 =	vor.u32 $0x5, v16  }
0x43d: {  	v10 =	vadd.f32 v11, v10;
	v11 =	vadd.s32 $0x600, v4;
	_ =	sdelay $0x1  }
0x43e: {  	v1 =	vmul.f32 v10, v1;
	v10 =	vadd.s32 $0x601, v4;
	_ =	sdelay $0x1  }
0x43f: {  	[tilespmem:v52+s2+$0x0] =	vst.idx.msk $0xffff, v1;
	v1 =	vadd.s32 $0x602, v4  }
0x440: {  	v11 =	vld.idx.msk [tilespmem:v11+s0+$0x0], $0xffff  }
0x441: {  	v53 =	vadd.s32 $0x603, v4  }
0x442: {  	v10 =	vld.idx.msk [tilespmem:v10+s0+$0x0], $0xffff  }
0x443: {  	v54 =	vadd.s32 $0x604, v4  }
0x444: {  	v1 =	vld.idx.msk [tilespmem:v1+s0+$0x0], $0xffff  }
0x445: {  	v55 =	vadd.s32 $0x605, v4;
	v11 =	vadd.f32 $0.0e+00, v11  }
0x446: {  	v12 =	vld.idx.msk [tilespmem:v53+s0+$0x0], $0xffff  }
0x447: {  	v10 =	vadd.f32 v10, v11;
	v11 =	vadd.s32 $0x606, v4  }
0x448: {  	v13 =	vld.idx.msk [tilespmem:v54+s0+$0x0], $0xffff  }
0x449: {  	v1 =	vadd.f32 v1, v10;
	v10 =	vadd.s32 $0x607, v4  }
0x44a: {  	v14 =	vld.idx.msk [tilespmem:v55+s0+$0x0], $0xffff  }
0x44b: {  	v56 =	vadd.s32 $0x608, v4;
	v1 =	vadd.f32 v12, v1  }
0x44c: {  	v11 =	vld.idx.msk [tilespmem:v11+s0+$0x0], $0xffff  }
0x44d: {  	v57 =	vadd.s32 $0x609, v4;
	v1 =	vadd.f32 v13, v1  }
0x44e: {  	v10 =	vld.idx.msk [tilespmem:v10+s0+$0x0], $0xffff  }
0x44f: {  	v58 =	vadd.s32 $0x60A, v4;
	v1 =	vadd.f32 v14, v1  }
0x450: {  	v12 =	vld.idx.msk [tilespmem:v56+s0+$0x0], $0xffff  }
0x451: {  	v1 =	vadd.f32 v11, v1;
	v11 =	vadd.s32 $0x60B, v4  }
0x452: {  	v13 =	vld.idx.msk [tilespmem:v57+s0+$0x0], $0xffff  }
0x453: {  	v1 =	vadd.f32 v10, v1;
	v10 =	vadd.s32 $0x60C, v4  }
0x454: {  	v14 =	vld.idx.msk [tilespmem:v58+s0+$0x0], $0xffff  }
0x455: {  	v60 =	vadd.s32 $0x60D, v4;
	v1 =	vadd.f32 v12, v1  }
0x456: {  	v11 =	vld.idx.msk [tilespmem:v11+s0+$0x0], $0xffff  }
0x457: {  	v61 =	vadd.s32 $0x60E, v4;
	v59 =	vld [tilespmem:$0xF748];
	v1 =	vadd.f32 v13, v1  }
0x458: {  	v10 =	vld.idx.msk [tilespmem:v10+s0+$0x0], $0xffff  }
0x459: {  	v1 =	vadd.f32 v14, v1  }
0x45a: {  	v62 =	vadd.s32 $0x60F, v4;
	v12 =	vld.idx.msk [tilespmem:v60+s0+$0x0], $0xffff  }
0x45b: {  	v1 =	vadd.f32 v11, v1  }
0x45c: {  	(erf) = vrcp.f32 v59;
	v11 =	vld.idx.msk [tilespmem:v61+s0+$0x0], $0xffff  }
0x45d: {  	v1 =	vadd.f32 v10, v1;
	_ =	sdelay $0x1  }
0x45e: {  	v10 =	vld.idx.msk [tilespmem:v62+s0+$0x0], $0xffff;
	v1 =	vadd.f32 v12, v1;
	_ =	sdelay $0x1  }
0x45f: {  	v1 =	vadd.f32 v11, v1;
	_ =	sdelay $0x1  }
0x460: {  	v11 =	vor.u32 $0x80, v16  }
0x461: {  	v63 =	vadd.s32 $0x610, v4;
	v10 =	vadd.f32 v10, v1  }
0x462: {  	v1 =	vpop (erf)  }
0x463: {  	v17 =	vadd.s32 $0x611, v4;
	v10 =	vmul.f32 v10, v1;
	_ =	sdelay $0x1  }
0x464: {  	[tilespmem:v11+s2+$0x0] =	vst.idx.msk $0xffff, v10;
	v10 =	vadd.s32 $0x612, v4  }
0x465: {  	v11 =	vld.idx.msk [tilespmem:v63+s0+$0x0], $0xffff  }
0x466: {  	v18 =	vadd.s32 $0x613, v4  }
0x467: {  	v13 =	vld.idx.msk [tilespmem:v17+s0+$0x0], $0xffff  }
0x468: {  	v19 =	vadd.s32 $0x614, v4  }
0x469: {  	v10 =	vld.idx.msk [tilespmem:v10+s0+$0x0], $0xffff  }
0x46a: {  	v20 =	vadd.s32 $0x615, v4;
	v11 =	vadd.f32 $0.0e+00, v11  }
0x46b: {  	v12 =	vld.idx.msk [tilespmem:v18+s0+$0x0], $0xffff  }
0x46c: {  	v21 =	vadd.s32 $0x616, v4;
	v11 =	vadd.f32 v13, v11  }
0x46d: {  	v14 =	vld.idx.msk [tilespmem:v19+s0+$0x0], $0xffff  }
0x46e: {  	v10 =	vadd.f32 v10, v11;
	v11 =	vadd.s32 $0x617, v4  }
0x46f: {  	v15 =	vld.idx.msk [tilespmem:v20+s0+$0x0], $0xffff  }
0x470: {  	v22 =	vadd.s32 $0x618, v4;
	v10 =	vadd.f32 v12, v10  }
0x471: {  	v13 =	vld.idx.msk [tilespmem:v21+s0+$0x0], $0xffff  }
0x472: {  	v23 =	vadd.s32 $0x619, v4;
	v10 =	vadd.f32 v14, v10  }
0x473: {  	v11 =	vld.idx.msk [tilespmem:v11+s0+$0x0], $0xffff  }
0x474: {  	v24 =	vadd.s32 $0x61A, v4;
	v10 =	vadd.f32 v15, v10  }
0x475: {  	v12 =	vld.idx.msk [tilespmem:v22+s0+$0x0], $0xffff  }
0x476: {  	v25 =	vadd.s32 $0x61B, v4;
	v10 =	vadd.f32 v13, v10  }
0x477: {  	v14 =	vld.idx.msk [tilespmem:v23+s0+$0x0], $0xffff  }
0x478: {  	v10 =	vadd.f32 v11, v10;
	v11 =	vadd.s32 $0x61C, v4  }
0x479: {  	v15 =	vld.idx.msk [tilespmem:v24+s0+$0x0], $0xffff  }
0x47a: {  	v26 =	vadd.s32 $0x61D, v4;
	v10 =	vadd.f32 v12, v10  }
0x47b: {  	v13 =	vld.idx.msk [tilespmem:v25+s0+$0x0], $0xffff  }
0x47c: {  	v27 =	vadd.s32 $0x61E, v4;
	v10 =	vadd.f32 v14, v10  }
0x47d: {  	v11 =	vld.idx.msk [tilespmem:v11+s0+$0x0], $0xffff  }
0x47e: {  	v28 =	vadd.s32 $0x61F, v4;
	v10 =	vadd.f32 v15, v10  }
0x47f: {  	v12 =	vld.idx.msk [tilespmem:v26+s0+$0x0], $0xffff  }
0x480: {  	v10 =	vadd.f32 v13, v10  }
0x481: {  	v29 =	vld.idx.msk [tilespmem:v27+s0+$0x0], $0xffff  }
0x482: {  	v10 =	vadd.f32 v11, v10  }
0x483: {  	v11 =	vld.idx.msk [tilespmem:v28+s0+$0x0], $0xffff  }
0x484: {  	v10 =	vadd.f32 v12, v10;
	_ =	sdelay $0x1  }
0x485: {  	v10 =	vadd.f32 v29, v10  }
0x486: {  	v30 =	vor.u32 $0x81, v16  }
0x487: {  	v10 =	vadd.f32 v11, v10;
	v11 =	vadd.s32 $0x620, v4;
	_ =	sdelay $0x1  }
0x488: {  	v31 =	vadd.s32 $0x621, v4;
	v10 =	vmul.f32 v10, v1;
	_ =	sdelay $0x1  }
0x489: {  	[tilespmem:v30+s2+$0x0] =	vst.idx.msk $0xffff, v10;
	v10 =	vadd.s32 $0x622, v4  }
0x48a: {  	v11 =	vld.idx.msk [tilespmem:v11+s0+$0x0], $0xffff  }
0x48b: {  	v32 =	vadd.s32 $0x623, v4  }
0x48c: {  	v13 =	vld.idx.msk [tilespmem:v31+s0+$0x0], $0xffff  }
0x48d: {  	v33 =	vadd.s32 $0x624, v4  }
0x48e: {  	v10 =	vld.idx.msk [tilespmem:v10+s0+$0x0], $0xffff  }
0x48f: {  	v34 =	vadd.s32 $0x625, v4;
	v11 =	vadd.f32 $0.0e+00, v11  }
0x490: {  	v12 =	vld.idx.msk [tilespmem:v32+s0+$0x0], $0xffff  }
0x491: {  	v35 =	vadd.s32 $0x626, v4;
	v11 =	vadd.f32 v13, v11  }
0x492: {  	v14 =	vld.idx.msk [tilespmem:v33+s0+$0x0], $0xffff  }
0x493: {  	v10 =	vadd.f32 v10, v11;
	v11 =	vadd.s32 $0x627, v4  }
0x494: {  	v15 =	vld.idx.msk [tilespmem:v34+s0+$0x0], $0xffff  }
0x495: {  	v36 =	vadd.s32 $0x628, v4;
	v10 =	vadd.f32 v12, v10  }
0x496: {  	v13 =	vld.idx.msk [tilespmem:v35+s0+$0x0], $0xffff  }
0x497: {  	v37 =	vadd.s32 $0x629, v4;
	v10 =	vadd.f32 v14, v10  }
0x498: {  	v11 =	vld.idx.msk [tilespmem:v11+s0+$0x0], $0xffff  }
0x499: {  	v38 =	vadd.s32 $0x62A, v4;
	v10 =	vadd.f32 v15, v10  }
0x49a: {  	v12 =	vld.idx.msk [tilespmem:v36+s0+$0x0], $0xffff  }
0x49b: {  	v39 =	vadd.s32 $0x62B, v4;
	v10 =	vadd.f32 v13, v10  }
0x49c: {  	v14 =	vld.idx.msk [tilespmem:v37+s0+$0x0], $0xffff  }
0x49d: {  	v10 =	vadd.f32 v11, v10;
	v11 =	vadd.s32 $0x62C, v4  }
0x49e: {  	v15 =	vld.idx.msk [tilespmem:v38+s0+$0x0], $0xffff  }
0x49f: {  	v40 =	vadd.s32 $0x62D, v4;
	v10 =	vadd.f32 v12, v10  }
0x4a0: {  	v13 =	vld.idx.msk [tilespmem:v39+s0+$0x0], $0xffff  }
0x4a1: {  	v41 =	vadd.s32 $0x62E, v4;
	v10 =	vadd.f32 v14, v10  }
0x4a2: {  	v11 =	vld.idx.msk [tilespmem:v11+s0+$0x0], $0xffff  }
0x4a3: {  	v42 =	vadd.s32 $0x62F, v4;
	v10 =	vadd.f32 v15, v10  }
0x4a4: {  	v12 =	vld.idx.msk [tilespmem:v40+s0+$0x0], $0xffff  }
0x4a5: {  	v10 =	vadd.f32 v13, v10  }
0x4a6: {  	v43 =	vld.idx.msk [tilespmem:v41+s0+$0x0], $0xffff  }
0x4a7: {  	v10 =	vadd.f32 v11, v10  }
0x4a8: {  	v11 =	vld.idx.msk [tilespmem:v42+s0+$0x0], $0xffff  }
0x4a9: {  	v10 =	vadd.f32 v12, v10;
	_ =	sdelay $0x1  }
0x4aa: {  	v10 =	vadd.f32 v43, v10  }
0x4ab: {  	v44 =	vor.u32 $0x82, v16  }
0x4ac: {  	v10 =	vadd.f32 v11, v10;
	v11 =	vadd.s32 $0x630, v4;
	_ =	sdelay $0x1  }
0x4ad: {  	v45 =	vadd.s32 $0x631, v4;
	v10 =	vmul.f32 v10, v1;
	_ =	sdelay $0x1  }
0x4ae: {  	[tilespmem:v44+s2+$0x0] =	vst.idx.msk $0xffff, v10;
	v10 =	vadd.s32 $0x632, v4  }
0x4af: {  	v11 =	vld.idx.msk [tilespmem:v11+s0+$0x0], $0xffff  }
0x4b0: {  	v46 =	vadd.s32 $0x633, v4  }
0x4b1: {  	v13 =	vld.idx.msk [tilespmem:v45+s0+$0x0], $0xffff  }
0x4b2: {  	v47 =	vadd.s32 $0x634, v4  }
0x4b3: {  	v10 =	vld.idx.msk [tilespmem:v10+s0+$0x0], $0xffff  }
0x4b4: {  	v48 =	vadd.s32 $0x635, v4;
	v11 =	vadd.f32 $0.0e+00, v11  }
0x4b5: {  	v12 =	vld.idx.msk [tilespmem:v46+s0+$0x0], $0xffff  }
0x4b6: {  	v49 =	vadd.s32 $0x636, v4;
	v11 =	vadd.f32 v13, v11  }
0x4b7: {  	v14 =	vld.idx.msk [tilespmem:v47+s0+$0x0], $0xffff  }
0x4b8: {  	v10 =	vadd.f32 v10, v11;
	v11 =	vadd.s32 $0x637, v4  }
0x4b9: {  	v15 =	vld.idx.msk [tilespmem:v48+s0+$0x0], $0xffff  }
0x4ba: {  	v50 =	vadd.s32 $0x638, v4;
	v10 =	vadd.f32 v12, v10  }
0x4bb: {  	v13 =	vld.idx.msk [tilespmem:v49+s0+$0x0], $0xffff  }
0x4bc: {  	v51 =	vadd.s32 $0x639, v4;
	v10 =	vadd.f32 v14, v10  }
0x4bd: {  	v11 =	vld.idx.msk [tilespmem:v11+s0+$0x0], $0xffff  }
0x4be: {  	v52 =	vadd.s32 $0x63A, v4;
	v10 =	vadd.f32 v15, v10  }
0x4bf: {  	v12 =	vld.idx.msk [tilespmem:v50+s0+$0x0], $0xffff  }
0x4c0: {  	v53 =	vadd.s32 $0x63B, v4;
	v10 =	vadd.f32 v13, v10  }
0x4c1: {  	v14 =	vld.idx.msk [tilespmem:v51+s0+$0x0], $0xffff  }
0x4c2: {  	v10 =	vadd.f32 v11, v10;
	v11 =	vadd.s32 $0x63C, v4  }
0x4c3: {  	v15 =	vld.idx.msk [tilespmem:v52+s0+$0x0], $0xffff  }
0x4c4: {  	v54 =	vadd.s32 $0x63D, v4;
	v10 =	vadd.f32 v12, v10  }
0x4c5: {  	v13 =	vld.idx.msk [tilespmem:v53+s0+$0x0], $0xffff  }
0x4c6: {  	v55 =	vadd.s32 $0x63E, v4;
	v10 =	vadd.f32 v14, v10  }
0x4c7: {  	v11 =	vld.idx.msk [tilespmem:v11+s0+$0x0], $0xffff  }
0x4c8: {  	v56 =	vadd.s32 $0x63F, v4;
	v10 =	vadd.f32 v15, v10  }
0x4c9: {  	v12 =	vld.idx.msk [tilespmem:v54+s0+$0x0], $0xffff  }
0x4ca: {  	v10 =	vadd.f32 v13, v10  }
0x4cb: {  	v57 =	vld.idx.msk [tilespmem:v55+s0+$0x0], $0xffff  }
0x4cc: {  	v10 =	vadd.f32 v11, v10  }
0x4cd: {  	v11 =	vld.idx.msk [tilespmem:v56+s0+$0x0], $0xffff  }
0x4ce: {  	v10 =	vadd.f32 v12, v10;
	_ =	sdelay $0x1  }
0x4cf: {  	v10 =	vadd.f32 v57, v10  }
0x4d0: {  	v58 =	vor.u32 $0x83, v16  }
0x4d1: {  	v10 =	vadd.f32 v11, v10;
	v11 =	vadd.s32 $0x640, v4;
	_ =	sdelay $0x1  }
0x4d2: {  	v59 =	vadd.s32 $0x641, v4;
	v10 =	vmul.f32 v10, v1;
	_ =	sdelay $0x1  }
0x4d3: {  	[tilespmem:v58+s2+$0x0] =	vst.idx.msk $0xffff, v10;
	v10 =	vadd.s32 $0x642, v4  }
0x4d4: {  	v11 =	vld.idx.msk [tilespmem:v11+s0+$0x0], $0xffff  }
0x4d5: {  	v60 =	vadd.s32 $0x643, v4  }
0x4d6: {  	v13 =	vld.idx.msk [tilespmem:v59+s0+$0x0], $0xffff  }
0x4d7: {  	v61 =	vadd.s32 $0x644, v4  }
0x4d8: {  	v10 =	vld.idx.msk [tilespmem:v10+s0+$0x0], $0xffff  }
0x4d9: {  	v62 =	vadd.s32 $0x645, v4;
	v11 =	vadd.f32 $0.0e+00, v11  }
0x4da: {  	v12 =	vld.idx.msk [tilespmem:v60+s0+$0x0], $0xffff  }
0x4db: {  	v63 =	vadd.s32 $0x646, v4;
	v11 =	vadd.f32 v13, v11  }
0x4dc: {  	v14 =	vld.idx.msk [tilespmem:v61+s0+$0x0], $0xffff  }
0x4dd: {  	v10 =	vadd.f32 v10, v11;
	v11 =	vadd.s32 $0x647, v4  }
0x4de: {  	v15 =	vld.idx.msk [tilespmem:v62+s0+$0x0], $0xffff  }
0x4df: {  	v18 =	vadd.s32 $0x648, v4;
	v10 =	vadd.f32 v12, v10  }
0x4e0: {  	v13 =	vld.idx.msk [tilespmem:v63+s0+$0x0], $0xffff  }
0x4e1: {  	v19 =	vadd.s32 $0x649, v4;
	v10 =	vadd.f32 v14, v10  }
0x4e2: {  	v11 =	vld.idx.msk [tilespmem:v11+s0+$0x0], $0xffff  }
0x4e3: {  	v20 =	vadd.s32 $0x64A, v4;
	v10 =	vadd.f32 v15, v10  }
0x4e4: {  	v12 =	vld.idx.msk [tilespmem:v18+s0+$0x0], $0xffff  }
0x4e5: {  	v21 =	vadd.s32 $0x64B, v4;
	v10 =	vadd.f32 v13, v10  }
0x4e6: {  	v14 =	vld.idx.msk [tilespmem:v19+s0+$0x0], $0xffff  }
0x4e7: {  	v10 =	vadd.f32 v11, v10;
	v11 =	vadd.s32 $0x64C, v4  }
0x4e8: {  	v15 =	vld.idx.msk [tilespmem:v20+s0+$0x0], $0xffff  }
0x4e9: {  	v22 =	vadd.s32 $0x64D, v4;
	v10 =	vadd.f32 v12, v10  }
0x4ea: {  	v13 =	vld.idx.msk [tilespmem:v21+s0+$0x0], $0xffff  }
0x4eb: {  	v23 =	vadd.s32 $0x64E, v4;
	v10 =	vadd.f32 v14, v10  }
0x4ec: {  	v11 =	vld.idx.msk [tilespmem:v11+s0+$0x0], $0xffff  }
0x4ed: {  	v24 =	vadd.s32 $0x64F, v4;
	v10 =	vadd.f32 v15, v10  }
0x4ee: {  	v12 =	vld.idx.msk [tilespmem:v22+s0+$0x0], $0xffff  }
0x4ef: {  	v10 =	vadd.f32 v13, v10  }
0x4f0: {  	v25 =	vld.idx.msk [tilespmem:v23+s0+$0x0], $0xffff  }
0x4f1: {  	v10 =	vadd.f32 v11, v10  }
0x4f2: {  	v11 =	vld.idx.msk [tilespmem:v24+s0+$0x0], $0xffff  }
0x4f3: {  	v10 =	vadd.f32 v12, v10;
	_ =	sdelay $0x1  }
0x4f4: {  	v10 =	vadd.f32 v25, v10  }
0x4f5: {  	v26 =	vor.u32 $0x84, v16  }
0x4f6: {  	v10 =	vadd.f32 v11, v10;
	v11 =	vadd.s32 $0x650, v4;
	_ =	sdelay $0x1  }
0x4f7: {  	v27 =	vadd.s32 $0x651, v4;
	v10 =	vmul.f32 v10, v1;
	_ =	sdelay $0x1  }
0x4f8: {  	[tilespmem:v26+s2+$0x0] =	vst.idx.msk $0xffff, v10;
	v10 =	vadd.s32 $0x652, v4  }
0x4f9: {  	v11 =	vld.idx.msk [tilespmem:v11+s0+$0x0], $0xffff  }
0x4fa: {  	v28 =	vadd.s32 $0x653, v4  }
0x4fb: {  	v13 =	vld.idx.msk [tilespmem:v27+s0+$0x0], $0xffff  }
0x4fc: {  	v29 =	vadd.s32 $0x654, v4  }
0x4fd: {  	v10 =	vld.idx.msk [tilespmem:v10+s0+$0x0], $0xffff  }
0x4fe: {  	v30 =	vadd.s32 $0x655, v4;
	v11 =	vadd.f32 $0.0e+00, v11  }
0x4ff: {  	v12 =	vld.idx.msk [tilespmem:v28+s0+$0x0], $0xffff  }
0x500: {  	v31 =	vadd.s32 $0x656, v4;
	v11 =	vadd.f32 v13, v11  }
0x501: {  	v14 =	vld.idx.msk [tilespmem:v29+s0+$0x0], $0xffff  }
0x502: {  	v10 =	vadd.f32 v10, v11;
	v11 =	vadd.s32 $0x657, v4  }
0x503: {  	v15 =	vld.idx.msk [tilespmem:v30+s0+$0x0], $0xffff  }
0x504: {  	v32 =	vadd.s32 $0x658, v4;
	v10 =	vadd.f32 v12, v10  }
0x505: {  	v13 =	vld.idx.msk [tilespmem:v31+s0+$0x0], $0xffff  }
0x506: {  	v33 =	vadd.s32 $0x659, v4;
	v10 =	vadd.f32 v14, v10  }
0x507: {  	v11 =	vld.idx.msk [tilespmem:v11+s0+$0x0], $0xffff  }
0x508: {  	v34 =	vadd.s32 $0x65A, v4;
	v10 =	vadd.f32 v15, v10  }
0x509: {  	v12 =	vld.idx.msk [tilespmem:v32+s0+$0x0], $0xffff  }
0x50a: {  	v35 =	vadd.s32 $0x65B, v4;
	v10 =	vadd.f32 v13, v10  }
0x50b: {  	v14 =	vld.idx.msk [tilespmem:v33+s0+$0x0], $0xffff  }
0x50c: {  	v10 =	vadd.f32 v11, v10;
	v11 =	vadd.s32 $0x65C, v4  }
0x50d: {  	v15 =	vld.idx.msk [tilespmem:v34+s0+$0x0], $0xffff  }
0x50e: {  	v36 =	vadd.s32 $0x65D, v4;
	v10 =	vadd.f32 v12, v10  }
0x50f: {  	v13 =	vld.idx.msk [tilespmem:v35+s0+$0x0], $0xffff  }
0x510: {  	v37 =	vadd.s32 $0x65E, v4;
	v10 =	vadd.f32 v14, v10  }
0x511: {  	v11 =	vld.idx.msk [tilespmem:v11+s0+$0x0], $0xffff  }
0x512: {  	v38 =	vadd.s32 $0x65F, v4;
	v10 =	vadd.f32 v15, v10  }
0x513: {  	v12 =	vld.idx.msk [tilespmem:v36+s0+$0x0], $0xffff  }
0x514: {  	v10 =	vadd.f32 v13, v10  }
0x515: {  	v39 =	vld.idx.msk [tilespmem:v37+s0+$0x0], $0xffff  }
0x516: {  	v10 =	vadd.f32 v11, v10  }
0x517: {  	v11 =	vld.idx.msk [tilespmem:v38+s0+$0x0], $0xffff  }
0x518: {  	v10 =	vadd.f32 v12, v10;
	_ =	sdelay $0x1  }
0x519: {  	v10 =	vadd.f32 v39, v10  }
0x51a: {  	v40 =	vor.u32 $0x85, v16  }
0x51b: {  	v10 =	vadd.f32 v11, v10;
	v11 =	vadd.s32 $0xC00, v4;
	_ =	sdelay $0x1  }
0x51c: {  	v1 =	vmul.f32 v10, v1;
	v10 =	vadd.s32 $0xC01, v4;
	_ =	sdelay $0x1  }
0x51d: {  	[tilespmem:v40+s2+$0x0] =	vst.idx.msk $0xffff, v1;
	v1 =	vadd.s32 $0xC02, v4  }
0x51e: {  	v11 =	vld.idx.msk [tilespmem:v11+s0+$0x0], $0xffff  }
0x51f: {  	v41 =	vadd.s32 $0xC03, v4  }
0x520: {  	v10 =	vld.idx.msk [tilespmem:v10+s0+$0x0], $0xffff  }
0x521: {  	v42 =	vadd.s32 $0xC04, v4  }
0x522: {  	v1 =	vld.idx.msk [tilespmem:v1+s0+$0x0], $0xffff  }
0x523: {  	v43 =	vadd.s32 $0xC05, v4;
	v11 =	vadd.f32 $0.0e+00, v11  }
0x524: {  	v12 =	vld.idx.msk [tilespmem:v41+s0+$0x0], $0xffff  }
0x525: {  	v10 =	vadd.f32 v10, v11;
	v11 =	vadd.s32 $0xC06, v4  }
0x526: {  	v13 =	vld.idx.msk [tilespmem:v42+s0+$0x0], $0xffff  }
0x527: {  	v1 =	vadd.f32 v1, v10;
	v10 =	vadd.s32 $0xC07, v4  }
0x528: {  	v14 =	vld.idx.msk [tilespmem:v43+s0+$0x0], $0xffff  }
0x529: {  	v44 =	vadd.s32 $0xC08, v4;
	v1 =	vadd.f32 v12, v1  }
0x52a: {  	v11 =	vld.idx.msk [tilespmem:v11+s0+$0x0], $0xffff  }
0x52b: {  	v45 =	vadd.s32 $0xC09, v4;
	v1 =	vadd.f32 v13, v1  }
0x52c: {  	v10 =	vld.idx.msk [tilespmem:v10+s0+$0x0], $0xffff  }
0x52d: {  	v46 =	vadd.s32 $0xC0A, v4;
	v1 =	vadd.f32 v14, v1  }
0x52e: {  	v12 =	vld.idx.msk [tilespmem:v44+s0+$0x0], $0xffff  }
0x52f: {  	v1 =	vadd.f32 v11, v1;
	v11 =	vadd.s32 $0xC0B, v4  }
0x530: {  	v13 =	vld.idx.msk [tilespmem:v45+s0+$0x0], $0xffff  }
0x531: {  	v1 =	vadd.f32 v10, v1;
	v10 =	vadd.s32 $0xC0C, v4  }
0x532: {  	v14 =	vld.idx.msk [tilespmem:v46+s0+$0x0], $0xffff  }
0x533: {  	v48 =	vadd.s32 $0xC0D, v4;
	v1 =	vadd.f32 v12, v1  }
0x534: {  	v11 =	vld.idx.msk [tilespmem:v11+s0+$0x0], $0xffff  }
0x535: {  	v49 =	vadd.s32 $0xC0E, v4;
	v47 =	vld [tilespmem:$0xF758];
	v1 =	vadd.f32 v13, v1  }
0x536: {  	v10 =	vld.idx.msk [tilespmem:v10+s0+$0x0], $0xffff  }
0x537: {  	v1 =	vadd.f32 v14, v1  }
0x538: {  	v50 =	vadd.s32 $0xC0F, v4;
	v12 =	vld.idx.msk [tilespmem:v48+s0+$0x0], $0xffff  }
0x539: {  	v1 =	vadd.f32 v11, v1  }
0x53a: {  	(erf) = vrcp.f32 v47;
	v11 =	vld.idx.msk [tilespmem:v49+s0+$0x0], $0xffff  }
0x53b: {  	v1 =	vadd.f32 v10, v1;
	_ =	sdelay $0x1  }
0x53c: {  	v10 =	vld.idx.msk [tilespmem:v50+s0+$0x0], $0xffff;
	v1 =	vadd.f32 v12, v1;
	_ =	sdelay $0x1  }
0x53d: {  	v1 =	vadd.f32 v11, v1;
	_ =	sdelay $0x1  }
0x53e: {  	v11 =	vor.u32 $0x100, v16  }
0x53f: {  	v51 =	vadd.s32 $0xC10, v4;
	v10 =	vadd.f32 v10, v1  }
0x540: {  	v1 =	vpop (erf)  }
0x541: {  	v52 =	vadd.s32 $0xC11, v4;
	v10 =	vmul.f32 v10, v1;
	_ =	sdelay $0x1  }
0x542: {  	[tilespmem:v11+s2+$0x0] =	vst.idx.msk $0xffff, v10;
	v10 =	vadd.s32 $0xC12, v4  }
0x543: {  	v11 =	vld.idx.msk [tilespmem:v51+s0+$0x0], $0xffff  }
0x544: {  	v53 =	vadd.s32 $0xC13, v4  }
0x545: {  	v13 =	vld.idx.msk [tilespmem:v52+s0+$0x0], $0xffff  }
0x546: {  	v54 =	vadd.s32 $0xC14, v4  }
0x547: {  	v10 =	vld.idx.msk [tilespmem:v10+s0+$0x0], $0xffff  }
0x548: {  	v55 =	vadd.s32 $0xC15, v4;
	v11 =	vadd.f32 $0.0e+00, v11  }
0x549: {  	v12 =	vld.idx.msk [tilespmem:v53+s0+$0x0], $0xffff  }
0x54a: {  	v56 =	vadd.s32 $0xC16, v4;
	v11 =	vadd.f32 v13, v11  }
0x54b: {  	v14 =	vld.idx.msk [tilespmem:v54+s0+$0x0], $0xffff  }
0x54c: {  	v10 =	vadd.f32 v10, v11;
	v11 =	vadd.s32 $0xC17, v4  }
0x54d: {  	v15 =	vld.idx.msk [tilespmem:v55+s0+$0x0], $0xffff  }
0x54e: {  	v57 =	vadd.s32 $0xC18, v4;
	v10 =	vadd.f32 v12, v10  }
0x54f: {  	v13 =	vld.idx.msk [tilespmem:v56+s0+$0x0], $0xffff  }
0x550: {  	v58 =	vadd.s32 $0xC19, v4;
	v10 =	vadd.f32 v14, v10  }
0x551: {  	v11 =	vld.idx.msk [tilespmem:v11+s0+$0x0], $0xffff  }
0x552: {  	v59 =	vadd.s32 $0xC1A, v4;
	v10 =	vadd.f32 v15, v10  }
0x553: {  	v12 =	vld.idx.msk [tilespmem:v57+s0+$0x0], $0xffff  }
0x554: {  	v60 =	vadd.s32 $0xC1B, v4;
	v10 =	vadd.f32 v13, v10  }
0x555: {  	v14 =	vld.idx.msk [tilespmem:v58+s0+$0x0], $0xffff  }
0x556: {  	v10 =	vadd.f32 v11, v10;
	v11 =	vadd.s32 $0xC1C, v4  }
0x557: {  	v15 =	vld.idx.msk [tilespmem:v59+s0+$0x0], $0xffff  }
0x558: {  	v61 =	vadd.s32 $0xC1D, v4;
	v10 =	vadd.f32 v12, v10  }
0x559: {  	v13 =	vld.idx.msk [tilespmem:v60+s0+$0x0], $0xffff  }
0x55a: {  	v62 =	vadd.s32 $0xC1E, v4;
	v10 =	vadd.f32 v14, v10  }
0x55b: {  	v11 =	vld.idx.msk [tilespmem:v11+s0+$0x0], $0xffff  }
0x55c: {  	v63 =	vadd.s32 $0xC1F, v4;
	v10 =	vadd.f32 v15, v10  }
0x55d: {  	v12 =	vld.idx.msk [tilespmem:v61+s0+$0x0], $0xffff  }
0x55e: {  	v10 =	vadd.f32 v13, v10  }
0x55f: {  	v17 =	vld.idx.msk [tilespmem:v62+s0+$0x0], $0xffff  }
0x560: {  	v10 =	vadd.f32 v11, v10  }
0x561: {  	v11 =	vld.idx.msk [tilespmem:v63+s0+$0x0], $0xffff  }
0x562: {  	v10 =	vadd.f32 v12, v10;
	_ =	sdelay $0x1  }
0x563: {  	v10 =	vadd.f32 v17, v10  }
0x564: {  	v18 =	vor.u32 $0x101, v16  }
0x565: {  	v10 =	vadd.f32 v11, v10;
	v11 =	vadd.s32 $0xC20, v4;
	_ =	sdelay $0x1  }
0x566: {  	v19 =	vadd.s32 $0xC21, v4;
	v10 =	vmul.f32 v10, v1;
	_ =	sdelay $0x1  }
0x567: {  	[tilespmem:v18+s2+$0x0] =	vst.idx.msk $0xffff, v10;
	v10 =	vadd.s32 $0xC22, v4  }
0x568: {  	v11 =	vld.idx.msk [tilespmem:v11+s0+$0x0], $0xffff  }
0x569: {  	v20 =	vadd.s32 $0xC23, v4  }
0x56a: {  	v13 =	vld.idx.msk [tilespmem:v19+s0+$0x0], $0xffff  }
0x56b: {  	v21 =	vadd.s32 $0xC24, v4  }
0x56c: {  	v10 =	vld.idx.msk [tilespmem:v10+s0+$0x0], $0xffff  }
0x56d: {  	v22 =	vadd.s32 $0xC25, v4;
	v11 =	vadd.f32 $0.0e+00, v11  }
0x56e: {  	v12 =	vld.idx.msk [tilespmem:v20+s0+$0x0], $0xffff  }
0x56f: {  	v23 =	vadd.s32 $0xC26, v4;
	v11 =	vadd.f32 v13, v11  }
0x570: {  	v14 =	vld.idx.msk [tilespmem:v21+s0+$0x0], $0xffff  }
0x571: {  	v10 =	vadd.f32 v10, v11;
	v11 =	vadd.s32 $0xC27, v4  }
0x572: {  	v15 =	vld.idx.msk [tilespmem:v22+s0+$0x0], $0xffff  }
0x573: {  	v24 =	vadd.s32 $0xC28, v4;
	v10 =	vadd.f32 v12, v10  }
0x574: {  	v13 =	vld.idx.msk [tilespmem:v23+s0+$0x0], $0xffff  }
0x575: {  	v25 =	vadd.s32 $0xC29, v4;
	v10 =	vadd.f32 v14, v10  }
0x576: {  	v11 =	vld.idx.msk [tilespmem:v11+s0+$0x0], $0xffff  }
0x577: {  	v26 =	vadd.s32 $0xC2A, v4;
	v10 =	vadd.f32 v15, v10  }
0x578: {  	v12 =	vld.idx.msk [tilespmem:v24+s0+$0x0], $0xffff  }
0x579: {  	v27 =	vadd.s32 $0xC2B, v4;
	v10 =	vadd.f32 v13, v10  }
0x57a: {  	v14 =	vld.idx.msk [tilespmem:v25+s0+$0x0], $0xffff  }
0x57b: {  	v10 =	vadd.f32 v11, v10;
	v11 =	vadd.s32 $0xC2C, v4  }
0x57c: {  	v15 =	vld.idx.msk [tilespmem:v26+s0+$0x0], $0xffff  }
0x57d: {  	v28 =	vadd.s32 $0xC2D, v4;
	v10 =	vadd.f32 v12, v10  }
0x57e: {  	v13 =	vld.idx.msk [tilespmem:v27+s0+$0x0], $0xffff  }
0x57f: {  	v29 =	vadd.s32 $0xC2E, v4;
	v10 =	vadd.f32 v14, v10  }
0x580: {  	v11 =	vld.idx.msk [tilespmem:v11+s0+$0x0], $0xffff  }
0x581: {  	v30 =	vadd.s32 $0xC2F, v4;
	v10 =	vadd.f32 v15, v10  }
0x582: {  	v12 =	vld.idx.msk [tilespmem:v28+s0+$0x0], $0xffff  }
0x583: {  	v10 =	vadd.f32 v13, v10  }
0x584: {  	v31 =	vld.idx.msk [tilespmem:v29+s0+$0x0], $0xffff  }
0x585: {  	v10 =	vadd.f32 v11, v10  }
0x586: {  	v11 =	vld.idx.msk [tilespmem:v30+s0+$0x0], $0xffff  }
0x587: {  	v10 =	vadd.f32 v12, v10;
	_ =	sdelay $0x1  }
0x588: {  	v10 =	vadd.f32 v31, v10  }
0x589: {  	v32 =	vor.u32 $0x102, v16  }
0x58a: {  	v10 =	vadd.f32 v11, v10;
	v11 =	vadd.s32 $0xC30, v4;
	_ =	sdelay $0x1  }
0x58b: {  	v33 =	vadd.s32 $0xC31, v4;
	v10 =	vmul.f32 v10, v1;
	_ =	sdelay $0x1  }
0x58c: {  	[tilespmem:v32+s2+$0x0] =	vst.idx.msk $0xffff, v10;
	v10 =	vadd.s32 $0xC32, v4  }
0x58d: {  	v11 =	vld.idx.msk [tilespmem:v11+s0+$0x0], $0xffff  }
0x58e: {  	v34 =	vadd.s32 $0xC33, v4  }
0x58f: {  	v13 =	vld.idx.msk [tilespmem:v33+s0+$0x0], $0xffff  }
0x590: {  	v35 =	vadd.s32 $0xC34, v4  }
0x591: {  	v10 =	vld.idx.msk [tilespmem:v10+s0+$0x0], $0xffff  }
0x592: {  	v36 =	vadd.s32 $0xC35, v4;
	v11 =	vadd.f32 $0.0e+00, v11  }
0x593: {  	v12 =	vld.idx.msk [tilespmem:v34+s0+$0x0], $0xffff  }
0x594: {  	v37 =	vadd.s32 $0xC36, v4;
	v11 =	vadd.f32 v13, v11  }
0x595: {  	v14 =	vld.idx.msk [tilespmem:v35+s0+$0x0], $0xffff  }
0x596: {  	v10 =	vadd.f32 v10, v11;
	v11 =	vadd.s32 $0xC37, v4  }
0x597: {  	v15 =	vld.idx.msk [tilespmem:v36+s0+$0x0], $0xffff  }
0x598: {  	v38 =	vadd.s32 $0xC38, v4;
	v10 =	vadd.f32 v12, v10  }
0x599: {  	v13 =	vld.idx.msk [tilespmem:v37+s0+$0x0], $0xffff  }
0x59a: {  	v39 =	vadd.s32 $0xC39, v4;
	v10 =	vadd.f32 v14, v10  }
0x59b: {  	v11 =	vld.idx.msk [tilespmem:v11+s0+$0x0], $0xffff  }
0x59c: {  	v40 =	vadd.s32 $0xC3A, v4;
	v10 =	vadd.f32 v15, v10  }
0x59d: {  	v12 =	vld.idx.msk [tilespmem:v38+s0+$0x0], $0xffff  }
0x59e: {  	v41 =	vadd.s32 $0xC3B, v4;
	v10 =	vadd.f32 v13, v10  }
0x59f: {  	v14 =	vld.idx.msk [tilespmem:v39+s0+$0x0], $0xffff  }
0x5a0: {  	v10 =	vadd.f32 v11, v10;
	v11 =	vadd.s32 $0xC3C, v4  }
0x5a1: {  	v15 =	vld.idx.msk [tilespmem:v40+s0+$0x0], $0xffff  }
0x5a2: {  	v42 =	vadd.s32 $0xC3D, v4;
	v10 =	vadd.f32 v12, v10  }
0x5a3: {  	v13 =	vld.idx.msk [tilespmem:v41+s0+$0x0], $0xffff  }
0x5a4: {  	v43 =	vadd.s32 $0xC3E, v4;
	v10 =	vadd.f32 v14, v10  }
0x5a5: {  	v11 =	vld.idx.msk [tilespmem:v11+s0+$0x0], $0xffff  }
0x5a6: {  	v44 =	vadd.s32 $0xC3F, v4;
	v10 =	vadd.f32 v15, v10  }
0x5a7: {  	v12 =	vld.idx.msk [tilespmem:v42+s0+$0x0], $0xffff  }
0x5a8: {  	v10 =	vadd.f32 v13, v10  }
0x5a9: {  	v45 =	vld.idx.msk [tilespmem:v43+s0+$0x0], $0xffff  }
0x5aa: {  	v10 =	vadd.f32 v11, v10  }
0x5ab: {  	v11 =	vld.idx.msk [tilespmem:v44+s0+$0x0], $0xffff  }
0x5ac: {  	v10 =	vadd.f32 v12, v10;
	_ =	sdelay $0x1  }
0x5ad: {  	v10 =	vadd.f32 v45, v10  }
0x5ae: {  	v46 =	vor.u32 $0x103, v16  }
0x5af: {  	v10 =	vadd.f32 v11, v10;
	v11 =	vadd.s32 $0xC40, v4;
	_ =	sdelay $0x1  }
0x5b0: {  	v47 =	vadd.s32 $0xC41, v4;
	v10 =	vmul.f32 v10, v1;
	_ =	sdelay $0x1  }
0x5b1: {  	[tilespmem:v46+s2+$0x0] =	vst.idx.msk $0xffff, v10;
	v10 =	vadd.s32 $0xC42, v4  }
0x5b2: {  	v11 =	vld.idx.msk [tilespmem:v11+s0+$0x0], $0xffff  }
0x5b3: {  	v48 =	vadd.s32 $0xC43, v4  }
0x5b4: {  	v13 =	vld.idx.msk [tilespmem:v47+s0+$0x0], $0xffff  }
0x5b5: {  	v49 =	vadd.s32 $0xC44, v4  }
0x5b6: {  	v10 =	vld.idx.msk [tilespmem:v10+s0+$0x0], $0xffff  }
0x5b7: {  	v50 =	vadd.s32 $0xC45, v4;
	v11 =	vadd.f32 $0.0e+00, v11  }
0x5b8: {  	v12 =	vld.idx.msk [tilespmem:v48+s0+$0x0], $0xffff  }
0x5b9: {  	v51 =	vadd.s32 $0xC46, v4;
	v11 =	vadd.f32 v13, v11  }
0x5ba: {  	v14 =	vld.idx.msk [tilespmem:v49+s0+$0x0], $0xffff  }
0x5bb: {  	v10 =	vadd.f32 v10, v11;
	v11 =	vadd.s32 $0xC47, v4  }
0x5bc: {  	v15 =	vld.idx.msk [tilespmem:v50+s0+$0x0], $0xffff  }
0x5bd: {  	v52 =	vadd.s32 $0xC48, v4;
	v10 =	vadd.f32 v12, v10  }
0x5be: {  	v13 =	vld.idx.msk [tilespmem:v51+s0+$0x0], $0xffff  }
0x5bf: {  	v53 =	vadd.s32 $0xC49, v4;
	v10 =	vadd.f32 v14, v10  }
0x5c0: {  	v11 =	vld.idx.msk [tilespmem:v11+s0+$0x0], $0xffff  }
0x5c1: {  	v54 =	vadd.s32 $0xC4A, v4;
	v10 =	vadd.f32 v15, v10  }
0x5c2: {  	v12 =	vld.idx.msk [tilespmem:v52+s0+$0x0], $0xffff  }
0x5c3: {  	v55 =	vadd.s32 $0xC4B, v4;
	v10 =	vadd.f32 v13, v10  }
0x5c4: {  	v14 =	vld.idx.msk [tilespmem:v53+s0+$0x0], $0xffff  }
0x5c5: {  	v10 =	vadd.f32 v11, v10;
	v11 =	vadd.s32 $0xC4C, v4  }
0x5c6: {  	v15 =	vld.idx.msk [tilespmem:v54+s0+$0x0], $0xffff  }
0x5c7: {  	v56 =	vadd.s32 $0xC4D, v4;
	v10 =	vadd.f32 v12, v10  }
0x5c8: {  	v13 =	vld.idx.msk [tilespmem:v55+s0+$0x0], $0xffff  }
0x5c9: {  	v57 =	vadd.s32 $0xC4E, v4;
	v10 =	vadd.f32 v14, v10  }
0x5ca: {  	v11 =	vld.idx.msk [tilespmem:v11+s0+$0x0], $0xffff  }
0x5cb: {  	v58 =	vadd.s32 $0xC4F, v4;
	v10 =	vadd.f32 v15, v10  }
0x5cc: {  	v12 =	vld.idx.msk [tilespmem:v56+s0+$0x0], $0xffff  }
0x5cd: {  	v10 =	vadd.f32 v13, v10  }
0x5ce: {  	v59 =	vld.idx.msk [tilespmem:v57+s0+$0x0], $0xffff  }
0x5cf: {  	v10 =	vadd.f32 v11, v10  }
0x5d0: {  	v11 =	vld.idx.msk [tilespmem:v58+s0+$0x0], $0xffff  }
0x5d1: {  	v10 =	vadd.f32 v12, v10;
	_ =	sdelay $0x1  }
0x5d2: {  	v10 =	vadd.f32 v59, v10  }
0x5d3: {  	v60 =	vor.u32 $0x104, v16  }
0x5d4: {  	v10 =	vadd.f32 v11, v10;
	v11 =	vadd.s32 $0xC50, v4;
	_ =	sdelay $0x1  }
0x5d5: {  	v61 =	vadd.s32 $0xC51, v4;
	v10 =	vmul.f32 v10, v1;
	_ =	sdelay $0x1  }
0x5d6: {  	[tilespmem:v60+s2+$0x0] =	vst.idx.msk $0xffff, v10;
	v10 =	vadd.s32 $0xC52, v4  }
0x5d7: {  	v11 =	vld.idx.msk [tilespmem:v11+s0+$0x0], $0xffff  }
0x5d8: {  	v62 =	vadd.s32 $0xC53, v4  }
0x5d9: {  	v13 =	vld.idx.msk [tilespmem:v61+s0+$0x0], $0xffff  }
0x5da: {  	v63 =	vadd.s32 $0xC54, v4  }
0x5db: {  	v10 =	vld.idx.msk [tilespmem:v10+s0+$0x0], $0xffff  }
0x5dc: {  	v18 =	vadd.s32 $0xC55, v4;
	v11 =	vadd.f32 $0.0e+00, v11  }
0x5dd: {  	v12 =	vld.idx.msk [tilespmem:v62+s0+$0x0], $0xffff  }
0x5de: {  	v19 =	vadd.s32 $0xC56, v4;
	v11 =	vadd.f32 v13, v11  }
0x5df: {  	v14 =	vld.idx.msk [tilespmem:v63+s0+$0x0], $0xffff  }
0x5e0: {  	v10 =	vadd.f32 v10, v11;
	v11 =	vadd.s32 $0xC57, v4  }
0x5e1: {  	v15 =	vld.idx.msk [tilespmem:v18+s0+$0x0], $0xffff  }
0x5e2: {  	v20 =	vadd.s32 $0xC58, v4;
	v10 =	vadd.f32 v12, v10  }
0x5e3: {  	v13 =	vld.idx.msk [tilespmem:v19+s0+$0x0], $0xffff  }
0x5e4: {  	v21 =	vadd.s32 $0xC59, v4;
	v10 =	vadd.f32 v14, v10  }
0x5e5: {  	v11 =	vld.idx.msk [tilespmem:v11+s0+$0x0], $0xffff  }
0x5e6: {  	v22 =	vadd.s32 $0xC5A, v4;
	v10 =	vadd.f32 v15, v10  }
0x5e7: {  	v12 =	vld.idx.msk [tilespmem:v20+s0+$0x0], $0xffff  }
0x5e8: {  	v23 =	vadd.s32 $0xC5B, v4;
	v10 =	vadd.f32 v13, v10  }
0x5e9: {  	v14 =	vld.idx.msk [tilespmem:v21+s0+$0x0], $0xffff  }
0x5ea: {  	v10 =	vadd.f32 v11, v10;
	v11 =	vadd.s32 $0xC5C, v4  }
0x5eb: {  	v15 =	vld.idx.msk [tilespmem:v22+s0+$0x0], $0xffff  }
0x5ec: {  	v24 =	vadd.s32 $0xC5D, v4;
	v10 =	vadd.f32 v12, v10  }
0x5ed: {  	v13 =	vld.idx.msk [tilespmem:v23+s0+$0x0], $0xffff  }
0x5ee: {  	v25 =	vadd.s32 $0xC5E, v4;
	v10 =	vadd.f32 v14, v10  }
0x5ef: {  	v11 =	vld.idx.msk [tilespmem:v11+s0+$0x0], $0xffff  }
0x5f0: {  	v26 =	vadd.s32 $0xC5F, v4;
	v10 =	vadd.f32 v15, v10  }
0x5f1: {  	v12 =	vld.idx.msk [tilespmem:v24+s0+$0x0], $0xffff  }
0x5f2: {  	v10 =	vadd.f32 v13, v10  }
0x5f3: {  	v27 =	vld.idx.msk [tilespmem:v25+s0+$0x0], $0xffff  }
0x5f4: {  	v10 =	vadd.f32 v11, v10  }
0x5f5: {  	v11 =	vld.idx.msk [tilespmem:v26+s0+$0x0], $0xffff  }
0x5f6: {  	v10 =	vadd.f32 v12, v10;
	_ =	sdelay $0x1  }
0x5f7: {  	v10 =	vadd.f32 v27, v10  }
0x5f8: {  	v28 =	vor.u32 $0x105, v16  }
0x5f9: {  	v10 =	vadd.f32 v11, v10;
	v11 =	vadd.s32 $0x1200, v4;
	_ =	sdelay $0x1  }
0x5fa: {  	v1 =	vmul.f32 v10, v1;
	v10 =	vadd.s32 $0x1201, v4;
	_ =	sdelay $0x1  }
0x5fb: {  	[tilespmem:v28+s2+$0x0] =	vst.idx.msk $0xffff, v1;
	v1 =	vadd.s32 $0x1202, v4  }
0x5fc: {  	v11 =	vld.idx.msk [tilespmem:v11+s0+$0x0], $0xffff  }
0x5fd: {  	v29 =	vadd.s32 $0x1203, v4  }
0x5fe: {  	v10 =	vld.idx.msk [tilespmem:v10+s0+$0x0], $0xffff  }
0x5ff: {  	v30 =	vadd.s32 $0x1204, v4  }
0x600: {  	v1 =	vld.idx.msk [tilespmem:v1+s0+$0x0], $0xffff  }
0x601: {  	v31 =	vadd.s32 $0x1205, v4;
	v11 =	vadd.f32 $0.0e+00, v11  }
0x602: {  	v12 =	vld.idx.msk [tilespmem:v29+s0+$0x0], $0xffff  }
0x603: {  	v10 =	vadd.f32 v10, v11;
	v11 =	vadd.s32 $0x1206, v4  }
0x604: {  	v13 =	vld.idx.msk [tilespmem:v30+s0+$0x0], $0xffff  }
0x605: {  	v1 =	vadd.f32 v1, v10;
	v10 =	vadd.s32 $0x1207, v4  }
0x606: {  	v14 =	vld.idx.msk [tilespmem:v31+s0+$0x0], $0xffff  }
0x607: {  	v32 =	vadd.s32 $0x1208, v4;
	v1 =	vadd.f32 v12, v1  }
0x608: {  	v11 =	vld.idx.msk [tilespmem:v11+s0+$0x0], $0xffff  }
0x609: {  	v33 =	vadd.s32 $0x1209, v4;
	v1 =	vadd.f32 v13, v1  }
0x60a: {  	v10 =	vld.idx.msk [tilespmem:v10+s0+$0x0], $0xffff  }
0x60b: {  	v34 =	vadd.s32 $0x120A, v4;
	v1 =	vadd.f32 v14, v1  }
0x60c: {  	v12 =	vld.idx.msk [tilespmem:v32+s0+$0x0], $0xffff  }
0x60d: {  	v1 =	vadd.f32 v11, v1;
	v11 =	vadd.s32 $0x120B, v4  }
0x60e: {  	v13 =	vld.idx.msk [tilespmem:v33+s0+$0x0], $0xffff  }
0x60f: {  	v1 =	vadd.f32 v10, v1;
	v10 =	vadd.s32 $0x120C, v4  }
0x610: {  	v14 =	vld.idx.msk [tilespmem:v34+s0+$0x0], $0xffff  }
0x611: {  	v36 =	vadd.s32 $0x120D, v4;
	v1 =	vadd.f32 v12, v1  }
0x612: {  	v11 =	vld.idx.msk [tilespmem:v11+s0+$0x0], $0xffff  }
0x613: {  	v37 =	vadd.s32 $0x120E, v4;
	v35 =	vld [tilespmem:$0xF768];
	v1 =	vadd.f32 v13, v1  }
0x614: {  	v10 =	vld.idx.msk [tilespmem:v10+s0+$0x0], $0xffff  }
0x615: {  	v1 =	vadd.f32 v14, v1  }
0x616: {  	v38 =	vadd.s32 $0x120F, v4;
	v12 =	vld.idx.msk [tilespmem:v36+s0+$0x0], $0xffff  }
0x617: {  	v1 =	vadd.f32 v11, v1  }
0x618: {  	(erf) = vrcp.f32 v35;
	v11 =	vld.idx.msk [tilespmem:v37+s0+$0x0], $0xffff  }
0x619: {  	v1 =	vadd.f32 v10, v1;
	_ =	sdelay $0x1  }
0x61a: {  	v10 =	vld.idx.msk [tilespmem:v38+s0+$0x0], $0xffff;
	v1 =	vadd.f32 v12, v1;
	_ =	sdelay $0x1  }
0x61b: {  	v1 =	vadd.f32 v11, v1;
	_ =	sdelay $0x1  }
0x61c: {  	v11 =	vor.u32 $0x180, v16  }
0x61d: {  	v39 =	vadd.s32 $0x1210, v4;
	v10 =	vadd.f32 v10, v1  }
0x61e: {  	v1 =	vpop (erf)  }
0x61f: {  	v40 =	vadd.s32 $0x1211, v4;
	v10 =	vmul.f32 v10, v1;
	_ =	sdelay $0x1  }
0x620: {  	[tilespmem:v11+s2+$0x0] =	vst.idx.msk $0xffff, v10;
	v10 =	vadd.s32 $0x1212, v4  }
0x621: {  	v11 =	vld.idx.msk [tilespmem:v39+s0+$0x0], $0xffff  }
0x622: {  	v41 =	vadd.s32 $0x1213, v4  }
0x623: {  	v13 =	vld.idx.msk [tilespmem:v40+s0+$0x0], $0xffff  }
0x624: {  	v42 =	vadd.s32 $0x1214, v4  }
0x625: {  	v10 =	vld.idx.msk [tilespmem:v10+s0+$0x0], $0xffff  }
0x626: {  	v43 =	vadd.s32 $0x1215, v4;
	v11 =	vadd.f32 $0.0e+00, v11  }
0x627: {  	v12 =	vld.idx.msk [tilespmem:v41+s0+$0x0], $0xffff  }
0x628: {  	v44 =	vadd.s32 $0x1216, v4;
	v11 =	vadd.f32 v13, v11  }
0x629: {  	v14 =	vld.idx.msk [tilespmem:v42+s0+$0x0], $0xffff  }
0x62a: {  	v10 =	vadd.f32 v10, v11;
	v11 =	vadd.s32 $0x1217, v4  }
0x62b: {  	v15 =	vld.idx.msk [tilespmem:v43+s0+$0x0], $0xffff  }
0x62c: {  	v45 =	vadd.s32 $0x1218, v4;
	v10 =	vadd.f32 v12, v10  }
0x62d: {  	v13 =	vld.idx.msk [tilespmem:v44+s0+$0x0], $0xffff  }
0x62e: {  	v46 =	vadd.s32 $0x1219, v4;
	v10 =	vadd.f32 v14, v10  }
0x62f: {  	v11 =	vld.idx.msk [tilespmem:v11+s0+$0x0], $0xffff  }
0x630: {  	v47 =	vadd.s32 $0x121A, v4;
	v10 =	vadd.f32 v15, v10  }
0x631: {  	v12 =	vld.idx.msk [tilespmem:v45+s0+$0x0], $0xffff  }
0x632: {  	v48 =	vadd.s32 $0x121B, v4;
	v10 =	vadd.f32 v13, v10  }
0x633: {  	v14 =	vld.idx.msk [tilespmem:v46+s0+$0x0], $0xffff  }
0x634: {  	v10 =	vadd.f32 v11, v10;
	v11 =	vadd.s32 $0x121C, v4  }
0x635: {  	v15 =	vld.idx.msk [tilespmem:v47+s0+$0x0], $0xffff  }
0x636: {  	v49 =	vadd.s32 $0x121D, v4;
	v10 =	vadd.f32 v12, v10  }
0x637: {  	v13 =	vld.idx.msk [tilespmem:v48+s0+$0x0], $0xffff  }
0x638: {  	v50 =	vadd.s32 $0x121E, v4;
	v10 =	vadd.f32 v14, v10  }
0x639: {  	v11 =	vld.idx.msk [tilespmem:v11+s0+$0x0], $0xffff  }
0x63a: {  	v51 =	vadd.s32 $0x121F, v4;
	v10 =	vadd.f32 v15, v10  }
0x63b: {  	v12 =	vld.idx.msk [tilespmem:v49+s0+$0x0], $0xffff  }
0x63c: {  	v10 =	vadd.f32 v13, v10  }
0x63d: {  	v52 =	vld.idx.msk [tilespmem:v50+s0+$0x0], $0xffff  }
0x63e: {  	v10 =	vadd.f32 v11, v10  }
0x63f: {  	v11 =	vld.idx.msk [tilespmem:v51+s0+$0x0], $0xffff  }
0x640: {  	v10 =	vadd.f32 v12, v10;
	_ =	sdelay $0x1  }
0x641: {  	v10 =	vadd.f32 v52, v10  }
0x642: {  	v53 =	vor.u32 $0x181, v16  }
0x643: {  	v10 =	vadd.f32 v11, v10;
	v11 =	vadd.s32 $0x1220, v4;
	_ =	sdelay $0x1  }
0x644: {  	v54 =	vadd.s32 $0x1221, v4;
	v10 =	vmul.f32 v10, v1;
	_ =	sdelay $0x1  }
0x645: {  	[tilespmem:v53+s2+$0x0] =	vst.idx.msk $0xffff, v10;
	v10 =	vadd.s32 $0x1222, v4  }
0x646: {  	v11 =	vld.idx.msk [tilespmem:v11+s0+$0x0], $0xffff  }
0x647: {  	v55 =	vadd.s32 $0x1223, v4  }
0x648: {  	v13 =	vld.idx.msk [tilespmem:v54+s0+$0x0], $0xffff  }
0x649: {  	v56 =	vadd.s32 $0x1224, v4  }
0x64a: {  	v10 =	vld.idx.msk [tilespmem:v10+s0+$0x0], $0xffff  }
0x64b: {  	v57 =	vadd.s32 $0x1225, v4;
	v11 =	vadd.f32 $0.0e+00, v11  }
0x64c: {  	v12 =	vld.idx.msk [tilespmem:v55+s0+$0x0], $0xffff  }
0x64d: {  	v58 =	vadd.s32 $0x1226, v4;
	v11 =	vadd.f32 v13, v11  }
0x64e: {  	v14 =	vld.idx.msk [tilespmem:v56+s0+$0x0], $0xffff  }
0x64f: {  	v10 =	vadd.f32 v10, v11;
	v11 =	vadd.s32 $0x1227, v4  }
0x650: {  	v15 =	vld.idx.msk [tilespmem:v57+s0+$0x0], $0xffff  }
0x651: {  	v59 =	vadd.s32 $0x1228, v4;
	v10 =	vadd.f32 v12, v10  }
0x652: {  	v13 =	vld.idx.msk [tilespmem:v58+s0+$0x0], $0xffff  }
0x653: {  	v60 =	vadd.s32 $0x1229, v4;
	v10 =	vadd.f32 v14, v10  }
0x654: {  	v11 =	vld.idx.msk [tilespmem:v11+s0+$0x0], $0xffff  }
0x655: {  	v61 =	vadd.s32 $0x122A, v4;
	v10 =	vadd.f32 v15, v10  }
0x656: {  	v12 =	vld.idx.msk [tilespmem:v59+s0+$0x0], $0xffff  }
0x657: {  	v62 =	vadd.s32 $0x122B, v4;
	v10 =	vadd.f32 v13, v10  }
0x658: {  	v14 =	vld.idx.msk [tilespmem:v60+s0+$0x0], $0xffff  }
0x659: {  	v10 =	vadd.f32 v11, v10;
	v11 =	vadd.s32 $0x122C, v4  }
0x65a: {  	v15 =	vld.idx.msk [tilespmem:v61+s0+$0x0], $0xffff  }
0x65b: {  	v63 =	vadd.s32 $0x122D, v4;
	v10 =	vadd.f32 v12, v10  }
0x65c: {  	v13 =	vld.idx.msk [tilespmem:v62+s0+$0x0], $0xffff  }
0x65d: {  	v18 =	vadd.s32 $0x122E, v4;
	v10 =	vadd.f32 v14, v10  }
0x65e: {  	v11 =	vld.idx.msk [tilespmem:v11+s0+$0x0], $0xffff  }
0x65f: {  	v19 =	vadd.s32 $0x122F, v4;
	v10 =	vadd.f32 v15, v10  }
0x660: {  	v12 =	vld.idx.msk [tilespmem:v63+s0+$0x0], $0xffff  }
0x661: {  	v10 =	vadd.f32 v13, v10  }
0x662: {  	v20 =	vld.idx.msk [tilespmem:v18+s0+$0x0], $0xffff  }
0x663: {  	v10 =	vadd.f32 v11, v10  }
0x664: {  	v11 =	vld.idx.msk [tilespmem:v19+s0+$0x0], $0xffff  }
0x665: {  	v10 =	vadd.f32 v12, v10;
	_ =	sdelay $0x1  }
0x666: {  	v10 =	vadd.f32 v20, v10  }
0x667: {  	v21 =	vor.u32 $0x182, v16  }
0x668: {  	v10 =	vadd.f32 v11, v10;
	v11 =	vadd.s32 $0x1230, v4;
	_ =	sdelay $0x1  }
0x669: {  	v22 =	vadd.s32 $0x1231, v4;
	v10 =	vmul.f32 v10, v1;
	_ =	sdelay $0x1  }
0x66a: {  	[tilespmem:v21+s2+$0x0] =	vst.idx.msk $0xffff, v10;
	v10 =	vadd.s32 $0x1232, v4  }
0x66b: {  	v11 =	vld.idx.msk [tilespmem:v11+s0+$0x0], $0xffff  }
0x66c: {  	v23 =	vadd.s32 $0x1233, v4  }
0x66d: {  	v13 =	vld.idx.msk [tilespmem:v22+s0+$0x0], $0xffff  }
0x66e: {  	v24 =	vadd.s32 $0x1234, v4  }
0x66f: {  	v10 =	vld.idx.msk [tilespmem:v10+s0+$0x0], $0xffff  }
0x670: {  	v25 =	vadd.s32 $0x1235, v4;
	v11 =	vadd.f32 $0.0e+00, v11  }
0x671: {  	v12 =	vld.idx.msk [tilespmem:v23+s0+$0x0], $0xffff  }
0x672: {  	v26 =	vadd.s32 $0x1236, v4;
	v11 =	vadd.f32 v13, v11  }
0x673: {  	v14 =	vld.idx.msk [tilespmem:v24+s0+$0x0], $0xffff  }
0x674: {  	v10 =	vadd.f32 v10, v11;
	v11 =	vadd.s32 $0x1237, v4  }
0x675: {  	v15 =	vld.idx.msk [tilespmem:v25+s0+$0x0], $0xffff  }
0x676: {  	v27 =	vadd.s32 $0x1238, v4;
	v10 =	vadd.f32 v12, v10  }
0x677: {  	v13 =	vld.idx.msk [tilespmem:v26+s0+$0x0], $0xffff  }
0x678: {  	v28 =	vadd.s32 $0x1239, v4;
	v10 =	vadd.f32 v14, v10  }
0x679: {  	v11 =	vld.idx.msk [tilespmem:v11+s0+$0x0], $0xffff  }
0x67a: {  	v29 =	vadd.s32 $0x123A, v4;
	v10 =	vadd.f32 v15, v10  }
0x67b: {  	v12 =	vld.idx.msk [tilespmem:v27+s0+$0x0], $0xffff  }
0x67c: {  	v30 =	vadd.s32 $0x123B, v4;
	v10 =	vadd.f32 v13, v10  }
0x67d: {  	v14 =	vld.idx.msk [tilespmem:v28+s0+$0x0], $0xffff  }
0x67e: {  	v10 =	vadd.f32 v11, v10;
	v11 =	vadd.s32 $0x123C, v4  }
0x67f: {  	v15 =	vld.idx.msk [tilespmem:v29+s0+$0x0], $0xffff  }
0x680: {  	v31 =	vadd.s32 $0x123D, v4;
	v10 =	vadd.f32 v12, v10  }
0x681: {  	v13 =	vld.idx.msk [tilespmem:v30+s0+$0x0], $0xffff  }
0x682: {  	v32 =	vadd.s32 $0x123E, v4;
	v10 =	vadd.f32 v14, v10  }
0x683: {  	v11 =	vld.idx.msk [tilespmem:v11+s0+$0x0], $0xffff  }
0x684: {  	v33 =	vadd.s32 $0x123F, v4;
	v10 =	vadd.f32 v15, v10  }
0x685: {  	v12 =	vld.idx.msk [tilespmem:v31+s0+$0x0], $0xffff  }
0x686: {  	v10 =	vadd.f32 v13, v10  }
0x687: {  	v34 =	vld.idx.msk [tilespmem:v32+s0+$0x0], $0xffff  }
0x688: {  	v10 =	vadd.f32 v11, v10  }
0x689: {  	v11 =	vld.idx.msk [tilespmem:v33+s0+$0x0], $0xffff  }
0x68a: {  	v10 =	vadd.f32 v12, v10;
	_ =	sdelay $0x1  }
0x68b: {  	v10 =	vadd.f32 v34, v10  }
0x68c: {  	v35 =	vor.u32 $0x183, v16  }
0x68d: {  	v10 =	vadd.f32 v11, v10;
	v11 =	vadd.s32 $0x1240, v4;
	_ =	sdelay $0x1  }
0x68e: {  	v36 =	vadd.s32 $0x1241, v4;
	v10 =	vmul.f32 v10, v1;
	_ =	sdelay $0x1  }
0x68f: {  	[tilespmem:v35+s2+$0x0] =	vst.idx.msk $0xffff, v10;
	v10 =	vadd.s32 $0x1242, v4  }
0x690: {  	v11 =	vld.idx.msk [tilespmem:v11+s0+$0x0], $0xffff  }
0x691: {  	v37 =	vadd.s32 $0x1243, v4  }
0x692: {  	v13 =	vld.idx.msk [tilespmem:v36+s0+$0x0], $0xffff  }
0x693: {  	v38 =	vadd.s32 $0x1244, v4  }
0x694: {  	v10 =	vld.idx.msk [tilespmem:v10+s0+$0x0], $0xffff  }
0x695: {  	v39 =	vadd.s32 $0x1245, v4;
	v11 =	vadd.f32 $0.0e+00, v11  }
0x696: {  	v12 =	vld.idx.msk [tilespmem:v37+s0+$0x0], $0xffff  }
0x697: {  	v40 =	vadd.s32 $0x1246, v4;
	v11 =	vadd.f32 v13, v11  }
0x698: {  	v14 =	vld.idx.msk [tilespmem:v38+s0+$0x0], $0xffff  }
0x699: {  	v10 =	vadd.f32 v10, v11;
	v11 =	vadd.s32 $0x1247, v4  }
0x69a: {  	v15 =	vld.idx.msk [tilespmem:v39+s0+$0x0], $0xffff  }
0x69b: {  	v41 =	vadd.s32 $0x1248, v4;
	v10 =	vadd.f32 v12, v10  }
0x69c: {  	v13 =	vld.idx.msk [tilespmem:v40+s0+$0x0], $0xffff  }
0x69d: {  	v42 =	vadd.s32 $0x1249, v4;
	v10 =	vadd.f32 v14, v10  }
0x69e: {  	v11 =	vld.idx.msk [tilespmem:v11+s0+$0x0], $0xffff  }
0x69f: {  	v43 =	vadd.s32 $0x124A, v4;
	v10 =	vadd.f32 v15, v10  }
0x6a0: {  	v12 =	vld.idx.msk [tilespmem:v41+s0+$0x0], $0xffff  }
0x6a1: {  	v44 =	vadd.s32 $0x124B, v4;
	v10 =	vadd.f32 v13, v10  }
0x6a2: {  	v14 =	vld.idx.msk [tilespmem:v42+s0+$0x0], $0xffff  }
0x6a3: {  	v10 =	vadd.f32 v11, v10;
	v11 =	vadd.s32 $0x124C, v4  }
0x6a4: {  	v15 =	vld.idx.msk [tilespmem:v43+s0+$0x0], $0xffff  }
0x6a5: {  	v45 =	vadd.s32 $0x124D, v4;
	v10 =	vadd.f32 v12, v10  }
0x6a6: {  	v13 =	vld.idx.msk [tilespmem:v44+s0+$0x0], $0xffff  }
0x6a7: {  	v46 =	vadd.s32 $0x124E, v4;
	v10 =	vadd.f32 v14, v10  }
0x6a8: {  	v11 =	vld.idx.msk [tilespmem:v11+s0+$0x0], $0xffff  }
0x6a9: {  	v47 =	vadd.s32 $0x124F, v4;
	v10 =	vadd.f32 v15, v10  }
0x6aa: {  	v12 =	vld.idx.msk [tilespmem:v45+s0+$0x0], $0xffff  }
0x6ab: {  	v10 =	vadd.f32 v13, v10  }
0x6ac: {  	v48 =	vld.idx.msk [tilespmem:v46+s0+$0x0], $0xffff  }
0x6ad: {  	v10 =	vadd.f32 v11, v10  }
0x6ae: {  	v11 =	vld.idx.msk [tilespmem:v47+s0+$0x0], $0xffff  }
0x6af: {  	v10 =	vadd.f32 v12, v10;
	_ =	sdelay $0x1  }
0x6b0: {  	v10 =	vadd.f32 v48, v10  }
0x6b1: {  	v49 =	vor.u32 $0x184, v16  }
0x6b2: {  	v10 =	vadd.f32 v11, v10;
	v11 =	vadd.s32 $0x1250, v4;
	_ =	sdelay $0x1  }
0x6b3: {  	v50 =	vadd.s32 $0x1251, v4;
	v10 =	vmul.f32 v10, v1;
	_ =	sdelay $0x1  }
0x6b4: {  	[tilespmem:v49+s2+$0x0] =	vst.idx.msk $0xffff, v10;
	v10 =	vadd.s32 $0x1252, v4  }
0x6b5: {  	v11 =	vld.idx.msk [tilespmem:v11+s0+$0x0], $0xffff  }
0x6b6: {  	v51 =	vadd.s32 $0x1253, v4  }
0x6b7: {  	v13 =	vld.idx.msk [tilespmem:v50+s0+$0x0], $0xffff  }
0x6b8: {  	v52 =	vadd.s32 $0x1254, v4  }
0x6b9: {  	v10 =	vld.idx.msk [tilespmem:v10+s0+$0x0], $0xffff  }
0x6ba: {  	v53 =	vadd.s32 $0x1255, v4;
	v11 =	vadd.f32 $0.0e+00, v11  }
0x6bb: {  	v12 =	vld.idx.msk [tilespmem:v51+s0+$0x0], $0xffff  }
0x6bc: {  	v54 =	vadd.s32 $0x1256, v4;
	v11 =	vadd.f32 v13, v11  }
0x6bd: {  	v14 =	vld.idx.msk [tilespmem:v52+s0+$0x0], $0xffff  }
0x6be: {  	v10 =	vadd.f32 v10, v11;
	v11 =	vadd.s32 $0x1257, v4  }
0x6bf: {  	v15 =	vld.idx.msk [tilespmem:v53+s0+$0x0], $0xffff  }
0x6c0: {  	v55 =	vadd.s32 $0x1258, v4;
	v10 =	vadd.f32 v12, v10  }
0x6c1: {  	v13 =	vld.idx.msk [tilespmem:v54+s0+$0x0], $0xffff  }
0x6c2: {  	v56 =	vadd.s32 $0x1259, v4;
	v10 =	vadd.f32 v14, v10  }
0x6c3: {  	v11 =	vld.idx.msk [tilespmem:v11+s0+$0x0], $0xffff  }
0x6c4: {  	v57 =	vadd.s32 $0x125A, v4;
	v10 =	vadd.f32 v15, v10  }
0x6c5: {  	v12 =	vld.idx.msk [tilespmem:v55+s0+$0x0], $0xffff  }
0x6c6: {  	v58 =	vadd.s32 $0x125B, v4;
	v10 =	vadd.f32 v13, v10  }
0x6c7: {  	v14 =	vld.idx.msk [tilespmem:v56+s0+$0x0], $0xffff  }
0x6c8: {  	v10 =	vadd.f32 v11, v10;
	v11 =	vadd.s32 $0x125C, v4  }
0x6c9: {  	v15 =	vld.idx.msk [tilespmem:v57+s0+$0x0], $0xffff  }
0x6ca: {  	v59 =	vadd.s32 $0x125D, v4;
	v10 =	vadd.f32 v12, v10  }
0x6cb: {  	v13 =	vld.idx.msk [tilespmem:v58+s0+$0x0], $0xffff  }
0x6cc: {  	v60 =	vadd.s32 $0x125E, v4;
	v10 =	vadd.f32 v14, v10  }
0x6cd: {  	v11 =	vld.idx.msk [tilespmem:v11+s0+$0x0], $0xffff  }
0x6ce: {  	v61 =	vadd.s32 $0x125F, v4;
	v10 =	vadd.f32 v15, v10  }
0x6cf: {  	v12 =	vld.idx.msk [tilespmem:v59+s0+$0x0], $0xffff  }
0x6d0: {  	v10 =	vadd.f32 v13, v10  }
0x6d1: {  	v62 =	vld.idx.msk [tilespmem:v60+s0+$0x0], $0xffff  }
0x6d2: {  	v10 =	vadd.f32 v11, v10  }
0x6d3: {  	v11 =	vld.idx.msk [tilespmem:v61+s0+$0x0], $0xffff  }
0x6d4: {  	v10 =	vadd.f32 v12, v10;
	_ =	sdelay $0x1  }
0x6d5: {  	v10 =	vadd.f32 v62, v10  }
0x6d6: {  	v63 =	vor.u32 $0x185, v16  }
0x6d7: {  	v10 =	vadd.f32 v11, v10;
	_ =	sdelay $0x1  }
0x6d8: {  	v1 =	vmul.f32 v10, v1;
	_ =	sdelay $0x1  }
.Ltmp7:
0x6d9: {  	[tilespmem:v63+s2+$0x0] =	vst.idx.msk $0xffff, v1;
	(pc) =	sbr.rel .LBB2_10-.Ltmp7, $4  }
0x6da: {  	[hbm4b:s8+s7] =	stream.linear.scatter [tilespmem:s2], [sflag:$0x1], $0x200, $0x38;
	[tilespmem:$0x11338] =	vst v63  }
0x6db: {  	_ =	swait.ge [sflag:s20], $0x200  }
0x6dc: {  	[sflag:s20] =	ssyncset.done $0x0  }
0x6dd: {  	[sflag:s20] =	ssyncadd.s32 $0xFFFFFE00  }
.LBB2_11:
0x6de: {  	_ =	sfence.sel $0x180000  }
0x6df: {  	[bflag:$0x0] =	sbarrier.arrive $0xFFFF  }
0x6e0: {  	_ =	strace $0x90000047  }
0x6e1: {  	s0 =	stileid.u32;
	[bflag:$0x2] =	sbarrier.arrive $0xFFFF  }
0x6e2: {  	p0 =	sne.s32 s0, $0x0;
	s0 =	rddreg [dreg:$0x7]  }
0x6e3: {  	s0 =	sadd.s32 @!p0 $0x100000, s0  }
0x6e4: {  	[sflag:s0] =	ssyncadd.tile.s32 @!p0 $0x1;
	_ =	shalt  }
.Lfunc_end2:
_tile_overlayer_lowered:
.L_overlay_start_2:
0x6e5: {  	(tag) =	ssettag $0x2  }
0x6e6: {  	s0 =	rddreg [dreg:$0x0];
	s2 =	stileid.u32  }
0x6e7: {  	s1 =	rddreg [dreg:$0x1];
	p0 =	sne.s32 s2, $0x0  }
0x6e8: {  	s3 =	rddreg [dreg:$0x2];
	[bflag:$0x3] =	sbarrier.arrive $0xFFFF;
	s2 =	simm.s32 @!p0 $0x1C01  }
0x6e9: {  	[timem:s3], [sflag:s2] =	dma.local @!p0 [hbm:s0], s1  }
0x6ea: {  	s0 =	simm.s32 @!p0 $0x1  }
0x6eb: {  	_ =	swait.ge @!p0 [sflag:s0], s1  }
0x6ec: {  	s1 =	ssub.s32 @!p0 $0x0, s1;
	[sflag:s0] =	ssyncset.done @!p0 $0x0  }
0x6ed: {  	[sflag:s0] =	ssyncadd.s32 @!p0 s1  }
0x6ee: {  	[bflag:$0x3] =	sbarrier.arrive $0xFFFF  }
0x6ef: {  	_ =	shalt  }

</sc_bundles>
